<compile_context>
chip_gen: v7x
topology: tpu7x:2x2x1
jax: 0.10.2.dev20260603
libtpu: 0.0.44.dev20260713+nightly
codegen_flags: <defaults>
</compile_context>

<pallas_src>
import functools

import jax
import jax.numpy as jnp
from jax import lax
from jax.experimental import pallas as pl
from jax.experimental.pallas import tpu as pltpu
from jax.experimental.pallas import tpu_sc as plsc

N_NODES = 10000
N_EDGES = 320000
D_IN = 128
D_HID = 16

NC = 2
NS = 16
NW = NC * NS
EPW = N_EDGES // NW
K = 125
NCHUNK = EPW // K
RING = 10
RPS = N_NODES // NS
DEG_PAD = 10240
DEG_PS = DEG_PAD // NS

_mesh = plsc.VectorSubcoreMesh(core_axis_name="c", subcore_axis_name="s")
_sc_params = pltpu.CompilerParams(use_tc_tiling_on_sc=False)
_sc_params_nl = pltpu.CompilerParams(use_tc_tiling_on_sc=False,
                                     needs_layout_passes=False)


NCH2 = NC * NCHUNK
XPS = DEG_PAD // NW


@functools.partial(
    pl.kernel,
    out_type=jax.ShapeDtypeStruct((DEG_PAD, D_HID), jnp.float32),
    mesh=_mesh,
    scratch_types=[
        pltpu.VMEM((NCH2, K), jnp.int32),
        pltpu.VMEM((128,), jnp.float32),
        pltpu.VMEM((DEG_PS,), jnp.float32),
        pltpu.VMEM((XPS,), jnp.float32),
        pltpu.VMEM((XPS, D_HID), jnp.float32),
        pltpu.VMEM_SHARED((DEG_PAD,), jnp.float32),
        pltpu.SemaphoreType.DMA,
    ],
    compiler_params=_sc_params_nl,
)
def _deg_kernel(edges_hbm, out_hbm, idx_v, ones_v, zero_v, dinv_v, exp_v,
                acc_sh, ssem):
    cid = lax.axis_index("c")
    sid = lax.axis_index("s")

    @pl.loop(0, 128, step=16)
    def _(i):
        ones_v.at[pl.ds(i, 16)][...] = jnp.ones((16,), jnp.float32)

    @pl.loop(0, DEG_PS, step=16)
    def _(i):
        zero_v.at[pl.ds(i, 16)][...] = jnp.zeros((16,), jnp.float32)

    pltpu.sync_copy(zero_v, acc_sh.at[pl.ds(sid * DEG_PS, DEG_PS)])
    pltpu.sync_copy(edges_hbm.at[1, 2 * sid], idx_v.at[pl.ds(0, NCHUNK)])
    pltpu.sync_copy(edges_hbm.at[1, 2 * sid + 1],
                    idx_v.at[pl.ds(NCHUNK, NCHUNK)])
    plsc.subcore_barrier()

    ones_slc = ones_v.at[pl.ds(0, K)]

    @pl.loop(0, NCH2)
    def _(j):
        pltpu.async_copy(ones_slc, acc_sh.at[idx_v.at[j]], ssem, add=True)

    @pl.loop(0, NCH2)
    def _(j):
        pltpu.make_async_copy(ones_slc, acc_sh.at[idx_v.at[j]], ssem).wait()

    plsc.subcore_barrier()

    base = (cid * NS + sid) * XPS
    pltpu.sync_copy(acc_sh.at[pl.ds(base, XPS)], dinv_v)

    @pl.loop(0, XPS, step=16)
    def _(i):
        d = dinv_v.at[pl.ds(i, 16)][...] + 1.0
        bits = plsc.bitcast(d, jnp.int32)
        y = plsc.bitcast(
            jnp.int32(0x5F3759DF) - lax.shift_right_logical(bits, 1),
            jnp.float32)
        hd = 0.5 * d
        y = y * (1.5 - hd * y * y)
        y = y * (1.5 - hd * y * y)
        y = y * (1.5 - hd * y * y)
        dinv_v.at[pl.ds(i, 16)][...] = y

    @pl.loop(0, XPS)
    def _(n):
        idx16 = jnp.full((16,), n, jnp.int32)
        exp_v.at[n][...] = plsc.load_gather(dinv_v, [idx16])

    pltpu.sync_copy(exp_v, out_hbm.at[pl.ds(base, XPS)])


@functools.partial(
    pl.kernel,
    out_type=jax.ShapeDtypeStruct((NC, NS, RPS, D_HID), jnp.float32),
    mesh=_mesh,
    scratch_types=[
        pltpu.VMEM((NCHUNK, K), jnp.int32),
        pltpu.VMEM((NCHUNK, K), jnp.int32),
    ] + [pltpu.VMEM((K, D_HID), jnp.float32) for _ in range(RING)] + [
        pltpu.VMEM((RPS, D_HID), jnp.float32),
        pltpu.VMEM_SHARED((N_NODES, D_HID), jnp.float32),
        pltpu.SemaphoreType.DMA((RING,)),
        pltpu.SemaphoreType.DMA((RING,)),
    ],
    compiler_params=_sc_params,
)
def _agg_kernel(table_hbm, edges_hbm, out_hbm,
                src_v, dst_v, r0, r1, r2, r3, r4, r5, r6, r7, r8, r9,
                zrows_v, acc_sh, gsem, ssem):
    rows = (r0, r1, r2, r3, r4, r5, r6, r7, r8, r9)
    cid = lax.axis_index("c")
    sid = lax.axis_index("s")
    wid = sid * NC + cid

    @pl.loop(0, RPS)
    def _(r):
        zrows_v.at[r][...] = jnp.zeros((16,), jnp.float32)

    pltpu.sync_copy(zrows_v, acc_sh.at[pl.ds(sid * RPS, RPS)])
    pltpu.sync_copy(edges_hbm.at[0, wid], src_v)
    pltpu.sync_copy(edges_hbm.at[1, wid], dst_v)
    plsc.subcore_barrier()

    def gather_start(c, b):
        pltpu.async_copy(table_hbm.at[src_v.at[c]], rows[b], gsem.at[b])

    def gather_wait(c, b):
        pltpu.make_async_copy(table_hbm.at[src_v.at[c]], rows[b],
                              gsem.at[b]).wait()

    def scat_start(c, b):
        pltpu.async_copy(rows[b], acc_sh.at[dst_v.at[c]], ssem.at[b],
                         add=True)

    def scat_wait(c, b):
        pltpu.make_async_copy(rows[b], acc_sh.at[dst_v.at[c]],
                              ssem.at[b]).wait()

    for b in range(RING):
        gather_start(b, b)

    @pl.loop(0, NCHUNK - RING, step=RING)
    def _(j):
        for b in range(RING):
            gather_wait(j + b, b)
            scat_start(j + b, b)
        for b in range(RING):
            scat_wait(j + b, b)
            gather_start(j + RING + b, b)

    for b in range(RING):
        gather_wait(NCHUNK - RING + b, b)
        scat_start(NCHUNK - RING + b, b)
    for b in range(RING):
        scat_wait(NCHUNK - RING + b, b)

    plsc.subcore_barrier()
    pltpu.sync_copy(acc_sh.at[pl.ds(sid * RPS, RPS)], out_hbm.at[cid, sid])


PK = 128 // D_HID
PROWS = N_NODES // PK


def _mm_body(x_ref, w_ref, o_ref):
    o_ref[...] = lax.dot_general(
        x_ref[...], w_ref[...], (((1,), (0,)), ((), ())),
        preferred_element_type=jnp.float32)


def _scale1_body(xw_ref, dinvp_ref, yw_ref):
    yw_ref[...] = xw_ref[...] * dinvp_ref[0:PROWS, :]


def _mid_body(dinvp_ref, agg_ref, yw1_ref, b1_ref, w2_ref, yw2_ref):
    dinvp = dinvp_ref[0:PROWS, :]
    t = agg_ref[0] + agg_ref[1] + yw1_ref[...]
    h = jnp.maximum(t * dinvp + b1_ref[...], 0.0)
    hw = lax.dot_general(
        h, w2_ref[...], (((1,), (0,)), ((), ())),
        precision=lax.Precision.HIGHEST, preferred_element_type=jnp.float32)
    yw2_ref[...] = hw * dinvp


def _final_body(dinvp_ref, agg_ref, yw2_ref, b2_ref, out_ref):
    t = agg_ref[0] + agg_ref[1] + yw2_ref[...]
    out_ref[...] = t * dinvp_ref[0:PROWS, :] + b2_ref[...]


def kernel(x, edge_index, W1, b1, W2, b2):
    f32 = jnp.float32
    edges = edge_index.astype(jnp.int32).reshape(2, NW, NCHUNK, K)

    eye8 = jnp.eye(PK, dtype=f32)
    w1bd = jnp.kron(eye8, W1)
    w2bd = jnp.kron(eye8, W2)
    b1p = jnp.tile(b1, PK).reshape(1, 128)
    b2p = jnp.tile(b2, PK).reshape(1, 128)

    dinvp = _deg_kernel(edges).reshape(DEG_PAD // PK, 128)

    xw1p = pl.pallas_call(
        _mm_body,
        out_shape=jax.ShapeDtypeStruct((PROWS, 128), f32),
    )(x.reshape(PROWS, PK * D_IN).astype(jnp.bfloat16),
      w1bd.astype(jnp.bfloat16))

    yw1p = pl.pallas_call(
        _scale1_body,
        out_shape=jax.ShapeDtypeStruct((PROWS, 128), f32),
    )(xw1p, dinvp)

    agg1 = _agg_kernel(yw1p.reshape(N_NODES, D_HID), edges)
    agg1p = agg1.reshape(NC, PROWS, 128)

    yw2p = pl.pallas_call(
        _mid_body,
        out_shape=jax.ShapeDtypeStruct((PROWS, 128), f32),
    )(dinvp, agg1p, yw1p, b1p, w2bd)

    agg2 = _agg_kernel(yw2p.reshape(N_NODES, D_HID), edges)
    agg2p = agg2.reshape(NC, PROWS, 128)

    outp = pl.pallas_call(
        _final_body,
        out_shape=jax.ShapeDtypeStruct((PROWS, 128), f32),
    )(dinvp, agg2p, yw2p, b2p)
    return outp.reshape(N_NODES, D_HID)

# --- scband reference (transcript-rebuilt; emitter-appended) ---
"""Pipeline reference for scband-gcn-33449205301933 (READ-ONLY COPY).

The authoritative reference and input builder live on the scoring server;
editing this copy changes nothing except your own understanding.
"""

import jax, jax.numpy as jnp
import numpy as np

N_NODES = 10000
N_EDGES = 320000
D_IN = 128
D_HID = 16
D_OUT = 16


def setup_inputs(seed: int = 0) -> dict:
    key = jax.random.key(seed)
    k1, k2, k3, k4, k5, k6 = jax.random.split(key, 6)
    x = jax.random.normal(k1, (N_NODES, D_IN), dtype=jnp.float32)
    edge_index = jax.random.randint(k2, (2, N_EDGES), 0, N_NODES, dtype=jnp.int64)
    # Glorot-style init for GCN layer weights
    W1 = jax.random.normal(k3, (D_IN, D_HID), dtype=jnp.float32) * (1.0 / np.sqrt(D_IN))
    b1 = jnp.zeros((D_HID,), dtype=jnp.float32)
    W2 = jax.random.normal(k4, (D_HID, D_OUT), dtype=jnp.float32) * (1.0 / np.sqrt(D_HID))
    b2 = jnp.zeros((D_OUT,), dtype=jnp.float32)
    return {"x": x, "edge_index": edge_index, "W1": W1, "b1": b1, "W2": W2, "b2": b2}


def _gcn_conv(x, src, dst, W, b, n_nodes):
    # x' = D^{-1/2} (A + I) D^{-1/2} X W + b   (symmetric GCN normalization, self-loops added)
    xw = x @ W
    deg = jnp.zeros((n_nodes,), dtype=x.dtype).at[dst].add(1.0)
    dinv = jnp.where(deg > 0, deg ** -0.5, 0.0)
    norm = dinv[src] * dinv[dst]
    msg = xw[src] * norm[:, None]
    out = jnp.zeros((n_nodes, W.shape[1]), dtype=x.dtype).at[dst].add(msg)
    return out + b


def reference(x, edge_index, W1, b1, W2, b2):
    n_nodes = x.shape[0]
    loop = jnp.arange(n_nodes, dtype=edge_index.dtype)
    src = jnp.concatenate([edge_index[0], loop])
    dst = jnp.concatenate([edge_index[1], loop])
    h = jax.nn.relu(_gcn_conv(x, src, dst, W1, b1, n_nodes))
    out = _gcn_conv(h, src, dst, W2, b2, n_nodes)
    return out

if __name__ == "__main__":
    import jax
    _d = setup_inputs()
    print(jax.jit(kernel)(*tuple(_d.values())))

</pallas_src>

<mosaic_0001>
#map = affine_map<(d0, d1) -> (0, 0, 0, 0)>
#map1 = affine_map<(d0, d1) -> (0, 0)>
module attributes {stable_mosaic.version = 14 : i64} {
  func.func @_deg_kernel(%arg0: i32, %arg1: i32, %arg2: memref<2x32x80x125xi32, #tpu.memory_space<hbm>>, %arg3: memref<10240x16xf32, #tpu.memory_space<hbm>>, %arg4: memref<160x125xi32, #tpu.memory_space<vmem>>, %arg5: memref<128xf32, #tpu.memory_space<vmem>>, %arg6: memref<640xf32, #tpu.memory_space<vmem>>, %arg7: memref<320xf32, #tpu.memory_space<vmem>>, %arg8: memref<320x16xf32, #tpu.memory_space<vmem>>, %arg9: memref<10240xf32, #tpu.memory_space<vmem_shared>>, %arg10: memref<!tpu.dma_semaphore, #tpu.memory_space<semaphore_mem>>) attributes {dimension_semantics = [#tpu.dimension_semantics<core_parallel>, #tpu.dimension_semantics<subcore_parallel>], iteration_bounds = array<i64: 2, 16>, scalar_prefetch = 0 : i64, scratch_operands = 7 : i64, tpu.core_type = #tpu.core_type<sc_vector_subcore>, window_params = [{transform_indices = #map}, {transform_indices = #map1}]} {
    %scan3A = arith.constant 0 : i32
    %scan3A_0 = arith.constant 8 : i32
    %scan3A_1 = arith.addi %scan3A, %scan3A_0 : i32
    %scan3A_2 = arith.constant 1 : i32
    scf.for %scan3A_42 = %scan3A to %scan3A_1 step %scan3A_2  : i32 {
      %mul3A_43 = arith.constant 16 : i32
      %mul3A_44 = arith.muli %scan3A_42, %mul3A_43 : i32
      %add3A_45 = arith.constant 0 : i32
      %add3A_46 = arith.addi %add3A_45, %mul3A_44 : i32
      %broadcast_in_dim3A = arith.constant 1.000000e+00 : f32
      %broadcast_in_dim3A_47 = vector.broadcast %broadcast_in_dim3A : f32 to vector<16xf32>
      %swap3A = arith.index_cast %add3A_46 : i32 to index
      %swap3A_48 = tpu.vector_load %arg5[%swap3A] {strides = array<i32>} : memref<128xf32, #tpu.memory_space<vmem>>, vector<16xf32>,
      tpu.vector_store %arg5[%swap3A], %broadcast_in_dim3A_47 {strides = array<i32>} : memref<128xf32, #tpu.memory_space<vmem>>, vector<16xf32>,
    }
    %scan3A_3 = arith.constant 8 : i32
    %scan3A_4 = arith.constant 0 : i32
    %scan3A_5 = arith.constant 40 : i32
    %scan3A_6 = arith.addi %scan3A_4, %scan3A_5 : i32
    %scan3A_7 = arith.constant 1 : i32
    scf.for %scan3A_42 = %scan3A_4 to %scan3A_6 step %scan3A_7  : i32 {
      %mul3A_43 = arith.constant 16 : i32
      %mul3A_44 = arith.muli %scan3A_42, %mul3A_43 : i32
      %add3A_45 = arith.constant 0 : i32
      %add3A_46 = arith.addi %add3A_45, %mul3A_44 : i32
      %broadcast_in_dim3A = arith.constant 0.000000e+00 : f32
      %broadcast_in_dim3A_47 = vector.broadcast %broadcast_in_dim3A : f32 to vector<16xf32>
      %swap3A = arith.index_cast %add3A_46 : i32 to index
      %swap3A_48 = tpu.vector_load %arg6[%swap3A] {strides = array<i32>} : memref<640xf32, #tpu.memory_space<vmem>>, vector<16xf32>,
      tpu.vector_store %arg6[%swap3A], %broadcast_in_dim3A_47 {strides = array<i32>} : memref<640xf32, #tpu.memory_space<vmem>>, vector<16xf32>,
    }
    %scan3A_8 = arith.constant 40 : i32
    %mul3A = arith.constant 640 : i32
    %mul3A_9 = arith.muli %arg1, %mul3A : i32
    "tpu.region"() ({
      %run_scoped3A_42 = tpu.sem_alloc : memref<!tpu.dma_semaphore, #tpu.memory_space<semaphore_mem>>
      %dma_start3A = tpu.memref_slice %arg9[%mul3A_9] : memref<10240xf32, #tpu.memory_space<vmem_shared>> -> memref<640xf32, #tpu.memory_space<vmem_shared>>
      %dma_start3A_43 = tpu.memref_slice %arg9[%mul3A_9] : memref<10240xf32, #tpu.memory_space<vmem_shared>> -> memref<640xf32, #tpu.memory_space<vmem_shared>>
      tpu.enqueue_dma source(%arg6 : memref<640xf32, #tpu.memory_space<vmem>>) target(%dma_start3A_43 : memref<640xf32, #tpu.memory_space<vmem_shared>>) target_semaphore(%run_scoped3A_42 : memref<!tpu.dma_semaphore, #tpu.memory_space<semaphore_mem>>)
      %dma_wait3A = tpu.memref_slice %arg9[%mul3A_9] : memref<10240xf32, #tpu.memory_space<vmem_shared>> -> memref<640xf32, #tpu.memory_space<vmem_shared>>
      %dma_wait3A_44 = tpu.memref_slice %arg9[%mul3A_9] : memref<10240xf32, #tpu.memory_space<vmem_shared>> -> memref<640xf32, #tpu.memory_space<vmem_shared>>
      tpu.wait_dma2 semaphore(%run_scoped3A_42 : memref<!tpu.dma_semaphore, #tpu.memory_space<semaphore_mem>>) src(%arg6 : memref<640xf32, #tpu.memory_space<vmem>>) dst(%dma_wait3A_44 : memref<640xf32, #tpu.memory_space<vmem_shared>>)
      tpu.yield
    }) : () -> ()
    %mul3A_10 = arith.constant 2 : i32
    %mul3A_11 = arith.muli %mul3A_10, %arg1 : i32
    %run_scoped3A = arith.constant 1 : i32
    "tpu.region"() ({
      %run_scoped3A_42 = tpu.sem_alloc : memref<!tpu.dma_semaphore, #tpu.memory_space<semaphore_mem>>
      %dma_start3A = arith.constant 0 : i32
      %dma_start3A_43 = arith.constant 0 : i32
      %dma_start3A_44 = tpu.memref_slice %arg4[%dma_start3A, %dma_start3A_43] : memref<160x125xi32, #tpu.memory_space<vmem>> -> memref<80x125xi32, #tpu.memory_space<vmem>>
      %dma_start3A_45 = arith.constant 0 : i32
      %dma_start3A_46 = arith.constant 0 : i32
      %dma_start3A_47 = tpu.memref_slice %arg2[%run_scoped3A, %mul3A_11, %dma_start3A_45, %dma_start3A_46] : memref<2x32x80x125xi32, #tpu.memory_space<hbm>> -> memref<1x1x80x125xi32, #tpu.memory_space<hbm>>
      %dma_start3A_48 = tpu.memref_squeeze %dma_start3A_47 : memref<1x1x80x125xi32, #tpu.memory_space<hbm>> -> memref<80x125xi32, #tpu.memory_space<hbm>>
      %dma_start3A_49 = arith.constant 0 : i32
      %dma_start3A_50 = arith.constant 0 : i32
      %dma_start3A_51 = tpu.memref_slice %arg4[%dma_start3A_49, %dma_start3A_50] : memref<160x125xi32, #tpu.memory_space<vmem>> -> memref<80x125xi32, #tpu.memory_space<vmem>>
      %dma_start3A_52 = arith.constant 0 : i32
      %dma_start3A_53 = arith.constant 0 : i32
      %dma_start3A_54 = tpu.memref_slice %arg2[%run_scoped3A, %mul3A_11, %dma_start3A_52, %dma_start3A_53] : memref<2x32x80x125xi32, #tpu.memory_space<hbm>> -> memref<1x1x80x125xi32, #tpu.memory_space<hbm>>
      %dma_start3A_55 = tpu.memref_squeeze %dma_start3A_54 : memref<1x1x80x125xi32, #tpu.memory_space<hbm>> -> memref<80x125xi32, #tpu.memory_space<hbm>>
      tpu.enqueue_dma source(%dma_start3A_55 : memref<80x125xi32, #tpu.memory_space<hbm>>) target(%dma_start3A_51 : memref<80x125xi32, #tpu.memory_space<vmem>>) target_semaphore(%run_scoped3A_42 : memref<!tpu.dma_semaphore, #tpu.memory_space<semaphore_mem>>)
      %dma_wait3A = arith.constant 0 : i32
      %dma_wait3A_56 = arith.constant 0 : i32
      %dma_wait3A_57 = tpu.memref_slice %arg4[%dma_wait3A, %dma_wait3A_56] : memref<160x125xi32, #tpu.memory_space<vmem>> -> memref<80x125xi32, #tpu.memory_space<vmem>>
      %dma_wait3A_58 = arith.constant 0 : i32
      %dma_wait3A_59 = arith.constant 0 : i32
      %dma_wait3A_60 = tpu.memref_slice %arg2[%run_scoped3A, %mul3A_11, %dma_wait3A_58, %dma_wait3A_59] : memref<2x32x80x125xi32, #tpu.memory_space<hbm>> -> memref<1x1x80x125xi32, #tpu.memory_space<hbm>>
      %dma_wait3A_61 = tpu.memref_squeeze %dma_wait3A_60 : memref<1x1x80x125xi32, #tpu.memory_space<hbm>> -> memref<80x125xi32, #tpu.memory_space<hbm>>
      %dma_wait3A_62 = arith.constant 0 : i32
      %dma_wait3A_63 = arith.constant 0 : i32
      %dma_wait3A_64 = tpu.memref_slice %arg4[%dma_wait3A_62, %dma_wait3A_63] : memref<160x125xi32, #tpu.memory_space<vmem>> -> memref<80x125xi32, #tpu.memory_space<vmem>>
      %dma_wait3A_65 = arith.constant 0 : i32
      %dma_wait3A_66 = arith.constant 0 : i32
      %dma_wait3A_67 = tpu.memref_slice %arg2[%run_scoped3A, %mul3A_11, %dma_wait3A_65, %dma_wait3A_66] : memref<2x32x80x125xi32, #tpu.memory_space<hbm>> -> memref<1x1x80x125xi32, #tpu.memory_space<hbm>>
      %dma_wait3A_68 = tpu.memref_squeeze %dma_wait3A_67 : memref<1x1x80x125xi32, #tpu.memory_space<hbm>> -> memref<80x125xi32, #tpu.memory_space<hbm>>
      tpu.wait_dma2 semaphore(%run_scoped3A_42 : memref<!tpu.dma_semaphore, #tpu.memory_space<semaphore_mem>>) src(%dma_wait3A_68 : memref<80x125xi32, #tpu.memory_space<hbm>>) dst(%dma_wait3A_64 : memref<80x125xi32, #tpu.memory_space<vmem>>)
      tpu.yield
    }) : () -> ()
    %mul3A_12 = arith.constant 2 : i32
    %mul3A_13 = arith.muli %mul3A_12, %arg1 : i32
    %add3A = arith.constant 1 : i32
    %add3A_14 = arith.addi %mul3A_13, %add3A : i32
    %run_scoped3A_15 = arith.constant 1 : i32
    "tpu.region"() ({
      %run_scoped3A_42 = tpu.sem_alloc : memref<!tpu.dma_semaphore, #tpu.memory_space<semaphore_mem>>
      %dma_start3A = arith.constant 80 : i32
      %dma_start3A_43 = arith.constant 0 : i32
      %dma_start3A_44 = tpu.memref_slice %arg4[%dma_start3A, %dma_start3A_43] : memref<160x125xi32, #tpu.memory_space<vmem>> -> memref<80x125xi32, #tpu.memory_space<vmem>>
      %dma_start3A_45 = arith.constant 0 : i32
      %dma_start3A_46 = arith.constant 0 : i32
      %dma_start3A_47 = tpu.memref_slice %arg2[%run_scoped3A_15, %add3A_14, %dma_start3A_45, %dma_start3A_46] : memref<2x32x80x125xi32, #tpu.memory_space<hbm>> -> memref<1x1x80x125xi32, #tpu.memory_space<hbm>>
      %dma_start3A_48 = tpu.memref_squeeze %dma_start3A_47 : memref<1x1x80x125xi32, #tpu.memory_space<hbm>> -> memref<80x125xi32, #tpu.memory_space<hbm>>
      %dma_start3A_49 = arith.constant 80 : i32
      %dma_start3A_50 = arith.constant 0 : i32
      %dma_start3A_51 = tpu.memref_slice %arg4[%dma_start3A_49, %dma_start3A_50] : memref<160x125xi32, #tpu.memory_space<vmem>> -> memref<80x125xi32, #tpu.memory_space<vmem>>
      %dma_start3A_52 = arith.constant 0 : i32
      %dma_start3A_53 = arith.constant 0 : i32
      %dma_start3A_54 = tpu.memref_slice %arg2[%run_scoped3A_15, %add3A_14, %dma_start3A_52, %dma_start3A_53] : memref<2x32x80x125xi32, #tpu.memory_space<hbm>> -> memref<1x1x80x125xi32, #tpu.memory_space<hbm>>
      %dma_start3A_55 = tpu.memref_squeeze %dma_start3A_54 : memref<1x1x80x125xi32, #tpu.memory_space<hbm>> -> memref<80x125xi32, #tpu.memory_space<hbm>>
      tpu.enqueue_dma source(%dma_start3A_55 : memref<80x125xi32, #tpu.memory_space<hbm>>) target(%dma_start3A_51 : memref<80x125xi32, #tpu.memory_space<vmem>>) target_semaphore(%run_scoped3A_42 : memref<!tpu.dma_semaphore, #tpu.memory_space<semaphore_mem>>)
      %dma_wait3A = arith.constant 80 : i32
      %dma_wait3A_56 = arith.constant 0 : i32
      %dma_wait3A_57 = tpu.memref_slice %arg4[%dma_wait3A, %dma_wait3A_56] : memref<160x125xi32, #tpu.memory_space<vmem>> -> memref<80x125xi32, #tpu.memory_space<vmem>>
      %dma_wait3A_58 = arith.constant 0 : i32
      %dma_wait3A_59 = arith.constant 0 : i32
      %dma_wait3A_60 = tpu.memref_slice %arg2[%run_scoped3A_15, %add3A_14, %dma_wait3A_58, %dma_wait3A_59] : memref<2x32x80x125xi32, #tpu.memory_space<hbm>> -> memref<1x1x80x125xi32, #tpu.memory_space<hbm>>
      %dma_wait3A_61 = tpu.memref_squeeze %dma_wait3A_60 : memref<1x1x80x125xi32, #tpu.memory_space<hbm>> -> memref<80x125xi32, #tpu.memory_space<hbm>>
      %dma_wait3A_62 = arith.constant 80 : i32
      %dma_wait3A_63 = arith.constant 0 : i32
      %dma_wait3A_64 = tpu.memref_slice %arg4[%dma_wait3A_62, %dma_wait3A_63] : memref<160x125xi32, #tpu.memory_space<vmem>> -> memref<80x125xi32, #tpu.memory_space<vmem>>
      %dma_wait3A_65 = arith.constant 0 : i32
      %dma_wait3A_66 = arith.constant 0 : i32
      %dma_wait3A_67 = tpu.memref_slice %arg2[%run_scoped3A_15, %add3A_14, %dma_wait3A_65, %dma_wait3A_66] : memref<2x32x80x125xi32, #tpu.memory_space<hbm>> -> memref<1x1x80x125xi32, #tpu.memory_space<hbm>>
      %dma_wait3A_68 = tpu.memref_squeeze %dma_wait3A_67 : memref<1x1x80x125xi32, #tpu.memory_space<hbm>> -> memref<80x125xi32, #tpu.memory_space<hbm>>
      tpu.wait_dma2 semaphore(%run_scoped3A_42 : memref<!tpu.dma_semaphore, #tpu.memory_space<semaphore_mem>>) src(%dma_wait3A_68 : memref<80x125xi32, #tpu.memory_space<hbm>>) dst(%dma_wait3A_64 : memref<80x125xi32, #tpu.memory_space<vmem>>)
      tpu.yield
    }) : () -> ()
    %barrier3A = arith.constant 0 : index
    tpu.barrier barrier_id(%barrier3A)
    %scan3A_16 = arith.constant 0 : i32
    %scan3A_17 = arith.constant 160 : i32
    %scan3A_18 = arith.addi %scan3A_16, %scan3A_17 : i32
    %scan3A_19 = arith.constant 1 : i32
    scf.for %scan3A_42 = %scan3A_16 to %scan3A_18 step %scan3A_19  : i32 {
      %mul3A_43 = arith.constant 1 : i32
      %mul3A_44 = arith.muli %scan3A_42, %mul3A_43 : i32
      %add3A_45 = arith.constant 0 : i32
      %add3A_46 = arith.addi %add3A_45, %mul3A_44 : i32
      %dma_start3A = arith.constant 0 : i32
      %dma_start3A_47 = tpu.memref_slice %arg5[%dma_start3A] : memref<128xf32, #tpu.memory_space<vmem>> -> memref<125xf32, #tpu.memory_space<vmem>>
      %dma_start3A_48 = arith.constant 0 : i32
      %dma_start3A_49 = tpu.memref_slice %arg4[%add3A_46, %dma_start3A_48] : memref<160x125xi32, #tpu.memory_space<vmem>> -> memref<1x125xi32, #tpu.memory_space<vmem>>
      %dma_start3A_50 = tpu.memref_squeeze %dma_start3A_49 : memref<1x125xi32, #tpu.memory_space<vmem>> -> memref<125xi32, #tpu.memory_space<vmem>>
      %dma_start3A_51 = arith.constant 0 : i32
      %dma_start3A_52 = tpu.memref_slice %arg9[%dma_start3A_51] : memref<10240xf32, #tpu.memory_space<vmem_shared>> -> memref<10240xf32, #tpu.memory_space<vmem_shared>>
      tpu.enqueue_indirect_dma source(%dma_start3A_47 : memref<125xf32, #tpu.memory_space<vmem>>) target(%dma_start3A_52 : memref<10240xf32, #tpu.memory_space<vmem_shared>>) offsets(%dma_start3A_50 : memref<125xi32, #tpu.memory_space<vmem>>) semaphore(%arg10 : memref<!tpu.dma_semaphore, #tpu.memory_space<semaphore_mem>>) {add = true}
    }
    %scan3A_20 = arith.constant 160 : i32
    %scan3A_21 = arith.constant 0 : i32
    %scan3A_22 = arith.constant 160 : i32
    %scan3A_23 = arith.addi %scan3A_21, %scan3A_22 : i32
    %scan3A_24 = arith.constant 1 : i32
    scf.for %scan3A_42 = %scan3A_21 to %scan3A_23 step %scan3A_24  : i32 {
      %mul3A_43 = arith.constant 1 : i32
      %mul3A_44 = arith.muli %scan3A_42, %mul3A_43 : i32
      %add3A_45 = arith.constant 0 : i32
      %add3A_46 = arith.addi %add3A_45, %mul3A_44 : i32
      %dma_wait3A = arith.constant 0 : i32
      %dma_wait3A_47 = tpu.memref_slice %arg5[%dma_wait3A] : memref<128xf32, #tpu.memory_space<vmem>> -> memref<125xf32, #tpu.memory_space<vmem>>
      %dma_wait3A_48 = arith.constant 0 : i32
      %dma_wait3A_49 = tpu.memref_slice %arg4[%add3A_46, %dma_wait3A_48] : memref<160x125xi32, #tpu.memory_space<vmem>> -> memref<1x125xi32, #tpu.memory_space<vmem>>
      %dma_wait3A_50 = tpu.memref_squeeze %dma_wait3A_49 : memref<1x125xi32, #tpu.memory_space<vmem>> -> memref<125xi32, #tpu.memory_space<vmem>>
      %dma_wait3A_51 = arith.constant 0 : i32
      %dma_wait3A_52 = tpu.memref_slice %arg9[%dma_wait3A_51] : memref<10240xf32, #tpu.memory_space<vmem_shared>> -> memref<10240xf32, #tpu.memory_space<vmem_shared>>
      tpu.wait_indirect_dma semaphore(%arg10 : memref<!tpu.dma_semaphore, #tpu.memory_space<semaphore_mem>>) src(%dma_wait3A_47 : memref<125xf32, #tpu.memory_space<vmem>>) dst(%dma_wait3A_52 : memref<10240xf32, #tpu.memory_space<vmem_shared>>)
    }
    %scan3A_25 = arith.constant 160 : i32
    %barrier3A_26 = arith.constant 0 : index
    tpu.barrier barrier_id(%barrier3A_26)
    %mul3A_27 = arith.constant 16 : i32
    %mul3A_28 = arith.muli %arg0, %mul3A_27 : i32
    %add3A_29 = arith.addi %mul3A_28, %arg1 : i32
    %mul3A_30 = arith.constant 320 : i32
    %mul3A_31 = arith.muli %add3A_29, %mul3A_30 : i32
    "tpu.region"() ({
      %run_scoped3A_42 = tpu.sem_alloc : memref<!tpu.dma_semaphore, #tpu.memory_space<semaphore_mem>>
      %dma_start3A = tpu.memref_slice %arg9[%mul3A_31] : memref<10240xf32, #tpu.memory_space<vmem_shared>> -> memref<320xf32, #tpu.memory_space<vmem_shared>>
      %dma_start3A_43 = tpu.memref_slice %arg9[%mul3A_31] : memref<10240xf32, #tpu.memory_space<vmem_shared>> -> memref<320xf32, #tpu.memory_space<vmem_shared>>
      tpu.enqueue_dma source(%dma_start3A_43 : memref<320xf32, #tpu.memory_space<vmem_shared>>) target(%arg7 : memref<320xf32, #tpu.memory_space<vmem>>) target_semaphore(%run_scoped3A_42 : memref<!tpu.dma_semaphore, #tpu.memory_space<semaphore_mem>>)
      %dma_wait3A = tpu.memref_slice %arg9[%mul3A_31] : memref<10240xf32, #tpu.memory_space<vmem_shared>> -> memref<320xf32, #tpu.memory_space<vmem_shared>>
      %dma_wait3A_44 = tpu.memref_slice %arg9[%mul3A_31] : memref<10240xf32, #tpu.memory_space<vmem_shared>> -> memref<320xf32, #tpu.memory_space<vmem_shared>>
      tpu.wait_dma2 semaphore(%run_scoped3A_42 : memref<!tpu.dma_semaphore, #tpu.memory_space<semaphore_mem>>) src(%dma_wait3A_44 : memref<320xf32, #tpu.memory_space<vmem_shared>>) dst(%arg7 : memref<320xf32, #tpu.memory_space<vmem>>)
      tpu.yield
    }) : () -> ()
    %scan3A_32 = arith.constant 0 : i32
    %scan3A_33 = arith.constant 20 : i32
    %scan3A_34 = arith.addi %scan3A_32, %scan3A_33 : i32
    %scan3A_35 = arith.constant 1 : i32
    scf.for %scan3A_42 = %scan3A_32 to %scan3A_34 step %scan3A_35  : i32 {
      %mul3A_43 = arith.constant 16 : i32
      %mul3A_44 = arith.muli %scan3A_42, %mul3A_43 : i32
      %add3A_45 = arith.constant 0 : i32
      %add3A_46 = arith.addi %add3A_45, %mul3A_44 : i32
      %get3A = arith.index_cast %add3A_46 : i32 to index
      %get3A_47 = tpu.vector_load %arg7[%get3A] {strides = array<i32>} : memref<320xf32, #tpu.memory_space<vmem>>, vector<16xf32>,
      %add3A_48 = arith.constant 1.000000e+00 : f32
      %add3A_49 = vector.broadcast %add3A_48 : f32 to vector<16xf32>
      %add3A_50 = arith.addf %get3A_47, %add3A_49 : vector<16xf32>
      %bitcast3A = vector.bitcast %add3A_50 : vector<16xf32> to vector<16xi32>
      %shift_right_logical3A = arith.constant 1 : i32
      %shift_right_logical3A_51 = vector.broadcast %shift_right_logical3A : i32 to vector<16xi32>
      %shift_right_logical3A_52 = arith.shrui %bitcast3A, %shift_right_logical3A_51 : vector<16xi32>
      %sub3A = arith.constant 1597463007 : i32
      %sub3A_53 = vector.broadcast %sub3A : i32 to vector<16xi32>
      %sub3A_54 = arith.subi %sub3A_53, %shift_right_logical3A_52 : vector<16xi32>
      %bitcast3A_55 = vector.bitcast %sub3A_54 : vector<16xi32> to vector<16xf32>
      %mul3A_56 = arith.constant 5.000000e-01 : f32
      %mul3A_57 = vector.broadcast %mul3A_56 : f32 to vector<16xf32>
      %mul3A_58 = arith.mulf %mul3A_57, %add3A_50 : vector<16xf32>
      %mul3A_59 = arith.mulf %mul3A_58, %bitcast3A_55 : vector<16xf32>
      %mul3A_60 = arith.mulf %mul3A_59, %bitcast3A_55 : vector<16xf32>
      %sub3A_61 = arith.constant 1.500000e+00 : f32
      %sub3A_62 = vector.broadcast %sub3A_61 : f32 to vector<16xf32>
      %sub3A_63 = arith.subf %sub3A_62, %mul3A_60 : vector<16xf32>
      %mul3A_64 = arith.mulf %bitcast3A_55, %sub3A_63 : vector<16xf32>
      %mul3A_65 = arith.mulf %mul3A_58, %mul3A_64 : vector<16xf32>
      %mul3A_66 = arith.mulf %mul3A_65, %mul3A_64 : vector<16xf32>
      %sub3A_67 = arith.constant 1.500000e+00 : f32
      %sub3A_68 = vector.broadcast %sub3A_67 : f32 to vector<16xf32>
      %sub3A_69 = arith.subf %sub3A_68, %mul3A_66 : vector<16xf32>
      %mul3A_70 = arith.mulf %mul3A_64, %sub3A_69 : vector<16xf32>
      %mul3A_71 = arith.mulf %mul3A_58, %mul3A_70 : vector<16xf32>
      %mul3A_72 = arith.mulf %mul3A_71, %mul3A_70 : vector<16xf32>
      %sub3A_73 = arith.constant 1.500000e+00 : f32
      %sub3A_74 = vector.broadcast %sub3A_73 : f32 to vector<16xf32>
      %sub3A_75 = arith.subf %sub3A_74, %mul3A_72 : vector<16xf32>
      %mul3A_76 = arith.mulf %mul3A_70, %sub3A_75 : vector<16xf32>
      %swap3A = arith.index_cast %add3A_46 : i32 to index
      %swap3A_77 = tpu.vector_load %arg7[%swap3A] {strides = array<i32>} : memref<320xf32, #tpu.memory_space<vmem>>, vector<16xf32>,
      tpu.vector_store %arg7[%swap3A], %mul3A_76 {strides = array<i32>} : memref<320xf32, #tpu.memory_space<vmem>>, vector<16xf32>,
    }
    %scan3A_36 = arith.constant 20 : i32
    %scan3A_37 = arith.constant 0 : i32
    %scan3A_38 = arith.constant 320 : i32
    %scan3A_39 = arith.addi %scan3A_37, %scan3A_38 : i32
    %scan3A_40 = arith.constant 1 : i32
    scf.for %scan3A_42 = %scan3A_37 to %scan3A_39 step %scan3A_40  : i32 {
      %mul3A_43 = arith.constant 1 : i32
      %mul3A_44 = arith.muli %scan3A_42, %mul3A_43 : i32
      %add3A_45 = arith.constant 0 : i32
      %add3A_46 = arith.addi %add3A_45, %mul3A_44 : i32
      %broadcast_in_dim3A = vector.broadcast %add3A_46 : i32 to vector<16xi32>
      %gather3A = tpu.vector_load_idx %arg7[%broadcast_in_dim3A] : memref<320xf32, #tpu.memory_space<vmem>>[vector<16xi32>], vector<16xf32>,
      %swap3A = arith.index_cast %add3A_46 : i32 to index
      %swap3A_47 = arith.constant 0 : index
      %swap3A_48 = tpu.vector_load %arg8[%swap3A, %swap3A_47] {strides = array<i32>} : memref<320x16xf32, #tpu.memory_space<vmem>>, vector<16xf32>,
      tpu.vector_store %arg8[%swap3A, %swap3A_47], %gather3A {strides = array<i32>} : memref<320x16xf32, #tpu.memory_space<vmem>>, vector<16xf32>,
    }
    %scan3A_41 = arith.constant 320 : i32
    "tpu.region"() ({
      %run_scoped3A_42 = tpu.sem_alloc : memref<!tpu.dma_semaphore, #tpu.memory_space<semaphore_mem>>
      %dma_start3A = arith.constant 0 : i32
      %dma_start3A_43 = tpu.memref_slice %arg3[%mul3A_31, %dma_start3A] : memref<10240x16xf32, #tpu.memory_space<hbm>> -> memref<320x16xf32, #tpu.memory_space<hbm>>
      %dma_start3A_44 = arith.constant 0 : i32
      %dma_start3A_45 = tpu.memref_slice %arg3[%mul3A_31, %dma_start3A_44] : memref<10240x16xf32, #tpu.memory_space<hbm>> -> memref<320x16xf32, #tpu.memory_space<hbm>>
      tpu.enqueue_dma source(%arg8 : memref<320x16xf32, #tpu.memory_space<vmem>>) target(%dma_start3A_45 : memref<320x16xf32, #tpu.memory_space<hbm>>) target_semaphore(%run_scoped3A_42 : memref<!tpu.dma_semaphore, #tpu.memory_space<semaphore_mem>>)
      %dma_wait3A = arith.constant 0 : i32
      %dma_wait3A_46 = tpu.memref_slice %arg3[%mul3A_31, %dma_wait3A] : memref<10240x16xf32, #tpu.memory_space<hbm>> -> memref<320x16xf32, #tpu.memory_space<hbm>>
      %dma_wait3A_47 = arith.constant 0 : i32
      %dma_wait3A_48 = tpu.memref_slice %arg3[%mul3A_31, %dma_wait3A_47] : memref<10240x16xf32, #tpu.memory_space<hbm>> -> memref<320x16xf32, #tpu.memory_space<hbm>>
      tpu.wait_dma2 semaphore(%run_scoped3A_42 : memref<!tpu.dma_semaphore, #tpu.memory_space<semaphore_mem>>) src(%arg8 : memref<320x16xf32, #tpu.memory_space<vmem>>) dst(%dma_wait3A_48 : memref<320x16xf32, #tpu.memory_space<hbm>>)
      tpu.yield
    }) : () -> ()
    return
  }
}

#map = affine_map<(d0, d1) -> (0, 0)>
#map1 = affine_map<(d0, d1) -> (0, 0, 0, 0)>
module attributes {stable_mosaic.version = 14 : i64} {
  func.func @_agg_kernel(%arg0: i32, %arg1: i32, %arg2: memref<10000x16xf32, #tpu.memory_space<hbm>>, %arg3: memref<2x32x80x125xi32, #tpu.memory_space<hbm>>, %arg4: memref<2x16x625x16xf32, #tpu.memory_space<hbm>>, %arg5: memref<80x125xi32, #tpu.memory_space<vmem>>, %arg6: memref<80x125xi32, #tpu.memory_space<vmem>>, %arg7: memref<125x16xf32, #tpu.memory_space<vmem>>, %arg8: memref<125x16xf32, #tpu.memory_space<vmem>>, %arg9: memref<125x16xf32, #tpu.memory_space<vmem>>, %arg10: memref<125x16xf32, #tpu.memory_space<vmem>>, %arg11: memref<125x16xf32, #tpu.memory_space<vmem>>, %arg12: memref<125x16xf32, #tpu.memory_space<vmem>>, %arg13: memref<125x16xf32, #tpu.memory_space<vmem>>, %arg14: memref<125x16xf32, #tpu.memory_space<vmem>>, %arg15: memref<125x16xf32, #tpu.memory_space<vmem>>, %arg16: memref<125x16xf32, #tpu.memory_space<vmem>>, %arg17: memref<625x16xf32, #tpu.memory_space<vmem>>, %arg18: memref<10000x16xf32, #tpu.memory_space<vmem_shared>>, %arg19: memref<10x!tpu.dma_semaphore, #tpu.memory_space<semaphore_mem>>, %arg20: memref<10x!tpu.dma_semaphore, #tpu.memory_space<semaphore_mem>>) attributes {dimension_semantics = [#tpu.dimension_semantics<core_parallel>, #tpu.dimension_semantics<subcore_parallel>], iteration_bounds = array<i64: 2, 16>, scalar_prefetch = 0 : i64, scratch_operands = 16 : i64, tpu.core_type = #tpu.core_type<sc_vector_subcore>, window_params = [{transform_indices = #map}, {transform_indices = #map1}, {transform_indices = #map1}]} {
    %mul3A = arith.constant 2 : i32
    %mul3A_0 = arith.muli %arg1, %mul3A : i32
    %add3A = arith.addi %mul3A_0, %arg0 : i32
    %scan3A = arith.constant 0 : i32
    %scan3A_1 = arith.constant 625 : i32
    %scan3A_2 = arith.addi %scan3A, %scan3A_1 : i32
    %scan3A_3 = arith.constant 1 : i32
    scf.for %scan3A_414 = %scan3A to %scan3A_2 step %scan3A_3  : i32 {
      %mul3A_415 = arith.constant 1 : i32
      %mul3A_416 = arith.muli %scan3A_414, %mul3A_415 : i32
      %add3A_417 = arith.constant 0 : i32
      %add3A_418 = arith.addi %add3A_417, %mul3A_416 : i32
      %broadcast_in_dim3A = arith.constant 0.000000e+00 : f32
      %broadcast_in_dim3A_419 = vector.broadcast %broadcast_in_dim3A : f32 to vector<16xf32>
      %swap3A = arith.index_cast %add3A_418 : i32 to index
      %swap3A_420 = arith.constant 0 : index
      %swap3A_421 = tpu.vector_load %arg17[%swap3A, %swap3A_420] {strides = array<i32>} : memref<625x16xf32, #tpu.memory_space<vmem>>, vector<1x16xf32>,
      %swap3A_422 = vector.shape_cast %swap3A_421 : vector<1x16xf32> to vector<16xf32>
      %swap3A_423 = vector.shape_cast %broadcast_in_dim3A_419 : vector<16xf32> to vector<1x16xf32>
      tpu.vector_store %arg17[%swap3A, %swap3A_420], %swap3A_423 {strides = array<i32>} : memref<625x16xf32, #tpu.memory_space<vmem>>, vector<1x16xf32>,
    }
    %scan3A_4 = arith.constant 625 : i32
    %mul3A_5 = arith.constant 625 : i32
    %mul3A_6 = arith.muli %arg1, %mul3A_5 : i32
    "tpu.region"() ({
      %run_scoped3A_414 = tpu.sem_alloc : memref<!tpu.dma_semaphore, #tpu.memory_space<semaphore_mem>>
      %dma_start3A_415 = arith.constant 0 : i32
      %dma_start3A_416 = tpu.memref_slice %arg18[%mul3A_6, %dma_start3A_415] : memref<10000x16xf32, #tpu.memory_space<vmem_shared>> -> memref<625x16xf32, #tpu.memory_space<vmem_shared>>
      %dma_start3A_417 = arith.constant 0 : i32
      %dma_start3A_418 = tpu.memref_slice %arg18[%mul3A_6, %dma_start3A_417] : memref<10000x16xf32, #tpu.memory_space<vmem_shared>> -> memref<625x16xf32, #tpu.memory_space<vmem_shared>>
      tpu.enqueue_dma source(%arg17 : memref<625x16xf32, #tpu.memory_space<vmem>>) target(%dma_start3A_418 : memref<625x16xf32, #tpu.memory_space<vmem_shared>>) target_semaphore(%run_scoped3A_414 : memref<!tpu.dma_semaphore, #tpu.memory_space<semaphore_mem>>)
      %dma_wait3A_419 = arith.constant 0 : i32
      %dma_wait3A_420 = tpu.memref_slice %arg18[%mul3A_6, %dma_wait3A_419] : memref<10000x16xf32, #tpu.memory_space<vmem_shared>> -> memref<625x16xf32, #tpu.memory_space<vmem_shared>>
      %dma_wait3A_421 = arith.constant 0 : i32
      %dma_wait3A_422 = tpu.memref_slice %arg18[%mul3A_6, %dma_wait3A_421] : memref<10000x16xf32, #tpu.memory_space<vmem_shared>> -> memref<625x16xf32, #tpu.memory_space<vmem_shared>>
      tpu.wait_dma2 semaphore(%run_scoped3A_414 : memref<!tpu.dma_semaphore, #tpu.memory_space<semaphore_mem>>) src(%arg17 : memref<625x16xf32, #tpu.memory_space<vmem>>) dst(%dma_wait3A_422 : memref<625x16xf32, #tpu.memory_space<vmem_shared>>)
      tpu.yield
    }) : () -> ()
    %run_scoped3A = arith.constant 0 : i32
    "tpu.region"() ({
      %run_scoped3A_414 = tpu.sem_alloc : memref<!tpu.dma_semaphore, #tpu.memory_space<semaphore_mem>>
      %dma_start3A_415 = arith.constant 0 : i32
      %dma_start3A_416 = arith.constant 0 : i32
      %dma_start3A_417 = tpu.memref_slice %arg3[%run_scoped3A, %add3A, %dma_start3A_415, %dma_start3A_416] : memref<2x32x80x125xi32, #tpu.memory_space<hbm>> -> memref<1x1x80x125xi32, #tpu.memory_space<hbm>>
      %dma_start3A_418 = tpu.memref_squeeze %dma_start3A_417 : memref<1x1x80x125xi32, #tpu.memory_space<hbm>> -> memref<80x125xi32, #tpu.memory_space<hbm>>
      %dma_start3A_419 = arith.constant 0 : i32
      %dma_start3A_420 = arith.constant 0 : i32
      %dma_start3A_421 = tpu.memref_slice %arg3[%run_scoped3A, %add3A, %dma_start3A_419, %dma_start3A_420] : memref<2x32x80x125xi32, #tpu.memory_space<hbm>> -> memref<1x1x80x125xi32, #tpu.memory_space<hbm>>
      %dma_start3A_422 = tpu.memref_squeeze %dma_start3A_421 : memref<1x1x80x125xi32, #tpu.memory_space<hbm>> -> memref<80x125xi32, #tpu.memory_space<hbm>>
      tpu.enqueue_dma source(%dma_start3A_422 : memref<80x125xi32, #tpu.memory_space<hbm>>) target(%arg5 : memref<80x125xi32, #tpu.memory_space<vmem>>) target_semaphore(%run_scoped3A_414 : memref<!tpu.dma_semaphore, #tpu.memory_space<semaphore_mem>>)
      %dma_wait3A_423 = arith.constant 0 : i32
      %dma_wait3A_424 = arith.constant 0 : i32
      %dma_wait3A_425 = tpu.memref_slice %arg3[%run_scoped3A, %add3A, %dma_wait3A_423, %dma_wait3A_424] : memref<2x32x80x125xi32, #tpu.memory_space<hbm>> -> memref<1x1x80x125xi32, #tpu.memory_space<hbm>>
      %dma_wait3A_426 = tpu.memref_squeeze %dma_wait3A_425 : memref<1x1x80x125xi32, #tpu.memory_space<hbm>> -> memref<80x125xi32, #tpu.memory_space<hbm>>
      %dma_wait3A_427 = arith.constant 0 : i32
      %dma_wait3A_428 = arith.constant 0 : i32
      %dma_wait3A_429 = tpu.memref_slice %arg3[%run_scoped3A, %add3A, %dma_wait3A_427, %dma_wait3A_428] : memref<2x32x80x125xi32, #tpu.memory_space<hbm>> -> memref<1x1x80x125xi32, #tpu.memory_space<hbm>>
      %dma_wait3A_430 = tpu.memref_squeeze %dma_wait3A_429 : memref<1x1x80x125xi32, #tpu.memory_space<hbm>> -> memref<80x125xi32, #tpu.memory_space<hbm>>
      tpu.wait_dma2 semaphore(%run_scoped3A_414 : memref<!tpu.dma_semaphore, #tpu.memory_space<semaphore_mem>>) src(%dma_wait3A_430 : memref<80x125xi32, #tpu.memory_space<hbm>>) dst(%arg5 : memref<80x125xi32, #tpu.memory_space<vmem>>)
      tpu.yield
    }) : () -> ()
    %run_scoped3A_7 = arith.constant 1 : i32
    "tpu.region"() ({
      %run_scoped3A_414 = tpu.sem_alloc : memref<!tpu.dma_semaphore, #tpu.memory_space<semaphore_mem>>
      %dma_start3A_415 = arith.constant 0 : i32
      %dma_start3A_416 = arith.constant 0 : i32
      %dma_start3A_417 = tpu.memref_slice %arg3[%run_scoped3A_7, %add3A, %dma_start3A_415, %dma_start3A_416] : memref<2x32x80x125xi32, #tpu.memory_space<hbm>> -> memref<1x1x80x125xi32, #tpu.memory_space<hbm>>
      %dma_start3A_418 = tpu.memref_squeeze %dma_start3A_417 : memref<1x1x80x125xi32, #tpu.memory_space<hbm>> -> memref<80x125xi32, #tpu.memory_space<hbm>>
      %dma_start3A_419 = arith.constant 0 : i32
      %dma_start3A_420 = arith.constant 0 : i32
      %dma_start3A_421 = tpu.memref_slice %arg3[%run_scoped3A_7, %add3A, %dma_start3A_419, %dma_start3A_420] : memref<2x32x80x125xi32, #tpu.memory_space<hbm>> -> memref<1x1x80x125xi32, #tpu.memory_space<hbm>>
      %dma_start3A_422 = tpu.memref_squeeze %dma_start3A_421 : memref<1x1x80x125xi32, #tpu.memory_space<hbm>> -> memref<80x125xi32, #tpu.memory_space<hbm>>
      tpu.enqueue_dma source(%dma_start3A_422 : memref<80x125xi32, #tpu.memory_space<hbm>>) target(%arg6 : memref<80x125xi32, #tpu.memory_space<vmem>>) target_semaphore(%run_scoped3A_414 : memref<!tpu.dma_semaphore, #tpu.memory_space<semaphore_mem>>)
      %dma_wait3A_423 = arith.constant 0 : i32
      %dma_wait3A_424 = arith.constant 0 : i32
      %dma_wait3A_425 = tpu.memref_slice %arg3[%run_scoped3A_7, %add3A, %dma_wait3A_423, %dma_wait3A_424] : memref<2x32x80x125xi32, #tpu.memory_space<hbm>> -> memref<1x1x80x125xi32, #tpu.memory_space<hbm>>
      %dma_wait3A_426 = tpu.memref_squeeze %dma_wait3A_425 : memref<1x1x80x125xi32, #tpu.memory_space<hbm>> -> memref<80x125xi32, #tpu.memory_space<hbm>>
      %dma_wait3A_427 = arith.constant 0 : i32
      %dma_wait3A_428 = arith.constant 0 : i32
      %dma_wait3A_429 = tpu.memref_slice %arg3[%run_scoped3A_7, %add3A, %dma_wait3A_427, %dma_wait3A_428] : memref<2x32x80x125xi32, #tpu.memory_space<hbm>> -> memref<1x1x80x125xi32, #tpu.memory_space<hbm>>
      %dma_wait3A_430 = tpu.memref_squeeze %dma_wait3A_429 : memref<1x1x80x125xi32, #tpu.memory_space<hbm>> -> memref<80x125xi32, #tpu.memory_space<hbm>>
      tpu.wait_dma2 semaphore(%run_scoped3A_414 : memref<!tpu.dma_semaphore, #tpu.memory_space<semaphore_mem>>) src(%dma_wait3A_430 : memref<80x125xi32, #tpu.memory_space<hbm>>) dst(%arg6 : memref<80x125xi32, #tpu.memory_space<vmem>>)
      tpu.yield
    }) : () -> ()
    %barrier3A = arith.constant 0 : index
    tpu.barrier barrier_id(%barrier3A)
    %dma_start3A = arith.constant 0 : i32
    %dma_start3A_8 = arith.constant 0 : i32
    %dma_start3A_9 = arith.constant 0 : i32
    %dma_start3A_10 = tpu.memref_slice %arg5[%dma_start3A, %dma_start3A_9] : memref<80x125xi32, #tpu.memory_space<vmem>> -> memref<1x125xi32, #tpu.memory_space<vmem>>
    %dma_start3A_11 = tpu.memref_squeeze %dma_start3A_10 : memref<1x125xi32, #tpu.memory_space<vmem>> -> memref<125xi32, #tpu.memory_space<vmem>>
    %dma_start3A_12 = arith.constant 0 : i32
    %dma_start3A_13 = arith.constant 0 : i32
    %dma_start3A_14 = tpu.memref_slice %arg2[%dma_start3A_12, %dma_start3A_13] : memref<10000x16xf32, #tpu.memory_space<hbm>> -> memref<10000x16xf32, #tpu.memory_space<hbm>>
    %dma_start3A_15 = tpu.memref_slice %arg19[%dma_start3A_8] : memref<10x!tpu.dma_semaphore, #tpu.memory_space<semaphore_mem>> -> memref<1x!tpu.dma_semaphore, #tpu.memory_space<semaphore_mem>>
    %dma_start3A_16 = tpu.memref_squeeze %dma_start3A_15 : memref<1x!tpu.dma_semaphore, #tpu.memory_space<semaphore_mem>> -> memref<!tpu.dma_semaphore, #tpu.memory_space<semaphore_mem>>
    tpu.enqueue_indirect_dma source(%dma_start3A_14 : memref<10000x16xf32, #tpu.memory_space<hbm>>) target(%arg7 : memref<125x16xf32, #tpu.memory_space<vmem>>) offsets(%dma_start3A_11 : memref<125xi32, #tpu.memory_space<vmem>>) semaphore(%dma_start3A_16 : memref<!tpu.dma_semaphore, #tpu.memory_space<semaphore_mem>>)
    %dma_start3A_17 = arith.constant 1 : i32
    %dma_start3A_18 = arith.constant 1 : i32
    %dma_start3A_19 = arith.constant 0 : i32
    %dma_start3A_20 = tpu.memref_slice %arg5[%dma_start3A_17, %dma_start3A_19] : memref<80x125xi32, #tpu.memory_space<vmem>> -> memref<1x125xi32, #tpu.memory_space<vmem>>
    %dma_start3A_21 = tpu.memref_squeeze %dma_start3A_20 : memref<1x125xi32, #tpu.memory_space<vmem>> -> memref<125xi32, #tpu.memory_space<vmem>>
    %dma_start3A_22 = arith.constant 0 : i32
    %dma_start3A_23 = arith.constant 0 : i32
    %dma_start3A_24 = tpu.memref_slice %arg2[%dma_start3A_22, %dma_start3A_23] : memref<10000x16xf32, #tpu.memory_space<hbm>> -> memref<10000x16xf32, #tpu.memory_space<hbm>>
    %dma_start3A_25 = tpu.memref_slice %arg19[%dma_start3A_18] : memref<10x!tpu.dma_semaphore, #tpu.memory_space<semaphore_mem>> -> memref<1x!tpu.dma_semaphore, #tpu.memory_space<semaphore_mem>>
    %dma_start3A_26 = tpu.memref_squeeze %dma_start3A_25 : memref<1x!tpu.dma_semaphore, #tpu.memory_space<semaphore_mem>> -> memref<!tpu.dma_semaphore, #tpu.memory_space<semaphore_mem>>
    tpu.enqueue_indirect_dma source(%dma_start3A_24 : memref<10000x16xf32, #tpu.memory_space<hbm>>) target(%arg8 : memref<125x16xf32, #tpu.memory_space<vmem>>) offsets(%dma_start3A_21 : memref<125xi32, #tpu.memory_space<vmem>>) semaphore(%dma_start3A_26 : memref<!tpu.dma_semaphore, #tpu.memory_space<semaphore_mem>>)
    %dma_start3A_27 = arith.constant 2 : i32
    %dma_start3A_28 = arith.constant 2 : i32
    %dma_start3A_29 = arith.constant 0 : i32
    %dma_start3A_30 = tpu.memref_slice %arg5[%dma_start3A_27, %dma_start3A_29] : memref<80x125xi32, #tpu.memory_space<vmem>> -> memref<1x125xi32, #tpu.memory_space<vmem>>
    %dma_start3A_31 = tpu.memref_squeeze %dma_start3A_30 : memref<1x125xi32, #tpu.memory_space<vmem>> -> memref<125xi32, #tpu.memory_space<vmem>>
    %dma_start3A_32 = arith.constant 0 : i32
    %dma_start3A_33 = arith.constant 0 : i32
    %dma_start3A_34 = tpu.memref_slice %arg2[%dma_start3A_32, %dma_start3A_33] : memref<10000x16xf32, #tpu.memory_space<hbm>> -> memref<10000x16xf32, #tpu.memory_space<hbm>>
    %dma_start3A_35 = tpu.memref_slice %arg19[%dma_start3A_28] : memref<10x!tpu.dma_semaphore, #tpu.memory_space<semaphore_mem>> -> memref<1x!tpu.dma_semaphore, #tpu.memory_space<semaphore_mem>>
    %dma_start3A_36 = tpu.memref_squeeze %dma_start3A_35 : memref<1x!tpu.dma_semaphore, #tpu.memory_space<semaphore_mem>> -> memref<!tpu.dma_semaphore, #tpu.memory_space<semaphore_mem>>
    tpu.enqueue_indirect_dma source(%dma_start3A_34 : memref<10000x16xf32, #tpu.memory_space<hbm>>) target(%arg9 : memref<125x16xf32, #tpu.memory_space<vmem>>) offsets(%dma_start3A_31 : memref<125xi32, #tpu.memory_space<vmem>>) semaphore(%dma_start3A_36 : memref<!tpu.dma_semaphore, #tpu.memory_space<semaphore_mem>>)
    %dma_start3A_37 = arith.constant 3 : i32
    %dma_start3A_38 = arith.constant 3 : i32
    %dma_start3A_39 = arith.constant 0 : i32
    %dma_start3A_40 = tpu.memref_slice %arg5[%dma_start3A_37, %dma_start3A_39] : memref<80x125xi32, #tpu.memory_space<vmem>> -> memref<1x125xi32, #tpu.memory_space<vmem>>
    %dma_start3A_41 = tpu.memref_squeeze %dma_start3A_40 : memref<1x125xi32, #tpu.memory_space<vmem>> -> memref<125xi32, #tpu.memory_space<vmem>>
    %dma_start3A_42 = arith.constant 0 : i32
    %dma_start3A_43 = arith.constant 0 : i32
    %dma_start3A_44 = tpu.memref_slice %arg2[%dma_start3A_42, %dma_start3A_43] : memref<10000x16xf32, #tpu.memory_space<hbm>> -> memref<10000x16xf32, #tpu.memory_space<hbm>>
    %dma_start3A_45 = tpu.memref_slice %arg19[%dma_start3A_38] : memref<10x!tpu.dma_semaphore, #tpu.memory_space<semaphore_mem>> -> memref<1x!tpu.dma_semaphore, #tpu.memory_space<semaphore_mem>>
    %dma_start3A_46 = tpu.memref_squeeze %dma_start3A_45 : memref<1x!tpu.dma_semaphore, #tpu.memory_space<semaphore_mem>> -> memref<!tpu.dma_semaphore, #tpu.memory_space<semaphore_mem>>
    tpu.enqueue_indirect_dma source(%dma_start3A_44 : memref<10000x16xf32, #tpu.memory_space<hbm>>) target(%arg10 : memref<125x16xf32, #tpu.memory_space<vmem>>) offsets(%dma_start3A_41 : memref<125xi32, #tpu.memory_space<vmem>>) semaphore(%dma_start3A_46 : memref<!tpu.dma_semaphore, #tpu.memory_space<semaphore_mem>>)
    %dma_start3A_47 = arith.constant 4 : i32
    %dma_start3A_48 = arith.constant 4 : i32
    %dma_start3A_49 = arith.constant 0 : i32
    %dma_start3A_50 = tpu.memref_slice %arg5[%dma_start3A_47, %dma_start3A_49] : memref<80x125xi32, #tpu.memory_space<vmem>> -> memref<1x125xi32, #tpu.memory_space<vmem>>
    %dma_start3A_51 = tpu.memref_squeeze %dma_start3A_50 : memref<1x125xi32, #tpu.memory_space<vmem>> -> memref<125xi32, #tpu.memory_space<vmem>>
    %dma_start3A_52 = arith.constant 0 : i32
    %dma_start3A_53 = arith.constant 0 : i32
    %dma_start3A_54 = tpu.memref_slice %arg2[%dma_start3A_52, %dma_start3A_53] : memref<10000x16xf32, #tpu.memory_space<hbm>> -> memref<10000x16xf32, #tpu.memory_space<hbm>>
    %dma_start3A_55 = tpu.memref_slice %arg19[%dma_start3A_48] : memref<10x!tpu.dma_semaphore, #tpu.memory_space<semaphore_mem>> -> memref<1x!tpu.dma_semaphore, #tpu.memory_space<semaphore_mem>>
    %dma_start3A_56 = tpu.memref_squeeze %dma_start3A_55 : memref<1x!tpu.dma_semaphore, #tpu.memory_space<semaphore_mem>> -> memref<!tpu.dma_semaphore, #tpu.memory_space<semaphore_mem>>
    tpu.enqueue_indirect_dma source(%dma_start3A_54 : memref<10000x16xf32, #tpu.memory_space<hbm>>) target(%arg11 : memref<125x16xf32, #tpu.memory_space<vmem>>) offsets(%dma_start3A_51 : memref<125xi32, #tpu.memory_space<vmem>>) semaphore(%dma_start3A_56 : memref<!tpu.dma_semaphore, #tpu.memory_space<semaphore_mem>>)
    %dma_start3A_57 = arith.constant 5 : i32
    %dma_start3A_58 = arith.constant 5 : i32
    %dma_start3A_59 = arith.constant 0 : i32
    %dma_start3A_60 = tpu.memref_slice %arg5[%dma_start3A_57, %dma_start3A_59] : memref<80x125xi32, #tpu.memory_space<vmem>> -> memref<1x125xi32, #tpu.memory_space<vmem>>
    %dma_start3A_61 = tpu.memref_squeeze %dma_start3A_60 : memref<1x125xi32, #tpu.memory_space<vmem>> -> memref<125xi32, #tpu.memory_space<vmem>>
    %dma_start3A_62 = arith.constant 0 : i32
    %dma_start3A_63 = arith.constant 0 : i32
    %dma_start3A_64 = tpu.memref_slice %arg2[%dma_start3A_62, %dma_start3A_63] : memref<10000x16xf32, #tpu.memory_space<hbm>> -> memref<10000x16xf32, #tpu.memory_space<hbm>>
    %dma_start3A_65 = tpu.memref_slice %arg19[%dma_start3A_58] : memref<10x!tpu.dma_semaphore, #tpu.memory_space<semaphore_mem>> -> memref<1x!tpu.dma_semaphore, #tpu.memory_space<semaphore_mem>>
    %dma_start3A_66 = tpu.memref_squeeze %dma_start3A_65 : memref<1x!tpu.dma_semaphore, #tpu.memory_space<semaphore_mem>> -> memref<!tpu.dma_semaphore, #tpu.memory_space<semaphore_mem>>
    tpu.enqueue_indirect_dma source(%dma_start3A_64 : memref<10000x16xf32, #tpu.memory_space<hbm>>) target(%arg12 : memref<125x16xf32, #tpu.memory_space<vmem>>) offsets(%dma_start3A_61 : memref<125xi32, #tpu.memory_space<vmem>>) semaphore(%dma_start3A_66 : memref<!tpu.dma_semaphore, #tpu.memory_space<semaphore_mem>>)
    %dma_start3A_67 = arith.constant 6 : i32
    %dma_start3A_68 = arith.constant 6 : i32
    %dma_start3A_69 = arith.constant 0 : i32
    %dma_start3A_70 = tpu.memref_slice %arg5[%dma_start3A_67, %dma_start3A_69] : memref<80x125xi32, #tpu.memory_space<vmem>> -> memref<1x125xi32, #tpu.memory_space<vmem>>
    %dma_start3A_71 = tpu.memref_squeeze %dma_start3A_70 : memref<1x125xi32, #tpu.memory_space<vmem>> -> memref<125xi32, #tpu.memory_space<vmem>>
    %dma_start3A_72 = arith.constant 0 : i32
    %dma_start3A_73 = arith.constant 0 : i32
    %dma_start3A_74 = tpu.memref_slice %arg2[%dma_start3A_72, %dma_start3A_73] : memref<10000x16xf32, #tpu.memory_space<hbm>> -> memref<10000x16xf32, #tpu.memory_space<hbm>>
    %dma_start3A_75 = tpu.memref_slice %arg19[%dma_start3A_68] : memref<10x!tpu.dma_semaphore, #tpu.memory_space<semaphore_mem>> -> memref<1x!tpu.dma_semaphore, #tpu.memory_space<semaphore_mem>>
    %dma_start3A_76 = tpu.memref_squeeze %dma_start3A_75 : memref<1x!tpu.dma_semaphore, #tpu.memory_space<semaphore_mem>> -> memref<!tpu.dma_semaphore, #tpu.memory_space<semaphore_mem>>
    tpu.enqueue_indirect_dma source(%dma_start3A_74 : memref<10000x16xf32, #tpu.memory_space<hbm>>) target(%arg13 : memref<125x16xf32, #tpu.memory_space<vmem>>) offsets(%dma_start3A_71 : memref<125xi32, #tpu.memory_space<vmem>>) semaphore(%dma_start3A_76 : memref<!tpu.dma_semaphore, #tpu.memory_space<semaphore_mem>>)
    %dma_start3A_77 = arith.constant 7 : i32
    %dma_start3A_78 = arith.constant 7 : i32
    %dma_start3A_79 = arith.constant 0 : i32
    %dma_start3A_80 = tpu.memref_slice %arg5[%dma_start3A_77, %dma_start3A_79] : memref<80x125xi32, #tpu.memory_space<vmem>> -> memref<1x125xi32, #tpu.memory_space<vmem>>
    %dma_start3A_81 = tpu.memref_squeeze %dma_start3A_80 : memref<1x125xi32, #tpu.memory_space<vmem>> -> memref<125xi32, #tpu.memory_space<vmem>>
    %dma_start3A_82 = arith.constant 0 : i32
    %dma_start3A_83 = arith.constant 0 : i32
    %dma_start3A_84 = tpu.memref_slice %arg2[%dma_start3A_82, %dma_start3A_83] : memref<10000x16xf32, #tpu.memory_space<hbm>> -> memref<10000x16xf32, #tpu.memory_space<hbm>>
    %dma_start3A_85 = tpu.memref_slice %arg19[%dma_start3A_78] : memref<10x!tpu.dma_semaphore, #tpu.memory_space<semaphore_mem>> -> memref<1x!tpu.dma_semaphore, #tpu.memory_space<semaphore_mem>>
    %dma_start3A_86 = tpu.memref_squeeze %dma_start3A_85 : memref<1x!tpu.dma_semaphore, #tpu.memory_space<semaphore_mem>> -> memref<!tpu.dma_semaphore, #tpu.memory_space<semaphore_mem>>
    tpu.enqueue_indirect_dma source(%dma_start3A_84 : memref<10000x16xf32, #tpu.memory_space<hbm>>) target(%arg14 : memref<125x16xf32, #tpu.memory_space<vmem>>) offsets(%dma_start3A_81 : memref<125xi32, #tpu.memory_space<vmem>>) semaphore(%dma_start3A_86 : memref<!tpu.dma_semaphore, #tpu.memory_space<semaphore_mem>>)
    %dma_start3A_87 = arith.constant 8 : i32
    %dma_start3A_88 = arith.constant 8 : i32
    %dma_start3A_89 = arith.constant 0 : i32
    %dma_start3A_90 = tpu.memref_slice %arg5[%dma_start3A_87, %dma_start3A_89] : memref<80x125xi32, #tpu.memory_space<vmem>> -> memref<1x125xi32, #tpu.memory_space<vmem>>
    %dma_start3A_91 = tpu.memref_squeeze %dma_start3A_90 : memref<1x125xi32, #tpu.memory_space<vmem>> -> memref<125xi32, #tpu.memory_space<vmem>>
    %dma_start3A_92 = arith.constant 0 : i32
    %dma_start3A_93 = arith.constant 0 : i32
    %dma_start3A_94 = tpu.memref_slice %arg2[%dma_start3A_92, %dma_start3A_93] : memref<10000x16xf32, #tpu.memory_space<hbm>> -> memref<10000x16xf32, #tpu.memory_space<hbm>>
    %dma_start3A_95 = tpu.memref_slice %arg19[%dma_start3A_88] : memref<10x!tpu.dma_semaphore, #tpu.memory_space<semaphore_mem>> -> memref<1x!tpu.dma_semaphore, #tpu.memory_space<semaphore_mem>>
    %dma_start3A_96 = tpu.memref_squeeze %dma_start3A_95 : memref<1x!tpu.dma_semaphore, #tpu.memory_space<semaphore_mem>> -> memref<!tpu.dma_semaphore, #tpu.memory_space<semaphore_mem>>
    tpu.enqueue_indirect_dma source(%dma_start3A_94 : memref<10000x16xf32, #tpu.memory_space<hbm>>) target(%arg15 : memref<125x16xf32, #tpu.memory_space<vmem>>) offsets(%dma_start3A_91 : memref<125xi32, #tpu.memory_space<vmem>>) semaphore(%dma_start3A_96 : memref<!tpu.dma_semaphore, #tpu.memory_space<semaphore_mem>>)
    %dma_start3A_97 = arith.constant 9 : i32
    %dma_start3A_98 = arith.constant 9 : i32
    %dma_start3A_99 = arith.constant 0 : i32
    %dma_start3A_100 = tpu.memref_slice %arg5[%dma_start3A_97, %dma_start3A_99] : memref<80x125xi32, #tpu.memory_space<vmem>> -> memref<1x125xi32, #tpu.memory_space<vmem>>
    %dma_start3A_101 = tpu.memref_squeeze %dma_start3A_100 : memref<1x125xi32, #tpu.memory_space<vmem>> -> memref<125xi32, #tpu.memory_space<vmem>>
    %dma_start3A_102 = arith.constant 0 : i32
    %dma_start3A_103 = arith.constant 0 : i32
    %dma_start3A_104 = tpu.memref_slice %arg2[%dma_start3A_102, %dma_start3A_103] : memref<10000x16xf32, #tpu.memory_space<hbm>> -> memref<10000x16xf32, #tpu.memory_space<hbm>>
    %dma_start3A_105 = tpu.memref_slice %arg19[%dma_start3A_98] : memref<10x!tpu.dma_semaphore, #tpu.memory_space<semaphore_mem>> -> memref<1x!tpu.dma_semaphore, #tpu.memory_space<semaphore_mem>>
    %dma_start3A_106 = tpu.memref_squeeze %dma_start3A_105 : memref<1x!tpu.dma_semaphore, #tpu.memory_space<semaphore_mem>> -> memref<!tpu.dma_semaphore, #tpu.memory_space<semaphore_mem>>
    tpu.enqueue_indirect_dma source(%dma_start3A_104 : memref<10000x16xf32, #tpu.memory_space<hbm>>) target(%arg16 : memref<125x16xf32, #tpu.memory_space<vmem>>) offsets(%dma_start3A_101 : memref<125xi32, #tpu.memory_space<vmem>>) semaphore(%dma_start3A_106 : memref<!tpu.dma_semaphore, #tpu.memory_space<semaphore_mem>>)
    %scan3A_107 = arith.constant 0 : i32
    %scan3A_108 = arith.constant 7 : i32
    %scan3A_109 = arith.addi %scan3A_107, %scan3A_108 : i32
    %scan3A_110 = arith.constant 1 : i32
    scf.for %scan3A_414 = %scan3A_107 to %scan3A_109 step %scan3A_110  : i32 {
      %mul3A_415 = arith.constant 10 : i32
      %mul3A_416 = arith.muli %scan3A_414, %mul3A_415 : i32
      %add3A_417 = arith.constant 0 : i32
      %add3A_418 = arith.addi %add3A_417, %mul3A_416 : i32
      %add3A_419 = arith.constant 0 : i32
      %add3A_420 = arith.addi %add3A_418, %add3A_419 : i32
      %dma_wait3A_421 = arith.constant 0 : i32
      %dma_wait3A_422 = arith.constant 0 : i32
      %dma_wait3A_423 = tpu.memref_slice %arg5[%add3A_420, %dma_wait3A_422] : memref<80x125xi32, #tpu.memory_space<vmem>> -> memref<1x125xi32, #tpu.memory_space<vmem>>
      %dma_wait3A_424 = tpu.memref_squeeze %dma_wait3A_423 : memref<1x125xi32, #tpu.memory_space<vmem>> -> memref<125xi32, #tpu.memory_space<vmem>>
      %dma_wait3A_425 = arith.constant 0 : i32
      %dma_wait3A_426 = arith.constant 0 : i32
      %dma_wait3A_427 = tpu.memref_slice %arg2[%dma_wait3A_425, %dma_wait3A_426] : memref<10000x16xf32, #tpu.memory_space<hbm>> -> memref<10000x16xf32, #tpu.memory_space<hbm>>
      %dma_wait3A_428 = tpu.memref_slice %arg19[%dma_wait3A_421] : memref<10x!tpu.dma_semaphore, #tpu.memory_space<semaphore_mem>> -> memref<1x!tpu.dma_semaphore, #tpu.memory_space<semaphore_mem>>
      %dma_wait3A_429 = tpu.memref_squeeze %dma_wait3A_428 : memref<1x!tpu.dma_semaphore, #tpu.memory_space<semaphore_mem>> -> memref<!tpu.dma_semaphore, #tpu.memory_space<semaphore_mem>>
      tpu.wait_indirect_dma semaphore(%dma_wait3A_429 : memref<!tpu.dma_semaphore, #tpu.memory_space<semaphore_mem>>) src(%dma_wait3A_427 : memref<10000x16xf32, #tpu.memory_space<hbm>>) dst(%arg7 : memref<125x16xf32, #tpu.memory_space<vmem>>)
      %add3A_430 = arith.constant 0 : i32
      %add3A_431 = arith.addi %add3A_418, %add3A_430 : i32
      %dma_start3A_432 = arith.constant 0 : i32
      %dma_start3A_433 = arith.constant 0 : i32
      %dma_start3A_434 = tpu.memref_slice %arg6[%add3A_431, %dma_start3A_433] : memref<80x125xi32, #tpu.memory_space<vmem>> -> memref<1x125xi32, #tpu.memory_space<vmem>>
      %dma_start3A_435 = tpu.memref_squeeze %dma_start3A_434 : memref<1x125xi32, #tpu.memory_space<vmem>> -> memref<125xi32, #tpu.memory_space<vmem>>
      %dma_start3A_436 = arith.constant 0 : i32
      %dma_start3A_437 = arith.constant 0 : i32
      %dma_start3A_438 = tpu.memref_slice %arg18[%dma_start3A_436, %dma_start3A_437] : memref<10000x16xf32, #tpu.memory_space<vmem_shared>> -> memref<10000x16xf32, #tpu.memory_space<vmem_shared>>
      %dma_start3A_439 = tpu.memref_slice %arg20[%dma_start3A_432] : memref<10x!tpu.dma_semaphore, #tpu.memory_space<semaphore_mem>> -> memref<1x!tpu.dma_semaphore, #tpu.memory_space<semaphore_mem>>
      %dma_start3A_440 = tpu.memref_squeeze %dma_start3A_439 : memref<1x!tpu.dma_semaphore, #tpu.memory_space<semaphore_mem>> -> memref<!tpu.dma_semaphore, #tpu.memory_space<semaphore_mem>>
      tpu.enqueue_indirect_dma source(%arg7 : memref<125x16xf32, #tpu.memory_space<vmem>>) target(%dma_start3A_438 : memref<10000x16xf32, #tpu.memory_space<vmem_shared>>) offsets(%dma_start3A_435 : memref<125xi32, #tpu.memory_space<vmem>>) semaphore(%dma_start3A_440 : memref<!tpu.dma_semaphore, #tpu.memory_space<semaphore_mem>>) {add = true}
      %add3A_441 = arith.constant 1 : i32
      %add3A_442 = arith.addi %add3A_418, %add3A_441 : i32
      %dma_wait3A_443 = arith.constant 1 : i32
      %dma_wait3A_444 = arith.constant 0 : i32
      %dma_wait3A_445 = tpu.memref_slice %arg5[%add3A_442, %dma_wait3A_444] : memref<80x125xi32, #tpu.memory_space<vmem>> -> memref<1x125xi32, #tpu.memory_space<vmem>>
      %dma_wait3A_446 = tpu.memref_squeeze %dma_wait3A_445 : memref<1x125xi32, #tpu.memory_space<vmem>> -> memref<125xi32, #tpu.memory_space<vmem>>
      %dma_wait3A_447 = arith.constant 0 : i32
      %dma_wait3A_448 = arith.constant 0 : i32
      %dma_wait3A_449 = tpu.memref_slice %arg2[%dma_wait3A_447, %dma_wait3A_448] : memref<10000x16xf32, #tpu.memory_space<hbm>> -> memref<10000x16xf32, #tpu.memory_space<hbm>>
      %dma_wait3A_450 = tpu.memref_slice %arg19[%dma_wait3A_443] : memref<10x!tpu.dma_semaphore, #tpu.memory_space<semaphore_mem>> -> memref<1x!tpu.dma_semaphore, #tpu.memory_space<semaphore_mem>>
      %dma_wait3A_451 = tpu.memref_squeeze %dma_wait3A_450 : memref<1x!tpu.dma_semaphore, #tpu.memory_space<semaphore_mem>> -> memref<!tpu.dma_semaphore, #tpu.memory_space<semaphore_mem>>
      tpu.wait_indirect_dma semaphore(%dma_wait3A_451 : memref<!tpu.dma_semaphore, #tpu.memory_space<semaphore_mem>>) src(%dma_wait3A_449 : memref<10000x16xf32, #tpu.memory_space<hbm>>) dst(%arg8 : memref<125x16xf32, #tpu.memory_space<vmem>>)
      %add3A_452 = arith.constant 1 : i32
      %add3A_453 = arith.addi %add3A_418, %add3A_452 : i32
      %dma_start3A_454 = arith.constant 1 : i32
      %dma_start3A_455 = arith.constant 0 : i32
      %dma_start3A_456 = tpu.memref_slice %arg6[%add3A_453, %dma_start3A_455] : memref<80x125xi32, #tpu.memory_space<vmem>> -> memref<1x125xi32, #tpu.memory_space<vmem>>
      %dma_start3A_457 = tpu.memref_squeeze %dma_start3A_456 : memref<1x125xi32, #tpu.memory_space<vmem>> -> memref<125xi32, #tpu.memory_space<vmem>>
      %dma_start3A_458 = arith.constant 0 : i32
      %dma_start3A_459 = arith.constant 0 : i32
      %dma_start3A_460 = tpu.memref_slice %arg18[%dma_start3A_458, %dma_start3A_459] : memref<10000x16xf32, #tpu.memory_space<vmem_shared>> -> memref<10000x16xf32, #tpu.memory_space<vmem_shared>>
      %dma_start3A_461 = tpu.memref_slice %arg20[%dma_start3A_454] : memref<10x!tpu.dma_semaphore, #tpu.memory_space<semaphore_mem>> -> memref<1x!tpu.dma_semaphore, #tpu.memory_space<semaphore_mem>>
      %dma_start3A_462 = tpu.memref_squeeze %dma_start3A_461 : memref<1x!tpu.dma_semaphore, #tpu.memory_space<semaphore_mem>> -> memref<!tpu.dma_semaphore, #tpu.memory_space<semaphore_mem>>
      tpu.enqueue_indirect_dma source(%arg8 : memref<125x16xf32, #tpu.memory_space<vmem>>) target(%dma_start3A_460 : memref<10000x16xf32, #tpu.memory_space<vmem_shared>>) offsets(%dma_start3A_457 : memref<125xi32, #tpu.memory_space<vmem>>) semaphore(%dma_start3A_462 : memref<!tpu.dma_semaphore, #tpu.memory_space<semaphore_mem>>) {add = true}
      %add3A_463 = arith.constant 2 : i32
      %add3A_464 = arith.addi %add3A_418, %add3A_463 : i32
      %dma_wait3A_465 = arith.constant 2 : i32
      %dma_wait3A_466 = arith.constant 0 : i32
      %dma_wait3A_467 = tpu.memref_slice %arg5[%add3A_464, %dma_wait3A_466] : memref<80x125xi32, #tpu.memory_space<vmem>> -> memref<1x125xi32, #tpu.memory_space<vmem>>
      %dma_wait3A_468 = tpu.memref_squeeze %dma_wait3A_467 : memref<1x125xi32, #tpu.memory_space<vmem>> -> memref<125xi32, #tpu.memory_space<vmem>>
      %dma_wait3A_469 = arith.constant 0 : i32
      %dma_wait3A_470 = arith.constant 0 : i32
      %dma_wait3A_471 = tpu.memref_slice %arg2[%dma_wait3A_469, %dma_wait3A_470] : memref<10000x16xf32, #tpu.memory_space<hbm>> -> memref<10000x16xf32, #tpu.memory_space<hbm>>
      %dma_wait3A_472 = tpu.memref_slice %arg19[%dma_wait3A_465] : memref<10x!tpu.dma_semaphore, #tpu.memory_space<semaphore_mem>> -> memref<1x!tpu.dma_semaphore, #tpu.memory_space<semaphore_mem>>
      %dma_wait3A_473 = tpu.memref_squeeze %dma_wait3A_472 : memref<1x!tpu.dma_semaphore, #tpu.memory_space<semaphore_mem>> -> memref<!tpu.dma_semaphore, #tpu.memory_space<semaphore_mem>>
      tpu.wait_indirect_dma semaphore(%dma_wait3A_473 : memref<!tpu.dma_semaphore, #tpu.memory_space<semaphore_mem>>) src(%dma_wait3A_471 : memref<10000x16xf32, #tpu.memory_space<hbm>>) dst(%arg9 : memref<125x16xf32, #tpu.memory_space<vmem>>)
      %add3A_474 = arith.constant 2 : i32
      %add3A_475 = arith.addi %add3A_418, %add3A_474 : i32
      %dma_start3A_476 = arith.constant 2 : i32
      %dma_start3A_477 = arith.constant 0 : i32
      %dma_start3A_478 = tpu.memref_slice %arg6[%add3A_475, %dma_start3A_477] : memref<80x125xi32, #tpu.memory_space<vmem>> -> memref<1x125xi32, #tpu.memory_space<vmem>>
      %dma_start3A_479 = tpu.memref_squeeze %dma_start3A_478 : memref<1x125xi32, #tpu.memory_space<vmem>> -> memref<125xi32, #tpu.memory_space<vmem>>
      %dma_start3A_480 = arith.constant 0 : i32
      %dma_start3A_481 = arith.constant 0 : i32
      %dma_start3A_482 = tpu.memref_slice %arg18[%dma_start3A_480, %dma_start3A_481] : memref<10000x16xf32, #tpu.memory_space<vmem_shared>> -> memref<10000x16xf32, #tpu.memory_space<vmem_shared>>
      %dma_start3A_483 = tpu.memref_slice %arg20[%dma_start3A_476] : memref<10x!tpu.dma_semaphore, #tpu.memory_space<semaphore_mem>> -> memref<1x!tpu.dma_semaphore, #tpu.memory_space<semaphore_mem>>
      %dma_start3A_484 = tpu.memref_squeeze %dma_start3A_483 : memref<1x!tpu.dma_semaphore, #tpu.memory_space<semaphore_mem>> -> memref<!tpu.dma_semaphore, #tpu.memory_space<semaphore_mem>>
      tpu.enqueue_indirect_dma source(%arg9 : memref<125x16xf32, #tpu.memory_space<vmem>>) target(%dma_start3A_482 : memref<10000x16xf32, #tpu.memory_space<vmem_shared>>) offsets(%dma_start3A_479 : memref<125xi32, #tpu.memory_space<vmem>>) semaphore(%dma_start3A_484 : memref<!tpu.dma_semaphore, #tpu.memory_space<semaphore_mem>>) {add = true}
      %add3A_485 = arith.constant 3 : i32
      %add3A_486 = arith.addi %add3A_418, %add3A_485 : i32
      %dma_wait3A_487 = arith.constant 3 : i32
      %dma_wait3A_488 = arith.constant 0 : i32
      %dma_wait3A_489 = tpu.memref_slice %arg5[%add3A_486, %dma_wait3A_488] : memref<80x125xi32, #tpu.memory_space<vmem>> -> memref<1x125xi32, #tpu.memory_space<vmem>>
      %dma_wait3A_490 = tpu.memref_squeeze %dma_wait3A_489 : memref<1x125xi32, #tpu.memory_space<vmem>> -> memref<125xi32, #tpu.memory_space<vmem>>
      %dma_wait3A_491 = arith.constant 0 : i32
      %dma_wait3A_492 = arith.constant 0 : i32
      %dma_wait3A_493 = tpu.memref_slice %arg2[%dma_wait3A_491, %dma_wait3A_492] : memref<10000x16xf32, #tpu.memory_space<hbm>> -> memref<10000x16xf32, #tpu.memory_space<hbm>>
      %dma_wait3A_494 = tpu.memref_slice %arg19[%dma_wait3A_487] : memref<10x!tpu.dma_semaphore, #tpu.memory_space<semaphore_mem>> -> memref<1x!tpu.dma_semaphore, #tpu.memory_space<semaphore_mem>>
      %dma_wait3A_495 = tpu.memref_squeeze %dma_wait3A_494 : memref<1x!tpu.dma_semaphore, #tpu.memory_space<semaphore_mem>> -> memref<!tpu.dma_semaphore, #tpu.memory_space<semaphore_mem>>
      tpu.wait_indirect_dma semaphore(%dma_wait3A_495 : memref<!tpu.dma_semaphore, #tpu.memory_space<semaphore_mem>>) src(%dma_wait3A_493 : memref<10000x16xf32, #tpu.memory_space<hbm>>) dst(%arg10 : memref<125x16xf32, #tpu.memory_space<vmem>>)
      %add3A_496 = arith.constant 3 : i32
      %add3A_497 = arith.addi %add3A_418, %add3A_496 : i32
      %dma_start3A_498 = arith.constant 3 : i32
      %dma_start3A_499 = arith.constant 0 : i32
      %dma_start3A_500 = tpu.memref_slice %arg6[%add3A_497, %dma_start3A_499] : memref<80x125xi32, #tpu.memory_space<vmem>> -> memref<1x125xi32, #tpu.memory_space<vmem>>
      %dma_start3A_501 = tpu.memref_squeeze %dma_start3A_500 : memref<1x125xi32, #tpu.memory_space<vmem>> -> memref<125xi32, #tpu.memory_space<vmem>>
      %dma_start3A_502 = arith.constant 0 : i32
      %dma_start3A_503 = arith.constant 0 : i32
      %dma_start3A_504 = tpu.memref_slice %arg18[%dma_start3A_502, %dma_start3A_503] : memref<10000x16xf32, #tpu.memory_space<vmem_shared>> -> memref<10000x16xf32, #tpu.memory_space<vmem_shared>>
      %dma_start3A_505 = tpu.memref_slice %arg20[%dma_start3A_498] : memref<10x!tpu.dma_semaphore, #tpu.memory_space<semaphore_mem>> -> memref<1x!tpu.dma_semaphore, #tpu.memory_space<semaphore_mem>>
      %dma_start3A_506 = tpu.memref_squeeze %dma_start3A_505 : memref<1x!tpu.dma_semaphore, #tpu.memory_space<semaphore_mem>> -> memref<!tpu.dma_semaphore, #tpu.memory_space<semaphore_mem>>
      tpu.enqueue_indirect_dma source(%arg10 : memref<125x16xf32, #tpu.memory_space<vmem>>) target(%dma_start3A_504 : memref<10000x16xf32, #tpu.memory_space<vmem_shared>>) offsets(%dma_start3A_501 : memref<125xi32, #tpu.memory_space<vmem>>) semaphore(%dma_start3A_506 : memref<!tpu.dma_semaphore, #tpu.memory_space<semaphore_mem>>) {add = true}
      %add3A_507 = arith.constant 4 : i32
      %add3A_508 = arith.addi %add3A_418, %add3A_507 : i32
      %dma_wait3A_509 = arith.constant 4 : i32
      %dma_wait3A_510 = arith.constant 0 : i32
      %dma_wait3A_511 = tpu.memref_slice %arg5[%add3A_508, %dma_wait3A_510] : memref<80x125xi32, #tpu.memory_space<vmem>> -> memref<1x125xi32, #tpu.memory_space<vmem>>
      %dma_wait3A_512 = tpu.memref_squeeze %dma_wait3A_511 : memref<1x125xi32, #tpu.memory_space<vmem>> -> memref<125xi32, #tpu.memory_space<vmem>>
      %dma_wait3A_513 = arith.constant 0 : i32
      %dma_wait3A_514 = arith.constant 0 : i32
      %dma_wait3A_515 = tpu.memref_slice %arg2[%dma_wait3A_513, %dma_wait3A_514] : memref<10000x16xf32, #tpu.memory_space<hbm>> -> memref<10000x16xf32, #tpu.memory_space<hbm>>
      %dma_wait3A_516 = tpu.memref_slice %arg19[%dma_wait3A_509] : memref<10x!tpu.dma_semaphore, #tpu.memory_space<semaphore_mem>> -> memref<1x!tpu.dma_semaphore, #tpu.memory_space<semaphore_mem>>
      %dma_wait3A_517 = tpu.memref_squeeze %dma_wait3A_516 : memref<1x!tpu.dma_semaphore, #tpu.memory_space<semaphore_mem>> -> memref<!tpu.dma_semaphore, #tpu.memory_space<semaphore_mem>>
      tpu.wait_indirect_dma semaphore(%dma_wait3A_517 : memref<!tpu.dma_semaphore, #tpu.memory_space<semaphore_mem>>) src(%dma_wait3A_515 : memref<10000x16xf32, #tpu.memory_space<hbm>>) dst(%arg11 : memref<125x16xf32, #tpu.memory_space<vmem>>)
      %add3A_518 = arith.constant 4 : i32
      %add3A_519 = arith.addi %add3A_418, %add3A_518 : i32
      %dma_start3A_520 = arith.constant 4 : i32
      %dma_start3A_521 = arith.constant 0 : i32
      %dma_start3A_522 = tpu.memref_slice %arg6[%add3A_519, %dma_start3A_521] : memref<80x125xi32, #tpu.memory_space<vmem>> -> memref<1x125xi32, #tpu.memory_space<vmem>>
      %dma_start3A_523 = tpu.memref_squeeze %dma_start3A_522 : memref<1x125xi32, #tpu.memory_space<vmem>> -> memref<125xi32, #tpu.memory_space<vmem>>
      %dma_start3A_524 = arith.constant 0 : i32
      %dma_start3A_525 = arith.constant 0 : i32
      %dma_start3A_526 = tpu.memref_slice %arg18[%dma_start3A_524, %dma_start3A_525] : memref<10000x16xf32, #tpu.memory_space<vmem_shared>> -> memref<10000x16xf32, #tpu.memory_space<vmem_shared>>
      %dma_start3A_527 = tpu.memref_slice %arg20[%dma_start3A_520] : memref<10x!tpu.dma_semaphore, #tpu.memory_space<semaphore_mem>> -> memref<1x!tpu.dma_semaphore, #tpu.memory_space<semaphore_mem>>
      %dma_start3A_528 = tpu.memref_squeeze %dma_start3A_527 : memref<1x!tpu.dma_semaphore, #tpu.memory_space<semaphore_mem>> -> memref<!tpu.dma_semaphore, #tpu.memory_space<semaphore_mem>>
      tpu.enqueue_indirect_dma source(%arg11 : memref<125x16xf32, #tpu.memory_space<vmem>>) target(%dma_start3A_526 : memref<10000x16xf32, #tpu.memory_space<vmem_shared>>) offsets(%dma_start3A_523 : memref<125xi32, #tpu.memory_space<vmem>>) semaphore(%dma_start3A_528 : memref<!tpu.dma_semaphore, #tpu.memory_space<semaphore_mem>>) {add = true}
      %add3A_529 = arith.constant 5 : i32
      %add3A_530 = arith.addi %add3A_418, %add3A_529 : i32
      %dma_wait3A_531 = arith.constant 5 : i32
      %dma_wait3A_532 = arith.constant 0 : i32
      %dma_wait3A_533 = tpu.memref_slice %arg5[%add3A_530, %dma_wait3A_532] : memref<80x125xi32, #tpu.memory_space<vmem>> -> memref<1x125xi32, #tpu.memory_space<vmem>>
      %dma_wait3A_534 = tpu.memref_squeeze %dma_wait3A_533 : memref<1x125xi32, #tpu.memory_space<vmem>> -> memref<125xi32, #tpu.memory_space<vmem>>
      %dma_wait3A_535 = arith.constant 0 : i32
      %dma_wait3A_536 = arith.constant 0 : i32
      %dma_wait3A_537 = tpu.memref_slice %arg2[%dma_wait3A_535, %dma_wait3A_536] : memref<10000x16xf32, #tpu.memory_space<hbm>> -> memref<10000x16xf32, #tpu.memory_space<hbm>>
      %dma_wait3A_538 = tpu.memref_slice %arg19[%dma_wait3A_531] : memref<10x!tpu.dma_semaphore, #tpu.memory_space<semaphore_mem>> -> memref<1x!tpu.dma_semaphore, #tpu.memory_space<semaphore_mem>>
      %dma_wait3A_539 = tpu.memref_squeeze %dma_wait3A_538 : memref<1x!tpu.dma_semaphore, #tpu.memory_space<semaphore_mem>> -> memref<!tpu.dma_semaphore, #tpu.memory_space<semaphore_mem>>
      tpu.wait_indirect_dma semaphore(%dma_wait3A_539 : memref<!tpu.dma_semaphore, #tpu.memory_space<semaphore_mem>>) src(%dma_wait3A_537 : memref<10000x16xf32, #tpu.memory_space<hbm>>) dst(%arg12 : memref<125x16xf32, #tpu.memory_space<vmem>>)
      %add3A_540 = arith.constant 5 : i32
      %add3A_541 = arith.addi %add3A_418, %add3A_540 : i32
      %dma_start3A_542 = arith.constant 5 : i32
      %dma_start3A_543 = arith.constant 0 : i32
      %dma_start3A_544 = tpu.memref_slice %arg6[%add3A_541, %dma_start3A_543] : memref<80x125xi32, #tpu.memory_space<vmem>> -> memref<1x125xi32, #tpu.memory_space<vmem>>
      %dma_start3A_545 = tpu.memref_squeeze %dma_start3A_544 : memref<1x125xi32, #tpu.memory_space<vmem>> -> memref<125xi32, #tpu.memory_space<vmem>>
      %dma_start3A_546 = arith.constant 0 : i32
      %dma_start3A_547 = arith.constant 0 : i32
      %dma_start3A_548 = tpu.memref_slice %arg18[%dma_start3A_546, %dma_start3A_547] : memref<10000x16xf32, #tpu.memory_space<vmem_shared>> -> memref<10000x16xf32, #tpu.memory_space<vmem_shared>>
      %dma_start3A_549 = tpu.memref_slice %arg20[%dma_start3A_542] : memref<10x!tpu.dma_semaphore, #tpu.memory_space<semaphore_mem>> -> memref<1x!tpu.dma_semaphore, #tpu.memory_space<semaphore_mem>>
      %dma_start3A_550 = tpu.memref_squeeze %dma_start3A_549 : memref<1x!tpu.dma_semaphore, #tpu.memory_space<semaphore_mem>> -> memref<!tpu.dma_semaphore, #tpu.memory_space<semaphore_mem>>
      tpu.enqueue_indirect_dma source(%arg12 : memref<125x16xf32, #tpu.memory_space<vmem>>) target(%dma_start3A_548 : memref<10000x16xf32, #tpu.memory_space<vmem_shared>>) offsets(%dma_start3A_545 : memref<125xi32, #tpu.memory_space<vmem>>) semaphore(%dma_start3A_550 : memref<!tpu.dma_semaphore, #tpu.memory_space<semaphore_mem>>) {add = true}
      %add3A_551 = arith.constant 6 : i32
      %add3A_552 = arith.addi %add3A_418, %add3A_551 : i32
      %dma_wait3A_553 = arith.constant 6 : i32
      %dma_wait3A_554 = arith.constant 0 : i32
      %dma_wait3A_555 = tpu.memref_slice %arg5[%add3A_552, %dma_wait3A_554] : memref<80x125xi32, #tpu.memory_space<vmem>> -> memref<1x125xi32, #tpu.memory_space<vmem>>
      %dma_wait3A_556 = tpu.memref_squeeze %dma_wait3A_555 : memref<1x125xi32, #tpu.memory_space<vmem>> -> memref<125xi32, #tpu.memory_space<vmem>>
      %dma_wait3A_557 = arith.constant 0 : i32
      %dma_wait3A_558 = arith.constant 0 : i32
      %dma_wait3A_559 = tpu.memref_slice %arg2[%dma_wait3A_557, %dma_wait3A_558] : memref<10000x16xf32, #tpu.memory_space<hbm>> -> memref<10000x16xf32, #tpu.memory_space<hbm>>
      %dma_wait3A_560 = tpu.memref_slice %arg19[%dma_wait3A_553] : memref<10x!tpu.dma_semaphore, #tpu.memory_space<semaphore_mem>> -> memref<1x!tpu.dma_semaphore, #tpu.memory_space<semaphore_mem>>
      %dma_wait3A_561 = tpu.memref_squeeze %dma_wait3A_560 : memref<1x!tpu.dma_semaphore, #tpu.memory_space<semaphore_mem>> -> memref<!tpu.dma_semaphore, #tpu.memory_space<semaphore_mem>>
      tpu.wait_indirect_dma semaphore(%dma_wait3A_561 : memref<!tpu.dma_semaphore, #tpu.memory_space<semaphore_mem>>) src(%dma_wait3A_559 : memref<10000x16xf32, #tpu.memory_space<hbm>>) dst(%arg13 : memref<125x16xf32, #tpu.memory_space<vmem>>)
      %add3A_562 = arith.constant 6 : i32
      %add3A_563 = arith.addi %add3A_418, %add3A_562 : i32
      %dma_start3A_564 = arith.constant 6 : i32
      %dma_start3A_565 = arith.constant 0 : i32
      %dma_start3A_566 = tpu.memref_slice %arg6[%add3A_563, %dma_start3A_565] : memref<80x125xi32, #tpu.memory_space<vmem>> -> memref<1x125xi32, #tpu.memory_space<vmem>>
      %dma_start3A_567 = tpu.memref_squeeze %dma_start3A_566 : memref<1x125xi32, #tpu.memory_space<vmem>> -> memref<125xi32, #tpu.memory_space<vmem>>
      %dma_start3A_568 = arith.constant 0 : i32
      %dma_start3A_569 = arith.constant 0 : i32
      %dma_start3A_570 = tpu.memref_slice %arg18[%dma_start3A_568, %dma_start3A_569] : memref<10000x16xf32, #tpu.memory_space<vmem_shared>> -> memref<10000x16xf32, #tpu.memory_space<vmem_shared>>
      %dma_start3A_571 = tpu.memref_slice %arg20[%dma_start3A_564] : memref<10x!tpu.dma_semaphore, #tpu.memory_space<semaphore_mem>> -> memref<1x!tpu.dma_semaphore, #tpu.memory_space<semaphore_mem>>
      %dma_start3A_572 = tpu.memref_squeeze %dma_start3A_571 : memref<1x!tpu.dma_semaphore, #tpu.memory_space<semaphore_mem>> -> memref<!tpu.dma_semaphore, #tpu.memory_space<semaphore_mem>>
      tpu.enqueue_indirect_dma source(%arg13 : memref<125x16xf32, #tpu.memory_space<vmem>>) target(%dma_start3A_570 : memref<10000x16xf32, #tpu.memory_space<vmem_shared>>) offsets(%dma_start3A_567 : memref<125xi32, #tpu.memory_space<vmem>>) semaphore(%dma_start3A_572 : memref<!tpu.dma_semaphore, #tpu.memory_space<semaphore_mem>>) {add = true}
      %add3A_573 = arith.constant 7 : i32
      %add3A_574 = arith.addi %add3A_418, %add3A_573 : i32
      %dma_wait3A_575 = arith.constant 7 : i32
      %dma_wait3A_576 = arith.constant 0 : i32
      %dma_wait3A_577 = tpu.memref_slice %arg5[%add3A_574, %dma_wait3A_576] : memref<80x125xi32, #tpu.memory_space<vmem>> -> memref<1x125xi32, #tpu.memory_space<vmem>>
      %dma_wait3A_578 = tpu.memref_squeeze %dma_wait3A_577 : memref<1x125xi32, #tpu.memory_space<vmem>> -> memref<125xi32, #tpu.memory_space<vmem>>
      %dma_wait3A_579 = arith.constant 0 : i32
      %dma_wait3A_580 = arith.constant 0 : i32
      %dma_wait3A_581 = tpu.memref_slice %arg2[%dma_wait3A_579, %dma_wait3A_580] : memref<10000x16xf32, #tpu.memory_space<hbm>> -> memref<10000x16xf32, #tpu.memory_space<hbm>>
      %dma_wait3A_582 = tpu.memref_slice %arg19[%dma_wait3A_575] : memref<10x!tpu.dma_semaphore, #tpu.memory_space<semaphore_mem>> -> memref<1x!tpu.dma_semaphore, #tpu.memory_space<semaphore_mem>>
      %dma_wait3A_583 = tpu.memref_squeeze %dma_wait3A_582 : memref<1x!tpu.dma_semaphore, #tpu.memory_space<semaphore_mem>> -> memref<!tpu.dma_semaphore, #tpu.memory_space<semaphore_mem>>
      tpu.wait_indirect_dma semaphore(%dma_wait3A_583 : memref<!tpu.dma_semaphore, #tpu.memory_space<semaphore_mem>>) src(%dma_wait3A_581 : memref<10000x16xf32, #tpu.memory_space<hbm>>) dst(%arg14 : memref<125x16xf32, #tpu.memory_space<vmem>>)
      %add3A_584 = arith.constant 7 : i32
      %add3A_585 = arith.addi %add3A_418, %add3A_584 : i32
      %dma_start3A_586 = arith.constant 7 : i32
      %dma_start3A_587 = arith.constant 0 : i32
      %dma_start3A_588 = tpu.memref_slice %arg6[%add3A_585, %dma_start3A_587] : memref<80x125xi32, #tpu.memory_space<vmem>> -> memref<1x125xi32, #tpu.memory_space<vmem>>
      %dma_start3A_589 = tpu.memref_squeeze %dma_start3A_588 : memref<1x125xi32, #tpu.memory_space<vmem>> -> memref<125xi32, #tpu.memory_space<vmem>>
      %dma_start3A_590 = arith.constant 0 : i32
      %dma_start3A_591 = arith.constant 0 : i32
      %dma_start3A_592 = tpu.memref_slice %arg18[%dma_start3A_590, %dma_start3A_591] : memref<10000x16xf32, #tpu.memory_space<vmem_shared>> -> memref<10000x16xf32, #tpu.memory_space<vmem_shared>>
      %dma_start3A_593 = tpu.memref_slice %arg20[%dma_start3A_586] : memref<10x!tpu.dma_semaphore, #tpu.memory_space<semaphore_mem>> -> memref<1x!tpu.dma_semaphore, #tpu.memory_space<semaphore_mem>>
      %dma_start3A_594 = tpu.memref_squeeze %dma_start3A_593 : memref<1x!tpu.dma_semaphore, #tpu.memory_space<semaphore_mem>> -> memref<!tpu.dma_semaphore, #tpu.memory_space<semaphore_mem>>
      tpu.enqueue_indirect_dma source(%arg14 : memref<125x16xf32, #tpu.memory_space<vmem>>) target(%dma_start3A_592 : memref<10000x16xf32, #tpu.memory_space<vmem_shared>>) offsets(%dma_start3A_589 : memref<125xi32, #tpu.memory_space<vmem>>) semaphore(%dma_start3A_594 : memref<!tpu.dma_semaphore, #tpu.memory_space<semaphore_mem>>) {add = true}
      %add3A_595 = arith.constant 8 : i32
      %add3A_596 = arith.addi %add3A_418, %add3A_595 : i32
      %dma_wait3A_597 = arith.constant 8 : i32
      %dma_wait3A_598 = arith.constant 0 : i32
      %dma_wait3A_599 = tpu.memref_slice %arg5[%add3A_596, %dma_wait3A_598] : memref<80x125xi32, #tpu.memory_space<vmem>> -> memref<1x125xi32, #tpu.memory_space<vmem>>
      %dma_wait3A_600 = tpu.memref_squeeze %dma_wait3A_599 : memref<1x125xi32, #tpu.memory_space<vmem>> -> memref<125xi32, #tpu.memory_space<vmem>>
      %dma_wait3A_601 = arith.constant 0 : i32
      %dma_wait3A_602 = arith.constant 0 : i32
      %dma_wait3A_603 = tpu.memref_slice %arg2[%dma_wait3A_601, %dma_wait3A_602] : memref<10000x16xf32, #tpu.memory_space<hbm>> -> memref<10000x16xf32, #tpu.memory_space<hbm>>
      %dma_wait3A_604 = tpu.memref_slice %arg19[%dma_wait3A_597] : memref<10x!tpu.dma_semaphore, #tpu.memory_space<semaphore_mem>> -> memref<1x!tpu.dma_semaphore, #tpu.memory_space<semaphore_mem>>
      %dma_wait3A_605 = tpu.memref_squeeze %dma_wait3A_604 : memref<1x!tpu.dma_semaphore, #tpu.memory_space<semaphore_mem>> -> memref<!tpu.dma_semaphore, #tpu.memory_space<semaphore_mem>>
      tpu.wait_indirect_dma semaphore(%dma_wait3A_605 : memref<!tpu.dma_semaphore, #tpu.memory_space<semaphore_mem>>) src(%dma_wait3A_603 : memref<10000x16xf32, #tpu.memory_space<hbm>>) dst(%arg15 : memref<125x16xf32, #tpu.memory_space<vmem>>)
      %add3A_606 = arith.constant 8 : i32
      %add3A_607 = arith.addi %add3A_418, %add3A_606 : i32
      %dma_start3A_608 = arith.constant 8 : i32
      %dma_start3A_609 = arith.constant 0 : i32
      %dma_start3A_610 = tpu.memref_slice %arg6[%add3A_607, %dma_start3A_609] : memref<80x125xi32, #tpu.memory_space<vmem>> -> memref<1x125xi32, #tpu.memory_space<vmem>>
      %dma_start3A_611 = tpu.memref_squeeze %dma_start3A_610 : memref<1x125xi32, #tpu.memory_space<vmem>> -> memref<125xi32, #tpu.memory_space<vmem>>
      %dma_start3A_612 = arith.constant 0 : i32
      %dma_start3A_613 = arith.constant 0 : i32
      %dma_start3A_614 = tpu.memref_slice %arg18[%dma_start3A_612, %dma_start3A_613] : memref<10000x16xf32, #tpu.memory_space<vmem_shared>> -> memref<10000x16xf32, #tpu.memory_space<vmem_shared>>
      %dma_start3A_615 = tpu.memref_slice %arg20[%dma_start3A_608] : memref<10x!tpu.dma_semaphore, #tpu.memory_space<semaphore_mem>> -> memref<1x!tpu.dma_semaphore, #tpu.memory_space<semaphore_mem>>
      %dma_start3A_616 = tpu.memref_squeeze %dma_start3A_615 : memref<1x!tpu.dma_semaphore, #tpu.memory_space<semaphore_mem>> -> memref<!tpu.dma_semaphore, #tpu.memory_space<semaphore_mem>>
      tpu.enqueue_indirect_dma source(%arg15 : memref<125x16xf32, #tpu.memory_space<vmem>>) target(%dma_start3A_614 : memref<10000x16xf32, #tpu.memory_space<vmem_shared>>) offsets(%dma_start3A_611 : memref<125xi32, #tpu.memory_space<vmem>>) semaphore(%dma_start3A_616 : memref<!tpu.dma_semaphore, #tpu.memory_space<semaphore_mem>>) {add = true}
      %add3A_617 = arith.constant 9 : i32
      %add3A_618 = arith.addi %add3A_418, %add3A_617 : i32
      %dma_wait3A_619 = arith.constant 9 : i32
      %dma_wait3A_620 = arith.constant 0 : i32
      %dma_wait3A_621 = tpu.memref_slice %arg5[%add3A_618, %dma_wait3A_620] : memref<80x125xi32, #tpu.memory_space<vmem>> -> memref<1x125xi32, #tpu.memory_space<vmem>>
      %dma_wait3A_622 = tpu.memref_squeeze %dma_wait3A_621 : memref<1x125xi32, #tpu.memory_space<vmem>> -> memref<125xi32, #tpu.memory_space<vmem>>
      %dma_wait3A_623 = arith.constant 0 : i32
      %dma_wait3A_624 = arith.constant 0 : i32
      %dma_wait3A_625 = tpu.memref_slice %arg2[%dma_wait3A_623, %dma_wait3A_624] : memref<10000x16xf32, #tpu.memory_space<hbm>> -> memref<10000x16xf32, #tpu.memory_space<hbm>>
      %dma_wait3A_626 = tpu.memref_slice %arg19[%dma_wait3A_619] : memref<10x!tpu.dma_semaphore, #tpu.memory_space<semaphore_mem>> -> memref<1x!tpu.dma_semaphore, #tpu.memory_space<semaphore_mem>>
      %dma_wait3A_627 = tpu.memref_squeeze %dma_wait3A_626 : memref<1x!tpu.dma_semaphore, #tpu.memory_space<semaphore_mem>> -> memref<!tpu.dma_semaphore, #tpu.memory_space<semaphore_mem>>
      tpu.wait_indirect_dma semaphore(%dma_wait3A_627 : memref<!tpu.dma_semaphore, #tpu.memory_space<semaphore_mem>>) src(%dma_wait3A_625 : memref<10000x16xf32, #tpu.memory_space<hbm>>) dst(%arg16 : memref<125x16xf32, #tpu.memory_space<vmem>>)
      %add3A_628 = arith.constant 9 : i32
      %add3A_629 = arith.addi %add3A_418, %add3A_628 : i32
      %dma_start3A_630 = arith.constant 9 : i32
      %dma_start3A_631 = arith.constant 0 : i32
      %dma_start3A_632 = tpu.memref_slice %arg6[%add3A_629, %dma_start3A_631] : memref<80x125xi32, #tpu.memory_space<vmem>> -> memref<1x125xi32, #tpu.memory_space<vmem>>
      %dma_start3A_633 = tpu.memref_squeeze %dma_start3A_632 : memref<1x125xi32, #tpu.memory_space<vmem>> -> memref<125xi32, #tpu.memory_space<vmem>>
      %dma_start3A_634 = arith.constant 0 : i32
      %dma_start3A_635 = arith.constant 0 : i32
      %dma_start3A_636 = tpu.memref_slice %arg18[%dma_start3A_634, %dma_start3A_635] : memref<10000x16xf32, #tpu.memory_space<vmem_shared>> -> memref<10000x16xf32, #tpu.memory_space<vmem_shared>>
      %dma_start3A_637 = tpu.memref_slice %arg20[%dma_start3A_630] : memref<10x!tpu.dma_semaphore, #tpu.memory_space<semaphore_mem>> -> memref<1x!tpu.dma_semaphore, #tpu.memory_space<semaphore_mem>>
      %dma_start3A_638 = tpu.memref_squeeze %dma_start3A_637 : memref<1x!tpu.dma_semaphore, #tpu.memory_space<semaphore_mem>> -> memref<!tpu.dma_semaphore, #tpu.memory_space<semaphore_mem>>
      tpu.enqueue_indirect_dma source(%arg16 : memref<125x16xf32, #tpu.memory_space<vmem>>) target(%dma_start3A_636 : memref<10000x16xf32, #tpu.memory_space<vmem_shared>>) offsets(%dma_start3A_633 : memref<125xi32, #tpu.memory_space<vmem>>) semaphore(%dma_start3A_638 : memref<!tpu.dma_semaphore, #tpu.memory_space<semaphore_mem>>) {add = true}
      %add3A_639 = arith.constant 0 : i32
      %add3A_640 = arith.addi %add3A_418, %add3A_639 : i32
      %dma_wait3A_641 = arith.constant 0 : i32
      %dma_wait3A_642 = arith.constant 0 : i32
      %dma_wait3A_643 = tpu.memref_slice %arg6[%add3A_640, %dma_wait3A_642] : memref<80x125xi32, #tpu.memory_space<vmem>> -> memref<1x125xi32, #tpu.memory_space<vmem>>
      %dma_wait3A_644 = tpu.memref_squeeze %dma_wait3A_643 : memref<1x125xi32, #tpu.memory_space<vmem>> -> memref<125xi32, #tpu.memory_space<vmem>>
      %dma_wait3A_645 = arith.constant 0 : i32
      %dma_wait3A_646 = arith.constant 0 : i32
      %dma_wait3A_647 = tpu.memref_slice %arg18[%dma_wait3A_645, %dma_wait3A_646] : memref<10000x16xf32, #tpu.memory_space<vmem_shared>> -> memref<10000x16xf32, #tpu.memory_space<vmem_shared>>
      %dma_wait3A_648 = tpu.memref_slice %arg20[%dma_wait3A_641] : memref<10x!tpu.dma_semaphore, #tpu.memory_space<semaphore_mem>> -> memref<1x!tpu.dma_semaphore, #tpu.memory_space<semaphore_mem>>
      %dma_wait3A_649 = tpu.memref_squeeze %dma_wait3A_648 : memref<1x!tpu.dma_semaphore, #tpu.memory_space<semaphore_mem>> -> memref<!tpu.dma_semaphore, #tpu.memory_space<semaphore_mem>>
      tpu.wait_indirect_dma semaphore(%dma_wait3A_649 : memref<!tpu.dma_semaphore, #tpu.memory_space<semaphore_mem>>) src(%arg7 : memref<125x16xf32, #tpu.memory_space<vmem>>) dst(%dma_wait3A_647 : memref<10000x16xf32, #tpu.memory_space<vmem_shared>>)
      %add3A_650 = arith.constant 10 : i32
      %add3A_651 = arith.addi %add3A_418, %add3A_650 : i32
      %add3A_652 = arith.constant 0 : i32
      %add3A_653 = arith.addi %add3A_651, %add3A_652 : i32
      %dma_start3A_654 = arith.constant 0 : i32
      %dma_start3A_655 = arith.constant 0 : i32
      %dma_start3A_656 = tpu.memref_slice %arg5[%add3A_653, %dma_start3A_655] : memref<80x125xi32, #tpu.memory_space<vmem>> -> memref<1x125xi32, #tpu.memory_space<vmem>>
      %dma_start3A_657 = tpu.memref_squeeze %dma_start3A_656 : memref<1x125xi32, #tpu.memory_space<vmem>> -> memref<125xi32, #tpu.memory_space<vmem>>
      %dma_start3A_658 = arith.constant 0 : i32
      %dma_start3A_659 = arith.constant 0 : i32
      %dma_start3A_660 = tpu.memref_slice %arg2[%dma_start3A_658, %dma_start3A_659] : memref<10000x16xf32, #tpu.memory_space<hbm>> -> memref<10000x16xf32, #tpu.memory_space<hbm>>
      %dma_start3A_661 = tpu.memref_slice %arg19[%dma_start3A_654] : memref<10x!tpu.dma_semaphore, #tpu.memory_space<semaphore_mem>> -> memref<1x!tpu.dma_semaphore, #tpu.memory_space<semaphore_mem>>
      %dma_start3A_662 = tpu.memref_squeeze %dma_start3A_661 : memref<1x!tpu.dma_semaphore, #tpu.memory_space<semaphore_mem>> -> memref<!tpu.dma_semaphore, #tpu.memory_space<semaphore_mem>>
      tpu.enqueue_indirect_dma source(%dma_start3A_660 : memref<10000x16xf32, #tpu.memory_space<hbm>>) target(%arg7 : memref<125x16xf32, #tpu.memory_space<vmem>>) offsets(%dma_start3A_657 : memref<125xi32, #tpu.memory_space<vmem>>) semaphore(%dma_start3A_662 : memref<!tpu.dma_semaphore, #tpu.memory_space<semaphore_mem>>)
      %add3A_663 = arith.constant 1 : i32
      %add3A_664 = arith.addi %add3A_418, %add3A_663 : i32
      %dma_wait3A_665 = arith.constant 1 : i32
      %dma_wait3A_666 = arith.constant 0 : i32
      %dma_wait3A_667 = tpu.memref_slice %arg6[%add3A_664, %dma_wait3A_666] : memref<80x125xi32, #tpu.memory_space<vmem>> -> memref<1x125xi32, #tpu.memory_space<vmem>>
      %dma_wait3A_668 = tpu.memref_squeeze %dma_wait3A_667 : memref<1x125xi32, #tpu.memory_space<vmem>> -> memref<125xi32, #tpu.memory_space<vmem>>
      %dma_wait3A_669 = arith.constant 0 : i32
      %dma_wait3A_670 = arith.constant 0 : i32
      %dma_wait3A_671 = tpu.memref_slice %arg18[%dma_wait3A_669, %dma_wait3A_670] : memref<10000x16xf32, #tpu.memory_space<vmem_shared>> -> memref<10000x16xf32, #tpu.memory_space<vmem_shared>>
      %dma_wait3A_672 = tpu.memref_slice %arg20[%dma_wait3A_665] : memref<10x!tpu.dma_semaphore, #tpu.memory_space<semaphore_mem>> -> memref<1x!tpu.dma_semaphore, #tpu.memory_space<semaphore_mem>>
      %dma_wait3A_673 = tpu.memref_squeeze %dma_wait3A_672 : memref<1x!tpu.dma_semaphore, #tpu.memory_space<semaphore_mem>> -> memref<!tpu.dma_semaphore, #tpu.memory_space<semaphore_mem>>
      tpu.wait_indirect_dma semaphore(%dma_wait3A_673 : memref<!tpu.dma_semaphore, #tpu.memory_space<semaphore_mem>>) src(%arg8 : memref<125x16xf32, #tpu.memory_space<vmem>>) dst(%dma_wait3A_671 : memref<10000x16xf32, #tpu.memory_space<vmem_shared>>)
      %add3A_674 = arith.constant 10 : i32
      %add3A_675 = arith.addi %add3A_418, %add3A_674 : i32
      %add3A_676 = arith.constant 1 : i32
      %add3A_677 = arith.addi %add3A_675, %add3A_676 : i32
      %dma_start3A_678 = arith.constant 1 : i32
      %dma_start3A_679 = arith.constant 0 : i32
      %dma_start3A_680 = tpu.memref_slice %arg5[%add3A_677, %dma_start3A_679] : memref<80x125xi32, #tpu.memory_space<vmem>> -> memref<1x125xi32, #tpu.memory_space<vmem>>
      %dma_start3A_681 = tpu.memref_squeeze %dma_start3A_680 : memref<1x125xi32, #tpu.memory_space<vmem>> -> memref<125xi32, #tpu.memory_space<vmem>>
      %dma_start3A_682 = arith.constant 0 : i32
      %dma_start3A_683 = arith.constant 0 : i32
      %dma_start3A_684 = tpu.memref_slice %arg2[%dma_start3A_682, %dma_start3A_683] : memref<10000x16xf32, #tpu.memory_space<hbm>> -> memref<10000x16xf32, #tpu.memory_space<hbm>>
      %dma_start3A_685 = tpu.memref_slice %arg19[%dma_start3A_678] : memref<10x!tpu.dma_semaphore, #tpu.memory_space<semaphore_mem>> -> memref<1x!tpu.dma_semaphore, #tpu.memory_space<semaphore_mem>>
      %dma_start3A_686 = tpu.memref_squeeze %dma_start3A_685 : memref<1x!tpu.dma_semaphore, #tpu.memory_space<semaphore_mem>> -> memref<!tpu.dma_semaphore, #tpu.memory_space<semaphore_mem>>
      tpu.enqueue_indirect_dma source(%dma_start3A_684 : memref<10000x16xf32, #tpu.memory_space<hbm>>) target(%arg8 : memref<125x16xf32, #tpu.memory_space<vmem>>) offsets(%dma_start3A_681 : memref<125xi32, #tpu.memory_space<vmem>>) semaphore(%dma_start3A_686 : memref<!tpu.dma_semaphore, #tpu.memory_space<semaphore_mem>>)
      %add3A_687 = arith.constant 2 : i32
      %add3A_688 = arith.addi %add3A_418, %add3A_687 : i32
      %dma_wait3A_689 = arith.constant 2 : i32
      %dma_wait3A_690 = arith.constant 0 : i32
      %dma_wait3A_691 = tpu.memref_slice %arg6[%add3A_688, %dma_wait3A_690] : memref<80x125xi32, #tpu.memory_space<vmem>> -> memref<1x125xi32, #tpu.memory_space<vmem>>
      %dma_wait3A_692 = tpu.memref_squeeze %dma_wait3A_691 : memref<1x125xi32, #tpu.memory_space<vmem>> -> memref<125xi32, #tpu.memory_space<vmem>>
      %dma_wait3A_693 = arith.constant 0 : i32
      %dma_wait3A_694 = arith.constant 0 : i32
      %dma_wait3A_695 = tpu.memref_slice %arg18[%dma_wait3A_693, %dma_wait3A_694] : memref<10000x16xf32, #tpu.memory_space<vmem_shared>> -> memref<10000x16xf32, #tpu.memory_space<vmem_shared>>
      %dma_wait3A_696 = tpu.memref_slice %arg20[%dma_wait3A_689] : memref<10x!tpu.dma_semaphore, #tpu.memory_space<semaphore_mem>> -> memref<1x!tpu.dma_semaphore, #tpu.memory_space<semaphore_mem>>
      %dma_wait3A_697 = tpu.memref_squeeze %dma_wait3A_696 : memref<1x!tpu.dma_semaphore, #tpu.memory_space<semaphore_mem>> -> memref<!tpu.dma_semaphore, #tpu.memory_space<semaphore_mem>>
      tpu.wait_indirect_dma semaphore(%dma_wait3A_697 : memref<!tpu.dma_semaphore, #tpu.memory_space<semaphore_mem>>) src(%arg9 : memref<125x16xf32, #tpu.memory_space<vmem>>) dst(%dma_wait3A_695 : memref<10000x16xf32, #tpu.memory_space<vmem_shared>>)
      %add3A_698 = arith.constant 10 : i32
      %add3A_699 = arith.addi %add3A_418, %add3A_698 : i32
      %add3A_700 = arith.constant 2 : i32
      %add3A_701 = arith.addi %add3A_699, %add3A_700 : i32
      %dma_start3A_702 = arith.constant 2 : i32
      %dma_start3A_703 = arith.constant 0 : i32
      %dma_start3A_704 = tpu.memref_slice %arg5[%add3A_701, %dma_start3A_703] : memref<80x125xi32, #tpu.memory_space<vmem>> -> memref<1x125xi32, #tpu.memory_space<vmem>>
      %dma_start3A_705 = tpu.memref_squeeze %dma_start3A_704 : memref<1x125xi32, #tpu.memory_space<vmem>> -> memref<125xi32, #tpu.memory_space<vmem>>
      %dma_start3A_706 = arith.constant 0 : i32
      %dma_start3A_707 = arith.constant 0 : i32
      %dma_start3A_708 = tpu.memref_slice %arg2[%dma_start3A_706, %dma_start3A_707] : memref<10000x16xf32, #tpu.memory_space<hbm>> -> memref<10000x16xf32, #tpu.memory_space<hbm>>
      %dma_start3A_709 = tpu.memref_slice %arg19[%dma_start3A_702] : memref<10x!tpu.dma_semaphore, #tpu.memory_space<semaphore_mem>> -> memref<1x!tpu.dma_semaphore, #tpu.memory_space<semaphore_mem>>
      %dma_start3A_710 = tpu.memref_squeeze %dma_start3A_709 : memref<1x!tpu.dma_semaphore, #tpu.memory_space<semaphore_mem>> -> memref<!tpu.dma_semaphore, #tpu.memory_space<semaphore_mem>>
      tpu.enqueue_indirect_dma source(%dma_start3A_708 : memref<10000x16xf32, #tpu.memory_space<hbm>>) target(%arg9 : memref<125x16xf32, #tpu.memory_space<vmem>>) offsets(%dma_start3A_705 : memref<125xi32, #tpu.memory_space<vmem>>) semaphore(%dma_start3A_710 : memref<!tpu.dma_semaphore, #tpu.memory_space<semaphore_mem>>)
      %add3A_711 = arith.constant 3 : i32
      %add3A_712 = arith.addi %add3A_418, %add3A_711 : i32
      %dma_wait3A_713 = arith.constant 3 : i32
      %dma_wait3A_714 = arith.constant 0 : i32
      %dma_wait3A_715 = tpu.memref_slice %arg6[%add3A_712, %dma_wait3A_714] : memref<80x125xi32, #tpu.memory_space<vmem>> -> memref<1x125xi32, #tpu.memory_space<vmem>>
      %dma_wait3A_716 = tpu.memref_squeeze %dma_wait3A_715 : memref<1x125xi32, #tpu.memory_space<vmem>> -> memref<125xi32, #tpu.memory_space<vmem>>
      %dma_wait3A_717 = arith.constant 0 : i32
      %dma_wait3A_718 = arith.constant 0 : i32
      %dma_wait3A_719 = tpu.memref_slice %arg18[%dma_wait3A_717, %dma_wait3A_718] : memref<10000x16xf32, #tpu.memory_space<vmem_shared>> -> memref<10000x16xf32, #tpu.memory_space<vmem_shared>>
      %dma_wait3A_720 = tpu.memref_slice %arg20[%dma_wait3A_713] : memref<10x!tpu.dma_semaphore, #tpu.memory_space<semaphore_mem>> -> memref<1x!tpu.dma_semaphore, #tpu.memory_space<semaphore_mem>>
      %dma_wait3A_721 = tpu.memref_squeeze %dma_wait3A_720 : memref<1x!tpu.dma_semaphore, #tpu.memory_space<semaphore_mem>> -> memref<!tpu.dma_semaphore, #tpu.memory_space<semaphore_mem>>
      tpu.wait_indirect_dma semaphore(%dma_wait3A_721 : memref<!tpu.dma_semaphore, #tpu.memory_space<semaphore_mem>>) src(%arg10 : memref<125x16xf32, #tpu.memory_space<vmem>>) dst(%dma_wait3A_719 : memref<10000x16xf32, #tpu.memory_space<vmem_shared>>)
      %add3A_722 = arith.constant 10 : i32
      %add3A_723 = arith.addi %add3A_418, %add3A_722 : i32
      %add3A_724 = arith.constant 3 : i32
      %add3A_725 = arith.addi %add3A_723, %add3A_724 : i32
      %dma_start3A_726 = arith.constant 3 : i32
      %dma_start3A_727 = arith.constant 0 : i32
      %dma_start3A_728 = tpu.memref_slice %arg5[%add3A_725, %dma_start3A_727] : memref<80x125xi32, #tpu.memory_space<vmem>> -> memref<1x125xi32, #tpu.memory_space<vmem>>
      %dma_start3A_729 = tpu.memref_squeeze %dma_start3A_728 : memref<1x125xi32, #tpu.memory_space<vmem>> -> memref<125xi32, #tpu.memory_space<vmem>>
      %dma_start3A_730 = arith.constant 0 : i32
      %dma_start3A_731 = arith.constant 0 : i32
      %dma_start3A_732 = tpu.memref_slice %arg2[%dma_start3A_730, %dma_start3A_731] : memref<10000x16xf32, #tpu.memory_space<hbm>> -> memref<10000x16xf32, #tpu.memory_space<hbm>>
      %dma_start3A_733 = tpu.memref_slice %arg19[%dma_start3A_726] : memref<10x!tpu.dma_semaphore, #tpu.memory_space<semaphore_mem>> -> memref<1x!tpu.dma_semaphore, #tpu.memory_space<semaphore_mem>>
      %dma_start3A_734 = tpu.memref_squeeze %dma_start3A_733 : memref<1x!tpu.dma_semaphore, #tpu.memory_space<semaphore_mem>> -> memref<!tpu.dma_semaphore, #tpu.memory_space<semaphore_mem>>
      tpu.enqueue_indirect_dma source(%dma_start3A_732 : memref<10000x16xf32, #tpu.memory_space<hbm>>) target(%arg10 : memref<125x16xf32, #tpu.memory_space<vmem>>) offsets(%dma_start3A_729 : memref<125xi32, #tpu.memory_space<vmem>>) semaphore(%dma_start3A_734 : memref<!tpu.dma_semaphore, #tpu.memory_space<semaphore_mem>>)
      %add3A_735 = arith.constant 4 : i32
      %add3A_736 = arith.addi %add3A_418, %add3A_735 : i32
      %dma_wait3A_737 = arith.constant 4 : i32
      %dma_wait3A_738 = arith.constant 0 : i32
      %dma_wait3A_739 = tpu.memref_slice %arg6[%add3A_736, %dma_wait3A_738] : memref<80x125xi32, #tpu.memory_space<vmem>> -> memref<1x125xi32, #tpu.memory_space<vmem>>
      %dma_wait3A_740 = tpu.memref_squeeze %dma_wait3A_739 : memref<1x125xi32, #tpu.memory_space<vmem>> -> memref<125xi32, #tpu.memory_space<vmem>>
      %dma_wait3A_741 = arith.constant 0 : i32
      %dma_wait3A_742 = arith.constant 0 : i32
      %dma_wait3A_743 = tpu.memref_slice %arg18[%dma_wait3A_741, %dma_wait3A_742] : memref<10000x16xf32, #tpu.memory_space<vmem_shared>> -> memref<10000x16xf32, #tpu.memory_space<vmem_shared>>
      %dma_wait3A_744 = tpu.memref_slice %arg20[%dma_wait3A_737] : memref<10x!tpu.dma_semaphore, #tpu.memory_space<semaphore_mem>> -> memref<1x!tpu.dma_semaphore, #tpu.memory_space<semaphore_mem>>
      %dma_wait3A_745 = tpu.memref_squeeze %dma_wait3A_744 : memref<1x!tpu.dma_semaphore, #tpu.memory_space<semaphore_mem>> -> memref<!tpu.dma_semaphore, #tpu.memory_space<semaphore_mem>>
      tpu.wait_indirect_dma semaphore(%dma_wait3A_745 : memref<!tpu.dma_semaphore, #tpu.memory_space<semaphore_mem>>) src(%arg11 : memref<125x16xf32, #tpu.memory_space<vmem>>) dst(%dma_wait3A_743 : memref<10000x16xf32, #tpu.memory_space<vmem_shared>>)
      %add3A_746 = arith.constant 10 : i32
      %add3A_747 = arith.addi %add3A_418, %add3A_746 : i32
      %add3A_748 = arith.constant 4 : i32
      %add3A_749 = arith.addi %add3A_747, %add3A_748 : i32
      %dma_start3A_750 = arith.constant 4 : i32
      %dma_start3A_751 = arith.constant 0 : i32
      %dma_start3A_752 = tpu.memref_slice %arg5[%add3A_749, %dma_start3A_751] : memref<80x125xi32, #tpu.memory_space<vmem>> -> memref<1x125xi32, #tpu.memory_space<vmem>>
      %dma_start3A_753 = tpu.memref_squeeze %dma_start3A_752 : memref<1x125xi32, #tpu.memory_space<vmem>> -> memref<125xi32, #tpu.memory_space<vmem>>
      %dma_start3A_754 = arith.constant 0 : i32
      %dma_start3A_755 = arith.constant 0 : i32
      %dma_start3A_756 = tpu.memref_slice %arg2[%dma_start3A_754, %dma_start3A_755] : memref<10000x16xf32, #tpu.memory_space<hbm>> -> memref<10000x16xf32, #tpu.memory_space<hbm>>
      %dma_start3A_757 = tpu.memref_slice %arg19[%dma_start3A_750] : memref<10x!tpu.dma_semaphore, #tpu.memory_space<semaphore_mem>> -> memref<1x!tpu.dma_semaphore, #tpu.memory_space<semaphore_mem>>
      %dma_start3A_758 = tpu.memref_squeeze %dma_start3A_757 : memref<1x!tpu.dma_semaphore, #tpu.memory_space<semaphore_mem>> -> memref<!tpu.dma_semaphore, #tpu.memory_space<semaphore_mem>>
      tpu.enqueue_indirect_dma source(%dma_start3A_756 : memref<10000x16xf32, #tpu.memory_space<hbm>>) target(%arg11 : memref<125x16xf32, #tpu.memory_space<vmem>>) offsets(%dma_start3A_753 : memref<125xi32, #tpu.memory_space<vmem>>) semaphore(%dma_start3A_758 : memref<!tpu.dma_semaphore, #tpu.memory_space<semaphore_mem>>)
      %add3A_759 = arith.constant 5 : i32
      %add3A_760 = arith.addi %add3A_418, %add3A_759 : i32
      %dma_wait3A_761 = arith.constant 5 : i32
      %dma_wait3A_762 = arith.constant 0 : i32
      %dma_wait3A_763 = tpu.memref_slice %arg6[%add3A_760, %dma_wait3A_762] : memref<80x125xi32, #tpu.memory_space<vmem>> -> memref<1x125xi32, #tpu.memory_space<vmem>>
      %dma_wait3A_764 = tpu.memref_squeeze %dma_wait3A_763 : memref<1x125xi32, #tpu.memory_space<vmem>> -> memref<125xi32, #tpu.memory_space<vmem>>
      %dma_wait3A_765 = arith.constant 0 : i32
      %dma_wait3A_766 = arith.constant 0 : i32
      %dma_wait3A_767 = tpu.memref_slice %arg18[%dma_wait3A_765, %dma_wait3A_766] : memref<10000x16xf32, #tpu.memory_space<vmem_shared>> -> memref<10000x16xf32, #tpu.memory_space<vmem_shared>>
      %dma_wait3A_768 = tpu.memref_slice %arg20[%dma_wait3A_761] : memref<10x!tpu.dma_semaphore, #tpu.memory_space<semaphore_mem>> -> memref<1x!tpu.dma_semaphore, #tpu.memory_space<semaphore_mem>>
      %dma_wait3A_769 = tpu.memref_squeeze %dma_wait3A_768 : memref<1x!tpu.dma_semaphore, #tpu.memory_space<semaphore_mem>> -> memref<!tpu.dma_semaphore, #tpu.memory_space<semaphore_mem>>
      tpu.wait_indirect_dma semaphore(%dma_wait3A_769 : memref<!tpu.dma_semaphore, #tpu.memory_space<semaphore_mem>>) src(%arg12 : memref<125x16xf32, #tpu.memory_space<vmem>>) dst(%dma_wait3A_767 : memref<10000x16xf32, #tpu.memory_space<vmem_shared>>)
      %add3A_770 = arith.constant 10 : i32
      %add3A_771 = arith.addi %add3A_418, %add3A_770 : i32
      %add3A_772 = arith.constant 5 : i32
      %add3A_773 = arith.addi %add3A_771, %add3A_772 : i32
      %dma_start3A_774 = arith.constant 5 : i32
      %dma_start3A_775 = arith.constant 0 : i32
      %dma_start3A_776 = tpu.memref_slice %arg5[%add3A_773, %dma_start3A_775] : memref<80x125xi32, #tpu.memory_space<vmem>> -> memref<1x125xi32, #tpu.memory_space<vmem>>
      %dma_start3A_777 = tpu.memref_squeeze %dma_start3A_776 : memref<1x125xi32, #tpu.memory_space<vmem>> -> memref<125xi32, #tpu.memory_space<vmem>>
      %dma_start3A_778 = arith.constant 0 : i32
      %dma_start3A_779 = arith.constant 0 : i32
      %dma_start3A_780 = tpu.memref_slice %arg2[%dma_start3A_778, %dma_start3A_779] : memref<10000x16xf32, #tpu.memory_space<hbm>> -> memref<10000x16xf32, #tpu.memory_space<hbm>>
      %dma_start3A_781 = tpu.memref_slice %arg19[%dma_start3A_774] : memref<10x!tpu.dma_semaphore, #tpu.memory_space<semaphore_mem>> -> memref<1x!tpu.dma_semaphore, #tpu.memory_space<semaphore_mem>>
      %dma_start3A_782 = tpu.memref_squeeze %dma_start3A_781 : memref<1x!tpu.dma_semaphore, #tpu.memory_space<semaphore_mem>> -> memref<!tpu.dma_semaphore, #tpu.memory_space<semaphore_mem>>
      tpu.enqueue_indirect_dma source(%dma_start3A_780 : memref<10000x16xf32, #tpu.memory_space<hbm>>) target(%arg12 : memref<125x16xf32, #tpu.memory_space<vmem>>) offsets(%dma_start3A_777 : memref<125xi32, #tpu.memory_space<vmem>>) semaphore(%dma_start3A_782 : memref<!tpu.dma_semaphore, #tpu.memory_space<semaphore_mem>>)
      %add3A_783 = arith.constant 6 : i32
      %add3A_784 = arith.addi %add3A_418, %add3A_783 : i32
      %dma_wait3A_785 = arith.constant 6 : i32
      %dma_wait3A_786 = arith.constant 0 : i32
      %dma_wait3A_787 = tpu.memref_slice %arg6[%add3A_784, %dma_wait3A_786] : memref<80x125xi32, #tpu.memory_space<vmem>> -> memref<1x125xi32, #tpu.memory_space<vmem>>
      %dma_wait3A_788 = tpu.memref_squeeze %dma_wait3A_787 : memref<1x125xi32, #tpu.memory_space<vmem>> -> memref<125xi32, #tpu.memory_space<vmem>>
      %dma_wait3A_789 = arith.constant 0 : i32
      %dma_wait3A_790 = arith.constant 0 : i32
      %dma_wait3A_791 = tpu.memref_slice %arg18[%dma_wait3A_789, %dma_wait3A_790] : memref<10000x16xf32, #tpu.memory_space<vmem_shared>> -> memref<10000x16xf32, #tpu.memory_space<vmem_shared>>
      %dma_wait3A_792 = tpu.memref_slice %arg20[%dma_wait3A_785] : memref<10x!tpu.dma_semaphore, #tpu.memory_space<semaphore_mem>> -> memref<1x!tpu.dma_semaphore, #tpu.memory_space<semaphore_mem>>
      %dma_wait3A_793 = tpu.memref_squeeze %dma_wait3A_792 : memref<1x!tpu.dma_semaphore, #tpu.memory_space<semaphore_mem>> -> memref<!tpu.dma_semaphore, #tpu.memory_space<semaphore_mem>>
      tpu.wait_indirect_dma semaphore(%dma_wait3A_793 : memref<!tpu.dma_semaphore, #tpu.memory_space<semaphore_mem>>) src(%arg13 : memref<125x16xf32, #tpu.memory_space<vmem>>) dst(%dma_wait3A_791 : memref<10000x16xf32, #tpu.memory_space<vmem_shared>>)
      %add3A_794 = arith.constant 10 : i32
      %add3A_795 = arith.addi %add3A_418, %add3A_794 : i32
      %add3A_796 = arith.constant 6 : i32
      %add3A_797 = arith.addi %add3A_795, %add3A_796 : i32
      %dma_start3A_798 = arith.constant 6 : i32
      %dma_start3A_799 = arith.constant 0 : i32
      %dma_start3A_800 = tpu.memref_slice %arg5[%add3A_797, %dma_start3A_799] : memref<80x125xi32, #tpu.memory_space<vmem>> -> memref<1x125xi32, #tpu.memory_space<vmem>>
      %dma_start3A_801 = tpu.memref_squeeze %dma_start3A_800 : memref<1x125xi32, #tpu.memory_space<vmem>> -> memref<125xi32, #tpu.memory_space<vmem>>
      %dma_start3A_802 = arith.constant 0 : i32
      %dma_start3A_803 = arith.constant 0 : i32
      %dma_start3A_804 = tpu.memref_slice %arg2[%dma_start3A_802, %dma_start3A_803] : memref<10000x16xf32, #tpu.memory_space<hbm>> -> memref<10000x16xf32, #tpu.memory_space<hbm>>
      %dma_start3A_805 = tpu.memref_slice %arg19[%dma_start3A_798] : memref<10x!tpu.dma_semaphore, #tpu.memory_space<semaphore_mem>> -> memref<1x!tpu.dma_semaphore, #tpu.memory_space<semaphore_mem>>
      %dma_start3A_806 = tpu.memref_squeeze %dma_start3A_805 : memref<1x!tpu.dma_semaphore, #tpu.memory_space<semaphore_mem>> -> memref<!tpu.dma_semaphore, #tpu.memory_space<semaphore_mem>>
      tpu.enqueue_indirect_dma source(%dma_start3A_804 : memref<10000x16xf32, #tpu.memory_space<hbm>>) target(%arg13 : memref<125x16xf32, #tpu.memory_space<vmem>>) offsets(%dma_start3A_801 : memref<125xi32, #tpu.memory_space<vmem>>) semaphore(%dma_start3A_806 : memref<!tpu.dma_semaphore, #tpu.memory_space<semaphore_mem>>)
      %add3A_807 = arith.constant 7 : i32
      %add3A_808 = arith.addi %add3A_418, %add3A_807 : i32
      %dma_wait3A_809 = arith.constant 7 : i32
      %dma_wait3A_810 = arith.constant 0 : i32
      %dma_wait3A_811 = tpu.memref_slice %arg6[%add3A_808, %dma_wait3A_810] : memref<80x125xi32, #tpu.memory_space<vmem>> -> memref<1x125xi32, #tpu.memory_space<vmem>>
      %dma_wait3A_812 = tpu.memref_squeeze %dma_wait3A_811 : memref<1x125xi32, #tpu.memory_space<vmem>> -> memref<125xi32, #tpu.memory_space<vmem>>
      %dma_wait3A_813 = arith.constant 0 : i32
      %dma_wait3A_814 = arith.constant 0 : i32
      %dma_wait3A_815 = tpu.memref_slice %arg18[%dma_wait3A_813, %dma_wait3A_814] : memref<10000x16xf32, #tpu.memory_space<vmem_shared>> -> memref<10000x16xf32, #tpu.memory_space<vmem_shared>>
      %dma_wait3A_816 = tpu.memref_slice %arg20[%dma_wait3A_809] : memref<10x!tpu.dma_semaphore, #tpu.memory_space<semaphore_mem>> -> memref<1x!tpu.dma_semaphore, #tpu.memory_space<semaphore_mem>>
      %dma_wait3A_817 = tpu.memref_squeeze %dma_wait3A_816 : memref<1x!tpu.dma_semaphore, #tpu.memory_space<semaphore_mem>> -> memref<!tpu.dma_semaphore, #tpu.memory_space<semaphore_mem>>
      tpu.wait_indirect_dma semaphore(%dma_wait3A_817 : memref<!tpu.dma_semaphore, #tpu.memory_space<semaphore_mem>>) src(%arg14 : memref<125x16xf32, #tpu.memory_space<vmem>>) dst(%dma_wait3A_815 : memref<10000x16xf32, #tpu.memory_space<vmem_shared>>)
      %add3A_818 = arith.constant 10 : i32
      %add3A_819 = arith.addi %add3A_418, %add3A_818 : i32
      %add3A_820 = arith.constant 7 : i32
      %add3A_821 = arith.addi %add3A_819, %add3A_820 : i32
      %dma_start3A_822 = arith.constant 7 : i32
      %dma_start3A_823 = arith.constant 0 : i32
      %dma_start3A_824 = tpu.memref_slice %arg5[%add3A_821, %dma_start3A_823] : memref<80x125xi32, #tpu.memory_space<vmem>> -> memref<1x125xi32, #tpu.memory_space<vmem>>
      %dma_start3A_825 = tpu.memref_squeeze %dma_start3A_824 : memref<1x125xi32, #tpu.memory_space<vmem>> -> memref<125xi32, #tpu.memory_space<vmem>>
      %dma_start3A_826 = arith.constant 0 : i32
      %dma_start3A_827 = arith.constant 0 : i32
      %dma_start3A_828 = tpu.memref_slice %arg2[%dma_start3A_826, %dma_start3A_827] : memref<10000x16xf32, #tpu.memory_space<hbm>> -> memref<10000x16xf32, #tpu.memory_space<hbm>>
      %dma_start3A_829 = tpu.memref_slice %arg19[%dma_start3A_822] : memref<10x!tpu.dma_semaphore, #tpu.memory_space<semaphore_mem>> -> memref<1x!tpu.dma_semaphore, #tpu.memory_space<semaphore_mem>>
      %dma_start3A_830 = tpu.memref_squeeze %dma_start3A_829 : memref<1x!tpu.dma_semaphore, #tpu.memory_space<semaphore_mem>> -> memref<!tpu.dma_semaphore, #tpu.memory_space<semaphore_mem>>
      tpu.enqueue_indirect_dma source(%dma_start3A_828 : memref<10000x16xf32, #tpu.memory_space<hbm>>) target(%arg14 : memref<125x16xf32, #tpu.memory_space<vmem>>) offsets(%dma_start3A_825 : memref<125xi32, #tpu.memory_space<vmem>>) semaphore(%dma_start3A_830 : memref<!tpu.dma_semaphore, #tpu.memory_space<semaphore_mem>>)
      %add3A_831 = arith.constant 8 : i32
      %add3A_832 = arith.addi %add3A_418, %add3A_831 : i32
      %dma_wait3A_833 = arith.constant 8 : i32
      %dma_wait3A_834 = arith.constant 0 : i32
      %dma_wait3A_835 = tpu.memref_slice %arg6[%add3A_832, %dma_wait3A_834] : memref<80x125xi32, #tpu.memory_space<vmem>> -> memref<1x125xi32, #tpu.memory_space<vmem>>
      %dma_wait3A_836 = tpu.memref_squeeze %dma_wait3A_835 : memref<1x125xi32, #tpu.memory_space<vmem>> -> memref<125xi32, #tpu.memory_space<vmem>>
      %dma_wait3A_837 = arith.constant 0 : i32
      %dma_wait3A_838 = arith.constant 0 : i32
      %dma_wait3A_839 = tpu.memref_slice %arg18[%dma_wait3A_837, %dma_wait3A_838] : memref<10000x16xf32, #tpu.memory_space<vmem_shared>> -> memref<10000x16xf32, #tpu.memory_space<vmem_shared>>
      %dma_wait3A_840 = tpu.memref_slice %arg20[%dma_wait3A_833] : memref<10x!tpu.dma_semaphore, #tpu.memory_space<semaphore_mem>> -> memref<1x!tpu.dma_semaphore, #tpu.memory_space<semaphore_mem>>
      %dma_wait3A_841 = tpu.memref_squeeze %dma_wait3A_840 : memref<1x!tpu.dma_semaphore, #tpu.memory_space<semaphore_mem>> -> memref<!tpu.dma_semaphore, #tpu.memory_space<semaphore_mem>>
      tpu.wait_indirect_dma semaphore(%dma_wait3A_841 : memref<!tpu.dma_semaphore, #tpu.memory_space<semaphore_mem>>) src(%arg15 : memref<125x16xf32, #tpu.memory_space<vmem>>) dst(%dma_wait3A_839 : memref<10000x16xf32, #tpu.memory_space<vmem_shared>>)
      %add3A_842 = arith.constant 10 : i32
      %add3A_843 = arith.addi %add3A_418, %add3A_842 : i32
      %add3A_844 = arith.constant 8 : i32
      %add3A_845 = arith.addi %add3A_843, %add3A_844 : i32
      %dma_start3A_846 = arith.constant 8 : i32
      %dma_start3A_847 = arith.constant 0 : i32
      %dma_start3A_848 = tpu.memref_slice %arg5[%add3A_845, %dma_start3A_847] : memref<80x125xi32, #tpu.memory_space<vmem>> -> memref<1x125xi32, #tpu.memory_space<vmem>>
      %dma_start3A_849 = tpu.memref_squeeze %dma_start3A_848 : memref<1x125xi32, #tpu.memory_space<vmem>> -> memref<125xi32, #tpu.memory_space<vmem>>
      %dma_start3A_850 = arith.constant 0 : i32
      %dma_start3A_851 = arith.constant 0 : i32
      %dma_start3A_852 = tpu.memref_slice %arg2[%dma_start3A_850, %dma_start3A_851] : memref<10000x16xf32, #tpu.memory_space<hbm>> -> memref<10000x16xf32, #tpu.memory_space<hbm>>
      %dma_start3A_853 = tpu.memref_slice %arg19[%dma_start3A_846] : memref<10x!tpu.dma_semaphore, #tpu.memory_space<semaphore_mem>> -> memref<1x!tpu.dma_semaphore, #tpu.memory_space<semaphore_mem>>
      %dma_start3A_854 = tpu.memref_squeeze %dma_start3A_853 : memref<1x!tpu.dma_semaphore, #tpu.memory_space<semaphore_mem>> -> memref<!tpu.dma_semaphore, #tpu.memory_space<semaphore_mem>>
      tpu.enqueue_indirect_dma source(%dma_start3A_852 : memref<10000x16xf32, #tpu.memory_space<hbm>>) target(%arg15 : memref<125x16xf32, #tpu.memory_space<vmem>>) offsets(%dma_start3A_849 : memref<125xi32, #tpu.memory_space<vmem>>) semaphore(%dma_start3A_854 : memref<!tpu.dma_semaphore, #tpu.memory_space<semaphore_mem>>)
      %add3A_855 = arith.constant 9 : i32
      %add3A_856 = arith.addi %add3A_418, %add3A_855 : i32
      %dma_wait3A_857 = arith.constant 9 : i32
      %dma_wait3A_858 = arith.constant 0 : i32
      %dma_wait3A_859 = tpu.memref_slice %arg6[%add3A_856, %dma_wait3A_858] : memref<80x125xi32, #tpu.memory_space<vmem>> -> memref<1x125xi32, #tpu.memory_space<vmem>>
      %dma_wait3A_860 = tpu.memref_squeeze %dma_wait3A_859 : memref<1x125xi32, #tpu.memory_space<vmem>> -> memref<125xi32, #tpu.memory_space<vmem>>
      %dma_wait3A_861 = arith.constant 0 : i32
      %dma_wait3A_862 = arith.constant 0 : i32
      %dma_wait3A_863 = tpu.memref_slice %arg18[%dma_wait3A_861, %dma_wait3A_862] : memref<10000x16xf32, #tpu.memory_space<vmem_shared>> -> memref<10000x16xf32, #tpu.memory_space<vmem_shared>>
      %dma_wait3A_864 = tpu.memref_slice %arg20[%dma_wait3A_857] : memref<10x!tpu.dma_semaphore, #tpu.memory_space<semaphore_mem>> -> memref<1x!tpu.dma_semaphore, #tpu.memory_space<semaphore_mem>>
      %dma_wait3A_865 = tpu.memref_squeeze %dma_wait3A_864 : memref<1x!tpu.dma_semaphore, #tpu.memory_space<semaphore_mem>> -> memref<!tpu.dma_semaphore, #tpu.memory_space<semaphore_mem>>
      tpu.wait_indirect_dma semaphore(%dma_wait3A_865 : memref<!tpu.dma_semaphore, #tpu.memory_space<semaphore_mem>>) src(%arg16 : memref<125x16xf32, #tpu.memory_space<vmem>>) dst(%dma_wait3A_863 : memref<10000x16xf32, #tpu.memory_space<vmem_shared>>)
      %add3A_866 = arith.constant 10 : i32
      %add3A_867 = arith.addi %add3A_418, %add3A_866 : i32
      %add3A_868 = arith.constant 9 : i32
      %add3A_869 = arith.addi %add3A_867, %add3A_868 : i32
      %dma_start3A_870 = arith.constant 9 : i32
      %dma_start3A_871 = arith.constant 0 : i32
      %dma_start3A_872 = tpu.memref_slice %arg5[%add3A_869, %dma_start3A_871] : memref<80x125xi32, #tpu.memory_space<vmem>> -> memref<1x125xi32, #tpu.memory_space<vmem>>
      %dma_start3A_873 = tpu.memref_squeeze %dma_start3A_872 : memref<1x125xi32, #tpu.memory_space<vmem>> -> memref<125xi32, #tpu.memory_space<vmem>>
      %dma_start3A_874 = arith.constant 0 : i32
      %dma_start3A_875 = arith.constant 0 : i32
      %dma_start3A_876 = tpu.memref_slice %arg2[%dma_start3A_874, %dma_start3A_875] : memref<10000x16xf32, #tpu.memory_space<hbm>> -> memref<10000x16xf32, #tpu.memory_space<hbm>>
      %dma_start3A_877 = tpu.memref_slice %arg19[%dma_start3A_870] : memref<10x!tpu.dma_semaphore, #tpu.memory_space<semaphore_mem>> -> memref<1x!tpu.dma_semaphore, #tpu.memory_space<semaphore_mem>>
      %dma_start3A_878 = tpu.memref_squeeze %dma_start3A_877 : memref<1x!tpu.dma_semaphore, #tpu.memory_space<semaphore_mem>> -> memref<!tpu.dma_semaphore, #tpu.memory_space<semaphore_mem>>
      tpu.enqueue_indirect_dma source(%dma_start3A_876 : memref<10000x16xf32, #tpu.memory_space<hbm>>) target(%arg16 : memref<125x16xf32, #tpu.memory_space<vmem>>) offsets(%dma_start3A_873 : memref<125xi32, #tpu.memory_space<vmem>>) semaphore(%dma_start3A_878 : memref<!tpu.dma_semaphore, #tpu.memory_space<semaphore_mem>>)
    }
    %scan3A_111 = arith.constant 7 : i32
    %dma_wait3A = arith.constant 70 : i32
    %dma_wait3A_112 = arith.constant 0 : i32
    %dma_wait3A_113 = arith.constant 0 : i32
    %dma_wait3A_114 = tpu.memref_slice %arg5[%dma_wait3A, %dma_wait3A_113] : memref<80x125xi32, #tpu.memory_space<vmem>> -> memref<1x125xi32, #tpu.memory_space<vmem>>
    %dma_wait3A_115 = tpu.memref_squeeze %dma_wait3A_114 : memref<1x125xi32, #tpu.memory_space<vmem>> -> memref<125xi32, #tpu.memory_space<vmem>>
    %dma_wait3A_116 = arith.constant 0 : i32
    %dma_wait3A_117 = arith.constant 0 : i32
    %dma_wait3A_118 = tpu.memref_slice %arg2[%dma_wait3A_116, %dma_wait3A_117] : memref<10000x16xf32, #tpu.memory_space<hbm>> -> memref<10000x16xf32, #tpu.memory_space<hbm>>
    %dma_wait3A_119 = tpu.memref_slice %arg19[%dma_wait3A_112] : memref<10x!tpu.dma_semaphore, #tpu.memory_space<semaphore_mem>> -> memref<1x!tpu.dma_semaphore, #tpu.memory_space<semaphore_mem>>
    %dma_wait3A_120 = tpu.memref_squeeze %dma_wait3A_119 : memref<1x!tpu.dma_semaphore, #tpu.memory_space<semaphore_mem>> -> memref<!tpu.dma_semaphore, #tpu.memory_space<semaphore_mem>>
    tpu.wait_indirect_dma semaphore(%dma_wait3A_120 : memref<!tpu.dma_semaphore, #tpu.memory_space<semaphore_mem>>) src(%dma_wait3A_118 : memref<10000x16xf32, #tpu.memory_space<hbm>>) dst(%arg7 : memref<125x16xf32, #tpu.memory_space<vmem>>)
    %dma_start3A_121 = arith.constant 70 : i32
    %dma_start3A_122 = arith.constant 0 : i32
    %dma_start3A_123 = arith.constant 0 : i32
    %dma_start3A_124 = tpu.memref_slice %arg6[%dma_start3A_121, %dma_start3A_123] : memref<80x125xi32, #tpu.memory_space<vmem>> -> memref<1x125xi32, #tpu.memory_space<vmem>>
    %dma_start3A_125 = tpu.memref_squeeze %dma_start3A_124 : memref<1x125xi32, #tpu.memory_space<vmem>> -> memref<125xi32, #tpu.memory_space<vmem>>
    %dma_start3A_126 = arith.constant 0 : i32
    %dma_start3A_127 = arith.constant 0 : i32
    %dma_start3A_128 = tpu.memref_slice %arg18[%dma_start3A_126, %dma_start3A_127] : memref<10000x16xf32, #tpu.memory_space<vmem_shared>> -> memref<10000x16xf32, #tpu.memory_space<vmem_shared>>
    %dma_start3A_129 = tpu.memref_slice %arg20[%dma_start3A_122] : memref<10x!tpu.dma_semaphore, #tpu.memory_space<semaphore_mem>> -> memref<1x!tpu.dma_semaphore, #tpu.memory_space<semaphore_mem>>
    %dma_start3A_130 = tpu.memref_squeeze %dma_start3A_129 : memref<1x!tpu.dma_semaphore, #tpu.memory_space<semaphore_mem>> -> memref<!tpu.dma_semaphore, #tpu.memory_space<semaphore_mem>>
    tpu.enqueue_indirect_dma source(%arg7 : memref<125x16xf32, #tpu.memory_space<vmem>>) target(%dma_start3A_128 : memref<10000x16xf32, #tpu.memory_space<vmem_shared>>) offsets(%dma_start3A_125 : memref<125xi32, #tpu.memory_space<vmem>>) semaphore(%dma_start3A_130 : memref<!tpu.dma_semaphore, #tpu.memory_space<semaphore_mem>>) {add = true}
    %dma_wait3A_131 = arith.constant 71 : i32
    %dma_wait3A_132 = arith.constant 1 : i32
    %dma_wait3A_133 = arith.constant 0 : i32
    %dma_wait3A_134 = tpu.memref_slice %arg5[%dma_wait3A_131, %dma_wait3A_133] : memref<80x125xi32, #tpu.memory_space<vmem>> -> memref<1x125xi32, #tpu.memory_space<vmem>>
    %dma_wait3A_135 = tpu.memref_squeeze %dma_wait3A_134 : memref<1x125xi32, #tpu.memory_space<vmem>> -> memref<125xi32, #tpu.memory_space<vmem>>
    %dma_wait3A_136 = arith.constant 0 : i32
    %dma_wait3A_137 = arith.constant 0 : i32
    %dma_wait3A_138 = tpu.memref_slice %arg2[%dma_wait3A_136, %dma_wait3A_137] : memref<10000x16xf32, #tpu.memory_space<hbm>> -> memref<10000x16xf32, #tpu.memory_space<hbm>>
    %dma_wait3A_139 = tpu.memref_slice %arg19[%dma_wait3A_132] : memref<10x!tpu.dma_semaphore, #tpu.memory_space<semaphore_mem>> -> memref<1x!tpu.dma_semaphore, #tpu.memory_space<semaphore_mem>>
    %dma_wait3A_140 = tpu.memref_squeeze %dma_wait3A_139 : memref<1x!tpu.dma_semaphore, #tpu.memory_space<semaphore_mem>> -> memref<!tpu.dma_semaphore, #tpu.memory_space<semaphore_mem>>
    tpu.wait_indirect_dma semaphore(%dma_wait3A_140 : memref<!tpu.dma_semaphore, #tpu.memory_space<semaphore_mem>>) src(%dma_wait3A_138 : memref<10000x16xf32, #tpu.memory_space<hbm>>) dst(%arg8 : memref<125x16xf32, #tpu.memory_space<vmem>>)
    %dma_start3A_141 = arith.constant 71 : i32
    %dma_start3A_142 = arith.constant 1 : i32
    %dma_start3A_143 = arith.constant 0 : i32
    %dma_start3A_144 = tpu.memref_slice %arg6[%dma_start3A_141, %dma_start3A_143] : memref<80x125xi32, #tpu.memory_space<vmem>> -> memref<1x125xi32, #tpu.memory_space<vmem>>
    %dma_start3A_145 = tpu.memref_squeeze %dma_start3A_144 : memref<1x125xi32, #tpu.memory_space<vmem>> -> memref<125xi32, #tpu.memory_space<vmem>>
    %dma_start3A_146 = arith.constant 0 : i32
    %dma_start3A_147 = arith.constant 0 : i32
    %dma_start3A_148 = tpu.memref_slice %arg18[%dma_start3A_146, %dma_start3A_147] : memref<10000x16xf32, #tpu.memory_space<vmem_shared>> -> memref<10000x16xf32, #tpu.memory_space<vmem_shared>>
    %dma_start3A_149 = tpu.memref_slice %arg20[%dma_start3A_142] : memref<10x!tpu.dma_semaphore, #tpu.memory_space<semaphore_mem>> -> memref<1x!tpu.dma_semaphore, #tpu.memory_space<semaphore_mem>>
    %dma_start3A_150 = tpu.memref_squeeze %dma_start3A_149 : memref<1x!tpu.dma_semaphore, #tpu.memory_space<semaphore_mem>> -> memref<!tpu.dma_semaphore, #tpu.memory_space<semaphore_mem>>
    tpu.enqueue_indirect_dma source(%arg8 : memref<125x16xf32, #tpu.memory_space<vmem>>) target(%dma_start3A_148 : memref<10000x16xf32, #tpu.memory_space<vmem_shared>>) offsets(%dma_start3A_145 : memref<125xi32, #tpu.memory_space<vmem>>) semaphore(%dma_start3A_150 : memref<!tpu.dma_semaphore, #tpu.memory_space<semaphore_mem>>) {add = true}
    %dma_wait3A_151 = arith.constant 72 : i32
    %dma_wait3A_152 = arith.constant 2 : i32
    %dma_wait3A_153 = arith.constant 0 : i32
    %dma_wait3A_154 = tpu.memref_slice %arg5[%dma_wait3A_151, %dma_wait3A_153] : memref<80x125xi32, #tpu.memory_space<vmem>> -> memref<1x125xi32, #tpu.memory_space<vmem>>
    %dma_wait3A_155 = tpu.memref_squeeze %dma_wait3A_154 : memref<1x125xi32, #tpu.memory_space<vmem>> -> memref<125xi32, #tpu.memory_space<vmem>>
    %dma_wait3A_156 = arith.constant 0 : i32
    %dma_wait3A_157 = arith.constant 0 : i32
    %dma_wait3A_158 = tpu.memref_slice %arg2[%dma_wait3A_156, %dma_wait3A_157] : memref<10000x16xf32, #tpu.memory_space<hbm>> -> memref<10000x16xf32, #tpu.memory_space<hbm>>
    %dma_wait3A_159 = tpu.memref_slice %arg19[%dma_wait3A_152] : memref<10x!tpu.dma_semaphore, #tpu.memory_space<semaphore_mem>> -> memref<1x!tpu.dma_semaphore, #tpu.memory_space<semaphore_mem>>
    %dma_wait3A_160 = tpu.memref_squeeze %dma_wait3A_159 : memref<1x!tpu.dma_semaphore, #tpu.memory_space<semaphore_mem>> -> memref<!tpu.dma_semaphore, #tpu.memory_space<semaphore_mem>>
    tpu.wait_indirect_dma semaphore(%dma_wait3A_160 : memref<!tpu.dma_semaphore, #tpu.memory_space<semaphore_mem>>) src(%dma_wait3A_158 : memref<10000x16xf32, #tpu.memory_space<hbm>>) dst(%arg9 : memref<125x16xf32, #tpu.memory_space<vmem>>)
    %dma_start3A_161 = arith.constant 72 : i32
    %dma_start3A_162 = arith.constant 2 : i32
    %dma_start3A_163 = arith.constant 0 : i32
    %dma_start3A_164 = tpu.memref_slice %arg6[%dma_start3A_161, %dma_start3A_163] : memref<80x125xi32, #tpu.memory_space<vmem>> -> memref<1x125xi32, #tpu.memory_space<vmem>>
    %dma_start3A_165 = tpu.memref_squeeze %dma_start3A_164 : memref<1x125xi32, #tpu.memory_space<vmem>> -> memref<125xi32, #tpu.memory_space<vmem>>
    %dma_start3A_166 = arith.constant 0 : i32
    %dma_start3A_167 = arith.constant 0 : i32
    %dma_start3A_168 = tpu.memref_slice %arg18[%dma_start3A_166, %dma_start3A_167] : memref<10000x16xf32, #tpu.memory_space<vmem_shared>> -> memref<10000x16xf32, #tpu.memory_space<vmem_shared>>
    %dma_start3A_169 = tpu.memref_slice %arg20[%dma_start3A_162] : memref<10x!tpu.dma_semaphore, #tpu.memory_space<semaphore_mem>> -> memref<1x!tpu.dma_semaphore, #tpu.memory_space<semaphore_mem>>
    %dma_start3A_170 = tpu.memref_squeeze %dma_start3A_169 : memref<1x!tpu.dma_semaphore, #tpu.memory_space<semaphore_mem>> -> memref<!tpu.dma_semaphore, #tpu.memory_space<semaphore_mem>>
    tpu.enqueue_indirect_dma source(%arg9 : memref<125x16xf32, #tpu.memory_space<vmem>>) target(%dma_start3A_168 : memref<10000x16xf32, #tpu.memory_space<vmem_shared>>) offsets(%dma_start3A_165 : memref<125xi32, #tpu.memory_space<vmem>>) semaphore(%dma_start3A_170 : memref<!tpu.dma_semaphore, #tpu.memory_space<semaphore_mem>>) {add = true}
    %dma_wait3A_171 = arith.constant 73 : i32
    %dma_wait3A_172 = arith.constant 3 : i32
    %dma_wait3A_173 = arith.constant 0 : i32
    %dma_wait3A_174 = tpu.memref_slice %arg5[%dma_wait3A_171, %dma_wait3A_173] : memref<80x125xi32, #tpu.memory_space<vmem>> -> memref<1x125xi32, #tpu.memory_space<vmem>>
    %dma_wait3A_175 = tpu.memref_squeeze %dma_wait3A_174 : memref<1x125xi32, #tpu.memory_space<vmem>> -> memref<125xi32, #tpu.memory_space<vmem>>
    %dma_wait3A_176 = arith.constant 0 : i32
    %dma_wait3A_177 = arith.constant 0 : i32
    %dma_wait3A_178 = tpu.memref_slice %arg2[%dma_wait3A_176, %dma_wait3A_177] : memref<10000x16xf32, #tpu.memory_space<hbm>> -> memref<10000x16xf32, #tpu.memory_space<hbm>>
    %dma_wait3A_179 = tpu.memref_slice %arg19[%dma_wait3A_172] : memref<10x!tpu.dma_semaphore, #tpu.memory_space<semaphore_mem>> -> memref<1x!tpu.dma_semaphore, #tpu.memory_space<semaphore_mem>>
    %dma_wait3A_180 = tpu.memref_squeeze %dma_wait3A_179 : memref<1x!tpu.dma_semaphore, #tpu.memory_space<semaphore_mem>> -> memref<!tpu.dma_semaphore, #tpu.memory_space<semaphore_mem>>
    tpu.wait_indirect_dma semaphore(%dma_wait3A_180 : memref<!tpu.dma_semaphore, #tpu.memory_space<semaphore_mem>>) src(%dma_wait3A_178 : memref<10000x16xf32, #tpu.memory_space<hbm>>) dst(%arg10 : memref<125x16xf32, #tpu.memory_space<vmem>>)
    %dma_start3A_181 = arith.constant 73 : i32
    %dma_start3A_182 = arith.constant 3 : i32
    %dma_start3A_183 = arith.constant 0 : i32
    %dma_start3A_184 = tpu.memref_slice %arg6[%dma_start3A_181, %dma_start3A_183] : memref<80x125xi32, #tpu.memory_space<vmem>> -> memref<1x125xi32, #tpu.memory_space<vmem>>
    %dma_start3A_185 = tpu.memref_squeeze %dma_start3A_184 : memref<1x125xi32, #tpu.memory_space<vmem>> -> memref<125xi32, #tpu.memory_space<vmem>>
    %dma_start3A_186 = arith.constant 0 : i32
    %dma_start3A_187 = arith.constant 0 : i32
    %dma_start3A_188 = tpu.memref_slice %arg18[%dma_start3A_186, %dma_start3A_187] : memref<10000x16xf32, #tpu.memory_space<vmem_shared>> -> memref<10000x16xf32, #tpu.memory_space<vmem_shared>>
    %dma_start3A_189 = tpu.memref_slice %arg20[%dma_start3A_182] : memref<10x!tpu.dma_semaphore, #tpu.memory_space<semaphore_mem>> -> memref<1x!tpu.dma_semaphore, #tpu.memory_space<semaphore_mem>>
    %dma_start3A_190 = tpu.memref_squeeze %dma_start3A_189 : memref<1x!tpu.dma_semaphore, #tpu.memory_space<semaphore_mem>> -> memref<!tpu.dma_semaphore, #tpu.memory_space<semaphore_mem>>
    tpu.enqueue_indirect_dma source(%arg10 : memref<125x16xf32, #tpu.memory_space<vmem>>) target(%dma_start3A_188 : memref<10000x16xf32, #tpu.memory_space<vmem_shared>>) offsets(%dma_start3A_185 : memref<125xi32, #tpu.memory_space<vmem>>) semaphore(%dma_start3A_190 : memref<!tpu.dma_semaphore, #tpu.memory_space<semaphore_mem>>) {add = true}
    %dma_wait3A_191 = arith.constant 74 : i32
    %dma_wait3A_192 = arith.constant 4 : i32
    %dma_wait3A_193 = arith.constant 0 : i32
    %dma_wait3A_194 = tpu.memref_slice %arg5[%dma_wait3A_191, %dma_wait3A_193] : memref<80x125xi32, #tpu.memory_space<vmem>> -> memref<1x125xi32, #tpu.memory_space<vmem>>
    %dma_wait3A_195 = tpu.memref_squeeze %dma_wait3A_194 : memref<1x125xi32, #tpu.memory_space<vmem>> -> memref<125xi32, #tpu.memory_space<vmem>>
    %dma_wait3A_196 = arith.constant 0 : i32
    %dma_wait3A_197 = arith.constant 0 : i32
    %dma_wait3A_198 = tpu.memref_slice %arg2[%dma_wait3A_196, %dma_wait3A_197] : memref<10000x16xf32, #tpu.memory_space<hbm>> -> memref<10000x16xf32, #tpu.memory_space<hbm>>
    %dma_wait3A_199 = tpu.memref_slice %arg19[%dma_wait3A_192] : memref<10x!tpu.dma_semaphore, #tpu.memory_space<semaphore_mem>> -> memref<1x!tpu.dma_semaphore, #tpu.memory_space<semaphore_mem>>
    %dma_wait3A_200 = tpu.memref_squeeze %dma_wait3A_199 : memref<1x!tpu.dma_semaphore, #tpu.memory_space<semaphore_mem>> -> memref<!tpu.dma_semaphore, #tpu.memory_space<semaphore_mem>>
    tpu.wait_indirect_dma semaphore(%dma_wait3A_200 : memref<!tpu.dma_semaphore, #tpu.memory_space<semaphore_mem>>) src(%dma_wait3A_198 : memref<10000x16xf32, #tpu.memory_space<hbm>>) dst(%arg11 : memref<125x16xf32, #tpu.memory_space<vmem>>)
    %dma_start3A_201 = arith.constant 74 : i32
    %dma_start3A_202 = arith.constant 4 : i32
    %dma_start3A_203 = arith.constant 0 : i32
    %dma_start3A_204 = tpu.memref_slice %arg6[%dma_start3A_201, %dma_start3A_203] : memref<80x125xi32, #tpu.memory_space<vmem>> -> memref<1x125xi32, #tpu.memory_space<vmem>>
    %dma_start3A_205 = tpu.memref_squeeze %dma_start3A_204 : memref<1x125xi32, #tpu.memory_space<vmem>> -> memref<125xi32, #tpu.memory_space<vmem>>
    %dma_start3A_206 = arith.constant 0 : i32
    %dma_start3A_207 = arith.constant 0 : i32
    %dma_start3A_208 = tpu.memref_slice %arg18[%dma_start3A_206, %dma_start3A_207] : memref<10000x16xf32, #tpu.memory_space<vmem_shared>> -> memref<10000x16xf32, #tpu.memory_space<vmem_shared>>
    %dma_start3A_209 = tpu.memref_slice %arg20[%dma_start3A_202] : memref<10x!tpu.dma_semaphore, #tpu.memory_space<semaphore_mem>> -> memref<1x!tpu.dma_semaphore, #tpu.memory_space<semaphore_mem>>
    %dma_start3A_210 = tpu.memref_squeeze %dma_start3A_209 : memref<1x!tpu.dma_semaphore, #tpu.memory_space<semaphore_mem>> -> memref<!tpu.dma_semaphore, #tpu.memory_space<semaphore_mem>>
    tpu.enqueue_indirect_dma source(%arg11 : memref<125x16xf32, #tpu.memory_space<vmem>>) target(%dma_start3A_208 : memref<10000x16xf32, #tpu.memory_space<vmem_shared>>) offsets(%dma_start3A_205 : memref<125xi32, #tpu.memory_space<vmem>>) semaphore(%dma_start3A_210 : memref<!tpu.dma_semaphore, #tpu.memory_space<semaphore_mem>>) {add = true}
    %dma_wait3A_211 = arith.constant 75 : i32
    %dma_wait3A_212 = arith.constant 5 : i32
    %dma_wait3A_213 = arith.constant 0 : i32
    %dma_wait3A_214 = tpu.memref_slice %arg5[%dma_wait3A_211, %dma_wait3A_213] : memref<80x125xi32, #tpu.memory_space<vmem>> -> memref<1x125xi32, #tpu.memory_space<vmem>>
    %dma_wait3A_215 = tpu.memref_squeeze %dma_wait3A_214 : memref<1x125xi32, #tpu.memory_space<vmem>> -> memref<125xi32, #tpu.memory_space<vmem>>
    %dma_wait3A_216 = arith.constant 0 : i32
    %dma_wait3A_217 = arith.constant 0 : i32
    %dma_wait3A_218 = tpu.memref_slice %arg2[%dma_wait3A_216, %dma_wait3A_217] : memref<10000x16xf32, #tpu.memory_space<hbm>> -> memref<10000x16xf32, #tpu.memory_space<hbm>>
    %dma_wait3A_219 = tpu.memref_slice %arg19[%dma_wait3A_212] : memref<10x!tpu.dma_semaphore, #tpu.memory_space<semaphore_mem>> -> memref<1x!tpu.dma_semaphore, #tpu.memory_space<semaphore_mem>>
    %dma_wait3A_220 = tpu.memref_squeeze %dma_wait3A_219 : memref<1x!tpu.dma_semaphore, #tpu.memory_space<semaphore_mem>> -> memref<!tpu.dma_semaphore, #tpu.memory_space<semaphore_mem>>
    tpu.wait_indirect_dma semaphore(%dma_wait3A_220 : memref<!tpu.dma_semaphore, #tpu.memory_space<semaphore_mem>>) src(%dma_wait3A_218 : memref<10000x16xf32, #tpu.memory_space<hbm>>) dst(%arg12 : memref<125x16xf32, #tpu.memory_space<vmem>>)
    %dma_start3A_221 = arith.constant 75 : i32
    %dma_start3A_222 = arith.constant 5 : i32
    %dma_start3A_223 = arith.constant 0 : i32
    %dma_start3A_224 = tpu.memref_slice %arg6[%dma_start3A_221, %dma_start3A_223] : memref<80x125xi32, #tpu.memory_space<vmem>> -> memref<1x125xi32, #tpu.memory_space<vmem>>
    %dma_start3A_225 = tpu.memref_squeeze %dma_start3A_224 : memref<1x125xi32, #tpu.memory_space<vmem>> -> memref<125xi32, #tpu.memory_space<vmem>>
    %dma_start3A_226 = arith.constant 0 : i32
    %dma_start3A_227 = arith.constant 0 : i32
    %dma_start3A_228 = tpu.memref_slice %arg18[%dma_start3A_226, %dma_start3A_227] : memref<10000x16xf32, #tpu.memory_space<vmem_shared>> -> memref<10000x16xf32, #tpu.memory_space<vmem_shared>>
    %dma_start3A_229 = tpu.memref_slice %arg20[%dma_start3A_222] : memref<10x!tpu.dma_semaphore, #tpu.memory_space<semaphore_mem>> -> memref<1x!tpu.dma_semaphore, #tpu.memory_space<semaphore_mem>>
    %dma_start3A_230 = tpu.memref_squeeze %dma_start3A_229 : memref<1x!tpu.dma_semaphore, #tpu.memory_space<semaphore_mem>> -> memref<!tpu.dma_semaphore, #tpu.memory_space<semaphore_mem>>
    tpu.enqueue_indirect_dma source(%arg12 : memref<125x16xf32, #tpu.memory_space<vmem>>) target(%dma_start3A_228 : memref<10000x16xf32, #tpu.memory_space<vmem_shared>>) offsets(%dma_start3A_225 : memref<125xi32, #tpu.memory_space<vmem>>) semaphore(%dma_start3A_230 : memref<!tpu.dma_semaphore, #tpu.memory_space<semaphore_mem>>) {add = true}
    %dma_wait3A_231 = arith.constant 76 : i32
    %dma_wait3A_232 = arith.constant 6 : i32
    %dma_wait3A_233 = arith.constant 0 : i32
    %dma_wait3A_234 = tpu.memref_slice %arg5[%dma_wait3A_231, %dma_wait3A_233] : memref<80x125xi32, #tpu.memory_space<vmem>> -> memref<1x125xi32, #tpu.memory_space<vmem>>
    %dma_wait3A_235 = tpu.memref_squeeze %dma_wait3A_234 : memref<1x125xi32, #tpu.memory_space<vmem>> -> memref<125xi32, #tpu.memory_space<vmem>>
    %dma_wait3A_236 = arith.constant 0 : i32
    %dma_wait3A_237 = arith.constant 0 : i32
    %dma_wait3A_238 = tpu.memref_slice %arg2[%dma_wait3A_236, %dma_wait3A_237] : memref<10000x16xf32, #tpu.memory_space<hbm>> -> memref<10000x16xf32, #tpu.memory_space<hbm>>
    %dma_wait3A_239 = tpu.memref_slice %arg19[%dma_wait3A_232] : memref<10x!tpu.dma_semaphore, #tpu.memory_space<semaphore_mem>> -> memref<1x!tpu.dma_semaphore, #tpu.memory_space<semaphore_mem>>
    %dma_wait3A_240 = tpu.memref_squeeze %dma_wait3A_239 : memref<1x!tpu.dma_semaphore, #tpu.memory_space<semaphore_mem>> -> memref<!tpu.dma_semaphore, #tpu.memory_space<semaphore_mem>>
    tpu.wait_indirect_dma semaphore(%dma_wait3A_240 : memref<!tpu.dma_semaphore, #tpu.memory_space<semaphore_mem>>) src(%dma_wait3A_238 : memref<10000x16xf32, #tpu.memory_space<hbm>>) dst(%arg13 : memref<125x16xf32, #tpu.memory_space<vmem>>)
    %dma_start3A_241 = arith.constant 76 : i32
    %dma_start3A_242 = arith.constant 6 : i32
    %dma_start3A_243 = arith.constant 0 : i32
    %dma_start3A_244 = tpu.memref_slice %arg6[%dma_start3A_241, %dma_start3A_243] : memref<80x125xi32, #tpu.memory_space<vmem>> -> memref<1x125xi32, #tpu.memory_space<vmem>>
    %dma_start3A_245 = tpu.memref_squeeze %dma_start3A_244 : memref<1x125xi32, #tpu.memory_space<vmem>> -> memref<125xi32, #tpu.memory_space<vmem>>
    %dma_start3A_246 = arith.constant 0 : i32
    %dma_start3A_247 = arith.constant 0 : i32
    %dma_start3A_248 = tpu.memref_slice %arg18[%dma_start3A_246, %dma_start3A_247] : memref<10000x16xf32, #tpu.memory_space<vmem_shared>> -> memref<10000x16xf32, #tpu.memory_space<vmem_shared>>
    %dma_start3A_249 = tpu.memref_slice %arg20[%dma_start3A_242] : memref<10x!tpu.dma_semaphore, #tpu.memory_space<semaphore_mem>> -> memref<1x!tpu.dma_semaphore, #tpu.memory_space<semaphore_mem>>
    %dma_start3A_250 = tpu.memref_squeeze %dma_start3A_249 : memref<1x!tpu.dma_semaphore, #tpu.memory_space<semaphore_mem>> -> memref<!tpu.dma_semaphore, #tpu.memory_space<semaphore_mem>>
    tpu.enqueue_indirect_dma source(%arg13 : memref<125x16xf32, #tpu.memory_space<vmem>>) target(%dma_start3A_248 : memref<10000x16xf32, #tpu.memory_space<vmem_shared>>) offsets(%dma_start3A_245 : memref<125xi32, #tpu.memory_space<vmem>>) semaphore(%dma_start3A_250 : memref<!tpu.dma_semaphore, #tpu.memory_space<semaphore_mem>>) {add = true}
    %dma_wait3A_251 = arith.constant 77 : i32
    %dma_wait3A_252 = arith.constant 7 : i32
    %dma_wait3A_253 = arith.constant 0 : i32
    %dma_wait3A_254 = tpu.memref_slice %arg5[%dma_wait3A_251, %dma_wait3A_253] : memref<80x125xi32, #tpu.memory_space<vmem>> -> memref<1x125xi32, #tpu.memory_space<vmem>>
    %dma_wait3A_255 = tpu.memref_squeeze %dma_wait3A_254 : memref<1x125xi32, #tpu.memory_space<vmem>> -> memref<125xi32, #tpu.memory_space<vmem>>
    %dma_wait3A_256 = arith.constant 0 : i32
    %dma_wait3A_257 = arith.constant 0 : i32
    %dma_wait3A_258 = tpu.memref_slice %arg2[%dma_wait3A_256, %dma_wait3A_257] : memref<10000x16xf32, #tpu.memory_space<hbm>> -> memref<10000x16xf32, #tpu.memory_space<hbm>>
    %dma_wait3A_259 = tpu.memref_slice %arg19[%dma_wait3A_252] : memref<10x!tpu.dma_semaphore, #tpu.memory_space<semaphore_mem>> -> memref<1x!tpu.dma_semaphore, #tpu.memory_space<semaphore_mem>>
    %dma_wait3A_260 = tpu.memref_squeeze %dma_wait3A_259 : memref<1x!tpu.dma_semaphore, #tpu.memory_space<semaphore_mem>> -> memref<!tpu.dma_semaphore, #tpu.memory_space<semaphore_mem>>
    tpu.wait_indirect_dma semaphore(%dma_wait3A_260 : memref<!tpu.dma_semaphore, #tpu.memory_space<semaphore_mem>>) src(%dma_wait3A_258 : memref<10000x16xf32, #tpu.memory_space<hbm>>) dst(%arg14 : memref<125x16xf32, #tpu.memory_space<vmem>>)
    %dma_start3A_261 = arith.constant 77 : i32
    %dma_start3A_262 = arith.constant 7 : i32
    %dma_start3A_263 = arith.constant 0 : i32
    %dma_start3A_264 = tpu.memref_slice %arg6[%dma_start3A_261, %dma_start3A_263] : memref<80x125xi32, #tpu.memory_space<vmem>> -> memref<1x125xi32, #tpu.memory_space<vmem>>
    %dma_start3A_265 = tpu.memref_squeeze %dma_start3A_264 : memref<1x125xi32, #tpu.memory_space<vmem>> -> memref<125xi32, #tpu.memory_space<vmem>>
    %dma_start3A_266 = arith.constant 0 : i32
    %dma_start3A_267 = arith.constant 0 : i32
    %dma_start3A_268 = tpu.memref_slice %arg18[%dma_start3A_266, %dma_start3A_267] : memref<10000x16xf32, #tpu.memory_space<vmem_shared>> -> memref<10000x16xf32, #tpu.memory_space<vmem_shared>>
    %dma_start3A_269 = tpu.memref_slice %arg20[%dma_start3A_262] : memref<10x!tpu.dma_semaphore, #tpu.memory_space<semaphore_mem>> -> memref<1x!tpu.dma_semaphore, #tpu.memory_space<semaphore_mem>>
    %dma_start3A_270 = tpu.memref_squeeze %dma_start3A_269 : memref<1x!tpu.dma_semaphore, #tpu.memory_space<semaphore_mem>> -> memref<!tpu.dma_semaphore, #tpu.memory_space<semaphore_mem>>
    tpu.enqueue_indirect_dma source(%arg14 : memref<125x16xf32, #tpu.memory_space<vmem>>) target(%dma_start3A_268 : memref<10000x16xf32, #tpu.memory_space<vmem_shared>>) offsets(%dma_start3A_265 : memref<125xi32, #tpu.memory_space<vmem>>) semaphore(%dma_start3A_270 : memref<!tpu.dma_semaphore, #tpu.memory_space<semaphore_mem>>) {add = true}
    %dma_wait3A_271 = arith.constant 78 : i32
    %dma_wait3A_272 = arith.constant 8 : i32
    %dma_wait3A_273 = arith.constant 0 : i32
    %dma_wait3A_274 = tpu.memref_slice %arg5[%dma_wait3A_271, %dma_wait3A_273] : memref<80x125xi32, #tpu.memory_space<vmem>> -> memref<1x125xi32, #tpu.memory_space<vmem>>
    %dma_wait3A_275 = tpu.memref_squeeze %dma_wait3A_274 : memref<1x125xi32, #tpu.memory_space<vmem>> -> memref<125xi32, #tpu.memory_space<vmem>>
    %dma_wait3A_276 = arith.constant 0 : i32
    %dma_wait3A_277 = arith.constant 0 : i32
    %dma_wait3A_278 = tpu.memref_slice %arg2[%dma_wait3A_276, %dma_wait3A_277] : memref<10000x16xf32, #tpu.memory_space<hbm>> -> memref<10000x16xf32, #tpu.memory_space<hbm>>
    %dma_wait3A_279 = tpu.memref_slice %arg19[%dma_wait3A_272] : memref<10x!tpu.dma_semaphore, #tpu.memory_space<semaphore_mem>> -> memref<1x!tpu.dma_semaphore, #tpu.memory_space<semaphore_mem>>
    %dma_wait3A_280 = tpu.memref_squeeze %dma_wait3A_279 : memref<1x!tpu.dma_semaphore, #tpu.memory_space<semaphore_mem>> -> memref<!tpu.dma_semaphore, #tpu.memory_space<semaphore_mem>>
    tpu.wait_indirect_dma semaphore(%dma_wait3A_280 : memref<!tpu.dma_semaphore, #tpu.memory_space<semaphore_mem>>) src(%dma_wait3A_278 : memref<10000x16xf32, #tpu.memory_space<hbm>>) dst(%arg15 : memref<125x16xf32, #tpu.memory_space<vmem>>)
    %dma_start3A_281 = arith.constant 78 : i32
    %dma_start3A_282 = arith.constant 8 : i32
    %dma_start3A_283 = arith.constant 0 : i32
    %dma_start3A_284 = tpu.memref_slice %arg6[%dma_start3A_281, %dma_start3A_283] : memref<80x125xi32, #tpu.memory_space<vmem>> -> memref<1x125xi32, #tpu.memory_space<vmem>>
    %dma_start3A_285 = tpu.memref_squeeze %dma_start3A_284 : memref<1x125xi32, #tpu.memory_space<vmem>> -> memref<125xi32, #tpu.memory_space<vmem>>
    %dma_start3A_286 = arith.constant 0 : i32
    %dma_start3A_287 = arith.constant 0 : i32
    %dma_start3A_288 = tpu.memref_slice %arg18[%dma_start3A_286, %dma_start3A_287] : memref<10000x16xf32, #tpu.memory_space<vmem_shared>> -> memref<10000x16xf32, #tpu.memory_space<vmem_shared>>
    %dma_start3A_289 = tpu.memref_slice %arg20[%dma_start3A_282] : memref<10x!tpu.dma_semaphore, #tpu.memory_space<semaphore_mem>> -> memref<1x!tpu.dma_semaphore, #tpu.memory_space<semaphore_mem>>
    %dma_start3A_290 = tpu.memref_squeeze %dma_start3A_289 : memref<1x!tpu.dma_semaphore, #tpu.memory_space<semaphore_mem>> -> memref<!tpu.dma_semaphore, #tpu.memory_space<semaphore_mem>>
    tpu.enqueue_indirect_dma source(%arg15 : memref<125x16xf32, #tpu.memory_space<vmem>>) target(%dma_start3A_288 : memref<10000x16xf32, #tpu.memory_space<vmem_shared>>) offsets(%dma_start3A_285 : memref<125xi32, #tpu.memory_space<vmem>>) semaphore(%dma_start3A_290 : memref<!tpu.dma_semaphore, #tpu.memory_space<semaphore_mem>>) {add = true}
    %dma_wait3A_291 = arith.constant 79 : i32
    %dma_wait3A_292 = arith.constant 9 : i32
    %dma_wait3A_293 = arith.constant 0 : i32
    %dma_wait3A_294 = tpu.memref_slice %arg5[%dma_wait3A_291, %dma_wait3A_293] : memref<80x125xi32, #tpu.memory_space<vmem>> -> memref<1x125xi32, #tpu.memory_space<vmem>>
    %dma_wait3A_295 = tpu.memref_squeeze %dma_wait3A_294 : memref<1x125xi32, #tpu.memory_space<vmem>> -> memref<125xi32, #tpu.memory_space<vmem>>
    %dma_wait3A_296 = arith.constant 0 : i32
    %dma_wait3A_297 = arith.constant 0 : i32
    %dma_wait3A_298 = tpu.memref_slice %arg2[%dma_wait3A_296, %dma_wait3A_297] : memref<10000x16xf32, #tpu.memory_space<hbm>> -> memref<10000x16xf32, #tpu.memory_space<hbm>>
    %dma_wait3A_299 = tpu.memref_slice %arg19[%dma_wait3A_292] : memref<10x!tpu.dma_semaphore, #tpu.memory_space<semaphore_mem>> -> memref<1x!tpu.dma_semaphore, #tpu.memory_space<semaphore_mem>>
    %dma_wait3A_300 = tpu.memref_squeeze %dma_wait3A_299 : memref<1x!tpu.dma_semaphore, #tpu.memory_space<semaphore_mem>> -> memref<!tpu.dma_semaphore, #tpu.memory_space<semaphore_mem>>
    tpu.wait_indirect_dma semaphore(%dma_wait3A_300 : memref<!tpu.dma_semaphore, #tpu.memory_space<semaphore_mem>>) src(%dma_wait3A_298 : memref<10000x16xf32, #tpu.memory_space<hbm>>) dst(%arg16 : memref<125x16xf32, #tpu.memory_space<vmem>>)
    %dma_start3A_301 = arith.constant 79 : i32
    %dma_start3A_302 = arith.constant 9 : i32
    %dma_start3A_303 = arith.constant 0 : i32
    %dma_start3A_304 = tpu.memref_slice %arg6[%dma_start3A_301, %dma_start3A_303] : memref<80x125xi32, #tpu.memory_space<vmem>> -> memref<1x125xi32, #tpu.memory_space<vmem>>
    %dma_start3A_305 = tpu.memref_squeeze %dma_start3A_304 : memref<1x125xi32, #tpu.memory_space<vmem>> -> memref<125xi32, #tpu.memory_space<vmem>>
    %dma_start3A_306 = arith.constant 0 : i32
    %dma_start3A_307 = arith.constant 0 : i32
    %dma_start3A_308 = tpu.memref_slice %arg18[%dma_start3A_306, %dma_start3A_307] : memref<10000x16xf32, #tpu.memory_space<vmem_shared>> -> memref<10000x16xf32, #tpu.memory_space<vmem_shared>>
    %dma_start3A_309 = tpu.memref_slice %arg20[%dma_start3A_302] : memref<10x!tpu.dma_semaphore, #tpu.memory_space<semaphore_mem>> -> memref<1x!tpu.dma_semaphore, #tpu.memory_space<semaphore_mem>>
    %dma_start3A_310 = tpu.memref_squeeze %dma_start3A_309 : memref<1x!tpu.dma_semaphore, #tpu.memory_space<semaphore_mem>> -> memref<!tpu.dma_semaphore, #tpu.memory_space<semaphore_mem>>
    tpu.enqueue_indirect_dma source(%arg16 : memref<125x16xf32, #tpu.memory_space<vmem>>) target(%dma_start3A_308 : memref<10000x16xf32, #tpu.memory_space<vmem_shared>>) offsets(%dma_start3A_305 : memref<125xi32, #tpu.memory_space<vmem>>) semaphore(%dma_start3A_310 : memref<!tpu.dma_semaphore, #tpu.memory_space<semaphore_mem>>) {add = true}
    %dma_wait3A_311 = arith.constant 70 : i32
    %dma_wait3A_312 = arith.constant 0 : i32
    %dma_wait3A_313 = arith.constant 0 : i32
    %dma_wait3A_314 = tpu.memref_slice %arg6[%dma_wait3A_311, %dma_wait3A_313] : memref<80x125xi32, #tpu.memory_space<vmem>> -> memref<1x125xi32, #tpu.memory_space<vmem>>
    %dma_wait3A_315 = tpu.memref_squeeze %dma_wait3A_314 : memref<1x125xi32, #tpu.memory_space<vmem>> -> memref<125xi32, #tpu.memory_space<vmem>>
    %dma_wait3A_316 = arith.constant 0 : i32
    %dma_wait3A_317 = arith.constant 0 : i32
    %dma_wait3A_318 = tpu.memref_slice %arg18[%dma_wait3A_316, %dma_wait3A_317] : memref<10000x16xf32, #tpu.memory_space<vmem_shared>> -> memref<10000x16xf32, #tpu.memory_space<vmem_shared>>
    %dma_wait3A_319 = tpu.memref_slice %arg20[%dma_wait3A_312] : memref<10x!tpu.dma_semaphore, #tpu.memory_space<semaphore_mem>> -> memref<1x!tpu.dma_semaphore, #tpu.memory_space<semaphore_mem>>
    %dma_wait3A_320 = tpu.memref_squeeze %dma_wait3A_319 : memref<1x!tpu.dma_semaphore, #tpu.memory_space<semaphore_mem>> -> memref<!tpu.dma_semaphore, #tpu.memory_space<semaphore_mem>>
    tpu.wait_indirect_dma semaphore(%dma_wait3A_320 : memref<!tpu.dma_semaphore, #tpu.memory_space<semaphore_mem>>) src(%arg7 : memref<125x16xf32, #tpu.memory_space<vmem>>) dst(%dma_wait3A_318 : memref<10000x16xf32, #tpu.memory_space<vmem_shared>>)
    %dma_wait3A_321 = arith.constant 71 : i32
    %dma_wait3A_322 = arith.constant 1 : i32
    %dma_wait3A_323 = arith.constant 0 : i32
    %dma_wait3A_324 = tpu.memref_slice %arg6[%dma_wait3A_321, %dma_wait3A_323] : memref<80x125xi32, #tpu.memory_space<vmem>> -> memref<1x125xi32, #tpu.memory_space<vmem>>
    %dma_wait3A_325 = tpu.memref_squeeze %dma_wait3A_324 : memref<1x125xi32, #tpu.memory_space<vmem>> -> memref<125xi32, #tpu.memory_space<vmem>>
    %dma_wait3A_326 = arith.constant 0 : i32
    %dma_wait3A_327 = arith.constant 0 : i32
    %dma_wait3A_328 = tpu.memref_slice %arg18[%dma_wait3A_326, %dma_wait3A_327] : memref<10000x16xf32, #tpu.memory_space<vmem_shared>> -> memref<10000x16xf32, #tpu.memory_space<vmem_shared>>
    %dma_wait3A_329 = tpu.memref_slice %arg20[%dma_wait3A_322] : memref<10x!tpu.dma_semaphore, #tpu.memory_space<semaphore_mem>> -> memref<1x!tpu.dma_semaphore, #tpu.memory_space<semaphore_mem>>
    %dma_wait3A_330 = tpu.memref_squeeze %dma_wait3A_329 : memref<1x!tpu.dma_semaphore, #tpu.memory_space<semaphore_mem>> -> memref<!tpu.dma_semaphore, #tpu.memory_space<semaphore_mem>>
    tpu.wait_indirect_dma semaphore(%dma_wait3A_330 : memref<!tpu.dma_semaphore, #tpu.memory_space<semaphore_mem>>) src(%arg8 : memref<125x16xf32, #tpu.memory_space<vmem>>) dst(%dma_wait3A_328 : memref<10000x16xf32, #tpu.memory_space<vmem_shared>>)
    %dma_wait3A_331 = arith.constant 72 : i32
    %dma_wait3A_332 = arith.constant 2 : i32
    %dma_wait3A_333 = arith.constant 0 : i32
    %dma_wait3A_334 = tpu.memref_slice %arg6[%dma_wait3A_331, %dma_wait3A_333] : memref<80x125xi32, #tpu.memory_space<vmem>> -> memref<1x125xi32, #tpu.memory_space<vmem>>
    %dma_wait3A_335 = tpu.memref_squeeze %dma_wait3A_334 : memref<1x125xi32, #tpu.memory_space<vmem>> -> memref<125xi32, #tpu.memory_space<vmem>>
    %dma_wait3A_336 = arith.constant 0 : i32
    %dma_wait3A_337 = arith.constant 0 : i32
    %dma_wait3A_338 = tpu.memref_slice %arg18[%dma_wait3A_336, %dma_wait3A_337] : memref<10000x16xf32, #tpu.memory_space<vmem_shared>> -> memref<10000x16xf32, #tpu.memory_space<vmem_shared>>
    %dma_wait3A_339 = tpu.memref_slice %arg20[%dma_wait3A_332] : memref<10x!tpu.dma_semaphore, #tpu.memory_space<semaphore_mem>> -> memref<1x!tpu.dma_semaphore, #tpu.memory_space<semaphore_mem>>
    %dma_wait3A_340 = tpu.memref_squeeze %dma_wait3A_339 : memref<1x!tpu.dma_semaphore, #tpu.memory_space<semaphore_mem>> -> memref<!tpu.dma_semaphore, #tpu.memory_space<semaphore_mem>>
    tpu.wait_indirect_dma semaphore(%dma_wait3A_340 : memref<!tpu.dma_semaphore, #tpu.memory_space<semaphore_mem>>) src(%arg9 : memref<125x16xf32, #tpu.memory_space<vmem>>) dst(%dma_wait3A_338 : memref<10000x16xf32, #tpu.memory_space<vmem_shared>>)
    %dma_wait3A_341 = arith.constant 73 : i32
    %dma_wait3A_342 = arith.constant 3 : i32
    %dma_wait3A_343 = arith.constant 0 : i32
    %dma_wait3A_344 = tpu.memref_slice %arg6[%dma_wait3A_341, %dma_wait3A_343] : memref<80x125xi32, #tpu.memory_space<vmem>> -> memref<1x125xi32, #tpu.memory_space<vmem>>
    %dma_wait3A_345 = tpu.memref_squeeze %dma_wait3A_344 : memref<1x125xi32, #tpu.memory_space<vmem>> -> memref<125xi32, #tpu.memory_space<vmem>>
    %dma_wait3A_346 = arith.constant 0 : i32
    %dma_wait3A_347 = arith.constant 0 : i32
    %dma_wait3A_348 = tpu.memref_slice %arg18[%dma_wait3A_346, %dma_wait3A_347] : memref<10000x16xf32, #tpu.memory_space<vmem_shared>> -> memref<10000x16xf32, #tpu.memory_space<vmem_shared>>
    %dma_wait3A_349 = tpu.memref_slice %arg20[%dma_wait3A_342] : memref<10x!tpu.dma_semaphore, #tpu.memory_space<semaphore_mem>> -> memref<1x!tpu.dma_semaphore, #tpu.memory_space<semaphore_mem>>
    %dma_wait3A_350 = tpu.memref_squeeze %dma_wait3A_349 : memref<1x!tpu.dma_semaphore, #tpu.memory_space<semaphore_mem>> -> memref<!tpu.dma_semaphore, #tpu.memory_space<semaphore_mem>>
    tpu.wait_indirect_dma semaphore(%dma_wait3A_350 : memref<!tpu.dma_semaphore, #tpu.memory_space<semaphore_mem>>) src(%arg10 : memref<125x16xf32, #tpu.memory_space<vmem>>) dst(%dma_wait3A_348 : memref<10000x16xf32, #tpu.memory_space<vmem_shared>>)
    %dma_wait3A_351 = arith.constant 74 : i32
    %dma_wait3A_352 = arith.constant 4 : i32
    %dma_wait3A_353 = arith.constant 0 : i32
    %dma_wait3A_354 = tpu.memref_slice %arg6[%dma_wait3A_351, %dma_wait3A_353] : memref<80x125xi32, #tpu.memory_space<vmem>> -> memref<1x125xi32, #tpu.memory_space<vmem>>
    %dma_wait3A_355 = tpu.memref_squeeze %dma_wait3A_354 : memref<1x125xi32, #tpu.memory_space<vmem>> -> memref<125xi32, #tpu.memory_space<vmem>>
    %dma_wait3A_356 = arith.constant 0 : i32
    %dma_wait3A_357 = arith.constant 0 : i32
    %dma_wait3A_358 = tpu.memref_slice %arg18[%dma_wait3A_356, %dma_wait3A_357] : memref<10000x16xf32, #tpu.memory_space<vmem_shared>> -> memref<10000x16xf32, #tpu.memory_space<vmem_shared>>
    %dma_wait3A_359 = tpu.memref_slice %arg20[%dma_wait3A_352] : memref<10x!tpu.dma_semaphore, #tpu.memory_space<semaphore_mem>> -> memref<1x!tpu.dma_semaphore, #tpu.memory_space<semaphore_mem>>
    %dma_wait3A_360 = tpu.memref_squeeze %dma_wait3A_359 : memref<1x!tpu.dma_semaphore, #tpu.memory_space<semaphore_mem>> -> memref<!tpu.dma_semaphore, #tpu.memory_space<semaphore_mem>>
    tpu.wait_indirect_dma semaphore(%dma_wait3A_360 : memref<!tpu.dma_semaphore, #tpu.memory_space<semaphore_mem>>) src(%arg11 : memref<125x16xf32, #tpu.memory_space<vmem>>) dst(%dma_wait3A_358 : memref<10000x16xf32, #tpu.memory_space<vmem_shared>>)
    %dma_wait3A_361 = arith.constant 75 : i32
    %dma_wait3A_362 = arith.constant 5 : i32
    %dma_wait3A_363 = arith.constant 0 : i32
    %dma_wait3A_364 = tpu.memref_slice %arg6[%dma_wait3A_361, %dma_wait3A_363] : memref<80x125xi32, #tpu.memory_space<vmem>> -> memref<1x125xi32, #tpu.memory_space<vmem>>
    %dma_wait3A_365 = tpu.memref_squeeze %dma_wait3A_364 : memref<1x125xi32, #tpu.memory_space<vmem>> -> memref<125xi32, #tpu.memory_space<vmem>>
    %dma_wait3A_366 = arith.constant 0 : i32
    %dma_wait3A_367 = arith.constant 0 : i32
    %dma_wait3A_368 = tpu.memref_slice %arg18[%dma_wait3A_366, %dma_wait3A_367] : memref<10000x16xf32, #tpu.memory_space<vmem_shared>> -> memref<10000x16xf32, #tpu.memory_space<vmem_shared>>
    %dma_wait3A_369 = tpu.memref_slice %arg20[%dma_wait3A_362] : memref<10x!tpu.dma_semaphore, #tpu.memory_space<semaphore_mem>> -> memref<1x!tpu.dma_semaphore, #tpu.memory_space<semaphore_mem>>
    %dma_wait3A_370 = tpu.memref_squeeze %dma_wait3A_369 : memref<1x!tpu.dma_semaphore, #tpu.memory_space<semaphore_mem>> -> memref<!tpu.dma_semaphore, #tpu.memory_space<semaphore_mem>>
    tpu.wait_indirect_dma semaphore(%dma_wait3A_370 : memref<!tpu.dma_semaphore, #tpu.memory_space<semaphore_mem>>) src(%arg12 : memref<125x16xf32, #tpu.memory_space<vmem>>) dst(%dma_wait3A_368 : memref<10000x16xf32, #tpu.memory_space<vmem_shared>>)
    %dma_wait3A_371 = arith.constant 76 : i32
    %dma_wait3A_372 = arith.constant 6 : i32
    %dma_wait3A_373 = arith.constant 0 : i32
    %dma_wait3A_374 = tpu.memref_slice %arg6[%dma_wait3A_371, %dma_wait3A_373] : memref<80x125xi32, #tpu.memory_space<vmem>> -> memref<1x125xi32, #tpu.memory_space<vmem>>
    %dma_wait3A_375 = tpu.memref_squeeze %dma_wait3A_374 : memref<1x125xi32, #tpu.memory_space<vmem>> -> memref<125xi32, #tpu.memory_space<vmem>>
    %dma_wait3A_376 = arith.constant 0 : i32
    %dma_wait3A_377 = arith.constant 0 : i32
    %dma_wait3A_378 = tpu.memref_slice %arg18[%dma_wait3A_376, %dma_wait3A_377] : memref<10000x16xf32, #tpu.memory_space<vmem_shared>> -> memref<10000x16xf32, #tpu.memory_space<vmem_shared>>
    %dma_wait3A_379 = tpu.memref_slice %arg20[%dma_wait3A_372] : memref<10x!tpu.dma_semaphore, #tpu.memory_space<semaphore_mem>> -> memref<1x!tpu.dma_semaphore, #tpu.memory_space<semaphore_mem>>
    %dma_wait3A_380 = tpu.memref_squeeze %dma_wait3A_379 : memref<1x!tpu.dma_semaphore, #tpu.memory_space<semaphore_mem>> -> memref<!tpu.dma_semaphore, #tpu.memory_space<semaphore_mem>>
    tpu.wait_indirect_dma semaphore(%dma_wait3A_380 : memref<!tpu.dma_semaphore, #tpu.memory_space<semaphore_mem>>) src(%arg13 : memref<125x16xf32, #tpu.memory_space<vmem>>) dst(%dma_wait3A_378 : memref<10000x16xf32, #tpu.memory_space<vmem_shared>>)
    %dma_wait3A_381 = arith.constant 77 : i32
    %dma_wait3A_382 = arith.constant 7 : i32
    %dma_wait3A_383 = arith.constant 0 : i32
    %dma_wait3A_384 = tpu.memref_slice %arg6[%dma_wait3A_381, %dma_wait3A_383] : memref<80x125xi32, #tpu.memory_space<vmem>> -> memref<1x125xi32, #tpu.memory_space<vmem>>
    %dma_wait3A_385 = tpu.memref_squeeze %dma_wait3A_384 : memref<1x125xi32, #tpu.memory_space<vmem>> -> memref<125xi32, #tpu.memory_space<vmem>>
    %dma_wait3A_386 = arith.constant 0 : i32
    %dma_wait3A_387 = arith.constant 0 : i32
    %dma_wait3A_388 = tpu.memref_slice %arg18[%dma_wait3A_386, %dma_wait3A_387] : memref<10000x16xf32, #tpu.memory_space<vmem_shared>> -> memref<10000x16xf32, #tpu.memory_space<vmem_shared>>
    %dma_wait3A_389 = tpu.memref_slice %arg20[%dma_wait3A_382] : memref<10x!tpu.dma_semaphore, #tpu.memory_space<semaphore_mem>> -> memref<1x!tpu.dma_semaphore, #tpu.memory_space<semaphore_mem>>
    %dma_wait3A_390 = tpu.memref_squeeze %dma_wait3A_389 : memref<1x!tpu.dma_semaphore, #tpu.memory_space<semaphore_mem>> -> memref<!tpu.dma_semaphore, #tpu.memory_space<semaphore_mem>>
    tpu.wait_indirect_dma semaphore(%dma_wait3A_390 : memref<!tpu.dma_semaphore, #tpu.memory_space<semaphore_mem>>) src(%arg14 : memref<125x16xf32, #tpu.memory_space<vmem>>) dst(%dma_wait3A_388 : memref<10000x16xf32, #tpu.memory_space<vmem_shared>>)
    %dma_wait3A_391 = arith.constant 78 : i32
    %dma_wait3A_392 = arith.constant 8 : i32
    %dma_wait3A_393 = arith.constant 0 : i32
    %dma_wait3A_394 = tpu.memref_slice %arg6[%dma_wait3A_391, %dma_wait3A_393] : memref<80x125xi32, #tpu.memory_space<vmem>> -> memref<1x125xi32, #tpu.memory_space<vmem>>
    %dma_wait3A_395 = tpu.memref_squeeze %dma_wait3A_394 : memref<1x125xi32, #tpu.memory_space<vmem>> -> memref<125xi32, #tpu.memory_space<vmem>>
    %dma_wait3A_396 = arith.constant 0 : i32
    %dma_wait3A_397 = arith.constant 0 : i32
    %dma_wait3A_398 = tpu.memref_slice %arg18[%dma_wait3A_396, %dma_wait3A_397] : memref<10000x16xf32, #tpu.memory_space<vmem_shared>> -> memref<10000x16xf32, #tpu.memory_space<vmem_shared>>
    %dma_wait3A_399 = tpu.memref_slice %arg20[%dma_wait3A_392] : memref<10x!tpu.dma_semaphore, #tpu.memory_space<semaphore_mem>> -> memref<1x!tpu.dma_semaphore, #tpu.memory_space<semaphore_mem>>
    %dma_wait3A_400 = tpu.memref_squeeze %dma_wait3A_399 : memref<1x!tpu.dma_semaphore, #tpu.memory_space<semaphore_mem>> -> memref<!tpu.dma_semaphore, #tpu.memory_space<semaphore_mem>>
    tpu.wait_indirect_dma semaphore(%dma_wait3A_400 : memref<!tpu.dma_semaphore, #tpu.memory_space<semaphore_mem>>) src(%arg15 : memref<125x16xf32, #tpu.memory_space<vmem>>) dst(%dma_wait3A_398 : memref<10000x16xf32, #tpu.memory_space<vmem_shared>>)
    %dma_wait3A_401 = arith.constant 79 : i32
    %dma_wait3A_402 = arith.constant 9 : i32
    %dma_wait3A_403 = arith.constant 0 : i32
    %dma_wait3A_404 = tpu.memref_slice %arg6[%dma_wait3A_401, %dma_wait3A_403] : memref<80x125xi32, #tpu.memory_space<vmem>> -> memref<1x125xi32, #tpu.memory_space<vmem>>
    %dma_wait3A_405 = tpu.memref_squeeze %dma_wait3A_404 : memref<1x125xi32, #tpu.memory_space<vmem>> -> memref<125xi32, #tpu.memory_space<vmem>>
    %dma_wait3A_406 = arith.constant 0 : i32
    %dma_wait3A_407 = arith.constant 0 : i32
    %dma_wait3A_408 = tpu.memref_slice %arg18[%dma_wait3A_406, %dma_wait3A_407] : memref<10000x16xf32, #tpu.memory_space<vmem_shared>> -> memref<10000x16xf32, #tpu.memory_space<vmem_shared>>
    %dma_wait3A_409 = tpu.memref_slice %arg20[%dma_wait3A_402] : memref<10x!tpu.dma_semaphore, #tpu.memory_space<semaphore_mem>> -> memref<1x!tpu.dma_semaphore, #tpu.memory_space<semaphore_mem>>
    %dma_wait3A_410 = tpu.memref_squeeze %dma_wait3A_409 : memref<1x!tpu.dma_semaphore, #tpu.memory_space<semaphore_mem>> -> memref<!tpu.dma_semaphore, #tpu.memory_space<semaphore_mem>>
    tpu.wait_indirect_dma semaphore(%dma_wait3A_410 : memref<!tpu.dma_semaphore, #tpu.memory_space<semaphore_mem>>) src(%arg16 : memref<125x16xf32, #tpu.memory_space<vmem>>) dst(%dma_wait3A_408 : memref<10000x16xf32, #tpu.memory_space<vmem_shared>>)
    %barrier3A_411 = arith.constant 0 : index
    tpu.barrier barrier_id(%barrier3A_411)
    %mul3A_412 = arith.constant 625 : i32
    %mul3A_413 = arith.muli %arg1, %mul3A_412 : i32
    "tpu.region"() ({
      %run_scoped3A_414 = tpu.sem_alloc : memref<!tpu.dma_semaphore, #tpu.memory_space<semaphore_mem>>
      %dma_start3A_415 = arith.constant 0 : i32
      %dma_start3A_416 = arith.constant 0 : i32
      %dma_start3A_417 = tpu.memref_slice %arg4[%arg0, %arg1, %dma_start3A_415, %dma_start3A_416] : memref<2x16x625x16xf32, #tpu.memory_space<hbm>> -> memref<1x1x625x16xf32, #tpu.memory_space<hbm>>
      %dma_start3A_418 = tpu.memref_squeeze %dma_start3A_417 : memref<1x1x625x16xf32, #tpu.memory_space<hbm>> -> memref<625x16xf32, #tpu.memory_space<hbm>>
      %dma_start3A_419 = arith.constant 0 : i32
      %dma_start3A_420 = tpu.memref_slice %arg18[%mul3A_413, %dma_start3A_419] : memref<10000x16xf32, #tpu.memory_space<vmem_shared>> -> memref<625x16xf32, #tpu.memory_space<vmem_shared>>
      tpu.enqueue_dma source(%dma_start3A_420 : memref<625x16xf32, #tpu.memory_space<vmem_shared>>) target(%dma_start3A_418 : memref<625x16xf32, #tpu.memory_space<hbm>>) target_semaphore(%run_scoped3A_414 : memref<!tpu.dma_semaphore, #tpu.memory_space<semaphore_mem>>)
      %dma_wait3A_421 = arith.constant 0 : i32
      %dma_wait3A_422 = arith.constant 0 : i32
      %dma_wait3A_423 = tpu.memref_slice %arg4[%arg0, %arg1, %dma_wait3A_421, %dma_wait3A_422] : memref<2x16x625x16xf32, #tpu.memory_space<hbm>> -> memref<1x1x625x16xf32, #tpu.memory_space<hbm>>
      %dma_wait3A_424 = tpu.memref_squeeze %dma_wait3A_423 : memref<1x1x625x16xf32, #tpu.memory_space<hbm>> -> memref<625x16xf32, #tpu.memory_space<hbm>>
      %dma_wait3A_425 = arith.constant 0 : i32
      %dma_wait3A_426 = tpu.memref_slice %arg18[%mul3A_413, %dma_wait3A_425] : memref<10000x16xf32, #tpu.memory_space<vmem_shared>> -> memref<625x16xf32, #tpu.memory_space<vmem_shared>>
      tpu.wait_dma2 semaphore(%run_scoped3A_414 : memref<!tpu.dma_semaphore, #tpu.memory_space<semaphore_mem>>) src(%dma_wait3A_426 : memref<625x16xf32, #tpu.memory_space<vmem_shared>>) dst(%dma_wait3A_424 : memref<625x16xf32, #tpu.memory_space<hbm>>)
      tpu.yield
    }) : () -> ()
    return
  }
}

#map = affine_map<(d0, d1) -> (0, 0)>
#map1 = affine_map<(d0, d1) -> (0, 0, 0, 0)>
module attributes {stable_mosaic.version = 14 : i64} {
  func.func @_agg_kernel(%arg0: i32, %arg1: i32, %arg2: memref<10000x16xf32, #tpu.memory_space<hbm>>, %arg3: memref<2x32x80x125xi32, #tpu.memory_space<hbm>>, %arg4: memref<2x16x625x16xf32, #tpu.memory_space<hbm>>, %arg5: memref<80x125xi32, #tpu.memory_space<vmem>>, %arg6: memref<80x125xi32, #tpu.memory_space<vmem>>, %arg7: memref<125x16xf32, #tpu.memory_space<vmem>>, %arg8: memref<125x16xf32, #tpu.memory_space<vmem>>, %arg9: memref<125x16xf32, #tpu.memory_space<vmem>>, %arg10: memref<125x16xf32, #tpu.memory_space<vmem>>, %arg11: memref<125x16xf32, #tpu.memory_space<vmem>>, %arg12: memref<125x16xf32, #tpu.memory_space<vmem>>, %arg13: memref<125x16xf32, #tpu.memory_space<vmem>>, %arg14: memref<125x16xf32, #tpu.memory_space<vmem>>, %arg15: memref<125x16xf32, #tpu.memory_space<vmem>>, %arg16: memref<125x16xf32, #tpu.memory_space<vmem>>, %arg17: memref<625x16xf32, #tpu.memory_space<vmem>>, %arg18: memref<10000x16xf32, #tpu.memory_space<vmem_shared>>, %arg19: memref<10x!tpu.dma_semaphore, #tpu.memory_space<semaphore_mem>>, %arg20: memref<10x!tpu.dma_semaphore, #tpu.memory_space<semaphore_mem>>) attributes {dimension_semantics = [#tpu.dimension_semantics<core_parallel>, #tpu.dimension_semantics<subcore_parallel>], iteration_bounds = array<i64: 2, 16>, scalar_prefetch = 0 : i64, scratch_operands = 16 : i64, tpu.core_type = #tpu.core_type<sc_vector_subcore>, window_params = [{transform_indices = #map}, {transform_indices = #map1}, {transform_indices = #map1}]} {
    %mul3A = arith.constant 2 : i32
    %mul3A_0 = arith.muli %arg1, %mul3A : i32
    %add3A = arith.addi %mul3A_0, %arg0 : i32
    %scan3A = arith.constant 0 : i32
    %scan3A_1 = arith.constant 625 : i32
    %scan3A_2 = arith.addi %scan3A, %scan3A_1 : i32
    %scan3A_3 = arith.constant 1 : i32
    scf.for %scan3A_414 = %scan3A to %scan3A_2 step %scan3A_3  : i32 {
      %mul3A_415 = arith.constant 1 : i32
      %mul3A_416 = arith.muli %scan3A_414, %mul3A_415 : i32
      %add3A_417 = arith.constant 0 : i32
      %add3A_418 = arith.addi %add3A_417, %mul3A_416 : i32
      %broadcast_in_dim3A = arith.constant 0.000000e+00 : f32
      %broadcast_in_dim3A_419 = vector.broadcast %broadcast_in_dim3A : f32 to vector<16xf32>
      %swap3A = arith.index_cast %add3A_418 : i32 to index
      %swap3A_420 = arith.constant 0 : index
      %swap3A_421 = tpu.vector_load %arg17[%swap3A, %swap3A_420] {strides = array<i32>} : memref<625x16xf32, #tpu.memory_space<vmem>>, vector<1x16xf32>,
      %swap3A_422 = vector.shape_cast %swap3A_421 : vector<1x16xf32> to vector<16xf32>
      %swap3A_423 = vector.shape_cast %broadcast_in_dim3A_419 : vector<16xf32> to vector<1x16xf32>
      tpu.vector_store %arg17[%swap3A, %swap3A_420], %swap3A_423 {strides = array<i32>} : memref<625x16xf32, #tpu.memory_space<vmem>>, vector<1x16xf32>,
    }
    %scan3A_4 = arith.constant 625 : i32
    %mul3A_5 = arith.constant 625 : i32
    %mul3A_6 = arith.muli %arg1, %mul3A_5 : i32
    "tpu.region"() ({
      %run_scoped3A_414 = tpu.sem_alloc : memref<!tpu.dma_semaphore, #tpu.memory_space<semaphore_mem>>
      %dma_start3A_415 = arith.constant 0 : i32
      %dma_start3A_416 = tpu.memref_slice %arg18[%mul3A_6, %dma_start3A_415] : memref<10000x16xf32, #tpu.memory_space<vmem_shared>> -> memref<625x16xf32, #tpu.memory_space<vmem_shared>>
      %dma_start3A_417 = arith.constant 0 : i32
      %dma_start3A_418 = tpu.memref_slice %arg18[%mul3A_6, %dma_start3A_417] : memref<10000x16xf32, #tpu.memory_space<vmem_shared>> -> memref<625x16xf32, #tpu.memory_space<vmem_shared>>
      tpu.enqueue_dma source(%arg17 : memref<625x16xf32, #tpu.memory_space<vmem>>) target(%dma_start3A_418 : memref<625x16xf32, #tpu.memory_space<vmem_shared>>) target_semaphore(%run_scoped3A_414 : memref<!tpu.dma_semaphore, #tpu.memory_space<semaphore_mem>>)
      %dma_wait3A_419 = arith.constant 0 : i32
      %dma_wait3A_420 = tpu.memref_slice %arg18[%mul3A_6, %dma_wait3A_419] : memref<10000x16xf32, #tpu.memory_space<vmem_shared>> -> memref<625x16xf32, #tpu.memory_space<vmem_shared>>
      %dma_wait3A_421 = arith.constant 0 : i32
      %dma_wait3A_422 = tpu.memref_slice %arg18[%mul3A_6, %dma_wait3A_421] : memref<10000x16xf32, #tpu.memory_space<vmem_shared>> -> memref<625x16xf32, #tpu.memory_space<vmem_shared>>
      tpu.wait_dma2 semaphore(%run_scoped3A_414 : memref<!tpu.dma_semaphore, #tpu.memory_space<semaphore_mem>>) src(%arg17 : memref<625x16xf32, #tpu.memory_space<vmem>>) dst(%dma_wait3A_422 : memref<625x16xf32, #tpu.memory_space<vmem_shared>>)
      tpu.yield
    }) : () -> ()
    %run_scoped3A = arith.constant 0 : i32
    "tpu.region"() ({
      %run_scoped3A_414 = tpu.sem_alloc : memref<!tpu.dma_semaphore, #tpu.memory_space<semaphore_mem>>
      %dma_start3A_415 = arith.constant 0 : i32
      %dma_start3A_416 = arith.constant 0 : i32
      %dma_start3A_417 = tpu.memref_slice %arg3[%run_scoped3A, %add3A, %dma_start3A_415, %dma_start3A_416] : memref<2x32x80x125xi32, #tpu.memory_space<hbm>> -> memref<1x1x80x125xi32, #tpu.memory_space<hbm>>
      %dma_start3A_418 = tpu.memref_squeeze %dma_start3A_417 : memref<1x1x80x125xi32, #tpu.memory_space<hbm>> -> memref<80x125xi32, #tpu.memory_space<hbm>>
      %dma_start3A_419 = arith.constant 0 : i32
      %dma_start3A_420 = arith.constant 0 : i32
      %dma_start3A_421 = tpu.memref_slice %arg3[%run_scoped3A, %add3A, %dma_start3A_419, %dma_start3A_420] : memref<2x32x80x125xi32, #tpu.memory_space<hbm>> -> memref<1x1x80x125xi32, #tpu.memory_space<hbm>>
      %dma_start3A_422 = tpu.memref_squeeze %dma_start3A_421 : memref<1x1x80x125xi32, #tpu.memory_space<hbm>> -> memref<80x125xi32, #tpu.memory_space<hbm>>
      tpu.enqueue_dma source(%dma_start3A_422 : memref<80x125xi32, #tpu.memory_space<hbm>>) target(%arg5 : memref<80x125xi32, #tpu.memory_space<vmem>>) target_semaphore(%run_scoped3A_414 : memref<!tpu.dma_semaphore, #tpu.memory_space<semaphore_mem>>)
      %dma_wait3A_423 = arith.constant 0 : i32
      %dma_wait3A_424 = arith.constant 0 : i32
      %dma_wait3A_425 = tpu.memref_slice %arg3[%run_scoped3A, %add3A, %dma_wait3A_423, %dma_wait3A_424] : memref<2x32x80x125xi32, #tpu.memory_space<hbm>> -> memref<1x1x80x125xi32, #tpu.memory_space<hbm>>
      %dma_wait3A_426 = tpu.memref_squeeze %dma_wait3A_425 : memref<1x1x80x125xi32, #tpu.memory_space<hbm>> -> memref<80x125xi32, #tpu.memory_space<hbm>>
      %dma_wait3A_427 = arith.constant 0 : i32
      %dma_wait3A_428 = arith.constant 0 : i32
      %dma_wait3A_429 = tpu.memref_slice %arg3[%run_scoped3A, %add3A, %dma_wait3A_427, %dma_wait3A_428] : memref<2x32x80x125xi32, #tpu.memory_space<hbm>> -> memref<1x1x80x125xi32, #tpu.memory_space<hbm>>
      %dma_wait3A_430 = tpu.memref_squeeze %dma_wait3A_429 : memref<1x1x80x125xi32, #tpu.memory_space<hbm>> -> memref<80x125xi32, #tpu.memory_space<hbm>>
      tpu.wait_dma2 semaphore(%run_scoped3A_414 : memref<!tpu.dma_semaphore, #tpu.memory_space<semaphore_mem>>) src(%dma_wait3A_430 : memref<80x125xi32, #tpu.memory_space<hbm>>) dst(%arg5 : memref<80x125xi32, #tpu.memory_space<vmem>>)
      tpu.yield
    }) : () -> ()
    %run_scoped3A_7 = arith.constant 1 : i32
    "tpu.region"() ({
      %run_scoped3A_414 = tpu.sem_alloc : memref<!tpu.dma_semaphore, #tpu.memory_space<semaphore_mem>>
      %dma_start3A_415 = arith.constant 0 : i32
      %dma_start3A_416 = arith.constant 0 : i32
      %dma_start3A_417 = tpu.memref_slice %arg3[%run_scoped3A_7, %add3A, %dma_start3A_415, %dma_start3A_416] : memref<2x32x80x125xi32, #tpu.memory_space<hbm>> -> memref<1x1x80x125xi32, #tpu.memory_space<hbm>>
      %dma_start3A_418 = tpu.memref_squeeze %dma_start3A_417 : memref<1x1x80x125xi32, #tpu.memory_space<hbm>> -> memref<80x125xi32, #tpu.memory_space<hbm>>
      %dma_start3A_419 = arith.constant 0 : i32
      %dma_start3A_420 = arith.constant 0 : i32
      %dma_start3A_421 = tpu.memref_slice %arg3[%run_scoped3A_7, %add3A, %dma_start3A_419, %dma_start3A_420] : memref<2x32x80x125xi32, #tpu.memory_space<hbm>> -> memref<1x1x80x125xi32, #tpu.memory_space<hbm>>
      %dma_start3A_422 = tpu.memref_squeeze %dma_start3A_421 : memref<1x1x80x125xi32, #tpu.memory_space<hbm>> -> memref<80x125xi32, #tpu.memory_space<hbm>>
      tpu.enqueue_dma source(%dma_start3A_422 : memref<80x125xi32, #tpu.memory_space<hbm>>) target(%arg6 : memref<80x125xi32, #tpu.memory_space<vmem>>) target_semaphore(%run_scoped3A_414 : memref<!tpu.dma_semaphore, #tpu.memory_space<semaphore_mem>>)
      %dma_wait3A_423 = arith.constant 0 : i32
      %dma_wait3A_424 = arith.constant 0 : i32
      %dma_wait3A_425 = tpu.memref_slice %arg3[%run_scoped3A_7, %add3A, %dma_wait3A_423, %dma_wait3A_424] : memref<2x32x80x125xi32, #tpu.memory_space<hbm>> -> memref<1x1x80x125xi32, #tpu.memory_space<hbm>>
      %dma_wait3A_426 = tpu.memref_squeeze %dma_wait3A_425 : memref<1x1x80x125xi32, #tpu.memory_space<hbm>> -> memref<80x125xi32, #tpu.memory_space<hbm>>
      %dma_wait3A_427 = arith.constant 0 : i32
      %dma_wait3A_428 = arith.constant 0 : i32
      %dma_wait3A_429 = tpu.memref_slice %arg3[%run_scoped3A_7, %add3A, %dma_wait3A_427, %dma_wait3A_428] : memref<2x32x80x125xi32, #tpu.memory_space<hbm>> -> memref<1x1x80x125xi32, #tpu.memory_space<hbm>>
      %dma_wait3A_430 = tpu.memref_squeeze %dma_wait3A_429 : memref<1x1x80x125xi32, #tpu.memory_space<hbm>> -> memref<80x125xi32, #tpu.memory_space<hbm>>
      tpu.wait_dma2 semaphore(%run_scoped3A_414 : memref<!tpu.dma_semaphore, #tpu.memory_space<semaphore_mem>>) src(%dma_wait3A_430 : memref<80x125xi32, #tpu.memory_space<hbm>>) dst(%arg6 : memref<80x125xi32, #tpu.memory_space<vmem>>)
      tpu.yield
    }) : () -> ()
    %barrier3A = arith.constant 0 : index
    tpu.barrier barrier_id(%barrier3A)
    %dma_start3A = arith.constant 0 : i32
    %dma_start3A_8 = arith.constant 0 : i32
    %dma_start3A_9 = arith.constant 0 : i32
    %dma_start3A_10 = tpu.memref_slice %arg5[%dma_start3A, %dma_start3A_9] : memref<80x125xi32, #tpu.memory_space<vmem>> -> memref<1x125xi32, #tpu.memory_space<vmem>>
    %dma_start3A_11 = tpu.memref_squeeze %dma_start3A_10 : memref<1x125xi32, #tpu.memory_space<vmem>> -> memref<125xi32, #tpu.memory_space<vmem>>
    %dma_start3A_12 = arith.constant 0 : i32
    %dma_start3A_13 = arith.constant 0 : i32
    %dma_start3A_14 = tpu.memref_slice %arg2[%dma_start3A_12, %dma_start3A_13] : memref<10000x16xf32, #tpu.memory_space<hbm>> -> memref<10000x16xf32, #tpu.memory_space<hbm>>
    %dma_start3A_15 = tpu.memref_slice %arg19[%dma_start3A_8] : memref<10x!tpu.dma_semaphore, #tpu.memory_space<semaphore_mem>> -> memref<1x!tpu.dma_semaphore, #tpu.memory_space<semaphore_mem>>
    %dma_start3A_16 = tpu.memref_squeeze %dma_start3A_15 : memref<1x!tpu.dma_semaphore, #tpu.memory_space<semaphore_mem>> -> memref<!tpu.dma_semaphore, #tpu.memory_space<semaphore_mem>>
    tpu.enqueue_indirect_dma source(%dma_start3A_14 : memref<10000x16xf32, #tpu.memory_space<hbm>>) target(%arg7 : memref<125x16xf32, #tpu.memory_space<vmem>>) offsets(%dma_start3A_11 : memref<125xi32, #tpu.memory_space<vmem>>) semaphore(%dma_start3A_16 : memref<!tpu.dma_semaphore, #tpu.memory_space<semaphore_mem>>)
    %dma_start3A_17 = arith.constant 1 : i32
    %dma_start3A_18 = arith.constant 1 : i32
    %dma_start3A_19 = arith.constant 0 : i32
    %dma_start3A_20 = tpu.memref_slice %arg5[%dma_start3A_17, %dma_start3A_19] : memref<80x125xi32, #tpu.memory_space<vmem>> -> memref<1x125xi32, #tpu.memory_space<vmem>>
    %dma_start3A_21 = tpu.memref_squeeze %dma_start3A_20 : memref<1x125xi32, #tpu.memory_space<vmem>> -> memref<125xi32, #tpu.memory_space<vmem>>
    %dma_start3A_22 = arith.constant 0 : i32
    %dma_start3A_23 = arith.constant 0 : i32
    %dma_start3A_24 = tpu.memref_slice %arg2[%dma_start3A_22, %dma_start3A_23] : memref<10000x16xf32, #tpu.memory_space<hbm>> -> memref<10000x16xf32, #tpu.memory_space<hbm>>
    %dma_start3A_25 = tpu.memref_slice %arg19[%dma_start3A_18] : memref<10x!tpu.dma_semaphore, #tpu.memory_space<semaphore_mem>> -> memref<1x!tpu.dma_semaphore, #tpu.memory_space<semaphore_mem>>
    %dma_start3A_26 = tpu.memref_squeeze %dma_start3A_25 : memref<1x!tpu.dma_semaphore, #tpu.memory_space<semaphore_mem>> -> memref<!tpu.dma_semaphore, #tpu.memory_space<semaphore_mem>>
    tpu.enqueue_indirect_dma source(%dma_start3A_24 : memref<10000x16xf32, #tpu.memory_space<hbm>>) target(%arg8 : memref<125x16xf32, #tpu.memory_space<vmem>>) offsets(%dma_start3A_21 : memref<125xi32, #tpu.memory_space<vmem>>) semaphore(%dma_start3A_26 : memref<!tpu.dma_semaphore, #tpu.memory_space<semaphore_mem>>)
    %dma_start3A_27 = arith.constant 2 : i32
    %dma_start3A_28 = arith.constant 2 : i32
    %dma_start3A_29 = arith.constant 0 : i32
    %dma_start3A_30 = tpu.memref_slice %arg5[%dma_start3A_27, %dma_start3A_29] : memref<80x125xi32, #tpu.memory_space<vmem>> -> memref<1x125xi32, #tpu.memory_space<vmem>>
    %dma_start3A_31 = tpu.memref_squeeze %dma_start3A_30 : memref<1x125xi32, #tpu.memory_space<vmem>> -> memref<125xi32, #tpu.memory_space<vmem>>
    %dma_start3A_32 = arith.constant 0 : i32
    %dma_start3A_33 = arith.constant 0 : i32
    %dma_start3A_34 = tpu.memref_slice %arg2[%dma_start3A_32, %dma_start3A_33] : memref<10000x16xf32, #tpu.memory_space<hbm>> -> memref<10000x16xf32, #tpu.memory_space<hbm>>
    %dma_start3A_35 = tpu.memref_slice %arg19[%dma_start3A_28] : memref<10x!tpu.dma_semaphore, #tpu.memory_space<semaphore_mem>> -> memref<1x!tpu.dma_semaphore, #tpu.memory_space<semaphore_mem>>
    %dma_start3A_36 = tpu.memref_squeeze %dma_start3A_35 : memref<1x!tpu.dma_semaphore, #tpu.memory_space<semaphore_mem>> -> memref<!tpu.dma_semaphore, #tpu.memory_space<semaphore_mem>>
    tpu.enqueue_indirect_dma source(%dma_start3A_34 : memref<10000x16xf32, #tpu.memory_space<hbm>>) target(%arg9 : memref<125x16xf32, #tpu.memory_space<vmem>>) offsets(%dma_start3A_31 : memref<125xi32, #tpu.memory_space<vmem>>) semaphore(%dma_start3A_36 : memref<!tpu.dma_semaphore, #tpu.memory_space<semaphore_mem>>)
    %dma_start3A_37 = arith.constant 3 : i32
    %dma_start3A_38 = arith.constant 3 : i32
    %dma_start3A_39 = arith.constant 0 : i32
    %dma_start3A_40 = tpu.memref_slice %arg5[%dma_start3A_37, %dma_start3A_39] : memref<80x125xi32, #tpu.memory_space<vmem>> -> memref<1x125xi32, #tpu.memory_space<vmem>>
    %dma_start3A_41 = tpu.memref_squeeze %dma_start3A_40 : memref<1x125xi32, #tpu.memory_space<vmem>> -> memref<125xi32, #tpu.memory_space<vmem>>
    %dma_start3A_42 = arith.constant 0 : i32
    %dma_start3A_43 = arith.constant 0 : i32
    %dma_start3A_44 = tpu.memref_slice %arg2[%dma_start3A_42, %dma_start3A_43] : memref<10000x16xf32, #tpu.memory_space<hbm>> -> memref<10000x16xf32, #tpu.memory_space<hbm>>
    %dma_start3A_45 = tpu.memref_slice %arg19[%dma_start3A_38] : memref<10x!tpu.dma_semaphore, #tpu.memory_space<semaphore_mem>> -> memref<1x!tpu.dma_semaphore, #tpu.memory_space<semaphore_mem>>
    %dma_start3A_46 = tpu.memref_squeeze %dma_start3A_45 : memref<1x!tpu.dma_semaphore, #tpu.memory_space<semaphore_mem>> -> memref<!tpu.dma_semaphore, #tpu.memory_space<semaphore_mem>>
    tpu.enqueue_indirect_dma source(%dma_start3A_44 : memref<10000x16xf32, #tpu.memory_space<hbm>>) target(%arg10 : memref<125x16xf32, #tpu.memory_space<vmem>>) offsets(%dma_start3A_41 : memref<125xi32, #tpu.memory_space<vmem>>) semaphore(%dma_start3A_46 : memref<!tpu.dma_semaphore, #tpu.memory_space<semaphore_mem>>)
    %dma_start3A_47 = arith.constant 4 : i32
    %dma_start3A_48 = arith.constant 4 : i32
    %dma_start3A_49 = arith.constant 0 : i32
    %dma_start3A_50 = tpu.memref_slice %arg5[%dma_start3A_47, %dma_start3A_49] : memref<80x125xi32, #tpu.memory_space<vmem>> -> memref<1x125xi32, #tpu.memory_space<vmem>>
    %dma_start3A_51 = tpu.memref_squeeze %dma_start3A_50 : memref<1x125xi32, #tpu.memory_space<vmem>> -> memref<125xi32, #tpu.memory_space<vmem>>
    %dma_start3A_52 = arith.constant 0 : i32
    %dma_start3A_53 = arith.constant 0 : i32
    %dma_start3A_54 = tpu.memref_slice %arg2[%dma_start3A_52, %dma_start3A_53] : memref<10000x16xf32, #tpu.memory_space<hbm>> -> memref<10000x16xf32, #tpu.memory_space<hbm>>
    %dma_start3A_55 = tpu.memref_slice %arg19[%dma_start3A_48] : memref<10x!tpu.dma_semaphore, #tpu.memory_space<semaphore_mem>> -> memref<1x!tpu.dma_semaphore, #tpu.memory_space<semaphore_mem>>
    %dma_start3A_56 = tpu.memref_squeeze %dma_start3A_55 : memref<1x!tpu.dma_semaphore, #tpu.memory_space<semaphore_mem>> -> memref<!tpu.dma_semaphore, #tpu.memory_space<semaphore_mem>>
    tpu.enqueue_indirect_dma source(%dma_start3A_54 : memref<10000x16xf32, #tpu.memory_space<hbm>>) target(%arg11 : memref<125x16xf32, #tpu.memory_space<vmem>>) offsets(%dma_start3A_51 : memref<125xi32, #tpu.memory_space<vmem>>) semaphore(%dma_start3A_56 : memref<!tpu.dma_semaphore, #tpu.memory_space<semaphore_mem>>)
    %dma_start3A_57 = arith.constant 5 : i32
    %dma_start3A_58 = arith.constant 5 : i32
    %dma_start3A_59 = arith.constant 0 : i32
    %dma_start3A_60 = tpu.memref_slice %arg5[%dma_start3A_57, %dma_start3A_59] : memref<80x125xi32, #tpu.memory_space<vmem>> -> memref<1x125xi32, #tpu.memory_space<vmem>>
    %dma_start3A_61 = tpu.memref_squeeze %dma_start3A_60 : memref<1x125xi32, #tpu.memory_space<vmem>> -> memref<125xi32, #tpu.memory_space<vmem>>
    %dma_start3A_62 = arith.constant 0 : i32
    %dma_start3A_63 = arith.constant 0 : i32
    %dma_start3A_64 = tpu.memref_slice %arg2[%dma_start3A_62, %dma_start3A_63] : memref<10000x16xf32, #tpu.memory_space<hbm>> -> memref<10000x16xf32, #tpu.memory_space<hbm>>
    %dma_start3A_65 = tpu.memref_slice %arg19[%dma_start3A_58] : memref<10x!tpu.dma_semaphore, #tpu.memory_space<semaphore_mem>> -> memref<1x!tpu.dma_semaphore, #tpu.memory_space<semaphore_mem>>
    %dma_start3A_66 = tpu.memref_squeeze %dma_start3A_65 : memref<1x!tpu.dma_semaphore, #tpu.memory_space<semaphore_mem>> -> memref<!tpu.dma_semaphore, #tpu.memory_space<semaphore_mem>>
    tpu.enqueue_indirect_dma source(%dma_start3A_64 : memref<10000x16xf32, #tpu.memory_space<hbm>>) target(%arg12 : memref<125x16xf32, #tpu.memory_space<vmem>>) offsets(%dma_start3A_61 : memref<125xi32, #tpu.memory_space<vmem>>) semaphore(%dma_start3A_66 : memref<!tpu.dma_semaphore, #tpu.memory_space<semaphore_mem>>)
    %dma_start3A_67 = arith.constant 6 : i32
    %dma_start3A_68 = arith.constant 6 : i32
    %dma_start3A_69 = arith.constant 0 : i32
    %dma_start3A_70 = tpu.memref_slice %arg5[%dma_start3A_67, %dma_start3A_69] : memref<80x125xi32, #tpu.memory_space<vmem>> -> memref<1x125xi32, #tpu.memory_space<vmem>>
    %dma_start3A_71 = tpu.memref_squeeze %dma_start3A_70 : memref<1x125xi32, #tpu.memory_space<vmem>> -> memref<125xi32, #tpu.memory_space<vmem>>
    %dma_start3A_72 = arith.constant 0 : i32
    %dma_start3A_73 = arith.constant 0 : i32
    %dma_start3A_74 = tpu.memref_slice %arg2[%dma_start3A_72, %dma_start3A_73] : memref<10000x16xf32, #tpu.memory_space<hbm>> -> memref<10000x16xf32, #tpu.memory_space<hbm>>
    %dma_start3A_75 = tpu.memref_slice %arg19[%dma_start3A_68] : memref<10x!tpu.dma_semaphore, #tpu.memory_space<semaphore_mem>> -> memref<1x!tpu.dma_semaphore, #tpu.memory_space<semaphore_mem>>
    %dma_start3A_76 = tpu.memref_squeeze %dma_start3A_75 : memref<1x!tpu.dma_semaphore, #tpu.memory_space<semaphore_mem>> -> memref<!tpu.dma_semaphore, #tpu.memory_space<semaphore_mem>>
    tpu.enqueue_indirect_dma source(%dma_start3A_74 : memref<10000x16xf32, #tpu.memory_space<hbm>>) target(%arg13 : memref<125x16xf32, #tpu.memory_space<vmem>>) offsets(%dma_start3A_71 : memref<125xi32, #tpu.memory_space<vmem>>) semaphore(%dma_start3A_76 : memref<!tpu.dma_semaphore, #tpu.memory_space<semaphore_mem>>)
    %dma_start3A_77 = arith.constant 7 : i32
    %dma_start3A_78 = arith.constant 7 : i32
    %dma_start3A_79 = arith.constant 0 : i32
    %dma_start3A_80 = tpu.memref_slice %arg5[%dma_start3A_77, %dma_start3A_79] : memref<80x125xi32, #tpu.memory_space<vmem>> -> memref<1x125xi32, #tpu.memory_space<vmem>>
    %dma_start3A_81 = tpu.memref_squeeze %dma_start3A_80 : memref<1x125xi32, #tpu.memory_space<vmem>> -> memref<125xi32, #tpu.memory_space<vmem>>
    %dma_start3A_82 = arith.constant 0 : i32
    %dma_start3A_83 = arith.constant 0 : i32
    %dma_start3A_84 = tpu.memref_slice %arg2[%dma_start3A_82, %dma_start3A_83] : memref<10000x16xf32, #tpu.memory_space<hbm>> -> memref<10000x16xf32, #tpu.memory_space<hbm>>
    %dma_start3A_85 = tpu.memref_slice %arg19[%dma_start3A_78] : memref<10x!tpu.dma_semaphore, #tpu.memory_space<semaphore_mem>> -> memref<1x!tpu.dma_semaphore, #tpu.memory_space<semaphore_mem>>
    %dma_start3A_86 = tpu.memref_squeeze %dma_start3A_85 : memref<1x!tpu.dma_semaphore, #tpu.memory_space<semaphore_mem>> -> memref<!tpu.dma_semaphore, #tpu.memory_space<semaphore_mem>>
    tpu.enqueue_indirect_dma source(%dma_start3A_84 : memref<10000x16xf32, #tpu.memory_space<hbm>>) target(%arg14 : memref<125x16xf32, #tpu.memory_space<vmem>>) offsets(%dma_start3A_81 : memref<125xi32, #tpu.memory_space<vmem>>) semaphore(%dma_start3A_86 : memref<!tpu.dma_semaphore, #tpu.memory_space<semaphore_mem>>)
    %dma_start3A_87 = arith.constant 8 : i32
    %dma_start3A_88 = arith.constant 8 : i32
    %dma_start3A_89 = arith.constant 0 : i32
    %dma_start3A_90 = tpu.memref_slice %arg5[%dma_start3A_87, %dma_start3A_89] : memref<80x125xi32, #tpu.memory_space<vmem>> -> memref<1x125xi32, #tpu.memory_space<vmem>>
    %dma_start3A_91 = tpu.memref_squeeze %dma_start3A_90 : memref<1x125xi32, #tpu.memory_space<vmem>> -> memref<125xi32, #tpu.memory_space<vmem>>
    %dma_start3A_92 = arith.constant 0 : i32
    %dma_start3A_93 = arith.constant 0 : i32
    %dma_start3A_94 = tpu.memref_slice %arg2[%dma_start3A_92, %dma_start3A_93] : memref<10000x16xf32, #tpu.memory_space<hbm>> -> memref<10000x16xf32, #tpu.memory_space<hbm>>
    %dma_start3A_95 = tpu.memref_slice %arg19[%dma_start3A_88] : memref<10x!tpu.dma_semaphore, #tpu.memory_space<semaphore_mem>> -> memref<1x!tpu.dma_semaphore, #tpu.memory_space<semaphore_mem>>
    %dma_start3A_96 = tpu.memref_squeeze %dma_start3A_95 : memref<1x!tpu.dma_semaphore, #tpu.memory_space<semaphore_mem>> -> memref<!tpu.dma_semaphore, #tpu.memory_space<semaphore_mem>>
    tpu.enqueue_indirect_dma source(%dma_start3A_94 : memref<10000x16xf32, #tpu.memory_space<hbm>>) target(%arg15 : memref<125x16xf32, #tpu.memory_space<vmem>>) offsets(%dma_start3A_91 : memref<125xi32, #tpu.memory_space<vmem>>) semaphore(%dma_start3A_96 : memref<!tpu.dma_semaphore, #tpu.memory_space<semaphore_mem>>)
    %dma_start3A_97 = arith.constant 9 : i32
    %dma_start3A_98 = arith.constant 9 : i32
    %dma_start3A_99 = arith.constant 0 : i32
    %dma_start3A_100 = tpu.memref_slice %arg5[%dma_start3A_97, %dma_start3A_99] : memref<80x125xi32, #tpu.memory_space<vmem>> -> memref<1x125xi32, #tpu.memory_space<vmem>>
    %dma_start3A_101 = tpu.memref_squeeze %dma_start3A_100 : memref<1x125xi32, #tpu.memory_space<vmem>> -> memref<125xi32, #tpu.memory_space<vmem>>
    %dma_start3A_102 = arith.constant 0 : i32
    %dma_start3A_103 = arith.constant 0 : i32
    %dma_start3A_104 = tpu.memref_slice %arg2[%dma_start3A_102, %dma_start3A_103] : memref<10000x16xf32, #tpu.memory_space<hbm>> -> memref<10000x16xf32, #tpu.memory_space<hbm>>
    %dma_start3A_105 = tpu.memref_slice %arg19[%dma_start3A_98] : memref<10x!tpu.dma_semaphore, #tpu.memory_space<semaphore_mem>> -> memref<1x!tpu.dma_semaphore, #tpu.memory_space<semaphore_mem>>
    %dma_start3A_106 = tpu.memref_squeeze %dma_start3A_105 : memref<1x!tpu.dma_semaphore, #tpu.memory_space<semaphore_mem>> -> memref<!tpu.dma_semaphore, #tpu.memory_space<semaphore_mem>>
    tpu.enqueue_indirect_dma source(%dma_start3A_104 : memref<10000x16xf32, #tpu.memory_space<hbm>>) target(%arg16 : memref<125x16xf32, #tpu.memory_space<vmem>>) offsets(%dma_start3A_101 : memref<125xi32, #tpu.memory_space<vmem>>) semaphore(%dma_start3A_106 : memref<!tpu.dma_semaphore, #tpu.memory_space<semaphore_mem>>)
    %scan3A_107 = arith.constant 0 : i32
    %scan3A_108 = arith.constant 7 : i32
    %scan3A_109 = arith.addi %scan3A_107, %scan3A_108 : i32
    %scan3A_110 = arith.constant 1 : i32
    scf.for %scan3A_414 = %scan3A_107 to %scan3A_109 step %scan3A_110  : i32 {
      %mul3A_415 = arith.constant 10 : i32
      %mul3A_416 = arith.muli %scan3A_414, %mul3A_415 : i32
      %add3A_417 = arith.constant 0 : i32
      %add3A_418 = arith.addi %add3A_417, %mul3A_416 : i32
      %add3A_419 = arith.constant 0 : i32
      %add3A_420 = arith.addi %add3A_418, %add3A_419 : i32
      %dma_wait3A_421 = arith.constant 0 : i32
      %dma_wait3A_422 = arith.constant 0 : i32
      %dma_wait3A_423 = tpu.memref_slice %arg5[%add3A_420, %dma_wait3A_422] : memref<80x125xi32, #tpu.memory_space<vmem>> -> memref<1x125xi32, #tpu.memory_space<vmem>>
      %dma_wait3A_424 = tpu.memref_squeeze %dma_wait3A_423 : memref<1x125xi32, #tpu.memory_space<vmem>> -> memref<125xi32, #tpu.memory_space<vmem>>
      %dma_wait3A_425 = arith.constant 0 : i32
      %dma_wait3A_426 = arith.constant 0 : i32
      %dma_wait3A_427 = tpu.memref_slice %arg2[%dma_wait3A_425, %dma_wait3A_426] : memref<10000x16xf32, #tpu.memory_space<hbm>> -> memref<10000x16xf32, #tpu.memory_space<hbm>>
      %dma_wait3A_428 = tpu.memref_slice %arg19[%dma_wait3A_421] : memref<10x!tpu.dma_semaphore, #tpu.memory_space<semaphore_mem>> -> memref<1x!tpu.dma_semaphore, #tpu.memory_space<semaphore_mem>>
      %dma_wait3A_429 = tpu.memref_squeeze %dma_wait3A_428 : memref<1x!tpu.dma_semaphore, #tpu.memory_space<semaphore_mem>> -> memref<!tpu.dma_semaphore, #tpu.memory_space<semaphore_mem>>
      tpu.wait_indirect_dma semaphore(%dma_wait3A_429 : memref<!tpu.dma_semaphore, #tpu.memory_space<semaphore_mem>>) src(%dma_wait3A_427 : memref<10000x16xf32, #tpu.memory_space<hbm>>) dst(%arg7 : memref<125x16xf32, #tpu.memory_space<vmem>>)
      %add3A_430 = arith.constant 0 : i32
      %add3A_431 = arith.addi %add3A_418, %add3A_430 : i32
      %dma_start3A_432 = arith.constant 0 : i32
      %dma_start3A_433 = arith.constant 0 : i32
      %dma_start3A_434 = tpu.memref_slice %arg6[%add3A_431, %dma_start3A_433] : memref<80x125xi32, #tpu.memory_space<vmem>> -> memref<1x125xi32, #tpu.memory_space<vmem>>
      %dma_start3A_435 = tpu.memref_squeeze %dma_start3A_434 : memref<1x125xi32, #tpu.memory_space<vmem>> -> memref<125xi32, #tpu.memory_space<vmem>>
      %dma_start3A_436 = arith.constant 0 : i32
      %dma_start3A_437 = arith.constant 0 : i32
      %dma_start3A_438 = tpu.memref_slice %arg18[%dma_start3A_436, %dma_start3A_437] : memref<10000x16xf32, #tpu.memory_space<vmem_shared>> -> memref<10000x16xf32, #tpu.memory_space<vmem_shared>>
      %dma_start3A_439 = tpu.memref_slice %arg20[%dma_start3A_432] : memref<10x!tpu.dma_semaphore, #tpu.memory_space<semaphore_mem>> -> memref<1x!tpu.dma_semaphore, #tpu.memory_space<semaphore_mem>>
      %dma_start3A_440 = tpu.memref_squeeze %dma_start3A_439 : memref<1x!tpu.dma_semaphore, #tpu.memory_space<semaphore_mem>> -> memref<!tpu.dma_semaphore, #tpu.memory_space<semaphore_mem>>
      tpu.enqueue_indirect_dma source(%arg7 : memref<125x16xf32, #tpu.memory_space<vmem>>) target(%dma_start3A_438 : memref<10000x16xf32, #tpu.memory_space<vmem_shared>>) offsets(%dma_start3A_435 : memref<125xi32, #tpu.memory_space<vmem>>) semaphore(%dma_start3A_440 : memref<!tpu.dma_semaphore, #tpu.memory_space<semaphore_mem>>) {add = true}
      %add3A_441 = arith.constant 1 : i32
      %add3A_442 = arith.addi %add3A_418, %add3A_441 : i32
      %dma_wait3A_443 = arith.constant 1 : i32
      %dma_wait3A_444 = arith.constant 0 : i32
      %dma_wait3A_445 = tpu.memref_slice %arg5[%add3A_442, %dma_wait3A_444] : memref<80x125xi32, #tpu.memory_space<vmem>> -> memref<1x125xi32, #tpu.memory_space<vmem>>
      %dma_wait3A_446 = tpu.memref_squeeze %dma_wait3A_445 : memref<1x125xi32, #tpu.memory_space<vmem>> -> memref<125xi32, #tpu.memory_space<vmem>>
      %dma_wait3A_447 = arith.constant 0 : i32
      %dma_wait3A_448 = arith.constant 0 : i32
      %dma_wait3A_449 = tpu.memref_slice %arg2[%dma_wait3A_447, %dma_wait3A_448] : memref<10000x16xf32, #tpu.memory_space<hbm>> -> memref<10000x16xf32, #tpu.memory_space<hbm>>
      %dma_wait3A_450 = tpu.memref_slice %arg19[%dma_wait3A_443] : memref<10x!tpu.dma_semaphore, #tpu.memory_space<semaphore_mem>> -> memref<1x!tpu.dma_semaphore, #tpu.memory_space<semaphore_mem>>
      %dma_wait3A_451 = tpu.memref_squeeze %dma_wait3A_450 : memref<1x!tpu.dma_semaphore, #tpu.memory_space<semaphore_mem>> -> memref<!tpu.dma_semaphore, #tpu.memory_space<semaphore_mem>>
      tpu.wait_indirect_dma semaphore(%dma_wait3A_451 : memref<!tpu.dma_semaphore, #tpu.memory_space<semaphore_mem>>) src(%dma_wait3A_449 : memref<10000x16xf32, #tpu.memory_space<hbm>>) dst(%arg8 : memref<125x16xf32, #tpu.memory_space<vmem>>)
      %add3A_452 = arith.constant 1 : i32
      %add3A_453 = arith.addi %add3A_418, %add3A_452 : i32
      %dma_start3A_454 = arith.constant 1 : i32
      %dma_start3A_455 = arith.constant 0 : i32
      %dma_start3A_456 = tpu.memref_slice %arg6[%add3A_453, %dma_start3A_455] : memref<80x125xi32, #tpu.memory_space<vmem>> -> memref<1x125xi32, #tpu.memory_space<vmem>>
      %dma_start3A_457 = tpu.memref_squeeze %dma_start3A_456 : memref<1x125xi32, #tpu.memory_space<vmem>> -> memref<125xi32, #tpu.memory_space<vmem>>
      %dma_start3A_458 = arith.constant 0 : i32
      %dma_start3A_459 = arith.constant 0 : i32
      %dma_start3A_460 = tpu.memref_slice %arg18[%dma_start3A_458, %dma_start3A_459] : memref<10000x16xf32, #tpu.memory_space<vmem_shared>> -> memref<10000x16xf32, #tpu.memory_space<vmem_shared>>
      %dma_start3A_461 = tpu.memref_slice %arg20[%dma_start3A_454] : memref<10x!tpu.dma_semaphore, #tpu.memory_space<semaphore_mem>> -> memref<1x!tpu.dma_semaphore, #tpu.memory_space<semaphore_mem>>
      %dma_start3A_462 = tpu.memref_squeeze %dma_start3A_461 : memref<1x!tpu.dma_semaphore, #tpu.memory_space<semaphore_mem>> -> memref<!tpu.dma_semaphore, #tpu.memory_space<semaphore_mem>>
      tpu.enqueue_indirect_dma source(%arg8 : memref<125x16xf32, #tpu.memory_space<vmem>>) target(%dma_start3A_460 : memref<10000x16xf32, #tpu.memory_space<vmem_shared>>) offsets(%dma_start3A_457 : memref<125xi32, #tpu.memory_space<vmem>>) semaphore(%dma_start3A_462 : memref<!tpu.dma_semaphore, #tpu.memory_space<semaphore_mem>>) {add = true}
      %add3A_463 = arith.constant 2 : i32
      %add3A_464 = arith.addi %add3A_418, %add3A_463 : i32
      %dma_wait3A_465 = arith.constant 2 : i32
      %dma_wait3A_466 = arith.constant 0 : i32
      %dma_wait3A_467 = tpu.memref_slice %arg5[%add3A_464, %dma_wait3A_466] : memref<80x125xi32, #tpu.memory_space<vmem>> -> memref<1x125xi32, #tpu.memory_space<vmem>>
      %dma_wait3A_468 = tpu.memref_squeeze %dma_wait3A_467 : memref<1x125xi32, #tpu.memory_space<vmem>> -> memref<125xi32, #tpu.memory_space<vmem>>
      %dma_wait3A_469 = arith.constant 0 : i32
      %dma_wait3A_470 = arith.constant 0 : i32
      %dma_wait3A_471 = tpu.memref_slice %arg2[%dma_wait3A_469, %dma_wait3A_470] : memref<10000x16xf32, #tpu.memory_space<hbm>> -> memref<10000x16xf32, #tpu.memory_space<hbm>>
      %dma_wait3A_472 = tpu.memref_slice %arg19[%dma_wait3A_465] : memref<10x!tpu.dma_semaphore, #tpu.memory_space<semaphore_mem>> -> memref<1x!tpu.dma_semaphore, #tpu.memory_space<semaphore_mem>>
      %dma_wait3A_473 = tpu.memref_squeeze %dma_wait3A_472 : memref<1x!tpu.dma_semaphore, #tpu.memory_space<semaphore_mem>> -> memref<!tpu.dma_semaphore, #tpu.memory_space<semaphore_mem>>
      tpu.wait_indirect_dma semaphore(%dma_wait3A_473 : memref<!tpu.dma_semaphore, #tpu.memory_space<semaphore_mem>>) src(%dma_wait3A_471 : memref<10000x16xf32, #tpu.memory_space<hbm>>) dst(%arg9 : memref<125x16xf32, #tpu.memory_space<vmem>>)
      %add3A_474 = arith.constant 2 : i32
      %add3A_475 = arith.addi %add3A_418, %add3A_474 : i32
      %dma_start3A_476 = arith.constant 2 : i32
      %dma_start3A_477 = arith.constant 0 : i32
      %dma_start3A_478 = tpu.memref_slice %arg6[%add3A_475, %dma_start3A_477] : memref<80x125xi32, #tpu.memory_space<vmem>> -> memref<1x125xi32, #tpu.memory_space<vmem>>
      %dma_start3A_479 = tpu.memref_squeeze %dma_start3A_478 : memref<1x125xi32, #tpu.memory_space<vmem>> -> memref<125xi32, #tpu.memory_space<vmem>>
      %dma_start3A_480 = arith.constant 0 : i32
      %dma_start3A_481 = arith.constant 0 : i32
      %dma_start3A_482 = tpu.memref_slice %arg18[%dma_start3A_480, %dma_start3A_481] : memref<10000x16xf32, #tpu.memory_space<vmem_shared>> -> memref<10000x16xf32, #tpu.memory_space<vmem_shared>>
      %dma_start3A_483 = tpu.memref_slice %arg20[%dma_start3A_476] : memref<10x!tpu.dma_semaphore, #tpu.memory_space<semaphore_mem>> -> memref<1x!tpu.dma_semaphore, #tpu.memory_space<semaphore_mem>>
      %dma_start3A_484 = tpu.memref_squeeze %dma_start3A_483 : memref<1x!tpu.dma_semaphore, #tpu.memory_space<semaphore_mem>> -> memref<!tpu.dma_semaphore, #tpu.memory_space<semaphore_mem>>
      tpu.enqueue_indirect_dma source(%arg9 : memref<125x16xf32, #tpu.memory_space<vmem>>) target(%dma_start3A_482 : memref<10000x16xf32, #tpu.memory_space<vmem_shared>>) offsets(%dma_start3A_479 : memref<125xi32, #tpu.memory_space<vmem>>) semaphore(%dma_start3A_484 : memref<!tpu.dma_semaphore, #tpu.memory_space<semaphore_mem>>) {add = true}
      %add3A_485 = arith.constant 3 : i32
      %add3A_486 = arith.addi %add3A_418, %add3A_485 : i32
      %dma_wait3A_487 = arith.constant 3 : i32
      %dma_wait3A_488 = arith.constant 0 : i32
      %dma_wait3A_489 = tpu.memref_slice %arg5[%add3A_486, %dma_wait3A_488] : memref<80x125xi32, #tpu.memory_space<vmem>> -> memref<1x125xi32, #tpu.memory_space<vmem>>
      %dma_wait3A_490 = tpu.memref_squeeze %dma_wait3A_489 : memref<1x125xi32, #tpu.memory_space<vmem>> -> memref<125xi32, #tpu.memory_space<vmem>>
      %dma_wait3A_491 = arith.constant 0 : i32
      %dma_wait3A_492 = arith.constant 0 : i32
      %dma_wait3A_493 = tpu.memref_slice %arg2[%dma_wait3A_491, %dma_wait3A_492] : memref<10000x16xf32, #tpu.memory_space<hbm>> -> memref<10000x16xf32, #tpu.memory_space<hbm>>
      %dma_wait3A_494 = tpu.memref_slice %arg19[%dma_wait3A_487] : memref<10x!tpu.dma_semaphore, #tpu.memory_space<semaphore_mem>> -> memref<1x!tpu.dma_semaphore, #tpu.memory_space<semaphore_mem>>
      %dma_wait3A_495 = tpu.memref_squeeze %dma_wait3A_494 : memref<1x!tpu.dma_semaphore, #tpu.memory_space<semaphore_mem>> -> memref<!tpu.dma_semaphore, #tpu.memory_space<semaphore_mem>>
      tpu.wait_indirect_dma semaphore(%dma_wait3A_495 : memref<!tpu.dma_semaphore, #tpu.memory_space<semaphore_mem>>) src(%dma_wait3A_493 : memref<10000x16xf32, #tpu.memory_space<hbm>>) dst(%arg10 : memref<125x16xf32, #tpu.memory_space<vmem>>)
      %add3A_496 = arith.constant 3 : i32
      %add3A_497 = arith.addi %add3A_418, %add3A_496 : i32
      %dma_start3A_498 = arith.constant 3 : i32
      %dma_start3A_499 = arith.constant 0 : i32
      %dma_start3A_500 = tpu.memref_slice %arg6[%add3A_497, %dma_start3A_499] : memref<80x125xi32, #tpu.memory_space<vmem>> -> memref<1x125xi32, #tpu.memory_space<vmem>>
      %dma_start3A_501 = tpu.memref_squeeze %dma_start3A_500 : memref<1x125xi32, #tpu.memory_space<vmem>> -> memref<125xi32, #tpu.memory_space<vmem>>
      %dma_start3A_502 = arith.constant 0 : i32
      %dma_start3A_503 = arith.constant 0 : i32
      %dma_start3A_504 = tpu.memref_slice %arg18[%dma_start3A_502, %dma_start3A_503] : memref<10000x16xf32, #tpu.memory_space<vmem_shared>> -> memref<10000x16xf32, #tpu.memory_space<vmem_shared>>
      %dma_start3A_505 = tpu.memref_slice %arg20[%dma_start3A_498] : memref<10x!tpu.dma_semaphore, #tpu.memory_space<semaphore_mem>> -> memref<1x!tpu.dma_semaphore, #tpu.memory_space<semaphore_mem>>
      %dma_start3A_506 = tpu.memref_squeeze %dma_start3A_505 : memref<1x!tpu.dma_semaphore, #tpu.memory_space<semaphore_mem>> -> memref<!tpu.dma_semaphore, #tpu.memory_space<semaphore_mem>>
      tpu.enqueue_indirect_dma source(%arg10 : memref<125x16xf32, #tpu.memory_space<vmem>>) target(%dma_start3A_504 : memref<10000x16xf32, #tpu.memory_space<vmem_shared>>) offsets(%dma_start3A_501 : memref<125xi32, #tpu.memory_space<vmem>>) semaphore(%dma_start3A_506 : memref<!tpu.dma_semaphore, #tpu.memory_space<semaphore_mem>>) {add = true}
      %add3A_507 = arith.constant 4 : i32
      %add3A_508 = arith.addi %add3A_418, %add3A_507 : i32
      %dma_wait3A_509 = arith.constant 4 : i32
      %dma_wait3A_510 = arith.constant 0 : i32
      %dma_wait3A_511 = tpu.memref_slice %arg5[%add3A_508, %dma_wait3A_510] : memref<80x125xi32, #tpu.memory_space<vmem>> -> memref<1x125xi32, #tpu.memory_space<vmem>>
      %dma_wait3A_512 = tpu.memref_squeeze %dma_wait3A_511 : memref<1x125xi32, #tpu.memory_space<vmem>> -> memref<125xi32, #tpu.memory_space<vmem>>
      %dma_wait3A_513 = arith.constant 0 : i32
      %dma_wait3A_514 = arith.constant 0 : i32
      %dma_wait3A_515 = tpu.memref_slice %arg2[%dma_wait3A_513, %dma_wait3A_514] : memref<10000x16xf32, #tpu.memory_space<hbm>> -> memref<10000x16xf32, #tpu.memory_space<hbm>>
      %dma_wait3A_516 = tpu.memref_slice %arg19[%dma_wait3A_509] : memref<10x!tpu.dma_semaphore, #tpu.memory_space<semaphore_mem>> -> memref<1x!tpu.dma_semaphore, #tpu.memory_space<semaphore_mem>>
      %dma_wait3A_517 = tpu.memref_squeeze %dma_wait3A_516 : memref<1x!tpu.dma_semaphore, #tpu.memory_space<semaphore_mem>> -> memref<!tpu.dma_semaphore, #tpu.memory_space<semaphore_mem>>
      tpu.wait_indirect_dma semaphore(%dma_wait3A_517 : memref<!tpu.dma_semaphore, #tpu.memory_space<semaphore_mem>>) src(%dma_wait3A_515 : memref<10000x16xf32, #tpu.memory_space<hbm>>) dst(%arg11 : memref<125x16xf32, #tpu.memory_space<vmem>>)
      %add3A_518 = arith.constant 4 : i32
      %add3A_519 = arith.addi %add3A_418, %add3A_518 : i32
      %dma_start3A_520 = arith.constant 4 : i32
      %dma_start3A_521 = arith.constant 0 : i32
      %dma_start3A_522 = tpu.memref_slice %arg6[%add3A_519, %dma_start3A_521] : memref<80x125xi32, #tpu.memory_space<vmem>> -> memref<1x125xi32, #tpu.memory_space<vmem>>
      %dma_start3A_523 = tpu.memref_squeeze %dma_start3A_522 : memref<1x125xi32, #tpu.memory_space<vmem>> -> memref<125xi32, #tpu.memory_space<vmem>>
      %dma_start3A_524 = arith.constant 0 : i32
      %dma_start3A_525 = arith.constant 0 : i32
      %dma_start3A_526 = tpu.memref_slice %arg18[%dma_start3A_524, %dma_start3A_525] : memref<10000x16xf32, #tpu.memory_space<vmem_shared>> -> memref<10000x16xf32, #tpu.memory_space<vmem_shared>>
      %dma_start3A_527 = tpu.memref_slice %arg20[%dma_start3A_520] : memref<10x!tpu.dma_semaphore, #tpu.memory_space<semaphore_mem>> -> memref<1x!tpu.dma_semaphore, #tpu.memory_space<semaphore_mem>>
      %dma_start3A_528 = tpu.memref_squeeze %dma_start3A_527 : memref<1x!tpu.dma_semaphore, #tpu.memory_space<semaphore_mem>> -> memref<!tpu.dma_semaphore, #tpu.memory_space<semaphore_mem>>
      tpu.enqueue_indirect_dma source(%arg11 : memref<125x16xf32, #tpu.memory_space<vmem>>) target(%dma_start3A_526 : memref<10000x16xf32, #tpu.memory_space<vmem_shared>>) offsets(%dma_start3A_523 : memref<125xi32, #tpu.memory_space<vmem>>) semaphore(%dma_start3A_528 : memref<!tpu.dma_semaphore, #tpu.memory_space<semaphore_mem>>) {add = true}
      %add3A_529 = arith.constant 5 : i32
      %add3A_530 = arith.addi %add3A_418, %add3A_529 : i32
      %dma_wait3A_531 = arith.constant 5 : i32
      %dma_wait3A_532 = arith.constant 0 : i32
      %dma_wait3A_533 = tpu.memref_slice %arg5[%add3A_530, %dma_wait3A_532] : memref<80x125xi32, #tpu.memory_space<vmem>> -> memref<1x125xi32, #tpu.memory_space<vmem>>
      %dma_wait3A_534 = tpu.memref_squeeze %dma_wait3A_533 : memref<1x125xi32, #tpu.memory_space<vmem>> -> memref<125xi32, #tpu.memory_space<vmem>>
      %dma_wait3A_535 = arith.constant 0 : i32
      %dma_wait3A_536 = arith.constant 0 : i32
      %dma_wait3A_537 = tpu.memref_slice %arg2[%dma_wait3A_535, %dma_wait3A_536] : memref<10000x16xf32, #tpu.memory_space<hbm>> -> memref<10000x16xf32, #tpu.memory_space<hbm>>
      %dma_wait3A_538 = tpu.memref_slice %arg19[%dma_wait3A_531] : memref<10x!tpu.dma_semaphore, #tpu.memory_space<semaphore_mem>> -> memref<1x!tpu.dma_semaphore, #tpu.memory_space<semaphore_mem>>
      %dma_wait3A_539 = tpu.memref_squeeze %dma_wait3A_538 : memref<1x!tpu.dma_semaphore, #tpu.memory_space<semaphore_mem>> -> memref<!tpu.dma_semaphore, #tpu.memory_space<semaphore_mem>>
      tpu.wait_indirect_dma semaphore(%dma_wait3A_539 : memref<!tpu.dma_semaphore, #tpu.memory_space<semaphore_mem>>) src(%dma_wait3A_537 : memref<10000x16xf32, #tpu.memory_space<hbm>>) dst(%arg12 : memref<125x16xf32, #tpu.memory_space<vmem>>)
      %add3A_540 = arith.constant 5 : i32
      %add3A_541 = arith.addi %add3A_418, %add3A_540 : i32
      %dma_start3A_542 = arith.constant 5 : i32
      %dma_start3A_543 = arith.constant 0 : i32
      %dma_start3A_544 = tpu.memref_slice %arg6[%add3A_541, %dma_start3A_543] : memref<80x125xi32, #tpu.memory_space<vmem>> -> memref<1x125xi32, #tpu.memory_space<vmem>>
      %dma_start3A_545 = tpu.memref_squeeze %dma_start3A_544 : memref<1x125xi32, #tpu.memory_space<vmem>> -> memref<125xi32, #tpu.memory_space<vmem>>
      %dma_start3A_546 = arith.constant 0 : i32
      %dma_start3A_547 = arith.constant 0 : i32
      %dma_start3A_548 = tpu.memref_slice %arg18[%dma_start3A_546, %dma_start3A_547] : memref<10000x16xf32, #tpu.memory_space<vmem_shared>> -> memref<10000x16xf32, #tpu.memory_space<vmem_shared>>
      %dma_start3A_549 = tpu.memref_slice %arg20[%dma_start3A_542] : memref<10x!tpu.dma_semaphore, #tpu.memory_space<semaphore_mem>> -> memref<1x!tpu.dma_semaphore, #tpu.memory_space<semaphore_mem>>
      %dma_start3A_550 = tpu.memref_squeeze %dma_start3A_549 : memref<1x!tpu.dma_semaphore, #tpu.memory_space<semaphore_mem>> -> memref<!tpu.dma_semaphore, #tpu.memory_space<semaphore_mem>>
      tpu.enqueue_indirect_dma source(%arg12 : memref<125x16xf32, #tpu.memory_space<vmem>>) target(%dma_start3A_548 : memref<10000x16xf32, #tpu.memory_space<vmem_shared>>) offsets(%dma_start3A_545 : memref<125xi32, #tpu.memory_space<vmem>>) semaphore(%dma_start3A_550 : memref<!tpu.dma_semaphore, #tpu.memory_space<semaphore_mem>>) {add = true}
      %add3A_551 = arith.constant 6 : i32
      %add3A_552 = arith.addi %add3A_418, %add3A_551 : i32
      %dma_wait3A_553 = arith.constant 6 : i32
      %dma_wait3A_554 = arith.constant 0 : i32
      %dma_wait3A_555 = tpu.memref_slice %arg5[%add3A_552, %dma_wait3A_554] : memref<80x125xi32, #tpu.memory_space<vmem>> -> memref<1x125xi32, #tpu.memory_space<vmem>>
      %dma_wait3A_556 = tpu.memref_squeeze %dma_wait3A_555 : memref<1x125xi32, #tpu.memory_space<vmem>> -> memref<125xi32, #tpu.memory_space<vmem>>
      %dma_wait3A_557 = arith.constant 0 : i32
      %dma_wait3A_558 = arith.constant 0 : i32
      %dma_wait3A_559 = tpu.memref_slice %arg2[%dma_wait3A_557, %dma_wait3A_558] : memref<10000x16xf32, #tpu.memory_space<hbm>> -> memref<10000x16xf32, #tpu.memory_space<hbm>>
      %dma_wait3A_560 = tpu.memref_slice %arg19[%dma_wait3A_553] : memref<10x!tpu.dma_semaphore, #tpu.memory_space<semaphore_mem>> -> memref<1x!tpu.dma_semaphore, #tpu.memory_space<semaphore_mem>>
      %dma_wait3A_561 = tpu.memref_squeeze %dma_wait3A_560 : memref<1x!tpu.dma_semaphore, #tpu.memory_space<semaphore_mem>> -> memref<!tpu.dma_semaphore, #tpu.memory_space<semaphore_mem>>
      tpu.wait_indirect_dma semaphore(%dma_wait3A_561 : memref<!tpu.dma_semaphore, #tpu.memory_space<semaphore_mem>>) src(%dma_wait3A_559 : memref<10000x16xf32, #tpu.memory_space<hbm>>) dst(%arg13 : memref<125x16xf32, #tpu.memory_space<vmem>>)
      %add3A_562 = arith.constant 6 : i32
      %add3A_563 = arith.addi %add3A_418, %add3A_562 : i32
      %dma_start3A_564 = arith.constant 6 : i32
      %dma_start3A_565 = arith.constant 0 : i32
      %dma_start3A_566 = tpu.memref_slice %arg6[%add3A_563, %dma_start3A_565] : memref<80x125xi32, #tpu.memory_space<vmem>> -> memref<1x125xi32, #tpu.memory_space<vmem>>
      %dma_start3A_567 = tpu.memref_squeeze %dma_start3A_566 : memref<1x125xi32, #tpu.memory_space<vmem>> -> memref<125xi32, #tpu.memory_space<vmem>>
      %dma_start3A_568 = arith.constant 0 : i32
      %dma_start3A_569 = arith.constant 0 : i32
      %dma_start3A_570 = tpu.memref_slice %arg18[%dma_start3A_568, %dma_start3A_569] : memref<10000x16xf32, #tpu.memory_space<vmem_shared>> -> memref<10000x16xf32, #tpu.memory_space<vmem_shared>>
      %dma_start3A_571 = tpu.memref_slice %arg20[%dma_start3A_564] : memref<10x!tpu.dma_semaphore, #tpu.memory_space<semaphore_mem>> -> memref<1x!tpu.dma_semaphore, #tpu.memory_space<semaphore_mem>>
      %dma_start3A_572 = tpu.memref_squeeze %dma_start3A_571 : memref<1x!tpu.dma_semaphore, #tpu.memory_space<semaphore_mem>> -> memref<!tpu.dma_semaphore, #tpu.memory_space<semaphore_mem>>
      tpu.enqueue_indirect_dma source(%arg13 : memref<125x16xf32, #tpu.memory_space<vmem>>) target(%dma_start3A_570 : memref<10000x16xf32, #tpu.memory_space<vmem_shared>>) offsets(%dma_start3A_567 : memref<125xi32, #tpu.memory_space<vmem>>) semaphore(%dma_start3A_572 : memref<!tpu.dma_semaphore, #tpu.memory_space<semaphore_mem>>) {add = true}
      %add3A_573 = arith.constant 7 : i32
      %add3A_574 = arith.addi %add3A_418, %add3A_573 : i32
      %dma_wait3A_575 = arith.constant 7 : i32
      %dma_wait3A_576 = arith.constant 0 : i32
      %dma_wait3A_577 = tpu.memref_slice %arg5[%add3A_574, %dma_wait3A_576] : memref<80x125xi32, #tpu.memory_space<vmem>> -> memref<1x125xi32, #tpu.memory_space<vmem>>
      %dma_wait3A_578 = tpu.memref_squeeze %dma_wait3A_577 : memref<1x125xi32, #tpu.memory_space<vmem>> -> memref<125xi32, #tpu.memory_space<vmem>>
      %dma_wait3A_579 = arith.constant 0 : i32
      %dma_wait3A_580 = arith.constant 0 : i32
      %dma_wait3A_581 = tpu.memref_slice %arg2[%dma_wait3A_579, %dma_wait3A_580] : memref<10000x16xf32, #tpu.memory_space<hbm>> -> memref<10000x16xf32, #tpu.memory_space<hbm>>
      %dma_wait3A_582 = tpu.memref_slice %arg19[%dma_wait3A_575] : memref<10x!tpu.dma_semaphore, #tpu.memory_space<semaphore_mem>> -> memref<1x!tpu.dma_semaphore, #tpu.memory_space<semaphore_mem>>
      %dma_wait3A_583 = tpu.memref_squeeze %dma_wait3A_582 : memref<1x!tpu.dma_semaphore, #tpu.memory_space<semaphore_mem>> -> memref<!tpu.dma_semaphore, #tpu.memory_space<semaphore_mem>>
      tpu.wait_indirect_dma semaphore(%dma_wait3A_583 : memref<!tpu.dma_semaphore, #tpu.memory_space<semaphore_mem>>) src(%dma_wait3A_581 : memref<10000x16xf32, #tpu.memory_space<hbm>>) dst(%arg14 : memref<125x16xf32, #tpu.memory_space<vmem>>)
      %add3A_584 = arith.constant 7 : i32
      %add3A_585 = arith.addi %add3A_418, %add3A_584 : i32
      %dma_start3A_586 = arith.constant 7 : i32
      %dma_start3A_587 = arith.constant 0 : i32
      %dma_start3A_588 = tpu.memref_slice %arg6[%add3A_585, %dma_start3A_587] : memref<80x125xi32, #tpu.memory_space<vmem>> -> memref<1x125xi32, #tpu.memory_space<vmem>>
      %dma_start3A_589 = tpu.memref_squeeze %dma_start3A_588 : memref<1x125xi32, #tpu.memory_space<vmem>> -> memref<125xi32, #tpu.memory_space<vmem>>
      %dma_start3A_590 = arith.constant 0 : i32
      %dma_start3A_591 = arith.constant 0 : i32
      %dma_start3A_592 = tpu.memref_slice %arg18[%dma_start3A_590, %dma_start3A_591] : memref<10000x16xf32, #tpu.memory_space<vmem_shared>> -> memref<10000x16xf32, #tpu.memory_space<vmem_shared>>
      %dma_start3A_593 = tpu.memref_slice %arg20[%dma_start3A_586] : memref<10x!tpu.dma_semaphore, #tpu.memory_space<semaphore_mem>> -> memref<1x!tpu.dma_semaphore, #tpu.memory_space<semaphore_mem>>
      %dma_start3A_594 = tpu.memref_squeeze %dma_start3A_593 : memref<1x!tpu.dma_semaphore, #tpu.memory_space<semaphore_mem>> -> memref<!tpu.dma_semaphore, #tpu.memory_space<semaphore_mem>>
      tpu.enqueue_indirect_dma source(%arg14 : memref<125x16xf32, #tpu.memory_space<vmem>>) target(%dma_start3A_592 : memref<10000x16xf32, #tpu.memory_space<vmem_shared>>) offsets(%dma_start3A_589 : memref<125xi32, #tpu.memory_space<vmem>>) semaphore(%dma_start3A_594 : memref<!tpu.dma_semaphore, #tpu.memory_space<semaphore_mem>>) {add = true}
      %add3A_595 = arith.constant 8 : i32
      %add3A_596 = arith.addi %add3A_418, %add3A_595 : i32
      %dma_wait3A_597 = arith.constant 8 : i32
      %dma_wait3A_598 = arith.constant 0 : i32
      %dma_wait3A_599 = tpu.memref_slice %arg5[%add3A_596, %dma_wait3A_598] : memref<80x125xi32, #tpu.memory_space<vmem>> -> memref<1x125xi32, #tpu.memory_space<vmem>>
      %dma_wait3A_600 = tpu.memref_squeeze %dma_wait3A_599 : memref<1x125xi32, #tpu.memory_space<vmem>> -> memref<125xi32, #tpu.memory_space<vmem>>
      %dma_wait3A_601 = arith.constant 0 : i32
      %dma_wait3A_602 = arith.constant 0 : i32
      %dma_wait3A_603 = tpu.memref_slice %arg2[%dma_wait3A_601, %dma_wait3A_602] : memref<10000x16xf32, #tpu.memory_space<hbm>> -> memref<10000x16xf32, #tpu.memory_space<hbm>>
      %dma_wait3A_604 = tpu.memref_slice %arg19[%dma_wait3A_597] : memref<10x!tpu.dma_semaphore, #tpu.memory_space<semaphore_mem>> -> memref<1x!tpu.dma_semaphore, #tpu.memory_space<semaphore_mem>>
      %dma_wait3A_605 = tpu.memref_squeeze %dma_wait3A_604 : memref<1x!tpu.dma_semaphore, #tpu.memory_space<semaphore_mem>> -> memref<!tpu.dma_semaphore, #tpu.memory_space<semaphore_mem>>
      tpu.wait_indirect_dma semaphore(%dma_wait3A_605 : memref<!tpu.dma_semaphore, #tpu.memory_space<semaphore_mem>>) src(%dma_wait3A_603 : memref<10000x16xf32, #tpu.memory_space<hbm>>) dst(%arg15 : memref<125x16xf32, #tpu.memory_space<vmem>>)
      %add3A_606 = arith.constant 8 : i32
      %add3A_607 = arith.addi %add3A_418, %add3A_606 : i32
      %dma_start3A_608 = arith.constant 8 : i32
      %dma_start3A_609 = arith.constant 0 : i32
      %dma_start3A_610 = tpu.memref_slice %arg6[%add3A_607, %dma_start3A_609] : memref<80x125xi32, #tpu.memory_space<vmem>> -> memref<1x125xi32, #tpu.memory_space<vmem>>
      %dma_start3A_611 = tpu.memref_squeeze %dma_start3A_610 : memref<1x125xi32, #tpu.memory_space<vmem>> -> memref<125xi32, #tpu.memory_space<vmem>>
      %dma_start3A_612 = arith.constant 0 : i32
      %dma_start3A_613 = arith.constant 0 : i32
      %dma_start3A_614 = tpu.memref_slice %arg18[%dma_start3A_612, %dma_start3A_613] : memref<10000x16xf32, #tpu.memory_space<vmem_shared>> -> memref<10000x16xf32, #tpu.memory_space<vmem_shared>>
      %dma_start3A_615 = tpu.memref_slice %arg20[%dma_start3A_608] : memref<10x!tpu.dma_semaphore, #tpu.memory_space<semaphore_mem>> -> memref<1x!tpu.dma_semaphore, #tpu.memory_space<semaphore_mem>>
      %dma_start3A_616 = tpu.memref_squeeze %dma_start3A_615 : memref<1x!tpu.dma_semaphore, #tpu.memory_space<semaphore_mem>> -> memref<!tpu.dma_semaphore, #tpu.memory_space<semaphore_mem>>
      tpu.enqueue_indirect_dma source(%arg15 : memref<125x16xf32, #tpu.memory_space<vmem>>) target(%dma_start3A_614 : memref<10000x16xf32, #tpu.memory_space<vmem_shared>>) offsets(%dma_start3A_611 : memref<125xi32, #tpu.memory_space<vmem>>) semaphore(%dma_start3A_616 : memref<!tpu.dma_semaphore, #tpu.memory_space<semaphore_mem>>) {add = true}
      %add3A_617 = arith.constant 9 : i32
      %add3A_618 = arith.addi %add3A_418, %add3A_617 : i32
      %dma_wait3A_619 = arith.constant 9 : i32
      %dma_wait3A_620 = arith.constant 0 : i32
      %dma_wait3A_621 = tpu.memref_slice %arg5[%add3A_618, %dma_wait3A_620] : memref<80x125xi32, #tpu.memory_space<vmem>> -> memref<1x125xi32, #tpu.memory_space<vmem>>
      %dma_wait3A_622 = tpu.memref_squeeze %dma_wait3A_621 : memref<1x125xi32, #tpu.memory_space<vmem>> -> memref<125xi32, #tpu.memory_space<vmem>>
      %dma_wait3A_623 = arith.constant 0 : i32
      %dma_wait3A_624 = arith.constant 0 : i32
      %dma_wait3A_625 = tpu.memref_slice %arg2[%dma_wait3A_623, %dma_wait3A_624] : memref<10000x16xf32, #tpu.memory_space<hbm>> -> memref<10000x16xf32, #tpu.memory_space<hbm>>
      %dma_wait3A_626 = tpu.memref_slice %arg19[%dma_wait3A_619] : memref<10x!tpu.dma_semaphore, #tpu.memory_space<semaphore_mem>> -> memref<1x!tpu.dma_semaphore, #tpu.memory_space<semaphore_mem>>
      %dma_wait3A_627 = tpu.memref_squeeze %dma_wait3A_626 : memref<1x!tpu.dma_semaphore, #tpu.memory_space<semaphore_mem>> -> memref<!tpu.dma_semaphore, #tpu.memory_space<semaphore_mem>>
      tpu.wait_indirect_dma semaphore(%dma_wait3A_627 : memref<!tpu.dma_semaphore, #tpu.memory_space<semaphore_mem>>) src(%dma_wait3A_625 : memref<10000x16xf32, #tpu.memory_space<hbm>>) dst(%arg16 : memref<125x16xf32, #tpu.memory_space<vmem>>)
      %add3A_628 = arith.constant 9 : i32
      %add3A_629 = arith.addi %add3A_418, %add3A_628 : i32
      %dma_start3A_630 = arith.constant 9 : i32
      %dma_start3A_631 = arith.constant 0 : i32
      %dma_start3A_632 = tpu.memref_slice %arg6[%add3A_629, %dma_start3A_631] : memref<80x125xi32, #tpu.memory_space<vmem>> -> memref<1x125xi32, #tpu.memory_space<vmem>>
      %dma_start3A_633 = tpu.memref_squeeze %dma_start3A_632 : memref<1x125xi32, #tpu.memory_space<vmem>> -> memref<125xi32, #tpu.memory_space<vmem>>
      %dma_start3A_634 = arith.constant 0 : i32
      %dma_start3A_635 = arith.constant 0 : i32
      %dma_start3A_636 = tpu.memref_slice %arg18[%dma_start3A_634, %dma_start3A_635] : memref<10000x16xf32, #tpu.memory_space<vmem_shared>> -> memref<10000x16xf32, #tpu.memory_space<vmem_shared>>
      %dma_start3A_637 = tpu.memref_slice %arg20[%dma_start3A_630] : memref<10x!tpu.dma_semaphore, #tpu.memory_space<semaphore_mem>> -> memref<1x!tpu.dma_semaphore, #tpu.memory_space<semaphore_mem>>
      %dma_start3A_638 = tpu.memref_squeeze %dma_start3A_637 : memref<1x!tpu.dma_semaphore, #tpu.memory_space<semaphore_mem>> -> memref<!tpu.dma_semaphore, #tpu.memory_space<semaphore_mem>>
      tpu.enqueue_indirect_dma source(%arg16 : memref<125x16xf32, #tpu.memory_space<vmem>>) target(%dma_start3A_636 : memref<10000x16xf32, #tpu.memory_space<vmem_shared>>) offsets(%dma_start3A_633 : memref<125xi32, #tpu.memory_space<vmem>>) semaphore(%dma_start3A_638 : memref<!tpu.dma_semaphore, #tpu.memory_space<semaphore_mem>>) {add = true}
      %add3A_639 = arith.constant 0 : i32
      %add3A_640 = arith.addi %add3A_418, %add3A_639 : i32
      %dma_wait3A_641 = arith.constant 0 : i32
      %dma_wait3A_642 = arith.constant 0 : i32
      %dma_wait3A_643 = tpu.memref_slice %arg6[%add3A_640, %dma_wait3A_642] : memref<80x125xi32, #tpu.memory_space<vmem>> -> memref<1x125xi32, #tpu.memory_space<vmem>>
      %dma_wait3A_644 = tpu.memref_squeeze %dma_wait3A_643 : memref<1x125xi32, #tpu.memory_space<vmem>> -> memref<125xi32, #tpu.memory_space<vmem>>
      %dma_wait3A_645 = arith.constant 0 : i32
      %dma_wait3A_646 = arith.constant 0 : i32
      %dma_wait3A_647 = tpu.memref_slice %arg18[%dma_wait3A_645, %dma_wait3A_646] : memref<10000x16xf32, #tpu.memory_space<vmem_shared>> -> memref<10000x16xf32, #tpu.memory_space<vmem_shared>>
      %dma_wait3A_648 = tpu.memref_slice %arg20[%dma_wait3A_641] : memref<10x!tpu.dma_semaphore, #tpu.memory_space<semaphore_mem>> -> memref<1x!tpu.dma_semaphore, #tpu.memory_space<semaphore_mem>>
      %dma_wait3A_649 = tpu.memref_squeeze %dma_wait3A_648 : memref<1x!tpu.dma_semaphore, #tpu.memory_space<semaphore_mem>> -> memref<!tpu.dma_semaphore, #tpu.memory_space<semaphore_mem>>
      tpu.wait_indirect_dma semaphore(%dma_wait3A_649 : memref<!tpu.dma_semaphore, #tpu.memory_space<semaphore_mem>>) src(%arg7 : memref<125x16xf32, #tpu.memory_space<vmem>>) dst(%dma_wait3A_647 : memref<10000x16xf32, #tpu.memory_space<vmem_shared>>)
      %add3A_650 = arith.constant 10 : i32
      %add3A_651 = arith.addi %add3A_418, %add3A_650 : i32
      %add3A_652 = arith.constant 0 : i32
      %add3A_653 = arith.addi %add3A_651, %add3A_652 : i32
      %dma_start3A_654 = arith.constant 0 : i32
      %dma_start3A_655 = arith.constant 0 : i32
      %dma_start3A_656 = tpu.memref_slice %arg5[%add3A_653, %dma_start3A_655] : memref<80x125xi32, #tpu.memory_space<vmem>> -> memref<1x125xi32, #tpu.memory_space<vmem>>
      %dma_start3A_657 = tpu.memref_squeeze %dma_start3A_656 : memref<1x125xi32, #tpu.memory_space<vmem>> -> memref<125xi32, #tpu.memory_space<vmem>>
      %dma_start3A_658 = arith.constant 0 : i32
      %dma_start3A_659 = arith.constant 0 : i32
      %dma_start3A_660 = tpu.memref_slice %arg2[%dma_start3A_658, %dma_start3A_659] : memref<10000x16xf32, #tpu.memory_space<hbm>> -> memref<10000x16xf32, #tpu.memory_space<hbm>>
      %dma_start3A_661 = tpu.memref_slice %arg19[%dma_start3A_654] : memref<10x!tpu.dma_semaphore, #tpu.memory_space<semaphore_mem>> -> memref<1x!tpu.dma_semaphore, #tpu.memory_space<semaphore_mem>>
      %dma_start3A_662 = tpu.memref_squeeze %dma_start3A_661 : memref<1x!tpu.dma_semaphore, #tpu.memory_space<semaphore_mem>> -> memref<!tpu.dma_semaphore, #tpu.memory_space<semaphore_mem>>
      tpu.enqueue_indirect_dma source(%dma_start3A_660 : memref<10000x16xf32, #tpu.memory_space<hbm>>) target(%arg7 : memref<125x16xf32, #tpu.memory_space<vmem>>) offsets(%dma_start3A_657 : memref<125xi32, #tpu.memory_space<vmem>>) semaphore(%dma_start3A_662 : memref<!tpu.dma_semaphore, #tpu.memory_space<semaphore_mem>>)
      %add3A_663 = arith.constant 1 : i32
      %add3A_664 = arith.addi %add3A_418, %add3A_663 : i32
      %dma_wait3A_665 = arith.constant 1 : i32
      %dma_wait3A_666 = arith.constant 0 : i32
      %dma_wait3A_667 = tpu.memref_slice %arg6[%add3A_664, %dma_wait3A_666] : memref<80x125xi32, #tpu.memory_space<vmem>> -> memref<1x125xi32, #tpu.memory_space<vmem>>
      %dma_wait3A_668 = tpu.memref_squeeze %dma_wait3A_667 : memref<1x125xi32, #tpu.memory_space<vmem>> -> memref<125xi32, #tpu.memory_space<vmem>>
      %dma_wait3A_669 = arith.constant 0 : i32
      %dma_wait3A_670 = arith.constant 0 : i32
      %dma_wait3A_671 = tpu.memref_slice %arg18[%dma_wait3A_669, %dma_wait3A_670] : memref<10000x16xf32, #tpu.memory_space<vmem_shared>> -> memref<10000x16xf32, #tpu.memory_space<vmem_shared>>
      %dma_wait3A_672 = tpu.memref_slice %arg20[%dma_wait3A_665] : memref<10x!tpu.dma_semaphore, #tpu.memory_space<semaphore_mem>> -> memref<1x!tpu.dma_semaphore, #tpu.memory_space<semaphore_mem>>
      %dma_wait3A_673 = tpu.memref_squeeze %dma_wait3A_672 : memref<1x!tpu.dma_semaphore, #tpu.memory_space<semaphore_mem>> -> memref<!tpu.dma_semaphore, #tpu.memory_space<semaphore_mem>>
      tpu.wait_indirect_dma semaphore(%dma_wait3A_673 : memref<!tpu.dma_semaphore, #tpu.memory_space<semaphore_mem>>) src(%arg8 : memref<125x16xf32, #tpu.memory_space<vmem>>) dst(%dma_wait3A_671 : memref<10000x16xf32, #tpu.memory_space<vmem_shared>>)
      %add3A_674 = arith.constant 10 : i32
      %add3A_675 = arith.addi %add3A_418, %add3A_674 : i32
      %add3A_676 = arith.constant 1 : i32
      %add3A_677 = arith.addi %add3A_675, %add3A_676 : i32
      %dma_start3A_678 = arith.constant 1 : i32
      %dma_start3A_679 = arith.constant 0 : i32
      %dma_start3A_680 = tpu.memref_slice %arg5[%add3A_677, %dma_start3A_679] : memref<80x125xi32, #tpu.memory_space<vmem>> -> memref<1x125xi32, #tpu.memory_space<vmem>>
      %dma_start3A_681 = tpu.memref_squeeze %dma_start3A_680 : memref<1x125xi32, #tpu.memory_space<vmem>> -> memref<125xi32, #tpu.memory_space<vmem>>
      %dma_start3A_682 = arith.constant 0 : i32
      %dma_start3A_683 = arith.constant 0 : i32
      %dma_start3A_684 = tpu.memref_slice %arg2[%dma_start3A_682, %dma_start3A_683] : memref<10000x16xf32, #tpu.memory_space<hbm>> -> memref<10000x16xf32, #tpu.memory_space<hbm>>
      %dma_start3A_685 = tpu.memref_slice %arg19[%dma_start3A_678] : memref<10x!tpu.dma_semaphore, #tpu.memory_space<semaphore_mem>> -> memref<1x!tpu.dma_semaphore, #tpu.memory_space<semaphore_mem>>
      %dma_start3A_686 = tpu.memref_squeeze %dma_start3A_685 : memref<1x!tpu.dma_semaphore, #tpu.memory_space<semaphore_mem>> -> memref<!tpu.dma_semaphore, #tpu.memory_space<semaphore_mem>>
      tpu.enqueue_indirect_dma source(%dma_start3A_684 : memref<10000x16xf32, #tpu.memory_space<hbm>>) target(%arg8 : memref<125x16xf32, #tpu.memory_space<vmem>>) offsets(%dma_start3A_681 : memref<125xi32, #tpu.memory_space<vmem>>) semaphore(%dma_start3A_686 : memref<!tpu.dma_semaphore, #tpu.memory_space<semaphore_mem>>)
      %add3A_687 = arith.constant 2 : i32
      %add3A_688 = arith.addi %add3A_418, %add3A_687 : i32
      %dma_wait3A_689 = arith.constant 2 : i32
      %dma_wait3A_690 = arith.constant 0 : i32
      %dma_wait3A_691 = tpu.memref_slice %arg6[%add3A_688, %dma_wait3A_690] : memref<80x125xi32, #tpu.memory_space<vmem>> -> memref<1x125xi32, #tpu.memory_space<vmem>>
      %dma_wait3A_692 = tpu.memref_squeeze %dma_wait3A_691 : memref<1x125xi32, #tpu.memory_space<vmem>> -> memref<125xi32, #tpu.memory_space<vmem>>
      %dma_wait3A_693 = arith.constant 0 : i32
      %dma_wait3A_694 = arith.constant 0 : i32
      %dma_wait3A_695 = tpu.memref_slice %arg18[%dma_wait3A_693, %dma_wait3A_694] : memref<10000x16xf32, #tpu.memory_space<vmem_shared>> -> memref<10000x16xf32, #tpu.memory_space<vmem_shared>>
      %dma_wait3A_696 = tpu.memref_slice %arg20[%dma_wait3A_689] : memref<10x!tpu.dma_semaphore, #tpu.memory_space<semaphore_mem>> -> memref<1x!tpu.dma_semaphore, #tpu.memory_space<semaphore_mem>>
      %dma_wait3A_697 = tpu.memref_squeeze %dma_wait3A_696 : memref<1x!tpu.dma_semaphore, #tpu.memory_space<semaphore_mem>> -> memref<!tpu.dma_semaphore, #tpu.memory_space<semaphore_mem>>
      tpu.wait_indirect_dma semaphore(%dma_wait3A_697 : memref<!tpu.dma_semaphore, #tpu.memory_space<semaphore_mem>>) src(%arg9 : memref<125x16xf32, #tpu.memory_space<vmem>>) dst(%dma_wait3A_695 : memref<10000x16xf32, #tpu.memory_space<vmem_shared>>)
      %add3A_698 = arith.constant 10 : i32
      %add3A_699 = arith.addi %add3A_418, %add3A_698 : i32
      %add3A_700 = arith.constant 2 : i32
      %add3A_701 = arith.addi %add3A_699, %add3A_700 : i32
      %dma_start3A_702 = arith.constant 2 : i32
      %dma_start3A_703 = arith.constant 0 : i32
      %dma_start3A_704 = tpu.memref_slice %arg5[%add3A_701, %dma_start3A_703] : memref<80x125xi32, #tpu.memory_space<vmem>> -> memref<1x125xi32, #tpu.memory_space<vmem>>
      %dma_start3A_705 = tpu.memref_squeeze %dma_start3A_704 : memref<1x125xi32, #tpu.memory_space<vmem>> -> memref<125xi32, #tpu.memory_space<vmem>>
      %dma_start3A_706 = arith.constant 0 : i32
      %dma_start3A_707 = arith.constant 0 : i32
      %dma_start3A_708 = tpu.memref_slice %arg2[%dma_start3A_706, %dma_start3A_707] : memref<10000x16xf32, #tpu.memory_space<hbm>> -> memref<10000x16xf32, #tpu.memory_space<hbm>>
      %dma_start3A_709 = tpu.memref_slice %arg19[%dma_start3A_702] : memref<10x!tpu.dma_semaphore, #tpu.memory_space<semaphore_mem>> -> memref<1x!tpu.dma_semaphore, #tpu.memory_space<semaphore_mem>>
      %dma_start3A_710 = tpu.memref_squeeze %dma_start3A_709 : memref<1x!tpu.dma_semaphore, #tpu.memory_space<semaphore_mem>> -> memref<!tpu.dma_semaphore, #tpu.memory_space<semaphore_mem>>
      tpu.enqueue_indirect_dma source(%dma_start3A_708 : memref<10000x16xf32, #tpu.memory_space<hbm>>) target(%arg9 : memref<125x16xf32, #tpu.memory_space<vmem>>) offsets(%dma_start3A_705 : memref<125xi32, #tpu.memory_space<vmem>>) semaphore(%dma_start3A_710 : memref<!tpu.dma_semaphore, #tpu.memory_space<semaphore_mem>>)
      %add3A_711 = arith.constant 3 : i32
      %add3A_712 = arith.addi %add3A_418, %add3A_711 : i32
      %dma_wait3A_713 = arith.constant 3 : i32
      %dma_wait3A_714 = arith.constant 0 : i32
      %dma_wait3A_715 = tpu.memref_slice %arg6[%add3A_712, %dma_wait3A_714] : memref<80x125xi32, #tpu.memory_space<vmem>> -> memref<1x125xi32, #tpu.memory_space<vmem>>
      %dma_wait3A_716 = tpu.memref_squeeze %dma_wait3A_715 : memref<1x125xi32, #tpu.memory_space<vmem>> -> memref<125xi32, #tpu.memory_space<vmem>>
      %dma_wait3A_717 = arith.constant 0 : i32
      %dma_wait3A_718 = arith.constant 0 : i32
      %dma_wait3A_719 = tpu.memref_slice %arg18[%dma_wait3A_717, %dma_wait3A_718] : memref<10000x16xf32, #tpu.memory_space<vmem_shared>> -> memref<10000x16xf32, #tpu.memory_space<vmem_shared>>
      %dma_wait3A_720 = tpu.memref_slice %arg20[%dma_wait3A_713] : memref<10x!tpu.dma_semaphore, #tpu.memory_space<semaphore_mem>> -> memref<1x!tpu.dma_semaphore, #tpu.memory_space<semaphore_mem>>
      %dma_wait3A_721 = tpu.memref_squeeze %dma_wait3A_720 : memref<1x!tpu.dma_semaphore, #tpu.memory_space<semaphore_mem>> -> memref<!tpu.dma_semaphore, #tpu.memory_space<semaphore_mem>>
      tpu.wait_indirect_dma semaphore(%dma_wait3A_721 : memref<!tpu.dma_semaphore, #tpu.memory_space<semaphore_mem>>) src(%arg10 : memref<125x16xf32, #tpu.memory_space<vmem>>) dst(%dma_wait3A_719 : memref<10000x16xf32, #tpu.memory_space<vmem_shared>>)
      %add3A_722 = arith.constant 10 : i32
      %add3A_723 = arith.addi %add3A_418, %add3A_722 : i32
      %add3A_724 = arith.constant 3 : i32
      %add3A_725 = arith.addi %add3A_723, %add3A_724 : i32
      %dma_start3A_726 = arith.constant 3 : i32
      %dma_start3A_727 = arith.constant 0 : i32
      %dma_start3A_728 = tpu.memref_slice %arg5[%add3A_725, %dma_start3A_727] : memref<80x125xi32, #tpu.memory_space<vmem>> -> memref<1x125xi32, #tpu.memory_space<vmem>>
      %dma_start3A_729 = tpu.memref_squeeze %dma_start3A_728 : memref<1x125xi32, #tpu.memory_space<vmem>> -> memref<125xi32, #tpu.memory_space<vmem>>
      %dma_start3A_730 = arith.constant 0 : i32
      %dma_start3A_731 = arith.constant 0 : i32
      %dma_start3A_732 = tpu.memref_slice %arg2[%dma_start3A_730, %dma_start3A_731] : memref<10000x16xf32, #tpu.memory_space<hbm>> -> memref<10000x16xf32, #tpu.memory_space<hbm>>
      %dma_start3A_733 = tpu.memref_slice %arg19[%dma_start3A_726] : memref<10x!tpu.dma_semaphore, #tpu.memory_space<semaphore_mem>> -> memref<1x!tpu.dma_semaphore, #tpu.memory_space<semaphore_mem>>
      %dma_start3A_734 = tpu.memref_squeeze %dma_start3A_733 : memref<1x!tpu.dma_semaphore, #tpu.memory_space<semaphore_mem>> -> memref<!tpu.dma_semaphore, #tpu.memory_space<semaphore_mem>>
      tpu.enqueue_indirect_dma source(%dma_start3A_732 : memref<10000x16xf32, #tpu.memory_space<hbm>>) target(%arg10 : memref<125x16xf32, #tpu.memory_space<vmem>>) offsets(%dma_start3A_729 : memref<125xi32, #tpu.memory_space<vmem>>) semaphore(%dma_start3A_734 : memref<!tpu.dma_semaphore, #tpu.memory_space<semaphore_mem>>)
      %add3A_735 = arith.constant 4 : i32
      %add3A_736 = arith.addi %add3A_418, %add3A_735 : i32
      %dma_wait3A_737 = arith.constant 4 : i32
      %dma_wait3A_738 = arith.constant 0 : i32
      %dma_wait3A_739 = tpu.memref_slice %arg6[%add3A_736, %dma_wait3A_738] : memref<80x125xi32, #tpu.memory_space<vmem>> -> memref<1x125xi32, #tpu.memory_space<vmem>>
      %dma_wait3A_740 = tpu.memref_squeeze %dma_wait3A_739 : memref<1x125xi32, #tpu.memory_space<vmem>> -> memref<125xi32, #tpu.memory_space<vmem>>
      %dma_wait3A_741 = arith.constant 0 : i32
      %dma_wait3A_742 = arith.constant 0 : i32
      %dma_wait3A_743 = tpu.memref_slice %arg18[%dma_wait3A_741, %dma_wait3A_742] : memref<10000x16xf32, #tpu.memory_space<vmem_shared>> -> memref<10000x16xf32, #tpu.memory_space<vmem_shared>>
      %dma_wait3A_744 = tpu.memref_slice %arg20[%dma_wait3A_737] : memref<10x!tpu.dma_semaphore, #tpu.memory_space<semaphore_mem>> -> memref<1x!tpu.dma_semaphore, #tpu.memory_space<semaphore_mem>>
      %dma_wait3A_745 = tpu.memref_squeeze %dma_wait3A_744 : memref<1x!tpu.dma_semaphore, #tpu.memory_space<semaphore_mem>> -> memref<!tpu.dma_semaphore, #tpu.memory_space<semaphore_mem>>
      tpu.wait_indirect_dma semaphore(%dma_wait3A_745 : memref<!tpu.dma_semaphore, #tpu.memory_space<semaphore_mem>>) src(%arg11 : memref<125x16xf32, #tpu.memory_space<vmem>>) dst(%dma_wait3A_743 : memref<10000x16xf32, #tpu.memory_space<vmem_shared>>)
      %add3A_746 = arith.constant 10 : i32
      %add3A_747 = arith.addi %add3A_418, %add3A_746 : i32
      %add3A_748 = arith.constant 4 : i32
      %add3A_749 = arith.addi %add3A_747, %add3A_748 : i32
      %dma_start3A_750 = arith.constant 4 : i32
      %dma_start3A_751 = arith.constant 0 : i32
      %dma_start3A_752 = tpu.memref_slice %arg5[%add3A_749, %dma_start3A_751] : memref<80x125xi32, #tpu.memory_space<vmem>> -> memref<1x125xi32, #tpu.memory_space<vmem>>
      %dma_start3A_753 = tpu.memref_squeeze %dma_start3A_752 : memref<1x125xi32, #tpu.memory_space<vmem>> -> memref<125xi32, #tpu.memory_space<vmem>>
      %dma_start3A_754 = arith.constant 0 : i32
      %dma_start3A_755 = arith.constant 0 : i32
      %dma_start3A_756 = tpu.memref_slice %arg2[%dma_start3A_754, %dma_start3A_755] : memref<10000x16xf32, #tpu.memory_space<hbm>> -> memref<10000x16xf32, #tpu.memory_space<hbm>>
      %dma_start3A_757 = tpu.memref_slice %arg19[%dma_start3A_750] : memref<10x!tpu.dma_semaphore, #tpu.memory_space<semaphore_mem>> -> memref<1x!tpu.dma_semaphore, #tpu.memory_space<semaphore_mem>>
      %dma_start3A_758 = tpu.memref_squeeze %dma_start3A_757 : memref<1x!tpu.dma_semaphore, #tpu.memory_space<semaphore_mem>> -> memref<!tpu.dma_semaphore, #tpu.memory_space<semaphore_mem>>
      tpu.enqueue_indirect_dma source(%dma_start3A_756 : memref<10000x16xf32, #tpu.memory_space<hbm>>) target(%arg11 : memref<125x16xf32, #tpu.memory_space<vmem>>) offsets(%dma_start3A_753 : memref<125xi32, #tpu.memory_space<vmem>>) semaphore(%dma_start3A_758 : memref<!tpu.dma_semaphore, #tpu.memory_space<semaphore_mem>>)
      %add3A_759 = arith.constant 5 : i32
      %add3A_760 = arith.addi %add3A_418, %add3A_759 : i32
      %dma_wait3A_761 = arith.constant 5 : i32
      %dma_wait3A_762 = arith.constant 0 : i32
      %dma_wait3A_763 = tpu.memref_slice %arg6[%add3A_760, %dma_wait3A_762] : memref<80x125xi32, #tpu.memory_space<vmem>> -> memref<1x125xi32, #tpu.memory_space<vmem>>
      %dma_wait3A_764 = tpu.memref_squeeze %dma_wait3A_763 : memref<1x125xi32, #tpu.memory_space<vmem>> -> memref<125xi32, #tpu.memory_space<vmem>>
      %dma_wait3A_765 = arith.constant 0 : i32
      %dma_wait3A_766 = arith.constant 0 : i32
      %dma_wait3A_767 = tpu.memref_slice %arg18[%dma_wait3A_765, %dma_wait3A_766] : memref<10000x16xf32, #tpu.memory_space<vmem_shared>> -> memref<10000x16xf32, #tpu.memory_space<vmem_shared>>
      %dma_wait3A_768 = tpu.memref_slice %arg20[%dma_wait3A_761] : memref<10x!tpu.dma_semaphore, #tpu.memory_space<semaphore_mem>> -> memref<1x!tpu.dma_semaphore, #tpu.memory_space<semaphore_mem>>
      %dma_wait3A_769 = tpu.memref_squeeze %dma_wait3A_768 : memref<1x!tpu.dma_semaphore, #tpu.memory_space<semaphore_mem>> -> memref<!tpu.dma_semaphore, #tpu.memory_space<semaphore_mem>>
      tpu.wait_indirect_dma semaphore(%dma_wait3A_769 : memref<!tpu.dma_semaphore, #tpu.memory_space<semaphore_mem>>) src(%arg12 : memref<125x16xf32, #tpu.memory_space<vmem>>) dst(%dma_wait3A_767 : memref<10000x16xf32, #tpu.memory_space<vmem_shared>>)
      %add3A_770 = arith.constant 10 : i32
      %add3A_771 = arith.addi %add3A_418, %add3A_770 : i32
      %add3A_772 = arith.constant 5 : i32
      %add3A_773 = arith.addi %add3A_771, %add3A_772 : i32
      %dma_start3A_774 = arith.constant 5 : i32
      %dma_start3A_775 = arith.constant 0 : i32
      %dma_start3A_776 = tpu.memref_slice %arg5[%add3A_773, %dma_start3A_775] : memref<80x125xi32, #tpu.memory_space<vmem>> -> memref<1x125xi32, #tpu.memory_space<vmem>>
      %dma_start3A_777 = tpu.memref_squeeze %dma_start3A_776 : memref<1x125xi32, #tpu.memory_space<vmem>> -> memref<125xi32, #tpu.memory_space<vmem>>
      %dma_start3A_778 = arith.constant 0 : i32
      %dma_start3A_779 = arith.constant 0 : i32
      %dma_start3A_780 = tpu.memref_slice %arg2[%dma_start3A_778, %dma_start3A_779] : memref<10000x16xf32, #tpu.memory_space<hbm>> -> memref<10000x16xf32, #tpu.memory_space<hbm>>
      %dma_start3A_781 = tpu.memref_slice %arg19[%dma_start3A_774] : memref<10x!tpu.dma_semaphore, #tpu.memory_space<semaphore_mem>> -> memref<1x!tpu.dma_semaphore, #tpu.memory_space<semaphore_mem>>
      %dma_start3A_782 = tpu.memref_squeeze %dma_start3A_781 : memref<1x!tpu.dma_semaphore, #tpu.memory_space<semaphore_mem>> -> memref<!tpu.dma_semaphore, #tpu.memory_space<semaphore_mem>>
      tpu.enqueue_indirect_dma source(%dma_start3A_780 : memref<10000x16xf32, #tpu.memory_space<hbm>>) target(%arg12 : memref<125x16xf32, #tpu.memory_space<vmem>>) offsets(%dma_start3A_777 : memref<125xi32, #tpu.memory_space<vmem>>) semaphore(%dma_start3A_782 : memref<!tpu.dma_semaphore, #tpu.memory_space<semaphore_mem>>)
      %add3A_783 = arith.constant 6 : i32
      %add3A_784 = arith.addi %add3A_418, %add3A_783 : i32
      %dma_wait3A_785 = arith.constant 6 : i32
      %dma_wait3A_786 = arith.constant 0 : i32
      %dma_wait3A_787 = tpu.memref_slice %arg6[%add3A_784, %dma_wait3A_786] : memref<80x125xi32, #tpu.memory_space<vmem>> -> memref<1x125xi32, #tpu.memory_space<vmem>>
      %dma_wait3A_788 = tpu.memref_squeeze %dma_wait3A_787 : memref<1x125xi32, #tpu.memory_space<vmem>> -> memref<125xi32, #tpu.memory_space<vmem>>
      %dma_wait3A_789 = arith.constant 0 : i32
      %dma_wait3A_790 = arith.constant 0 : i32
      %dma_wait3A_791 = tpu.memref_slice %arg18[%dma_wait3A_789, %dma_wait3A_790] : memref<10000x16xf32, #tpu.memory_space<vmem_shared>> -> memref<10000x16xf32, #tpu.memory_space<vmem_shared>>
      %dma_wait3A_792 = tpu.memref_slice %arg20[%dma_wait3A_785] : memref<10x!tpu.dma_semaphore, #tpu.memory_space<semaphore_mem>> -> memref<1x!tpu.dma_semaphore, #tpu.memory_space<semaphore_mem>>
      %dma_wait3A_793 = tpu.memref_squeeze %dma_wait3A_792 : memref<1x!tpu.dma_semaphore, #tpu.memory_space<semaphore_mem>> -> memref<!tpu.dma_semaphore, #tpu.memory_space<semaphore_mem>>
      tpu.wait_indirect_dma semaphore(%dma_wait3A_793 : memref<!tpu.dma_semaphore, #tpu.memory_space<semaphore_mem>>) src(%arg13 : memref<125x16xf32, #tpu.memory_space<vmem>>) dst(%dma_wait3A_791 : memref<10000x16xf32, #tpu.memory_space<vmem_shared>>)
      %add3A_794 = arith.constant 10 : i32
      %add3A_795 = arith.addi %add3A_418, %add3A_794 : i32
      %add3A_796 = arith.constant 6 : i32
      %add3A_797 = arith.addi %add3A_795, %add3A_796 : i32
      %dma_start3A_798 = arith.constant 6 : i32
      %dma_start3A_799 = arith.constant 0 : i32
      %dma_start3A_800 = tpu.memref_slice %arg5[%add3A_797, %dma_start3A_799] : memref<80x125xi32, #tpu.memory_space<vmem>> -> memref<1x125xi32, #tpu.memory_space<vmem>>
      %dma_start3A_801 = tpu.memref_squeeze %dma_start3A_800 : memref<1x125xi32, #tpu.memory_space<vmem>> -> memref<125xi32, #tpu.memory_space<vmem>>
      %dma_start3A_802 = arith.constant 0 : i32
      %dma_start3A_803 = arith.constant 0 : i32
      %dma_start3A_804 = tpu.memref_slice %arg2[%dma_start3A_802, %dma_start3A_803] : memref<10000x16xf32, #tpu.memory_space<hbm>> -> memref<10000x16xf32, #tpu.memory_space<hbm>>
      %dma_start3A_805 = tpu.memref_slice %arg19[%dma_start3A_798] : memref<10x!tpu.dma_semaphore, #tpu.memory_space<semaphore_mem>> -> memref<1x!tpu.dma_semaphore, #tpu.memory_space<semaphore_mem>>
      %dma_start3A_806 = tpu.memref_squeeze %dma_start3A_805 : memref<1x!tpu.dma_semaphore, #tpu.memory_space<semaphore_mem>> -> memref<!tpu.dma_semaphore, #tpu.memory_space<semaphore_mem>>
      tpu.enqueue_indirect_dma source(%dma_start3A_804 : memref<10000x16xf32, #tpu.memory_space<hbm>>) target(%arg13 : memref<125x16xf32, #tpu.memory_space<vmem>>) offsets(%dma_start3A_801 : memref<125xi32, #tpu.memory_space<vmem>>) semaphore(%dma_start3A_806 : memref<!tpu.dma_semaphore, #tpu.memory_space<semaphore_mem>>)
      %add3A_807 = arith.constant 7 : i32
      %add3A_808 = arith.addi %add3A_418, %add3A_807 : i32
      %dma_wait3A_809 = arith.constant 7 : i32
      %dma_wait3A_810 = arith.constant 0 : i32
      %dma_wait3A_811 = tpu.memref_slice %arg6[%add3A_808, %dma_wait3A_810] : memref<80x125xi32, #tpu.memory_space<vmem>> -> memref<1x125xi32, #tpu.memory_space<vmem>>
      %dma_wait3A_812 = tpu.memref_squeeze %dma_wait3A_811 : memref<1x125xi32, #tpu.memory_space<vmem>> -> memref<125xi32, #tpu.memory_space<vmem>>
      %dma_wait3A_813 = arith.constant 0 : i32
      %dma_wait3A_814 = arith.constant 0 : i32
      %dma_wait3A_815 = tpu.memref_slice %arg18[%dma_wait3A_813, %dma_wait3A_814] : memref<10000x16xf32, #tpu.memory_space<vmem_shared>> -> memref<10000x16xf32, #tpu.memory_space<vmem_shared>>
      %dma_wait3A_816 = tpu.memref_slice %arg20[%dma_wait3A_809] : memref<10x!tpu.dma_semaphore, #tpu.memory_space<semaphore_mem>> -> memref<1x!tpu.dma_semaphore, #tpu.memory_space<semaphore_mem>>
      %dma_wait3A_817 = tpu.memref_squeeze %dma_wait3A_816 : memref<1x!tpu.dma_semaphore, #tpu.memory_space<semaphore_mem>> -> memref<!tpu.dma_semaphore, #tpu.memory_space<semaphore_mem>>
      tpu.wait_indirect_dma semaphore(%dma_wait3A_817 : memref<!tpu.dma_semaphore, #tpu.memory_space<semaphore_mem>>) src(%arg14 : memref<125x16xf32, #tpu.memory_space<vmem>>) dst(%dma_wait3A_815 : memref<10000x16xf32, #tpu.memory_space<vmem_shared>>)
      %add3A_818 = arith.constant 10 : i32
      %add3A_819 = arith.addi %add3A_418, %add3A_818 : i32
      %add3A_820 = arith.constant 7 : i32
      %add3A_821 = arith.addi %add3A_819, %add3A_820 : i32
      %dma_start3A_822 = arith.constant 7 : i32
      %dma_start3A_823 = arith.constant 0 : i32
      %dma_start3A_824 = tpu.memref_slice %arg5[%add3A_821, %dma_start3A_823] : memref<80x125xi32, #tpu.memory_space<vmem>> -> memref<1x125xi32, #tpu.memory_space<vmem>>
      %dma_start3A_825 = tpu.memref_squeeze %dma_start3A_824 : memref<1x125xi32, #tpu.memory_space<vmem>> -> memref<125xi32, #tpu.memory_space<vmem>>
      %dma_start3A_826 = arith.constant 0 : i32
      %dma_start3A_827 = arith.constant 0 : i32
      %dma_start3A_828 = tpu.memref_slice %arg2[%dma_start3A_826, %dma_start3A_827] : memref<10000x16xf32, #tpu.memory_space<hbm>> -> memref<10000x16xf32, #tpu.memory_space<hbm>>
      %dma_start3A_829 = tpu.memref_slice %arg19[%dma_start3A_822] : memref<10x!tpu.dma_semaphore, #tpu.memory_space<semaphore_mem>> -> memref<1x!tpu.dma_semaphore, #tpu.memory_space<semaphore_mem>>
      %dma_start3A_830 = tpu.memref_squeeze %dma_start3A_829 : memref<1x!tpu.dma_semaphore, #tpu.memory_space<semaphore_mem>> -> memref<!tpu.dma_semaphore, #tpu.memory_space<semaphore_mem>>
      tpu.enqueue_indirect_dma source(%dma_start3A_828 : memref<10000x16xf32, #tpu.memory_space<hbm>>) target(%arg14 : memref<125x16xf32, #tpu.memory_space<vmem>>) offsets(%dma_start3A_825 : memref<125xi32, #tpu.memory_space<vmem>>) semaphore(%dma_start3A_830 : memref<!tpu.dma_semaphore, #tpu.memory_space<semaphore_mem>>)
      %add3A_831 = arith.constant 8 : i32
      %add3A_832 = arith.addi %add3A_418, %add3A_831 : i32
      %dma_wait3A_833 = arith.constant 8 : i32
      %dma_wait3A_834 = arith.constant 0 : i32
      %dma_wait3A_835 = tpu.memref_slice %arg6[%add3A_832, %dma_wait3A_834] : memref<80x125xi32, #tpu.memory_space<vmem>> -> memref<1x125xi32, #tpu.memory_space<vmem>>
      %dma_wait3A_836 = tpu.memref_squeeze %dma_wait3A_835 : memref<1x125xi32, #tpu.memory_space<vmem>> -> memref<125xi32, #tpu.memory_space<vmem>>
      %dma_wait3A_837 = arith.constant 0 : i32
      %dma_wait3A_838 = arith.constant 0 : i32
      %dma_wait3A_839 = tpu.memref_slice %arg18[%dma_wait3A_837, %dma_wait3A_838] : memref<10000x16xf32, #tpu.memory_space<vmem_shared>> -> memref<10000x16xf32, #tpu.memory_space<vmem_shared>>
      %dma_wait3A_840 = tpu.memref_slice %arg20[%dma_wait3A_833] : memref<10x!tpu.dma_semaphore, #tpu.memory_space<semaphore_mem>> -> memref<1x!tpu.dma_semaphore, #tpu.memory_space<semaphore_mem>>
      %dma_wait3A_841 = tpu.memref_squeeze %dma_wait3A_840 : memref<1x!tpu.dma_semaphore, #tpu.memory_space<semaphore_mem>> -> memref<!tpu.dma_semaphore, #tpu.memory_space<semaphore_mem>>
      tpu.wait_indirect_dma semaphore(%dma_wait3A_841 : memref<!tpu.dma_semaphore, #tpu.memory_space<semaphore_mem>>) src(%arg15 : memref<125x16xf32, #tpu.memory_space<vmem>>) dst(%dma_wait3A_839 : memref<10000x16xf32, #tpu.memory_space<vmem_shared>>)
      %add3A_842 = arith.constant 10 : i32
      %add3A_843 = arith.addi %add3A_418, %add3A_842 : i32
      %add3A_844 = arith.constant 8 : i32
      %add3A_845 = arith.addi %add3A_843, %add3A_844 : i32
      %dma_start3A_846 = arith.constant 8 : i32
      %dma_start3A_847 = arith.constant 0 : i32
      %dma_start3A_848 = tpu.memref_slice %arg5[%add3A_845, %dma_start3A_847] : memref<80x125xi32, #tpu.memory_space<vmem>> -> memref<1x125xi32, #tpu.memory_space<vmem>>
      %dma_start3A_849 = tpu.memref_squeeze %dma_start3A_848 : memref<1x125xi32, #tpu.memory_space<vmem>> -> memref<125xi32, #tpu.memory_space<vmem>>
      %dma_start3A_850 = arith.constant 0 : i32
      %dma_start3A_851 = arith.constant 0 : i32
      %dma_start3A_852 = tpu.memref_slice %arg2[%dma_start3A_850, %dma_start3A_851] : memref<10000x16xf32, #tpu.memory_space<hbm>> -> memref<10000x16xf32, #tpu.memory_space<hbm>>
      %dma_start3A_853 = tpu.memref_slice %arg19[%dma_start3A_846] : memref<10x!tpu.dma_semaphore, #tpu.memory_space<semaphore_mem>> -> memref<1x!tpu.dma_semaphore, #tpu.memory_space<semaphore_mem>>
      %dma_start3A_854 = tpu.memref_squeeze %dma_start3A_853 : memref<1x!tpu.dma_semaphore, #tpu.memory_space<semaphore_mem>> -> memref<!tpu.dma_semaphore, #tpu.memory_space<semaphore_mem>>
      tpu.enqueue_indirect_dma source(%dma_start3A_852 : memref<10000x16xf32, #tpu.memory_space<hbm>>) target(%arg15 : memref<125x16xf32, #tpu.memory_space<vmem>>) offsets(%dma_start3A_849 : memref<125xi32, #tpu.memory_space<vmem>>) semaphore(%dma_start3A_854 : memref<!tpu.dma_semaphore, #tpu.memory_space<semaphore_mem>>)
      %add3A_855 = arith.constant 9 : i32
      %add3A_856 = arith.addi %add3A_418, %add3A_855 : i32
      %dma_wait3A_857 = arith.constant 9 : i32
      %dma_wait3A_858 = arith.constant 0 : i32
      %dma_wait3A_859 = tpu.memref_slice %arg6[%add3A_856, %dma_wait3A_858] : memref<80x125xi32, #tpu.memory_space<vmem>> -> memref<1x125xi32, #tpu.memory_space<vmem>>
      %dma_wait3A_860 = tpu.memref_squeeze %dma_wait3A_859 : memref<1x125xi32, #tpu.memory_space<vmem>> -> memref<125xi32, #tpu.memory_space<vmem>>
      %dma_wait3A_861 = arith.constant 0 : i32
      %dma_wait3A_862 = arith.constant 0 : i32
      %dma_wait3A_863 = tpu.memref_slice %arg18[%dma_wait3A_861, %dma_wait3A_862] : memref<10000x16xf32, #tpu.memory_space<vmem_shared>> -> memref<10000x16xf32, #tpu.memory_space<vmem_shared>>
      %dma_wait3A_864 = tpu.memref_slice %arg20[%dma_wait3A_857] : memref<10x!tpu.dma_semaphore, #tpu.memory_space<semaphore_mem>> -> memref<1x!tpu.dma_semaphore, #tpu.memory_space<semaphore_mem>>
      %dma_wait3A_865 = tpu.memref_squeeze %dma_wait3A_864 : memref<1x!tpu.dma_semaphore, #tpu.memory_space<semaphore_mem>> -> memref<!tpu.dma_semaphore, #tpu.memory_space<semaphore_mem>>
      tpu.wait_indirect_dma semaphore(%dma_wait3A_865 : memref<!tpu.dma_semaphore, #tpu.memory_space<semaphore_mem>>) src(%arg16 : memref<125x16xf32, #tpu.memory_space<vmem>>) dst(%dma_wait3A_863 : memref<10000x16xf32, #tpu.memory_space<vmem_shared>>)
      %add3A_866 = arith.constant 10 : i32
      %add3A_867 = arith.addi %add3A_418, %add3A_866 : i32
      %add3A_868 = arith.constant 9 : i32
      %add3A_869 = arith.addi %add3A_867, %add3A_868 : i32
      %dma_start3A_870 = arith.constant 9 : i32
      %dma_start3A_871 = arith.constant 0 : i32
      %dma_start3A_872 = tpu.memref_slice %arg5[%add3A_869, %dma_start3A_871] : memref<80x125xi32, #tpu.memory_space<vmem>> -> memref<1x125xi32, #tpu.memory_space<vmem>>
      %dma_start3A_873 = tpu.memref_squeeze %dma_start3A_872 : memref<1x125xi32, #tpu.memory_space<vmem>> -> memref<125xi32, #tpu.memory_space<vmem>>
      %dma_start3A_874 = arith.constant 0 : i32
      %dma_start3A_875 = arith.constant 0 : i32
      %dma_start3A_876 = tpu.memref_slice %arg2[%dma_start3A_874, %dma_start3A_875] : memref<10000x16xf32, #tpu.memory_space<hbm>> -> memref<10000x16xf32, #tpu.memory_space<hbm>>
      %dma_start3A_877 = tpu.memref_slice %arg19[%dma_start3A_870] : memref<10x!tpu.dma_semaphore, #tpu.memory_space<semaphore_mem>> -> memref<1x!tpu.dma_semaphore, #tpu.memory_space<semaphore_mem>>
      %dma_start3A_878 = tpu.memref_squeeze %dma_start3A_877 : memref<1x!tpu.dma_semaphore, #tpu.memory_space<semaphore_mem>> -> memref<!tpu.dma_semaphore, #tpu.memory_space<semaphore_mem>>
      tpu.enqueue_indirect_dma source(%dma_start3A_876 : memref<10000x16xf32, #tpu.memory_space<hbm>>) target(%arg16 : memref<125x16xf32, #tpu.memory_space<vmem>>) offsets(%dma_start3A_873 : memref<125xi32, #tpu.memory_space<vmem>>) semaphore(%dma_start3A_878 : memref<!tpu.dma_semaphore, #tpu.memory_space<semaphore_mem>>)
    }
    %scan3A_111 = arith.constant 7 : i32
    %dma_wait3A = arith.constant 70 : i32
    %dma_wait3A_112 = arith.constant 0 : i32
    %dma_wait3A_113 = arith.constant 0 : i32
    %dma_wait3A_114 = tpu.memref_slice %arg5[%dma_wait3A, %dma_wait3A_113] : memref<80x125xi32, #tpu.memory_space<vmem>> -> memref<1x125xi32, #tpu.memory_space<vmem>>
    %dma_wait3A_115 = tpu.memref_squeeze %dma_wait3A_114 : memref<1x125xi32, #tpu.memory_space<vmem>> -> memref<125xi32, #tpu.memory_space<vmem>>
    %dma_wait3A_116 = arith.constant 0 : i32
    %dma_wait3A_117 = arith.constant 0 : i32
    %dma_wait3A_118 = tpu.memref_slice %arg2[%dma_wait3A_116, %dma_wait3A_117] : memref<10000x16xf32, #tpu.memory_space<hbm>> -> memref<10000x16xf32, #tpu.memory_space<hbm>>
    %dma_wait3A_119 = tpu.memref_slice %arg19[%dma_wait3A_112] : memref<10x!tpu.dma_semaphore, #tpu.memory_space<semaphore_mem>> -> memref<1x!tpu.dma_semaphore, #tpu.memory_space<semaphore_mem>>
    %dma_wait3A_120 = tpu.memref_squeeze %dma_wait3A_119 : memref<1x!tpu.dma_semaphore, #tpu.memory_space<semaphore_mem>> -> memref<!tpu.dma_semaphore, #tpu.memory_space<semaphore_mem>>
    tpu.wait_indirect_dma semaphore(%dma_wait3A_120 : memref<!tpu.dma_semaphore, #tpu.memory_space<semaphore_mem>>) src(%dma_wait3A_118 : memref<10000x16xf32, #tpu.memory_space<hbm>>) dst(%arg7 : memref<125x16xf32, #tpu.memory_space<vmem>>)
    %dma_start3A_121 = arith.constant 70 : i32
    %dma_start3A_122 = arith.constant 0 : i32
    %dma_start3A_123 = arith.constant 0 : i32
    %dma_start3A_124 = tpu.memref_slice %arg6[%dma_start3A_121, %dma_start3A_123] : memref<80x125xi32, #tpu.memory_space<vmem>> -> memref<1x125xi32, #tpu.memory_space<vmem>>
    %dma_start3A_125 = tpu.memref_squeeze %dma_start3A_124 : memref<1x125xi32, #tpu.memory_space<vmem>> -> memref<125xi32, #tpu.memory_space<vmem>>
    %dma_start3A_126 = arith.constant 0 : i32
    %dma_start3A_127 = arith.constant 0 : i32
    %dma_start3A_128 = tpu.memref_slice %arg18[%dma_start3A_126, %dma_start3A_127] : memref<10000x16xf32, #tpu.memory_space<vmem_shared>> -> memref<10000x16xf32, #tpu.memory_space<vmem_shared>>
    %dma_start3A_129 = tpu.memref_slice %arg20[%dma_start3A_122] : memref<10x!tpu.dma_semaphore, #tpu.memory_space<semaphore_mem>> -> memref<1x!tpu.dma_semaphore, #tpu.memory_space<semaphore_mem>>
    %dma_start3A_130 = tpu.memref_squeeze %dma_start3A_129 : memref<1x!tpu.dma_semaphore, #tpu.memory_space<semaphore_mem>> -> memref<!tpu.dma_semaphore, #tpu.memory_space<semaphore_mem>>
    tpu.enqueue_indirect_dma source(%arg7 : memref<125x16xf32, #tpu.memory_space<vmem>>) target(%dma_start3A_128 : memref<10000x16xf32, #tpu.memory_space<vmem_shared>>) offsets(%dma_start3A_125 : memref<125xi32, #tpu.memory_space<vmem>>) semaphore(%dma_start3A_130 : memref<!tpu.dma_semaphore, #tpu.memory_space<semaphore_mem>>) {add = true}
    %dma_wait3A_131 = arith.constant 71 : i32
    %dma_wait3A_132 = arith.constant 1 : i32
    %dma_wait3A_133 = arith.constant 0 : i32
    %dma_wait3A_134 = tpu.memref_slice %arg5[%dma_wait3A_131, %dma_wait3A_133] : memref<80x125xi32, #tpu.memory_space<vmem>> -> memref<1x125xi32, #tpu.memory_space<vmem>>
    %dma_wait3A_135 = tpu.memref_squeeze %dma_wait3A_134 : memref<1x125xi32, #tpu.memory_space<vmem>> -> memref<125xi32, #tpu.memory_space<vmem>>
    %dma_wait3A_136 = arith.constant 0 : i32
    %dma_wait3A_137 = arith.constant 0 : i32
    %dma_wait3A_138 = tpu.memref_slice %arg2[%dma_wait3A_136, %dma_wait3A_137] : memref<10000x16xf32, #tpu.memory_space<hbm>> -> memref<10000x16xf32, #tpu.memory_space<hbm>>
    %dma_wait3A_139 = tpu.memref_slice %arg19[%dma_wait3A_132] : memref<10x!tpu.dma_semaphore, #tpu.memory_space<semaphore_mem>> -> memref<1x!tpu.dma_semaphore, #tpu.memory_space<semaphore_mem>>
    %dma_wait3A_140 = tpu.memref_squeeze %dma_wait3A_139 : memref<1x!tpu.dma_semaphore, #tpu.memory_space<semaphore_mem>> -> memref<!tpu.dma_semaphore, #tpu.memory_space<semaphore_mem>>
    tpu.wait_indirect_dma semaphore(%dma_wait3A_140 : memref<!tpu.dma_semaphore, #tpu.memory_space<semaphore_mem>>) src(%dma_wait3A_138 : memref<10000x16xf32, #tpu.memory_space<hbm>>) dst(%arg8 : memref<125x16xf32, #tpu.memory_space<vmem>>)
    %dma_start3A_141 = arith.constant 71 : i32
    %dma_start3A_142 = arith.constant 1 : i32
    %dma_start3A_143 = arith.constant 0 : i32
    %dma_start3A_144 = tpu.memref_slice %arg6[%dma_start3A_141, %dma_start3A_143] : memref<80x125xi32, #tpu.memory_space<vmem>> -> memref<1x125xi32, #tpu.memory_space<vmem>>
    %dma_start3A_145 = tpu.memref_squeeze %dma_start3A_144 : memref<1x125xi32, #tpu.memory_space<vmem>> -> memref<125xi32, #tpu.memory_space<vmem>>
    %dma_start3A_146 = arith.constant 0 : i32
    %dma_start3A_147 = arith.constant 0 : i32
    %dma_start3A_148 = tpu.memref_slice %arg18[%dma_start3A_146, %dma_start3A_147] : memref<10000x16xf32, #tpu.memory_space<vmem_shared>> -> memref<10000x16xf32, #tpu.memory_space<vmem_shared>>
    %dma_start3A_149 = tpu.memref_slice %arg20[%dma_start3A_142] : memref<10x!tpu.dma_semaphore, #tpu.memory_space<semaphore_mem>> -> memref<1x!tpu.dma_semaphore, #tpu.memory_space<semaphore_mem>>
    %dma_start3A_150 = tpu.memref_squeeze %dma_start3A_149 : memref<1x!tpu.dma_semaphore, #tpu.memory_space<semaphore_mem>> -> memref<!tpu.dma_semaphore, #tpu.memory_space<semaphore_mem>>
    tpu.enqueue_indirect_dma source(%arg8 : memref<125x16xf32, #tpu.memory_space<vmem>>) target(%dma_start3A_148 : memref<10000x16xf32, #tpu.memory_space<vmem_shared>>) offsets(%dma_start3A_145 : memref<125xi32, #tpu.memory_space<vmem>>) semaphore(%dma_start3A_150 : memref<!tpu.dma_semaphore, #tpu.memory_space<semaphore_mem>>) {add = true}
    %dma_wait3A_151 = arith.constant 72 : i32
    %dma_wait3A_152 = arith.constant 2 : i32
    %dma_wait3A_153 = arith.constant 0 : i32
    %dma_wait3A_154 = tpu.memref_slice %arg5[%dma_wait3A_151, %dma_wait3A_153] : memref<80x125xi32, #tpu.memory_space<vmem>> -> memref<1x125xi32, #tpu.memory_space<vmem>>
    %dma_wait3A_155 = tpu.memref_squeeze %dma_wait3A_154 : memref<1x125xi32, #tpu.memory_space<vmem>> -> memref<125xi32, #tpu.memory_space<vmem>>
    %dma_wait3A_156 = arith.constant 0 : i32
    %dma_wait3A_157 = arith.constant 0 : i32
    %dma_wait3A_158 = tpu.memref_slice %arg2[%dma_wait3A_156, %dma_wait3A_157] : memref<10000x16xf32, #tpu.memory_space<hbm>> -> memref<10000x16xf32, #tpu.memory_space<hbm>>
    %dma_wait3A_159 = tpu.memref_slice %arg19[%dma_wait3A_152] : memref<10x!tpu.dma_semaphore, #tpu.memory_space<semaphore_mem>> -> memref<1x!tpu.dma_semaphore, #tpu.memory_space<semaphore_mem>>
    %dma_wait3A_160 = tpu.memref_squeeze %dma_wait3A_159 : memref<1x!tpu.dma_semaphore, #tpu.memory_space<semaphore_mem>> -> memref<!tpu.dma_semaphore, #tpu.memory_space<semaphore_mem>>
    tpu.wait_indirect_dma semaphore(%dma_wait3A_160 : memref<!tpu.dma_semaphore, #tpu.memory_space<semaphore_mem>>) src(%dma_wait3A_158 : memref<10000x16xf32, #tpu.memory_space<hbm>>) dst(%arg9 : memref<125x16xf32, #tpu.memory_space<vmem>>)
    %dma_start3A_161 = arith.constant 72 : i32
    %dma_start3A_162 = arith.constant 2 : i32
    %dma_start3A_163 = arith.constant 0 : i32
    %dma_start3A_164 = tpu.memref_slice %arg6[%dma_start3A_161, %dma_start3A_163] : memref<80x125xi32, #tpu.memory_space<vmem>> -> memref<1x125xi32, #tpu.memory_space<vmem>>
    %dma_start3A_165 = tpu.memref_squeeze %dma_start3A_164 : memref<1x125xi32, #tpu.memory_space<vmem>> -> memref<125xi32, #tpu.memory_space<vmem>>
    %dma_start3A_166 = arith.constant 0 : i32
    %dma_start3A_167 = arith.constant 0 : i32
    %dma_start3A_168 = tpu.memref_slice %arg18[%dma_start3A_166, %dma_start3A_167] : memref<10000x16xf32, #tpu.memory_space<vmem_shared>> -> memref<10000x16xf32, #tpu.memory_space<vmem_shared>>
    %dma_start3A_169 = tpu.memref_slice %arg20[%dma_start3A_162] : memref<10x!tpu.dma_semaphore, #tpu.memory_space<semaphore_mem>> -> memref<1x!tpu.dma_semaphore, #tpu.memory_space<semaphore_mem>>
    %dma_start3A_170 = tpu.memref_squeeze %dma_start3A_169 : memref<1x!tpu.dma_semaphore, #tpu.memory_space<semaphore_mem>> -> memref<!tpu.dma_semaphore, #tpu.memory_space<semaphore_mem>>
    tpu.enqueue_indirect_dma source(%arg9 : memref<125x16xf32, #tpu.memory_space<vmem>>) target(%dma_start3A_168 : memref<10000x16xf32, #tpu.memory_space<vmem_shared>>) offsets(%dma_start3A_165 : memref<125xi32, #tpu.memory_space<vmem>>) semaphore(%dma_start3A_170 : memref<!tpu.dma_semaphore, #tpu.memory_space<semaphore_mem>>) {add = true}
    %dma_wait3A_171 = arith.constant 73 : i32
    %dma_wait3A_172 = arith.constant 3 : i32
    %dma_wait3A_173 = arith.constant 0 : i32
    %dma_wait3A_174 = tpu.memref_slice %arg5[%dma_wait3A_171, %dma_wait3A_173] : memref<80x125xi32, #tpu.memory_space<vmem>> -> memref<1x125xi32, #tpu.memory_space<vmem>>
    %dma_wait3A_175 = tpu.memref_squeeze %dma_wait3A_174 : memref<1x125xi32, #tpu.memory_space<vmem>> -> memref<125xi32, #tpu.memory_space<vmem>>
    %dma_wait3A_176 = arith.constant 0 : i32
    %dma_wait3A_177 = arith.constant 0 : i32
    %dma_wait3A_178 = tpu.memref_slice %arg2[%dma_wait3A_176, %dma_wait3A_177] : memref<10000x16xf32, #tpu.memory_space<hbm>> -> memref<10000x16xf32, #tpu.memory_space<hbm>>
    %dma_wait3A_179 = tpu.memref_slice %arg19[%dma_wait3A_172] : memref<10x!tpu.dma_semaphore, #tpu.memory_space<semaphore_mem>> -> memref<1x!tpu.dma_semaphore, #tpu.memory_space<semaphore_mem>>
    %dma_wait3A_180 = tpu.memref_squeeze %dma_wait3A_179 : memref<1x!tpu.dma_semaphore, #tpu.memory_space<semaphore_mem>> -> memref<!tpu.dma_semaphore, #tpu.memory_space<semaphore_mem>>
    tpu.wait_indirect_dma semaphore(%dma_wait3A_180 : memref<!tpu.dma_semaphore, #tpu.memory_space<semaphore_mem>>) src(%dma_wait3A_178 : memref<10000x16xf32, #tpu.memory_space<hbm>>) dst(%arg10 : memref<125x16xf32, #tpu.memory_space<vmem>>)
    %dma_start3A_181 = arith.constant 73 : i32
    %dma_start3A_182 = arith.constant 3 : i32
    %dma_start3A_183 = arith.constant 0 : i32
    %dma_start3A_184 = tpu.memref_slice %arg6[%dma_start3A_181, %dma_start3A_183] : memref<80x125xi32, #tpu.memory_space<vmem>> -> memref<1x125xi32, #tpu.memory_space<vmem>>
    %dma_start3A_185 = tpu.memref_squeeze %dma_start3A_184 : memref<1x125xi32, #tpu.memory_space<vmem>> -> memref<125xi32, #tpu.memory_space<vmem>>
    %dma_start3A_186 = arith.constant 0 : i32
    %dma_start3A_187 = arith.constant 0 : i32
    %dma_start3A_188 = tpu.memref_slice %arg18[%dma_start3A_186, %dma_start3A_187] : memref<10000x16xf32, #tpu.memory_space<vmem_shared>> -> memref<10000x16xf32, #tpu.memory_space<vmem_shared>>
    %dma_start3A_189 = tpu.memref_slice %arg20[%dma_start3A_182] : memref<10x!tpu.dma_semaphore, #tpu.memory_space<semaphore_mem>> -> memref<1x!tpu.dma_semaphore, #tpu.memory_space<semaphore_mem>>
    %dma_start3A_190 = tpu.memref_squeeze %dma_start3A_189 : memref<1x!tpu.dma_semaphore, #tpu.memory_space<semaphore_mem>> -> memref<!tpu.dma_semaphore, #tpu.memory_space<semaphore_mem>>
    tpu.enqueue_indirect_dma source(%arg10 : memref<125x16xf32, #tpu.memory_space<vmem>>) target(%dma_start3A_188 : memref<10000x16xf32, #tpu.memory_space<vmem_shared>>) offsets(%dma_start3A_185 : memref<125xi32, #tpu.memory_space<vmem>>) semaphore(%dma_start3A_190 : memref<!tpu.dma_semaphore, #tpu.memory_space<semaphore_mem>>) {add = true}
    %dma_wait3A_191 = arith.constant 74 : i32
    %dma_wait3A_192 = arith.constant 4 : i32
    %dma_wait3A_193 = arith.constant 0 : i32
    %dma_wait3A_194 = tpu.memref_slice %arg5[%dma_wait3A_191, %dma_wait3A_193] : memref<80x125xi32, #tpu.memory_space<vmem>> -> memref<1x125xi32, #tpu.memory_space<vmem>>
    %dma_wait3A_195 = tpu.memref_squeeze %dma_wait3A_194 : memref<1x125xi32, #tpu.memory_space<vmem>> -> memref<125xi32, #tpu.memory_space<vmem>>
    %dma_wait3A_196 = arith.constant 0 : i32
    %dma_wait3A_197 = arith.constant 0 : i32
    %dma_wait3A_198 = tpu.memref_slice %arg2[%dma_wait3A_196, %dma_wait3A_197] : memref<10000x16xf32, #tpu.memory_space<hbm>> -> memref<10000x16xf32, #tpu.memory_space<hbm>>
    %dma_wait3A_199 = tpu.memref_slice %arg19[%dma_wait3A_192] : memref<10x!tpu.dma_semaphore, #tpu.memory_space<semaphore_mem>> -> memref<1x!tpu.dma_semaphore, #tpu.memory_space<semaphore_mem>>
    %dma_wait3A_200 = tpu.memref_squeeze %dma_wait3A_199 : memref<1x!tpu.dma_semaphore, #tpu.memory_space<semaphore_mem>> -> memref<!tpu.dma_semaphore, #tpu.memory_space<semaphore_mem>>
    tpu.wait_indirect_dma semaphore(%dma_wait3A_200 : memref<!tpu.dma_semaphore, #tpu.memory_space<semaphore_mem>>) src(%dma_wait3A_198 : memref<10000x16xf32, #tpu.memory_space<hbm>>) dst(%arg11 : memref<125x16xf32, #tpu.memory_space<vmem>>)
    %dma_start3A_201 = arith.constant 74 : i32
    %dma_start3A_202 = arith.constant 4 : i32
    %dma_start3A_203 = arith.constant 0 : i32
    %dma_start3A_204 = tpu.memref_slice %arg6[%dma_start3A_201, %dma_start3A_203] : memref<80x125xi32, #tpu.memory_space<vmem>> -> memref<1x125xi32, #tpu.memory_space<vmem>>
    %dma_start3A_205 = tpu.memref_squeeze %dma_start3A_204 : memref<1x125xi32, #tpu.memory_space<vmem>> -> memref<125xi32, #tpu.memory_space<vmem>>
    %dma_start3A_206 = arith.constant 0 : i32
    %dma_start3A_207 = arith.constant 0 : i32
    %dma_start3A_208 = tpu.memref_slice %arg18[%dma_start3A_206, %dma_start3A_207] : memref<10000x16xf32, #tpu.memory_space<vmem_shared>> -> memref<10000x16xf32, #tpu.memory_space<vmem_shared>>
    %dma_start3A_209 = tpu.memref_slice %arg20[%dma_start3A_202] : memref<10x!tpu.dma_semaphore, #tpu.memory_space<semaphore_mem>> -> memref<1x!tpu.dma_semaphore, #tpu.memory_space<semaphore_mem>>
    %dma_start3A_210 = tpu.memref_squeeze %dma_start3A_209 : memref<1x!tpu.dma_semaphore, #tpu.memory_space<semaphore_mem>> -> memref<!tpu.dma_semaphore, #tpu.memory_space<semaphore_mem>>
    tpu.enqueue_indirect_dma source(%arg11 : memref<125x16xf32, #tpu.memory_space<vmem>>) target(%dma_start3A_208 : memref<10000x16xf32, #tpu.memory_space<vmem_shared>>) offsets(%dma_start3A_205 : memref<125xi32, #tpu.memory_space<vmem>>) semaphore(%dma_start3A_210 : memref<!tpu.dma_semaphore, #tpu.memory_space<semaphore_mem>>) {add = true}
    %dma_wait3A_211 = arith.constant 75 : i32
    %dma_wait3A_212 = arith.constant 5 : i32
    %dma_wait3A_213 = arith.constant 0 : i32
    %dma_wait3A_214 = tpu.memref_slice %arg5[%dma_wait3A_211, %dma_wait3A_213] : memref<80x125xi32, #tpu.memory_space<vmem>> -> memref<1x125xi32, #tpu.memory_space<vmem>>
    %dma_wait3A_215 = tpu.memref_squeeze %dma_wait3A_214 : memref<1x125xi32, #tpu.memory_space<vmem>> -> memref<125xi32, #tpu.memory_space<vmem>>
    %dma_wait3A_216 = arith.constant 0 : i32
    %dma_wait3A_217 = arith.constant 0 : i32
    %dma_wait3A_218 = tpu.memref_slice %arg2[%dma_wait3A_216, %dma_wait3A_217] : memref<10000x16xf32, #tpu.memory_space<hbm>> -> memref<10000x16xf32, #tpu.memory_space<hbm>>
    %dma_wait3A_219 = tpu.memref_slice %arg19[%dma_wait3A_212] : memref<10x!tpu.dma_semaphore, #tpu.memory_space<semaphore_mem>> -> memref<1x!tpu.dma_semaphore, #tpu.memory_space<semaphore_mem>>
    %dma_wait3A_220 = tpu.memref_squeeze %dma_wait3A_219 : memref<1x!tpu.dma_semaphore, #tpu.memory_space<semaphore_mem>> -> memref<!tpu.dma_semaphore, #tpu.memory_space<semaphore_mem>>
    tpu.wait_indirect_dma semaphore(%dma_wait3A_220 : memref<!tpu.dma_semaphore, #tpu.memory_space<semaphore_mem>>) src(%dma_wait3A_218 : memref<10000x16xf32, #tpu.memory_space<hbm>>) dst(%arg12 : memref<125x16xf32, #tpu.memory_space<vmem>>)
    %dma_start3A_221 = arith.constant 75 : i32
    %dma_start3A_222 = arith.constant 5 : i32
    %dma_start3A_223 = arith.constant 0 : i32
    %dma_start3A_224 = tpu.memref_slice %arg6[%dma_start3A_221, %dma_start3A_223] : memref<80x125xi32, #tpu.memory_space<vmem>> -> memref<1x125xi32, #tpu.memory_space<vmem>>
    %dma_start3A_225 = tpu.memref_squeeze %dma_start3A_224 : memref<1x125xi32, #tpu.memory_space<vmem>> -> memref<125xi32, #tpu.memory_space<vmem>>
    %dma_start3A_226 = arith.constant 0 : i32
    %dma_start3A_227 = arith.constant 0 : i32
    %dma_start3A_228 = tpu.memref_slice %arg18[%dma_start3A_226, %dma_start3A_227] : memref<10000x16xf32, #tpu.memory_space<vmem_shared>> -> memref<10000x16xf32, #tpu.memory_space<vmem_shared>>
    %dma_start3A_229 = tpu.memref_slice %arg20[%dma_start3A_222] : memref<10x!tpu.dma_semaphore, #tpu.memory_space<semaphore_mem>> -> memref<1x!tpu.dma_semaphore, #tpu.memory_space<semaphore_mem>>
    %dma_start3A_230 = tpu.memref_squeeze %dma_start3A_229 : memref<1x!tpu.dma_semaphore, #tpu.memory_space<semaphore_mem>> -> memref<!tpu.dma_semaphore, #tpu.memory_space<semaphore_mem>>
    tpu.enqueue_indirect_dma source(%arg12 : memref<125x16xf32, #tpu.memory_space<vmem>>) target(%dma_start3A_228 : memref<10000x16xf32, #tpu.memory_space<vmem_shared>>) offsets(%dma_start3A_225 : memref<125xi32, #tpu.memory_space<vmem>>) semaphore(%dma_start3A_230 : memref<!tpu.dma_semaphore, #tpu.memory_space<semaphore_mem>>) {add = true}
    %dma_wait3A_231 = arith.constant 76 : i32
    %dma_wait3A_232 = arith.constant 6 : i32
    %dma_wait3A_233 = arith.constant 0 : i32
    %dma_wait3A_234 = tpu.memref_slice %arg5[%dma_wait3A_231, %dma_wait3A_233] : memref<80x125xi32, #tpu.memory_space<vmem>> -> memref<1x125xi32, #tpu.memory_space<vmem>>
    %dma_wait3A_235 = tpu.memref_squeeze %dma_wait3A_234 : memref<1x125xi32, #tpu.memory_space<vmem>> -> memref<125xi32, #tpu.memory_space<vmem>>
    %dma_wait3A_236 = arith.constant 0 : i32
    %dma_wait3A_237 = arith.constant 0 : i32
    %dma_wait3A_238 = tpu.memref_slice %arg2[%dma_wait3A_236, %dma_wait3A_237] : memref<10000x16xf32, #tpu.memory_space<hbm>> -> memref<10000x16xf32, #tpu.memory_space<hbm>>
    %dma_wait3A_239 = tpu.memref_slice %arg19[%dma_wait3A_232] : memref<10x!tpu.dma_semaphore, #tpu.memory_space<semaphore_mem>> -> memref<1x!tpu.dma_semaphore, #tpu.memory_space<semaphore_mem>>
    %dma_wait3A_240 = tpu.memref_squeeze %dma_wait3A_239 : memref<1x!tpu.dma_semaphore, #tpu.memory_space<semaphore_mem>> -> memref<!tpu.dma_semaphore, #tpu.memory_space<semaphore_mem>>
    tpu.wait_indirect_dma semaphore(%dma_wait3A_240 : memref<!tpu.dma_semaphore, #tpu.memory_space<semaphore_mem>>) src(%dma_wait3A_238 : memref<10000x16xf32, #tpu.memory_space<hbm>>) dst(%arg13 : memref<125x16xf32, #tpu.memory_space<vmem>>)
    %dma_start3A_241 = arith.constant 76 : i32
    %dma_start3A_242 = arith.constant 6 : i32
    %dma_start3A_243 = arith.constant 0 : i32
    %dma_start3A_244 = tpu.memref_slice %arg6[%dma_start3A_241, %dma_start3A_243] : memref<80x125xi32, #tpu.memory_space<vmem>> -> memref<1x125xi32, #tpu.memory_space<vmem>>
    %dma_start3A_245 = tpu.memref_squeeze %dma_start3A_244 : memref<1x125xi32, #tpu.memory_space<vmem>> -> memref<125xi32, #tpu.memory_space<vmem>>
    %dma_start3A_246 = arith.constant 0 : i32
    %dma_start3A_247 = arith.constant 0 : i32
    %dma_start3A_248 = tpu.memref_slice %arg18[%dma_start3A_246, %dma_start3A_247] : memref<10000x16xf32, #tpu.memory_space<vmem_shared>> -> memref<10000x16xf32, #tpu.memory_space<vmem_shared>>
    %dma_start3A_249 = tpu.memref_slice %arg20[%dma_start3A_242] : memref<10x!tpu.dma_semaphore, #tpu.memory_space<semaphore_mem>> -> memref<1x!tpu.dma_semaphore, #tpu.memory_space<semaphore_mem>>
    %dma_start3A_250 = tpu.memref_squeeze %dma_start3A_249 : memref<1x!tpu.dma_semaphore, #tpu.memory_space<semaphore_mem>> -> memref<!tpu.dma_semaphore, #tpu.memory_space<semaphore_mem>>
    tpu.enqueue_indirect_dma source(%arg13 : memref<125x16xf32, #tpu.memory_space<vmem>>) target(%dma_start3A_248 : memref<10000x16xf32, #tpu.memory_space<vmem_shared>>) offsets(%dma_start3A_245 : memref<125xi32, #tpu.memory_space<vmem>>) semaphore(%dma_start3A_250 : memref<!tpu.dma_semaphore, #tpu.memory_space<semaphore_mem>>) {add = true}
    %dma_wait3A_251 = arith.constant 77 : i32
    %dma_wait3A_252 = arith.constant 7 : i32
    %dma_wait3A_253 = arith.constant 0 : i32
    %dma_wait3A_254 = tpu.memref_slice %arg5[%dma_wait3A_251, %dma_wait3A_253] : memref<80x125xi32, #tpu.memory_space<vmem>> -> memref<1x125xi32, #tpu.memory_space<vmem>>
    %dma_wait3A_255 = tpu.memref_squeeze %dma_wait3A_254 : memref<1x125xi32, #tpu.memory_space<vmem>> -> memref<125xi32, #tpu.memory_space<vmem>>
    %dma_wait3A_256 = arith.constant 0 : i32
    %dma_wait3A_257 = arith.constant 0 : i32
    %dma_wait3A_258 = tpu.memref_slice %arg2[%dma_wait3A_256, %dma_wait3A_257] : memref<10000x16xf32, #tpu.memory_space<hbm>> -> memref<10000x16xf32, #tpu.memory_space<hbm>>
    %dma_wait3A_259 = tpu.memref_slice %arg19[%dma_wait3A_252] : memref<10x!tpu.dma_semaphore, #tpu.memory_space<semaphore_mem>> -> memref<1x!tpu.dma_semaphore, #tpu.memory_space<semaphore_mem>>
    %dma_wait3A_260 = tpu.memref_squeeze %dma_wait3A_259 : memref<1x!tpu.dma_semaphore, #tpu.memory_space<semaphore_mem>> -> memref<!tpu.dma_semaphore, #tpu.memory_space<semaphore_mem>>
    tpu.wait_indirect_dma semaphore(%dma_wait3A_260 : memref<!tpu.dma_semaphore, #tpu.memory_space<semaphore_mem>>) src(%dma_wait3A_258 : memref<10000x16xf32, #tpu.memory_space<hbm>>) dst(%arg14 : memref<125x16xf32, #tpu.memory_space<vmem>>)
    %dma_start3A_261 = arith.constant 77 : i32
    %dma_start3A_262 = arith.constant 7 : i32
    %dma_start3A_263 = arith.constant 0 : i32
    %dma_start3A_264 = tpu.memref_slice %arg6[%dma_start3A_261, %dma_start3A_263] : memref<80x125xi32, #tpu.memory_space<vmem>> -> memref<1x125xi32, #tpu.memory_space<vmem>>
    %dma_start3A_265 = tpu.memref_squeeze %dma_start3A_264 : memref<1x125xi32, #tpu.memory_space<vmem>> -> memref<125xi32, #tpu.memory_space<vmem>>
    %dma_start3A_266 = arith.constant 0 : i32
    %dma_start3A_267 = arith.constant 0 : i32
    %dma_start3A_268 = tpu.memref_slice %arg18[%dma_start3A_266, %dma_start3A_267] : memref<10000x16xf32, #tpu.memory_space<vmem_shared>> -> memref<10000x16xf32, #tpu.memory_space<vmem_shared>>
    %dma_start3A_269 = tpu.memref_slice %arg20[%dma_start3A_262] : memref<10x!tpu.dma_semaphore, #tpu.memory_space<semaphore_mem>> -> memref<1x!tpu.dma_semaphore, #tpu.memory_space<semaphore_mem>>
    %dma_start3A_270 = tpu.memref_squeeze %dma_start3A_269 : memref<1x!tpu.dma_semaphore, #tpu.memory_space<semaphore_mem>> -> memref<!tpu.dma_semaphore, #tpu.memory_space<semaphore_mem>>
    tpu.enqueue_indirect_dma source(%arg14 : memref<125x16xf32, #tpu.memory_space<vmem>>) target(%dma_start3A_268 : memref<10000x16xf32, #tpu.memory_space<vmem_shared>>) offsets(%dma_start3A_265 : memref<125xi32, #tpu.memory_space<vmem>>) semaphore(%dma_start3A_270 : memref<!tpu.dma_semaphore, #tpu.memory_space<semaphore_mem>>) {add = true}
    %dma_wait3A_271 = arith.constant 78 : i32
    %dma_wait3A_272 = arith.constant 8 : i32
    %dma_wait3A_273 = arith.constant 0 : i32
    %dma_wait3A_274 = tpu.memref_slice %arg5[%dma_wait3A_271, %dma_wait3A_273] : memref<80x125xi32, #tpu.memory_space<vmem>> -> memref<1x125xi32, #tpu.memory_space<vmem>>
    %dma_wait3A_275 = tpu.memref_squeeze %dma_wait3A_274 : memref<1x125xi32, #tpu.memory_space<vmem>> -> memref<125xi32, #tpu.memory_space<vmem>>
    %dma_wait3A_276 = arith.constant 0 : i32
    %dma_wait3A_277 = arith.constant 0 : i32
    %dma_wait3A_278 = tpu.memref_slice %arg2[%dma_wait3A_276, %dma_wait3A_277] : memref<10000x16xf32, #tpu.memory_space<hbm>> -> memref<10000x16xf32, #tpu.memory_space<hbm>>
    %dma_wait3A_279 = tpu.memref_slice %arg19[%dma_wait3A_272] : memref<10x!tpu.dma_semaphore, #tpu.memory_space<semaphore_mem>> -> memref<1x!tpu.dma_semaphore, #tpu.memory_space<semaphore_mem>>
    %dma_wait3A_280 = tpu.memref_squeeze %dma_wait3A_279 : memref<1x!tpu.dma_semaphore, #tpu.memory_space<semaphore_mem>> -> memref<!tpu.dma_semaphore, #tpu.memory_space<semaphore_mem>>
    tpu.wait_indirect_dma semaphore(%dma_wait3A_280 : memref<!tpu.dma_semaphore, #tpu.memory_space<semaphore_mem>>) src(%dma_wait3A_278 : memref<10000x16xf32, #tpu.memory_space<hbm>>) dst(%arg15 : memref<125x16xf32, #tpu.memory_space<vmem>>)
    %dma_start3A_281 = arith.constant 78 : i32
    %dma_start3A_282 = arith.constant 8 : i32
    %dma_start3A_283 = arith.constant 0 : i32
    %dma_start3A_284 = tpu.memref_slice %arg6[%dma_start3A_281, %dma_start3A_283] : memref<80x125xi32, #tpu.memory_space<vmem>> -> memref<1x125xi32, #tpu.memory_space<vmem>>
    %dma_start3A_285 = tpu.memref_squeeze %dma_start3A_284 : memref<1x125xi32, #tpu.memory_space<vmem>> -> memref<125xi32, #tpu.memory_space<vmem>>
    %dma_start3A_286 = arith.constant 0 : i32
    %dma_start3A_287 = arith.constant 0 : i32
    %dma_start3A_288 = tpu.memref_slice %arg18[%dma_start3A_286, %dma_start3A_287] : memref<10000x16xf32, #tpu.memory_space<vmem_shared>> -> memref<10000x16xf32, #tpu.memory_space<vmem_shared>>
    %dma_start3A_289 = tpu.memref_slice %arg20[%dma_start3A_282] : memref<10x!tpu.dma_semaphore, #tpu.memory_space<semaphore_mem>> -> memref<1x!tpu.dma_semaphore, #tpu.memory_space<semaphore_mem>>
    %dma_start3A_290 = tpu.memref_squeeze %dma_start3A_289 : memref<1x!tpu.dma_semaphore, #tpu.memory_space<semaphore_mem>> -> memref<!tpu.dma_semaphore, #tpu.memory_space<semaphore_mem>>
    tpu.enqueue_indirect_dma source(%arg15 : memref<125x16xf32, #tpu.memory_space<vmem>>) target(%dma_start3A_288 : memref<10000x16xf32, #tpu.memory_space<vmem_shared>>) offsets(%dma_start3A_285 : memref<125xi32, #tpu.memory_space<vmem>>) semaphore(%dma_start3A_290 : memref<!tpu.dma_semaphore, #tpu.memory_space<semaphore_mem>>) {add = true}
    %dma_wait3A_291 = arith.constant 79 : i32
    %dma_wait3A_292 = arith.constant 9 : i32
    %dma_wait3A_293 = arith.constant 0 : i32
    %dma_wait3A_294 = tpu.memref_slice %arg5[%dma_wait3A_291, %dma_wait3A_293] : memref<80x125xi32, #tpu.memory_space<vmem>> -> memref<1x125xi32, #tpu.memory_space<vmem>>
    %dma_wait3A_295 = tpu.memref_squeeze %dma_wait3A_294 : memref<1x125xi32, #tpu.memory_space<vmem>> -> memref<125xi32, #tpu.memory_space<vmem>>
    %dma_wait3A_296 = arith.constant 0 : i32
    %dma_wait3A_297 = arith.constant 0 : i32
    %dma_wait3A_298 = tpu.memref_slice %arg2[%dma_wait3A_296, %dma_wait3A_297] : memref<10000x16xf32, #tpu.memory_space<hbm>> -> memref<10000x16xf32, #tpu.memory_space<hbm>>
    %dma_wait3A_299 = tpu.memref_slice %arg19[%dma_wait3A_292] : memref<10x!tpu.dma_semaphore, #tpu.memory_space<semaphore_mem>> -> memref<1x!tpu.dma_semaphore, #tpu.memory_space<semaphore_mem>>
    %dma_wait3A_300 = tpu.memref_squeeze %dma_wait3A_299 : memref<1x!tpu.dma_semaphore, #tpu.memory_space<semaphore_mem>> -> memref<!tpu.dma_semaphore, #tpu.memory_space<semaphore_mem>>
    tpu.wait_indirect_dma semaphore(%dma_wait3A_300 : memref<!tpu.dma_semaphore, #tpu.memory_space<semaphore_mem>>) src(%dma_wait3A_298 : memref<10000x16xf32, #tpu.memory_space<hbm>>) dst(%arg16 : memref<125x16xf32, #tpu.memory_space<vmem>>)
    %dma_start3A_301 = arith.constant 79 : i32
    %dma_start3A_302 = arith.constant 9 : i32
    %dma_start3A_303 = arith.constant 0 : i32
    %dma_start3A_304 = tpu.memref_slice %arg6[%dma_start3A_301, %dma_start3A_303] : memref<80x125xi32, #tpu.memory_space<vmem>> -> memref<1x125xi32, #tpu.memory_space<vmem>>
    %dma_start3A_305 = tpu.memref_squeeze %dma_start3A_304 : memref<1x125xi32, #tpu.memory_space<vmem>> -> memref<125xi32, #tpu.memory_space<vmem>>
    %dma_start3A_306 = arith.constant 0 : i32
    %dma_start3A_307 = arith.constant 0 : i32
    %dma_start3A_308 = tpu.memref_slice %arg18[%dma_start3A_306, %dma_start3A_307] : memref<10000x16xf32, #tpu.memory_space<vmem_shared>> -> memref<10000x16xf32, #tpu.memory_space<vmem_shared>>
    %dma_start3A_309 = tpu.memref_slice %arg20[%dma_start3A_302] : memref<10x!tpu.dma_semaphore, #tpu.memory_space<semaphore_mem>> -> memref<1x!tpu.dma_semaphore, #tpu.memory_space<semaphore_mem>>
    %dma_start3A_310 = tpu.memref_squeeze %dma_start3A_309 : memref<1x!tpu.dma_semaphore, #tpu.memory_space<semaphore_mem>> -> memref<!tpu.dma_semaphore, #tpu.memory_space<semaphore_mem>>
    tpu.enqueue_indirect_dma source(%arg16 : memref<125x16xf32, #tpu.memory_space<vmem>>) target(%dma_start3A_308 : memref<10000x16xf32, #tpu.memory_space<vmem_shared>>) offsets(%dma_start3A_305 : memref<125xi32, #tpu.memory_space<vmem>>) semaphore(%dma_start3A_310 : memref<!tpu.dma_semaphore, #tpu.memory_space<semaphore_mem>>) {add = true}
    %dma_wait3A_311 = arith.constant 70 : i32
    %dma_wait3A_312 = arith.constant 0 : i32
    %dma_wait3A_313 = arith.constant 0 : i32
    %dma_wait3A_314 = tpu.memref_slice %arg6[%dma_wait3A_311, %dma_wait3A_313] : memref<80x125xi32, #tpu.memory_space<vmem>> -> memref<1x125xi32, #tpu.memory_space<vmem>>
    %dma_wait3A_315 = tpu.memref_squeeze %dma_wait3A_314 : memref<1x125xi32, #tpu.memory_space<vmem>> -> memref<125xi32, #tpu.memory_space<vmem>>
    %dma_wait3A_316 = arith.constant 0 : i32
    %dma_wait3A_317 = arith.constant 0 : i32
    %dma_wait3A_318 = tpu.memref_slice %arg18[%dma_wait3A_316, %dma_wait3A_317] : memref<10000x16xf32, #tpu.memory_space<vmem_shared>> -> memref<10000x16xf32, #tpu.memory_space<vmem_shared>>
    %dma_wait3A_319 = tpu.memref_slice %arg20[%dma_wait3A_312] : memref<10x!tpu.dma_semaphore, #tpu.memory_space<semaphore_mem>> -> memref<1x!tpu.dma_semaphore, #tpu.memory_space<semaphore_mem>>
    %dma_wait3A_320 = tpu.memref_squeeze %dma_wait3A_319 : memref<1x!tpu.dma_semaphore, #tpu.memory_space<semaphore_mem>> -> memref<!tpu.dma_semaphore, #tpu.memory_space<semaphore_mem>>
    tpu.wait_indirect_dma semaphore(%dma_wait3A_320 : memref<!tpu.dma_semaphore, #tpu.memory_space<semaphore_mem>>) src(%arg7 : memref<125x16xf32, #tpu.memory_space<vmem>>) dst(%dma_wait3A_318 : memref<10000x16xf32, #tpu.memory_space<vmem_shared>>)
    %dma_wait3A_321 = arith.constant 71 : i32
    %dma_wait3A_322 = arith.constant 1 : i32
    %dma_wait3A_323 = arith.constant 0 : i32
    %dma_wait3A_324 = tpu.memref_slice %arg6[%dma_wait3A_321, %dma_wait3A_323] : memref<80x125xi32, #tpu.memory_space<vmem>> -> memref<1x125xi32, #tpu.memory_space<vmem>>
    %dma_wait3A_325 = tpu.memref_squeeze %dma_wait3A_324 : memref<1x125xi32, #tpu.memory_space<vmem>> -> memref<125xi32, #tpu.memory_space<vmem>>
    %dma_wait3A_326 = arith.constant 0 : i32
    %dma_wait3A_327 = arith.constant 0 : i32
    %dma_wait3A_328 = tpu.memref_slice %arg18[%dma_wait3A_326, %dma_wait3A_327] : memref<10000x16xf32, #tpu.memory_space<vmem_shared>> -> memref<10000x16xf32, #tpu.memory_space<vmem_shared>>
    %dma_wait3A_329 = tpu.memref_slice %arg20[%dma_wait3A_322] : memref<10x!tpu.dma_semaphore, #tpu.memory_space<semaphore_mem>> -> memref<1x!tpu.dma_semaphore, #tpu.memory_space<semaphore_mem>>
    %dma_wait3A_330 = tpu.memref_squeeze %dma_wait3A_329 : memref<1x!tpu.dma_semaphore, #tpu.memory_space<semaphore_mem>> -> memref<!tpu.dma_semaphore, #tpu.memory_space<semaphore_mem>>
    tpu.wait_indirect_dma semaphore(%dma_wait3A_330 : memref<!tpu.dma_semaphore, #tpu.memory_space<semaphore_mem>>) src(%arg8 : memref<125x16xf32, #tpu.memory_space<vmem>>) dst(%dma_wait3A_328 : memref<10000x16xf32, #tpu.memory_space<vmem_shared>>)
    %dma_wait3A_331 = arith.constant 72 : i32
    %dma_wait3A_332 = arith.constant 2 : i32
    %dma_wait3A_333 = arith.constant 0 : i32
    %dma_wait3A_334 = tpu.memref_slice %arg6[%dma_wait3A_331, %dma_wait3A_333] : memref<80x125xi32, #tpu.memory_space<vmem>> -> memref<1x125xi32, #tpu.memory_space<vmem>>
    %dma_wait3A_335 = tpu.memref_squeeze %dma_wait3A_334 : memref<1x125xi32, #tpu.memory_space<vmem>> -> memref<125xi32, #tpu.memory_space<vmem>>
    %dma_wait3A_336 = arith.constant 0 : i32
    %dma_wait3A_337 = arith.constant 0 : i32
    %dma_wait3A_338 = tpu.memref_slice %arg18[%dma_wait3A_336, %dma_wait3A_337] : memref<10000x16xf32, #tpu.memory_space<vmem_shared>> -> memref<10000x16xf32, #tpu.memory_space<vmem_shared>>
    %dma_wait3A_339 = tpu.memref_slice %arg20[%dma_wait3A_332] : memref<10x!tpu.dma_semaphore, #tpu.memory_space<semaphore_mem>> -> memref<1x!tpu.dma_semaphore, #tpu.memory_space<semaphore_mem>>
    %dma_wait3A_340 = tpu.memref_squeeze %dma_wait3A_339 : memref<1x!tpu.dma_semaphore, #tpu.memory_space<semaphore_mem>> -> memref<!tpu.dma_semaphore, #tpu.memory_space<semaphore_mem>>
    tpu.wait_indirect_dma semaphore(%dma_wait3A_340 : memref<!tpu.dma_semaphore, #tpu.memory_space<semaphore_mem>>) src(%arg9 : memref<125x16xf32, #tpu.memory_space<vmem>>) dst(%dma_wait3A_338 : memref<10000x16xf32, #tpu.memory_space<vmem_shared>>)
    %dma_wait3A_341 = arith.constant 73 : i32
    %dma_wait3A_342 = arith.constant 3 : i32
    %dma_wait3A_343 = arith.constant 0 : i32
    %dma_wait3A_344 = tpu.memref_slice %arg6[%dma_wait3A_341, %dma_wait3A_343] : memref<80x125xi32, #tpu.memory_space<vmem>> -> memref<1x125xi32, #tpu.memory_space<vmem>>
    %dma_wait3A_345 = tpu.memref_squeeze %dma_wait3A_344 : memref<1x125xi32, #tpu.memory_space<vmem>> -> memref<125xi32, #tpu.memory_space<vmem>>
    %dma_wait3A_346 = arith.constant 0 : i32
    %dma_wait3A_347 = arith.constant 0 : i32
    %dma_wait3A_348 = tpu.memref_slice %arg18[%dma_wait3A_346, %dma_wait3A_347] : memref<10000x16xf32, #tpu.memory_space<vmem_shared>> -> memref<10000x16xf32, #tpu.memory_space<vmem_shared>>
    %dma_wait3A_349 = tpu.memref_slice %arg20[%dma_wait3A_342] : memref<10x!tpu.dma_semaphore, #tpu.memory_space<semaphore_mem>> -> memref<1x!tpu.dma_semaphore, #tpu.memory_space<semaphore_mem>>
    %dma_wait3A_350 = tpu.memref_squeeze %dma_wait3A_349 : memref<1x!tpu.dma_semaphore, #tpu.memory_space<semaphore_mem>> -> memref<!tpu.dma_semaphore, #tpu.memory_space<semaphore_mem>>
    tpu.wait_indirect_dma semaphore(%dma_wait3A_350 : memref<!tpu.dma_semaphore, #tpu.memory_space<semaphore_mem>>) src(%arg10 : memref<125x16xf32, #tpu.memory_space<vmem>>) dst(%dma_wait3A_348 : memref<10000x16xf32, #tpu.memory_space<vmem_shared>>)
    %dma_wait3A_351 = arith.constant 74 : i32
    %dma_wait3A_352 = arith.constant 4 : i32
    %dma_wait3A_353 = arith.constant 0 : i32
    %dma_wait3A_354 = tpu.memref_slice %arg6[%dma_wait3A_351, %dma_wait3A_353] : memref<80x125xi32, #tpu.memory_space<vmem>> -> memref<1x125xi32, #tpu.memory_space<vmem>>
    %dma_wait3A_355 = tpu.memref_squeeze %dma_wait3A_354 : memref<1x125xi32, #tpu.memory_space<vmem>> -> memref<125xi32, #tpu.memory_space<vmem>>
    %dma_wait3A_356 = arith.constant 0 : i32
    %dma_wait3A_357 = arith.constant 0 : i32
    %dma_wait3A_358 = tpu.memref_slice %arg18[%dma_wait3A_356, %dma_wait3A_357] : memref<10000x16xf32, #tpu.memory_space<vmem_shared>> -> memref<10000x16xf32, #tpu.memory_space<vmem_shared>>
    %dma_wait3A_359 = tpu.memref_slice %arg20[%dma_wait3A_352] : memref<10x!tpu.dma_semaphore, #tpu.memory_space<semaphore_mem>> -> memref<1x!tpu.dma_semaphore, #tpu.memory_space<semaphore_mem>>
    %dma_wait3A_360 = tpu.memref_squeeze %dma_wait3A_359 : memref<1x!tpu.dma_semaphore, #tpu.memory_space<semaphore_mem>> -> memref<!tpu.dma_semaphore, #tpu.memory_space<semaphore_mem>>
    tpu.wait_indirect_dma semaphore(%dma_wait3A_360 : memref<!tpu.dma_semaphore, #tpu.memory_space<semaphore_mem>>) src(%arg11 : memref<125x16xf32, #tpu.memory_space<vmem>>) dst(%dma_wait3A_358 : memref<10000x16xf32, #tpu.memory_space<vmem_shared>>)
    %dma_wait3A_361 = arith.constant 75 : i32
    %dma_wait3A_362 = arith.constant 5 : i32
    %dma_wait3A_363 = arith.constant 0 : i32
    %dma_wait3A_364 = tpu.memref_slice %arg6[%dma_wait3A_361, %dma_wait3A_363] : memref<80x125xi32, #tpu.memory_space<vmem>> -> memref<1x125xi32, #tpu.memory_space<vmem>>
    %dma_wait3A_365 = tpu.memref_squeeze %dma_wait3A_364 : memref<1x125xi32, #tpu.memory_space<vmem>> -> memref<125xi32, #tpu.memory_space<vmem>>
    %dma_wait3A_366 = arith.constant 0 : i32
    %dma_wait3A_367 = arith.constant 0 : i32
    %dma_wait3A_368 = tpu.memref_slice %arg18[%dma_wait3A_366, %dma_wait3A_367] : memref<10000x16xf32, #tpu.memory_space<vmem_shared>> -> memref<10000x16xf32, #tpu.memory_space<vmem_shared>>
    %dma_wait3A_369 = tpu.memref_slice %arg20[%dma_wait3A_362] : memref<10x!tpu.dma_semaphore, #tpu.memory_space<semaphore_mem>> -> memref<1x!tpu.dma_semaphore, #tpu.memory_space<semaphore_mem>>
    %dma_wait3A_370 = tpu.memref_squeeze %dma_wait3A_369 : memref<1x!tpu.dma_semaphore, #tpu.memory_space<semaphore_mem>> -> memref<!tpu.dma_semaphore, #tpu.memory_space<semaphore_mem>>
    tpu.wait_indirect_dma semaphore(%dma_wait3A_370 : memref<!tpu.dma_semaphore, #tpu.memory_space<semaphore_mem>>) src(%arg12 : memref<125x16xf32, #tpu.memory_space<vmem>>) dst(%dma_wait3A_368 : memref<10000x16xf32, #tpu.memory_space<vmem_shared>>)
    %dma_wait3A_371 = arith.constant 76 : i32
    %dma_wait3A_372 = arith.constant 6 : i32
    %dma_wait3A_373 = arith.constant 0 : i32
    %dma_wait3A_374 = tpu.memref_slice %arg6[%dma_wait3A_371, %dma_wait3A_373] : memref<80x125xi32, #tpu.memory_space<vmem>> -> memref<1x125xi32, #tpu.memory_space<vmem>>
    %dma_wait3A_375 = tpu.memref_squeeze %dma_wait3A_374 : memref<1x125xi32, #tpu.memory_space<vmem>> -> memref<125xi32, #tpu.memory_space<vmem>>
    %dma_wait3A_376 = arith.constant 0 : i32
    %dma_wait3A_377 = arith.constant 0 : i32
    %dma_wait3A_378 = tpu.memref_slice %arg18[%dma_wait3A_376, %dma_wait3A_377] : memref<10000x16xf32, #tpu.memory_space<vmem_shared>> -> memref<10000x16xf32, #tpu.memory_space<vmem_shared>>
    %dma_wait3A_379 = tpu.memref_slice %arg20[%dma_wait3A_372] : memref<10x!tpu.dma_semaphore, #tpu.memory_space<semaphore_mem>> -> memref<1x!tpu.dma_semaphore, #tpu.memory_space<semaphore_mem>>
    %dma_wait3A_380 = tpu.memref_squeeze %dma_wait3A_379 : memref<1x!tpu.dma_semaphore, #tpu.memory_space<semaphore_mem>> -> memref<!tpu.dma_semaphore, #tpu.memory_space<semaphore_mem>>
    tpu.wait_indirect_dma semaphore(%dma_wait3A_380 : memref<!tpu.dma_semaphore, #tpu.memory_space<semaphore_mem>>) src(%arg13 : memref<125x16xf32, #tpu.memory_space<vmem>>) dst(%dma_wait3A_378 : memref<10000x16xf32, #tpu.memory_space<vmem_shared>>)
    %dma_wait3A_381 = arith.constant 77 : i32
    %dma_wait3A_382 = arith.constant 7 : i32
    %dma_wait3A_383 = arith.constant 0 : i32
    %dma_wait3A_384 = tpu.memref_slice %arg6[%dma_wait3A_381, %dma_wait3A_383] : memref<80x125xi32, #tpu.memory_space<vmem>> -> memref<1x125xi32, #tpu.memory_space<vmem>>
    %dma_wait3A_385 = tpu.memref_squeeze %dma_wait3A_384 : memref<1x125xi32, #tpu.memory_space<vmem>> -> memref<125xi32, #tpu.memory_space<vmem>>
    %dma_wait3A_386 = arith.constant 0 : i32
    %dma_wait3A_387 = arith.constant 0 : i32
    %dma_wait3A_388 = tpu.memref_slice %arg18[%dma_wait3A_386, %dma_wait3A_387] : memref<10000x16xf32, #tpu.memory_space<vmem_shared>> -> memref<10000x16xf32, #tpu.memory_space<vmem_shared>>
    %dma_wait3A_389 = tpu.memref_slice %arg20[%dma_wait3A_382] : memref<10x!tpu.dma_semaphore, #tpu.memory_space<semaphore_mem>> -> memref<1x!tpu.dma_semaphore, #tpu.memory_space<semaphore_mem>>
    %dma_wait3A_390 = tpu.memref_squeeze %dma_wait3A_389 : memref<1x!tpu.dma_semaphore, #tpu.memory_space<semaphore_mem>> -> memref<!tpu.dma_semaphore, #tpu.memory_space<semaphore_mem>>
    tpu.wait_indirect_dma semaphore(%dma_wait3A_390 : memref<!tpu.dma_semaphore, #tpu.memory_space<semaphore_mem>>) src(%arg14 : memref<125x16xf32, #tpu.memory_space<vmem>>) dst(%dma_wait3A_388 : memref<10000x16xf32, #tpu.memory_space<vmem_shared>>)
    %dma_wait3A_391 = arith.constant 78 : i32
    %dma_wait3A_392 = arith.constant 8 : i32
    %dma_wait3A_393 = arith.constant 0 : i32
    %dma_wait3A_394 = tpu.memref_slice %arg6[%dma_wait3A_391, %dma_wait3A_393] : memref<80x125xi32, #tpu.memory_space<vmem>> -> memref<1x125xi32, #tpu.memory_space<vmem>>
    %dma_wait3A_395 = tpu.memref_squeeze %dma_wait3A_394 : memref<1x125xi32, #tpu.memory_space<vmem>> -> memref<125xi32, #tpu.memory_space<vmem>>
    %dma_wait3A_396 = arith.constant 0 : i32
    %dma_wait3A_397 = arith.constant 0 : i32
    %dma_wait3A_398 = tpu.memref_slice %arg18[%dma_wait3A_396, %dma_wait3A_397] : memref<10000x16xf32, #tpu.memory_space<vmem_shared>> -> memref<10000x16xf32, #tpu.memory_space<vmem_shared>>
    %dma_wait3A_399 = tpu.memref_slice %arg20[%dma_wait3A_392] : memref<10x!tpu.dma_semaphore, #tpu.memory_space<semaphore_mem>> -> memref<1x!tpu.dma_semaphore, #tpu.memory_space<semaphore_mem>>
    %dma_wait3A_400 = tpu.memref_squeeze %dma_wait3A_399 : memref<1x!tpu.dma_semaphore, #tpu.memory_space<semaphore_mem>> -> memref<!tpu.dma_semaphore, #tpu.memory_space<semaphore_mem>>
    tpu.wait_indirect_dma semaphore(%dma_wait3A_400 : memref<!tpu.dma_semaphore, #tpu.memory_space<semaphore_mem>>) src(%arg15 : memref<125x16xf32, #tpu.memory_space<vmem>>) dst(%dma_wait3A_398 : memref<10000x16xf32, #tpu.memory_space<vmem_shared>>)
    %dma_wait3A_401 = arith.constant 79 : i32
    %dma_wait3A_402 = arith.constant 9 : i32
    %dma_wait3A_403 = arith.constant 0 : i32
    %dma_wait3A_404 = tpu.memref_slice %arg6[%dma_wait3A_401, %dma_wait3A_403] : memref<80x125xi32, #tpu.memory_space<vmem>> -> memref<1x125xi32, #tpu.memory_space<vmem>>
    %dma_wait3A_405 = tpu.memref_squeeze %dma_wait3A_404 : memref<1x125xi32, #tpu.memory_space<vmem>> -> memref<125xi32, #tpu.memory_space<vmem>>
    %dma_wait3A_406 = arith.constant 0 : i32
    %dma_wait3A_407 = arith.constant 0 : i32
    %dma_wait3A_408 = tpu.memref_slice %arg18[%dma_wait3A_406, %dma_wait3A_407] : memref<10000x16xf32, #tpu.memory_space<vmem_shared>> -> memref<10000x16xf32, #tpu.memory_space<vmem_shared>>
    %dma_wait3A_409 = tpu.memref_slice %arg20[%dma_wait3A_402] : memref<10x!tpu.dma_semaphore, #tpu.memory_space<semaphore_mem>> -> memref<1x!tpu.dma_semaphore, #tpu.memory_space<semaphore_mem>>
    %dma_wait3A_410 = tpu.memref_squeeze %dma_wait3A_409 : memref<1x!tpu.dma_semaphore, #tpu.memory_space<semaphore_mem>> -> memref<!tpu.dma_semaphore, #tpu.memory_space<semaphore_mem>>
    tpu.wait_indirect_dma semaphore(%dma_wait3A_410 : memref<!tpu.dma_semaphore, #tpu.memory_space<semaphore_mem>>) src(%arg16 : memref<125x16xf32, #tpu.memory_space<vmem>>) dst(%dma_wait3A_408 : memref<10000x16xf32, #tpu.memory_space<vmem_shared>>)
    %barrier3A_411 = arith.constant 0 : index
    tpu.barrier barrier_id(%barrier3A_411)
    %mul3A_412 = arith.constant 625 : i32
    %mul3A_413 = arith.muli %arg1, %mul3A_412 : i32
    "tpu.region"() ({
      %run_scoped3A_414 = tpu.sem_alloc : memref<!tpu.dma_semaphore, #tpu.memory_space<semaphore_mem>>
      %dma_start3A_415 = arith.constant 0 : i32
      %dma_start3A_416 = arith.constant 0 : i32
      %dma_start3A_417 = tpu.memref_slice %arg4[%arg0, %arg1, %dma_start3A_415, %dma_start3A_416] : memref<2x16x625x16xf32, #tpu.memory_space<hbm>> -> memref<1x1x625x16xf32, #tpu.memory_space<hbm>>
      %dma_start3A_418 = tpu.memref_squeeze %dma_start3A_417 : memref<1x1x625x16xf32, #tpu.memory_space<hbm>> -> memref<625x16xf32, #tpu.memory_space<hbm>>
      %dma_start3A_419 = arith.constant 0 : i32
      %dma_start3A_420 = tpu.memref_slice %arg18[%mul3A_413, %dma_start3A_419] : memref<10000x16xf32, #tpu.memory_space<vmem_shared>> -> memref<625x16xf32, #tpu.memory_space<vmem_shared>>
      tpu.enqueue_dma source(%dma_start3A_420 : memref<625x16xf32, #tpu.memory_space<vmem_shared>>) target(%dma_start3A_418 : memref<625x16xf32, #tpu.memory_space<hbm>>) target_semaphore(%run_scoped3A_414 : memref<!tpu.dma_semaphore, #tpu.memory_space<semaphore_mem>>)
      %dma_wait3A_421 = arith.constant 0 : i32
      %dma_wait3A_422 = arith.constant 0 : i32
      %dma_wait3A_423 = tpu.memref_slice %arg4[%arg0, %arg1, %dma_wait3A_421, %dma_wait3A_422] : memref<2x16x625x16xf32, #tpu.memory_space<hbm>> -> memref<1x1x625x16xf32, #tpu.memory_space<hbm>>
      %dma_wait3A_424 = tpu.memref_squeeze %dma_wait3A_423 : memref<1x1x625x16xf32, #tpu.memory_space<hbm>> -> memref<625x16xf32, #tpu.memory_space<hbm>>
      %dma_wait3A_425 = arith.constant 0 : i32
      %dma_wait3A_426 = tpu.memref_slice %arg18[%mul3A_413, %dma_wait3A_425] : memref<10000x16xf32, #tpu.memory_space<vmem_shared>> -> memref<625x16xf32, #tpu.memory_space<vmem_shared>>
      tpu.wait_dma2 semaphore(%run_scoped3A_414 : memref<!tpu.dma_semaphore, #tpu.memory_space<semaphore_mem>>) src(%dma_wait3A_426 : memref<625x16xf32, #tpu.memory_space<vmem_shared>>) dst(%dma_wait3A_424 : memref<625x16xf32, #tpu.memory_space<hbm>>)
      tpu.yield
    }) : () -> ()
    return
  }
}

module attributes {stable_mosaic.version = 14 : i64} {
  func.func @_mm_body(%arg0: memref<1250x1024xbf16, #tpu.memory_space<vmem>>, %arg1: memref<1024x128xbf16, #tpu.memory_space<vmem>>, %arg2: memref<1250x128xf32, #tpu.memory_space<vmem>>) attributes {dimension_semantics = [], scalar_prefetch = 0 : i64, scratch_operands = 0 : i64, tpu.core_type = #tpu.core_type<tc>} {
    %get3A = arith.constant 0 : index
    %get3A_0 = arith.constant 0 : index
    %get3A_1 = vector.load %arg0[%get3A, %get3A_0] : memref<1250x1024xbf16, #tpu.memory_space<vmem>>, vector<1250x1024xbf16>
    %get3A_2 = arith.constant 0 : index
    %get3A_3 = arith.constant 0 : index
    %get3A_4 = vector.load %arg1[%get3A_2, %get3A_3] : memref<1024x128xbf16, #tpu.memory_space<vmem>>, vector<1024x128xbf16>
    %dot_general3A = arith.constant dense<0.000000e+00> : vector<1250x128xf32>
    %dot_general3A_5 = tpu.matmul %get3A_1, %get3A_4, %dot_general3A {dimension_numbers = #tpu.dot_dimension_numbers<[1], [0], [0], [1], [0, 0, 1, 1], [], []>, transpose_lhs_hint = false} : vector<1250x1024xbf16>, vector<1024x128xbf16>, vector<1250x128xf32> -> vector<1250x128xf32>
    %swap3A = arith.constant 0 : index
    %swap3A_6 = arith.constant 0 : index
    %swap3A_7 = vector.load %arg2[%swap3A, %swap3A_6] : memref<1250x128xf32, #tpu.memory_space<vmem>>, vector<1250x128xf32>
    tpu.vector_store %arg2[%swap3A, %swap3A_6], %dot_general3A_5 {strides = array<i32>} : memref<1250x128xf32, #tpu.memory_space<vmem>>, vector<1250x128xf32>,
    return
  }
}

module attributes {stable_mosaic.version = 14 : i64} {
  func.func @_scale1_body(%arg0: memref<1250x128xf32, #tpu.memory_space<vmem>>, %arg1: memref<1280x128xf32, #tpu.memory_space<vmem>>, %arg2: memref<1250x128xf32, #tpu.memory_space<vmem>>) attributes {dimension_semantics = [], scalar_prefetch = 0 : i64, scratch_operands = 0 : i64, tpu.core_type = #tpu.core_type<tc>} {
    %get3A = arith.constant 0 : index
    %get3A_0 = arith.constant 0 : index
    %get3A_1 = vector.load %arg0[%get3A, %get3A_0] : memref<1250x128xf32, #tpu.memory_space<vmem>>, vector<1250x128xf32>
    %get3A_2 = arith.constant 0 : index
    %get3A_3 = arith.constant 0 : index
    %get3A_4 = vector.load %arg1[%get3A_2, %get3A_3] : memref<1280x128xf32, #tpu.memory_space<vmem>>, vector<1250x128xf32>
    %mul3A = arith.mulf %get3A_1, %get3A_4 : vector<1250x128xf32>
    %swap3A = arith.constant 0 : index
    %swap3A_5 = arith.constant 0 : index
    %swap3A_6 = vector.load %arg2[%swap3A, %swap3A_5] : memref<1250x128xf32, #tpu.memory_space<vmem>>, vector<1250x128xf32>
    tpu.vector_store %arg2[%swap3A, %swap3A_5], %mul3A {strides = array<i32>} : memref<1250x128xf32, #tpu.memory_space<vmem>>, vector<1250x128xf32>,
    return
  }
}

module attributes {stable_mosaic.version = 14 : i64} {
  func.func @_mid_body(%arg0: memref<1280x128xf32, #tpu.memory_space<vmem>>, %arg1: memref<2x1250x128xf32, #tpu.memory_space<vmem>>, %arg2: memref<1250x128xf32, #tpu.memory_space<vmem>>, %arg3: memref<1x128xf32, #tpu.memory_space<vmem>>, %arg4: memref<128x128xf32, #tpu.memory_space<vmem>>, %arg5: memref<1250x128xf32, #tpu.memory_space<vmem>>) attributes {dimension_semantics = [], scalar_prefetch = 0 : i64, scratch_operands = 0 : i64, tpu.core_type = #tpu.core_type<tc>} {
    %get3A = arith.constant 0 : index
    %get3A_0 = arith.constant 0 : index
    %get3A_1 = vector.load %arg0[%get3A, %get3A_0] : memref<1280x128xf32, #tpu.memory_space<vmem>>, vector<1250x128xf32>
    %get3A_2 = arith.constant 0 : index
    %get3A_3 = arith.constant 0 : index
    %get3A_4 = arith.constant 0 : index
    %get3A_5 = vector.load %arg1[%get3A_2, %get3A_3, %get3A_4] : memref<2x1250x128xf32, #tpu.memory_space<vmem>>, vector<1x1250x128xf32>
    %get3A_6 = vector.shape_cast %get3A_5 : vector<1x1250x128xf32> to vector<1250x128xf32>
    %get3A_7 = arith.constant 1 : index
    %get3A_8 = arith.constant 0 : index
    %get3A_9 = arith.constant 0 : index
    %get3A_10 = vector.load %arg1[%get3A_7, %get3A_8, %get3A_9] : memref<2x1250x128xf32, #tpu.memory_space<vmem>>, vector<1x1250x128xf32>
    %get3A_11 = vector.shape_cast %get3A_10 : vector<1x1250x128xf32> to vector<1250x128xf32>
    %add3A = arith.addf %get3A_6, %get3A_11 : vector<1250x128xf32>
    %get3A_12 = arith.constant 0 : index
    %get3A_13 = arith.constant 0 : index
    %get3A_14 = vector.load %arg2[%get3A_12, %get3A_13] : memref<1250x128xf32, #tpu.memory_space<vmem>>, vector<1250x128xf32>
    %add3A_15 = arith.addf %add3A, %get3A_14 : vector<1250x128xf32>
    %mul3A = arith.mulf %add3A_15, %get3A_1 : vector<1250x128xf32>
    %get3A_16 = arith.constant 0 : index
    %get3A_17 = arith.constant 0 : index
    %get3A_18 = vector.load %arg3[%get3A_16, %get3A_17] : memref<1x128xf32, #tpu.memory_space<vmem>>, vector<1x128xf32>
    %add3A_19 = vector.broadcast %get3A_18 : vector<1x128xf32> to vector<1250x128xf32>
    %add3A_20 = arith.addf %mul3A, %add3A_19 : vector<1250x128xf32>
    %max3A = arith.constant 0.000000e+00 : f32
    %max3A_21 = vector.broadcast %max3A : f32 to vector<1250x128xf32>
    %max3A_22 = arith.maximumf %add3A_20, %max3A_21 : vector<1250x128xf32>
    %get3A_23 = arith.constant 0 : index
    %get3A_24 = arith.constant 0 : index
    %get3A_25 = vector.load %arg4[%get3A_23, %get3A_24] : memref<128x128xf32, #tpu.memory_space<vmem>>, vector<128x128xf32>
    %dot_general3A = arith.constant dense<0.000000e+00> : vector<1250x128xf32>
    %dot_general3A_26 = tpu.matmul %max3A_22, %get3A_25, %dot_general3A {dimension_numbers = #tpu.dot_dimension_numbers<[1], [0], [0], [1], [0, 0, 1, 1], [], []>, precision = #tpu.contract_precision<fp32>, transpose_lhs_hint = false} : vector<1250x128xf32>, vector<128x128xf32>, vector<1250x128xf32> -> vector<1250x128xf32>
    %mul3A_27 = arith.mulf %dot_general3A_26, %get3A_1 : vector<1250x128xf32>
    %swap3A = arith.constant 0 : index
    %swap3A_28 = arith.constant 0 : index
    %swap3A_29 = vector.load %arg5[%swap3A, %swap3A_28] : memref<1250x128xf32, #tpu.memory_space<vmem>>, vector<1250x128xf32>
    tpu.vector_store %arg5[%swap3A, %swap3A_28], %mul3A_27 {strides = array<i32>} : memref<1250x128xf32, #tpu.memory_space<vmem>>, vector<1250x128xf32>,
    return
  }
}

module attributes {stable_mosaic.version = 14 : i64} {
  func.func @_final_body(%arg0: memref<1280x128xf32, #tpu.memory_space<vmem>>, %arg1: memref<2x1250x128xf32, #tpu.memory_space<vmem>>, %arg2: memref<1250x128xf32, #tpu.memory_space<vmem>>, %arg3: memref<1x128xf32, #tpu.memory_space<vmem>>, %arg4: memref<1250x128xf32, #tpu.memory_space<vmem>>) attributes {dimension_semantics = [], scalar_prefetch = 0 : i64, scratch_operands = 0 : i64, tpu.core_type = #tpu.core_type<tc>} {
    %get3A = arith.constant 0 : index
    %get3A_0 = arith.constant 0 : index
    %get3A_1 = arith.constant 0 : index
    %get3A_2 = vector.load %arg1[%get3A, %get3A_0, %get3A_1] : memref<2x1250x128xf32, #tpu.memory_space<vmem>>, vector<1x1250x128xf32>
    %get3A_3 = vector.shape_cast %get3A_2 : vector<1x1250x128xf32> to vector<1250x128xf32>
    %get3A_4 = arith.constant 1 : index
    %get3A_5 = arith.constant 0 : index
    %get3A_6 = arith.constant 0 : index
    %get3A_7 = vector.load %arg1[%get3A_4, %get3A_5, %get3A_6] : memref<2x1250x128xf32, #tpu.memory_space<vmem>>, vector<1x1250x128xf32>
    %get3A_8 = vector.shape_cast %get3A_7 : vector<1x1250x128xf32> to vector<1250x128xf32>
    %add3A = arith.addf %get3A_3, %get3A_8 : vector<1250x128xf32>
    %get3A_9 = arith.constant 0 : index
    %get3A_10 = arith.constant 0 : index
    %get3A_11 = vector.load %arg2[%get3A_9, %get3A_10] : memref<1250x128xf32, #tpu.memory_space<vmem>>, vector<1250x128xf32>
    %add3A_12 = arith.addf %add3A, %get3A_11 : vector<1250x128xf32>
    %get3A_13 = arith.constant 0 : index
    %get3A_14 = arith.constant 0 : index
    %get3A_15 = vector.load %arg0[%get3A_13, %get3A_14] : memref<1280x128xf32, #tpu.memory_space<vmem>>, vector<1250x128xf32>
    %mul3A = arith.mulf %add3A_12, %get3A_15 : vector<1250x128xf32>
    %get3A_16 = arith.constant 0 : index
    %get3A_17 = arith.constant 0 : index
    %get3A_18 = vector.load %arg3[%get3A_16, %get3A_17] : memref<1x128xf32, #tpu.memory_space<vmem>>, vector<1x128xf32>
    %add3A_19 = vector.broadcast %get3A_18 : vector<1x128xf32> to vector<1250x128xf32>
    %add3A_20 = arith.addf %mul3A, %add3A_19 : vector<1250x128xf32>
    %swap3A = arith.constant 0 : index
    %swap3A_21 = arith.constant 0 : index
    %swap3A_22 = vector.load %arg4[%swap3A, %swap3A_21] : memref<1250x128xf32, #tpu.memory_space<vmem>>, vector<1250x128xf32>
    tpu.vector_store %arg4[%swap3A, %swap3A_21], %add3A_20 {strides = array<i32>} : memref<1250x128xf32, #tpu.memory_space<vmem>>, vector<1250x128xf32>,
    return
  }
}

</mosaic_0001>

<sc_bundles>
// kernel: kernel.12.cloned.1.call-start
scs
__scs_entry_jumppad:
0x0: {  	(pc) =	sbr.rel $0x88, $3  }
0x1: {  	(tag) =	ssettag $0x0;
	lr =	simm.s32 $0x1  }
0x2: {  	[smem:$0x3F9B] =	sst lr;
	_ =	strace $0xD0000000  }
0x3: {  	_ = 	snop  }
0x4: {  	_ = 	snop  }
0x5: {  	_ = 	snop  }
0x6: {  	_ = 	snop  }
0x7: {  	_ = 	snop  }
__scs_overlays_trampoline_lowered:
0x8: {  	[smem:$0x3FAA] =	sst s0  }
0x9: {  	[smem:$0x3FAB] =	sst s1  }
0xa: {  	[smem:$0x3FAC] =	sst s2  }
0xb: {  	[smem:$0x3FAD] =	sst s3  }
0xc: {  	[smem:$0x3FAE] =	sst s4  }
0xd: {  	[smem:$0x3FAF] =	sst s5  }
0xe: {  	[smem:$0x3FB0] =	sst s6  }
0xf: {  	[smem:$0x3FB1] =	sst s7  }
0x10: {  	[smem:$0x3FB2] =	sst s8  }
0x11: {  	[smem:$0x3FB3] =	sst s9;
	s0 =	simm.s32 @!p0 $0x0  }
0x12: {  	s1 =	sld [smem:$0x3F99];
	s0 =	simm.s32 @p0 $0x1  }
0x13: {  	[smem:$0x3FB4] =	sst s0;
	s0 =	simm.s32 @!p1 $0x0  }
0x14: {  	s2 =	sld [smem:$0x3F98];
	s0 =	simm.s32 @p1 $0x1  }
0x15: {  	[smem:$0x3FB5] =	sst s0;
	s0 =	simm.s32 @!p2 $0x0  }
0x16: {  	s3 =	sld [smem:$0x3FDB];
	s0 =	simm.s32 @p2 $0x1  }
0x17: {  	s4 =	simm.s32 $0x1BF5;
	[smem:$0x3FB7] =	sst s0  }
0x18: {  	s0 =	sld [smem:$0x3F9A];
	_ =	swait.ge [sflag:s4], $0x0  }
0x19: {  	s7 =	sld [smem:$0x3F9B]  }
0x1a: {  	s8 =	sadd.s32 $0xFFFFE003, lr  }
0x1b: {  	s9 =	sadd.s32 $0xFFFFFEF7, lr;
	s5 =	simm.s32 $0xFFFFFFFF;
	p2 =	slt.u32 s8, $0xFFFFF086  }
0x1c: {  	p1 =	slt.u32 s9, $0xF7A;
	s5 =	simm.s32 @!p2 $0x0  }
0x1d: {  	s5 =	simm.s32 @p1 $0x1;
	p0 =	seq.s32 s7, s2  }
0x1e: {  	s7 =	smul.u32 @!p0 $0xF7A, s2;
	p2 =	seq.s32 @!p0 s5, $0x0  }
0x1f: {  	s9 =	smul.u32 $0xF7A, s1;
	s8 =	simm.s32 @!p0 $0x1BF5;
	p2 =	por !p2, p0  }
0x20: {  	[sflag:s8] =	ssyncset.s32 @!p0 $0xFFFFF086;
	s6 =	sadd.s32 @!p0 s3, s7;
	s7 =	simm.s32 @!p0 $0x108  }
0x21: {  	s3 =	sadd.s32 s3, s9;
	s6 =	sadd.s32 @!p0 $0x88, s6;
	s7 =	simm.s32 @p2 $0x1082  }
0x22: {  	[simem:s7], [sflag:s8] =	dma.local @!p0 [hbm:s6], $0xF7A  }
0x23: {  	s9 =	sor.u32 $0xD0000000, s2;
	s6 =	simm.s32 $0x108;
	_ =	swait.ge @!p0 [sflag:s8], $0x0  }
0x24: {  	s3 =	sadd.s32 $0x88, s3;
	s6 =	simm.s32 @!p1 $0x1082;
	[sflag:s4] =	ssyncset.s32 $0xFFFFF086  }
0x25: {  	[simem:s6], [sflag:s4] =	dma.local [hbm:s3], $0xF7A  }
0x26: {  	[smem:$0x3F9B] =	sst s1;
	(tag) =	ssettag s2;
	_ =	strace s9  }
0x27: {  	s1 =	sld [smem:$0x3FAB]  }
0x28: {  	s2 =	sld [smem:$0x3FAC]  }
0x29: {  	s4 =	sld [smem:$0x3FAE]  }
0x2a: {  	p0 =	seq.s32 s5, $0x0;
	s5 =	sld [smem:$0x3FAF]  }
0x2b: {  	s6 =	sld [smem:$0x3FB0]  }
0x2c: {  	s7 =	sld [smem:$0x3FB1]  }
0x2d: {  	s3 =	simm.s32 $0x108;
	s8 =	sld [smem:$0x3FB2]  }
0x2e: {  	s3 =	simm.s32 @!p0 $0x1082;
	s9 =	sld [smem:$0x3FB3]  }
0x2f: {  	lr =	sadd.s32 s0, s3;
	s0 =	sld [smem:$0x3FAA]  }
0x30: {  	s3 =	sld [smem:$0x3FAD]  }
0x31: {  	[smem:$0x3FB6] =	sst s10  }
0x32: {  	s10 =	sld [smem:$0x3FB4];
	_ =	sdelay $0x3  }
0x33: {  	p0 =	seq.s32 s10, $0x1;
	s10 =	sld [smem:$0x3FB6];
	_ =	sdelay $0x3  }
0x34: {  	[smem:$0x3FB6] =	sst s10  }
0x35: {  	s10 =	sld [smem:$0x3FB5];
	_ =	sdelay $0x3  }
0x36: {  	p1 =	seq.s32 s10, $0x1;
	s10 =	sld [smem:$0x3FB6];
	_ =	sdelay $0x3  }
0x37: {  	[smem:$0x3FB6] =	sst s10  }
0x38: {  	s10 =	sld [smem:$0x3FB7]  }
0x39: {  	_ = 	snop;
	(pc) =	sbr.ind lr, $3  }
0x3a: {  	_ = 	snop  }
0x3b: {  	_ = 	snop  }
0x3c: {  	p2 =	seq.s32 s10, $0x1;
	s10 =	sld [smem:$0x3FB6]  }
0x3d: {  	_ =	shalt  }
0x3e: {  	_ =	shalt  }
0x3f: {  	_ =	shalt  }
0x40: {  	_ =	shalt  }
0x41: {  	_ =	shalt  }
0x42: {  	_ =	shalt  }
0x43: {  	_ =	shalt  }
0x44: {  	_ =	shalt  }
0x45: {  	_ =	shalt  }
0x46: {  	_ =	shalt  }
0x47: {  	_ =	shalt  }
0x48: {  	_ =	shalt  }
0x49: {  	_ =	shalt  }
0x4a: {  	_ =	shalt  }
0x4b: {  	_ =	shalt  }
0x4c: {  	_ =	shalt  }
0x4d: {  	_ =	shalt  }
0x4e: {  	_ =	shalt  }
0x4f: {  	_ =	shalt  }
0x50: {  	_ =	shalt  }
0x51: {  	_ =	shalt  }
0x52: {  	_ =	shalt  }
0x53: {  	_ =	shalt  }
0x54: {  	_ =	shalt  }
0x55: {  	_ =	shalt  }
0x56: {  	_ =	shalt  }
0x57: {  	_ =	shalt  }
0x58: {  	_ =	shalt  }
0x59: {  	_ =	shalt  }
0x5a: {  	_ =	shalt  }
0x5b: {  	_ =	shalt  }
0x5c: {  	_ =	shalt  }
0x5d: {  	_ =	shalt  }
0x5e: {  	_ =	shalt  }
0x5f: {  	_ =	shalt  }
0x60: {  	_ =	shalt  }
0x61: {  	_ =	shalt  }
0x62: {  	_ =	shalt  }
0x63: {  	_ =	shalt  }
0x64: {  	_ =	shalt  }
0x65: {  	_ =	shalt  }
0x66: {  	_ =	shalt  }
0x67: {  	_ =	shalt  }
0x68: {  	_ =	shalt  }
0x69: {  	_ =	shalt  }
0x6a: {  	_ =	shalt  }
0x6b: {  	_ =	shalt  }
0x6c: {  	_ =	shalt  }
0x6d: {  	_ =	shalt  }
0x6e: {  	_ =	shalt  }
0x6f: {  	_ =	shalt  }
0x70: {  	_ =	shalt  }
0x71: {  	_ =	shalt  }
0x72: {  	_ =	shalt  }
0x73: {  	_ =	shalt  }
0x74: {  	_ =	shalt  }
0x75: {  	_ =	shalt  }
0x76: {  	_ =	shalt  }
0x77: {  	_ =	shalt  }
0x78: {  	_ =	shalt  }
0x79: {  	_ =	shalt  }
0x7a: {  	_ =	shalt  }
0x7b: {  	_ =	shalt  }
0x7c: {  	_ =	shalt  }
0x7d: {  	_ =	shalt  }
0x7e: {  	_ =	shalt  }
0x7f: {  	_ =	shalt  }
0x80: {  	_ =	shalt  }
0x81: {  	_ =	shalt  }
0x82: {  	_ =	shalt  }
0x83: {  	_ =	shalt  }
0x84: {  	_ =	shalt  }
0x85: {  	_ =	shalt  }
0x86: {  	_ =	shalt  }
0x87: {  	_ =	shalt  }
.Lfunc_end0:
.L_simem_size_0:
called_computation.1_lowered:
.L_overlay_start_0:
0x88: {  	s2 =	sld [smem:$0x3FD9]  }
0x89: {  	s3 =	sld [smem:$0x3FFE];
	_ =	sdelay $0x1  }
0x8a: {  	s1 =	srdreg.scid  }
0x8b: {  	s0 =	sand.u32 $0x1, s1  }
0x8c: {  	s17 =	sshll.u32 s0, $0xA;
	s2 =	sadd.s32 s3, s2  }
0x8d: {  	s2 =	sadd.s32 s2, s17  }
0x8e: {  	[smem:$0x3FC2] =	sst s2  }
0x8f: {  	_ = 	snop  }
0x90: {  	s2 =	sld [smem:$0x3FD0];
	(tm) =	ssettm $0x1  }
0x91: {  	s18 =	sld [smem:$0x3FFB];
	_ =	sdelay $0x3  }
0x92: {  	_ =	strace s18  }
0x93: {  	s3 =	sld [smem:$0x3FFC];
	_ =	sdelay $0x3  }
0x94: {  	_ =	strace s3  }
0x95: {  	s3 =	sld [smem:$0x3FFD];
	_ =	sdelay $0x3  }
0x96: {  	_ =	strace s3  }
0x97: {  	_ =	strace $0x8FFFFFFF  }
0x98: {  	s19 =	sld [smem:$0x3FDB];
	_ =	sdelay $0x1  }
0x99: {  	s4 =	simm.s32 $_scs_section_size  }
0x9a: {  	s5 =	simm.s32 $_size__tile_overlayer_lowered;
	s6 =	simm.s32 $_tile_overlayer_lowered  }
0x9b: {  	s22 =	simm.s32 $0x1BFF;
	s21 =	sshll.u32 s6, $0x1;
	s3 =	sadd.s32 s4, s19  }
0x9c: {  	s7 =	simm.s32 $0x0;
	s20 =	sshll.u32 s5, $0x1;
	s5 =	sadd.s32 s21, s3  }
0x9d: {  	[timem:s7], [sflag:s22] =	dma.local [hbm:s5], s20  }
0x9e: {  	_ =	swait.ge [sflag:s22], s20  }
0x9f: {  	s4 =	ssub.s32 $0x0, s20;
	[sflag:s22] =	ssyncset.done $0x0  }
0xa0: {  	[sflag:s22] =	ssyncadd.s32 s4;
	_ =	sdelay $0x1  }
0xa1: {  	s23 =	simm.s32 $0x1B8B  }
0xa2: {  	_ =	swait.ge [sflag:s23], $0x1  }
0xa3: {  	[sflag:s23] =	ssyncset.done $0x0  }
0xa4: {  	s25 =	simm.s32 $0x1B8E;
	s24 =	sld [smem:$0x3FFE];
	[sflag:s23] =	ssyncadd.s32 $0xFFFFFFFF  }
0xa5: {  	s26 =	simm.s32 $execute0_lowered;
	[smem:$0x3FD2] =	sst s25  }
0xa6: {  	s5 =	sshll.u32 s26, $0x1;
	_ =	strace $0x80000049;
	[dreg:$0x1] =	wrdreg $0xFFFFFFFF  }
0xa7: {  	s28 =	simm.s32 $_size_execute0_lowered;
	s3 =	sadd.s32 s3, s5;
	[dreg:$0x0] =	wrdreg $0x0  }
0xa8: {  	s5 =	sshll.u32 s28, $0x1;
	[dreg:$0x2] =	wrdreg s3  }
0xa9: {  	[dreg:$0x3] =	wrdreg s5  }
0xaa: {  	[dreg:$0x4] =	wrdreg $0xC0  }
0xab: {  	_ =	task [dreg:s7], $0x5FFFF  }
0xac: {  	[dreg:$0x1] =	wrdreg $0xFFFFFFFF  }
0xad: {  	[dreg:$0x0] =	wrdreg $0x60  }
0xae: {  	[dreg:$0x2] =	wrdreg s2  }
0xaf: {  	[dreg:$0x3] =	wrdreg s24  }
0xb0: {  	[dreg:$0x4] =	wrdreg $0xC5300  }
0xb1: {  	[dreg:$0x5] =	wrdreg $0x9  }
0xb2: {  	_ =	task.clear_ibuf [dreg:s7], $0x6FFFF;
	_ =	strace $0x90000049  }
0xb3: {  	s29 =	simm.s32 $0x9;
	_ =	strace $0x8000004B  }
0xb4: {  	_ =	swait.ge [sflag:s29], $0x1  }
0xb5: {  	[sflag:s29] =	ssyncadd.s32 $0xFFFFFFFF  }
0xb6: {  	_ =	strace $0x9000004B  }
0xb7: {  	_ =	sfence  }
0xb8: {  	s30 =	sld [smem:$0x0];
	_ =	sdelay $0x2  }
0xb9: {  	s31 =	sshll.u32 s1, $0xD;
	s1 =	sshrl.u32 s1, $0x2  }
0xba: {  	s3 =	sand.u32 $0x4000, s31;
	s1 =	sadd.s32 s1, s30  }
0xbb: {  	s0 =	sor.u32 s3, s0;
	s1 =	sshll.u32 s1, $0x11  }
0xbc: {  	s0 =	sor.u32 s1, s0  }
0xbd: {  	s0 =	sadd.s32 $0x8F2B, s0  }
0xbe: {  	[sflag:s0] =	ssyncadd.remote.s32 $0x1  }
0xbf: {  	_ =	sfence.sel $0xFFFF  }
0xc0: {  	[dreg:$0x0] =	wrdreg $0xFFFFFFFF;
	(pc) =	sbr.abs _section_cstart, $3  }
0xc1: {  	[dreg:$0x1] =	wrdreg $0xFFFFFFFF  }
0xc2: {  	_ =	task.clear_ibuf [dreg:s7], $0x2FFFF;
	_ =	strace $0x9FFFFFFF  }
0xc3: {  	(tm) =	ssettm $0x7FFFFFFF  }
tec
execute0_lowered:
.L_overlay_start_1:
0x0: {  	(tag) =	ssettag $0x1  }
0x1: {  	s1 =	rddreg [dreg:$0x0]  }
0x2: {  	s0 =	srdreg.scid;
	s4 =	rddreg [dreg:$0x1]  }
0x3: {  	s7 =	stileid.u32;
	s3 =	rddreg [dreg:$0x2]  }
0x4: {  	s18 =	simm.s32 $0x0;
	s22 =	simm.s32 $0x15;
	s13 =	simm.s32 $0x7D  }
0x5: {  	s31 =	simm.s32 $0x1;
	s17 =	simm.s32 $0x5;
	s28 =	simm.s32 $0x7  }
0x6: {  	s8 =	simm.s32 $0xC;
	s9 =	simm.s32 $0xD;
	s11 =	simm.s32 $0x10  }
0x7: {  	s14 =	simm.s32 $0x12;
	s16 =	simm.s32 $0x13;
	s19 =	simm.s32 $0x14  }
0x8: {  	s30 =	simm.s32 $0x7;
	s0 =	sand.u32 $0x1, s0;
	s6 =	smul.u32 $0x2710, s7  }
0x9: {  	s2 =	sshll.u32 s7, $0x1;
	[smem:$0x7FF] =	sst s18;
	s7 =	smul.u32 $0x9C40, s7  }
0xa: {  	s2 =	sor.u32 s0, s2;
	s5 =	smul.u32 $0x27100, s0;
	s0 =	ssub.s32 $0x2, s0  }
0xb: {  	_ =	strace $0x8000004A;
	s2 =	smul.u32 $0x2800, s2;
	s25 =	sshrl.u32 s0, $0x1  }
0xc: {  	s7 =	sshrl.u32 s7, $0x2;
	s5 =	sadd.s32 s6, s5;
	s0 =	ssub.s32 s0, s25  }
0xd: {  	s10 =	sadd.s32 s7, s3;
	s25 =	simm.s32 $0x6;
	s6 =	simm.s32 $0xA  }
0xe: {  	s7 =	simm.s32 $0xB;
	s2 =	sshrl.u32 s2, $0x3;
	s5 =	sshrl.u32 s5, $0x3  }
0xf: {  	s0 =	smax.u32 s0, $0x1;
	[dreg:$0x5] =	wrdreg s10;
	s2 =	sadd.s32 s2, s4  }
0x10: {  	s4 =	sadd.s32 s5, s4;
	[dreg:$0x9] =	wrdreg s0;
	s26 =	sadd.s32 $0x2600, s2  }
0x11: {  	s0 =	simm.s32 $0x9;
	s2 =	sadd.s32 $0xC600, s2;
	[dreg:$0x6] =	wrdreg s26  }
0x12: {  	s5 =	simm.s32 $0xE;
	s29 =	sadd.s32 $0x16600, s4;
	[dreg:$0x7] =	wrdreg s2  }
0x13: {  	v0 =	vimm.f32 $0.0e+00;
	s4 =	simm.s32 $0x11;
	[dreg:$0x8] =	wrdreg s29;
	s2 =	simm.s32 $0x8  }
.LBB2_1:
0x14: {  	[dreg:$0x4] =	wrdreg s18;
	s18 =	simm.s32 $0x40;
	s20 =	simm.s32 $0x0  }
.LBB2_2:
0x15: {  	p0 =	sne.s32 s18, $0x9C00;
	[tilespmem:s20+$0x9E20] =	vst v0;
	s20 =	smov.u32 s18;
	s18 =	sadd.s32 $0x40, s18  }
.Ltmp0:
0x16: {  	(pc) =	sbr.rel @p0 .LBB2_2-.Ltmp0, $2  }
0x17: {  	_ =	sdelay $0x2  }
0x18: {  	s20 =	sshra.s32 s20, $0x2  }
0x19: {  	[tilespmem:s20+$0x9E20] =	vst v0;
	s18 =	simm.s32 $0x9E20  }
0x1a: {  	[spmem:s10] =	stream.linear.scatter [tilespmem:s18], [sflag:$0x15], $0x2710, $0x38;
	[tilespmem:$0xEC40] =	vst v63  }
0x1b: {  	_ =	swait.ge [sflag:s22], $0x2710  }
0x1c: {  	[sflag:s22] =	ssyncset.done $0x0  }
0x1d: {  	s24 =	simm.s32 $0x0;
	s26 =	rddreg [dreg:$0x6];
	[sflag:s22] =	ssyncadd.s32 $0xFFFFD8F0  }
0x1e: {  	[tilespmem:s24], [sflag:$0x15] =	stream.linear.gather [hbm4b:s26+s24], $0x2800, $0x38;
	[tilespmem:$0xEC40] =	vst v63  }
0x1f: {  	_ =	swait.ge [sflag:s22], $0x2800  }
0x20: {  	[sflag:s22] =	ssyncset.done $0x0  }
0x21: {  	s12 =	simm.s32 $0x2800;
	s29 =	rddreg [dreg:$0x7];
	[sflag:s22] =	ssyncadd.s32 $0xFFFFD800  }
0x22: {  	[tilespmem:s12], [sflag:$0x15] =	stream.linear.gather [hbm4b:s29+s24], $0x2800, $0x38;
	[tilespmem:$0xEC40] =	vst v63  }
0x23: {  	_ =	swait.ge [sflag:s22], $0x2800  }
0x24: {  	[sflag:s22] =	ssyncset.done $0x0  }
0x25: {  	[sflag:s22] =	ssyncadd.s32 $0xFFFFD800  }
0x26: {  	s29 =	simm.s32 $0x5000;
	[bflag:$0x0] =	sbarrier.arrive $0xFFFF  }
0x27: {  	[tilespmem:s29], [sflag:$0x1] =	stream.indirect.gather [hbm4b:s1+s13], $0x10, s24, s13, $0xb8;
	[tilespmem:$0xEC40] =	vst v63  }
0x28: {  	s15 =	simm.s32 $0x80;
	s23 =	simm.s32 $0x57D0  }
0x29: {  	[tilespmem:s23], [sflag:$0x2] =	stream.indirect.gather [hbm4b:s1+s13], $0x10, s15, s13, $0xb8;
	[tilespmem:$0xEC40] =	vst v63  }
0x2a: {  	s20 =	simm.s32 $0x100;
	s21 =	simm.s32 $0x5FA0  }
0x2b: {  	[tilespmem:s21], [sflag:$0x3] =	stream.indirect.gather [hbm4b:s1+s13], $0x10, s20, s13, $0xb8;
	[tilespmem:$0xEC40] =	vst v63  }
0x2c: {  	s22 =	simm.s32 $0x180;
	s15 =	simm.s32 $0x6770  }
0x2d: {  	[tilespmem:s15], [sflag:$0x4] =	stream.indirect.gather [hbm4b:s1+s13], $0x10, s22, s13, $0xb8;
	[tilespmem:$0xEC40] =	vst v63  }
0x2e: {  	s12 =	simm.s32 $0x6F40;
	s24 =	simm.s32 $0x200  }
0x2f: {  	[tilespmem:s12], [sflag:$0x5] =	stream.indirect.gather [hbm4b:s1+s13], $0x10, s24, s13, $0xb8;
	[tilespmem:$0xEC40] =	vst v63  }
0x30: {  	s26 =	simm.s32 $0x280;
	s24 =	simm.s32 $0x7710  }
0x31: {  	[tilespmem:s24], [sflag:$0x6] =	stream.indirect.gather [hbm4b:s1+s13], $0x10, s26, s13, $0xb8;
	[tilespmem:$0xEC40] =	vst v63  }
0x32: {  	s10 =	simm.s32 $0x300;
	s26 =	simm.s32 $0x7EE0  }
0x33: {  	[tilespmem:s26], [sflag:$0x7] =	stream.indirect.gather [hbm4b:s1+s13], $0x10, s10, s13, $0xb8;
	[tilespmem:$0xEC40] =	vst v63  }
0x34: {  	s20 =	simm.s32 $0x380;
	s22 =	simm.s32 $0x86B0  }
0x35: {  	[tilespmem:s22], [sflag:$0x8] =	stream.indirect.gather [hbm4b:s1+s13], $0x10, s20, s13, $0xb8;
	[tilespmem:$0xEC40] =	vst v63  }
0x36: {  	s10 =	simm.s32 $0x400;
	s20 =	simm.s32 $0x8E80  }
0x37: {  	[tilespmem:s20], [sflag:$0x9] =	stream.indirect.gather [hbm4b:s1+s13], $0x10, s10, s13, $0xb8;
	[tilespmem:$0xEC40] =	vst v63  }
0x38: {  	s18 =	simm.s32 $0x480;
	s10 =	simm.s32 $0x9650  }
0x39: {  	[tilespmem:s10], [sflag:$0xA] =	stream.indirect.gather [hbm4b:s1+s13], $0x10, s18, s13, $0xb8;
	[tilespmem:$0xEC40] =	vst v63  }
0x3a: {  	_ =	swait.ge [sflag:s31], $0x7D0  }
0x3b: {  	[sflag:s31] =	ssyncset.done $0x0  }
0x3c: {  	s18 =	simm.s32 $0x2800;
	[sflag:s31] =	ssyncadd.s32 $0xFFFFF830  }
0x3d: {  	[spmem:s3] =	stream.indirect.scatter.add.f32 [tilespmem:s29], [sflag:$0xB], $0x10, s18, s13, $0xb8;
	[tilespmem:$0xEC40] =	vst v63  }
0x3e: {  	s18 =	simm.s32 $0x2  }
0x3f: {  	_ =	swait.ge [sflag:s18], $0x7D0  }
0x40: {  	[sflag:s18] =	ssyncset.done $0x0  }
0x41: {  	[sflag:s18] =	ssyncadd.s32 $0xFFFFF830;
	s18 =	simm.s32 $0x2880  }
0x42: {  	[spmem:s3] =	stream.indirect.scatter.add.f32 [tilespmem:s23], [sflag:$0xC], $0x10, s18, s13, $0xb8;
	[tilespmem:$0xEC40] =	vst v63  }
0x43: {  	s18 =	simm.s32 $0x3  }
0x44: {  	_ =	swait.ge [sflag:s18], $0x7D0  }
0x45: {  	[sflag:s18] =	ssyncset.done $0x0  }
0x46: {  	[sflag:s18] =	ssyncadd.s32 $0xFFFFF830;
	s18 =	simm.s32 $0x2900  }
0x47: {  	[spmem:s3] =	stream.indirect.scatter.add.f32 [tilespmem:s21], [sflag:$0xD], $0x10, s18, s13, $0xb8;
	[tilespmem:$0xEC40] =	vst v63  }
0x48: {  	s18 =	simm.s32 $0x4  }
0x49: {  	_ =	swait.ge [sflag:s18], $0x7D0  }
0x4a: {  	[sflag:s18] =	ssyncset.done $0x0  }
0x4b: {  	[sflag:s18] =	ssyncadd.s32 $0xFFFFF830;
	s18 =	simm.s32 $0x2980  }
0x4c: {  	[spmem:s3] =	stream.indirect.scatter.add.f32 [tilespmem:s15], [sflag:$0xE], $0x10, s18, s13, $0xb8;
	[tilespmem:$0xEC40] =	vst v63  }
0x4d: {  	_ =	swait.ge [sflag:s17], $0x7D0  }
0x4e: {  	[sflag:s17] =	ssyncset.done $0x0  }
0x4f: {  	[sflag:s17] =	ssyncadd.s32 $0xFFFFF830;
	s17 =	simm.s32 $0x2A00  }
0x50: {  	[spmem:s3] =	stream.indirect.scatter.add.f32 [tilespmem:s12], [sflag:$0xF], $0x10, s17, s13, $0xb8;
	[tilespmem:$0xEC40] =	vst v63  }
0x51: {  	_ =	swait.ge [sflag:s25], $0x7D0  }
0x52: {  	[sflag:s25] =	ssyncset.done $0x0  }
0x53: {  	[sflag:s25] =	ssyncadd.s32 $0xFFFFF830;
	s25 =	simm.s32 $0x2A80  }
0x54: {  	[spmem:s3] =	stream.indirect.scatter.add.f32 [tilespmem:s24], [sflag:$0x10], $0x10, s25, s13, $0xb8;
	[tilespmem:$0xEC40] =	vst v63  }
0x55: {  	_ =	swait.ge [sflag:s28], $0x7D0  }
0x56: {  	[sflag:s28] =	ssyncset.done $0x0  }
0x57: {  	s17 =	simm.s32 $0x2B00;
	[sflag:s28] =	ssyncadd.s32 $0xFFFFF830  }
0x58: {  	[spmem:s3] =	stream.indirect.scatter.add.f32 [tilespmem:s26], [sflag:$0x11], $0x10, s17, s13, $0xb8;
	[tilespmem:$0xEC40] =	vst v63  }
0x59: {  	_ =	swait.ge [sflag:s2], $0x7D0  }
0x5a: {  	[sflag:s2] =	ssyncset.done $0x0  }
0x5b: {  	s25 =	simm.s32 $0x2B80;
	[sflag:s2] =	ssyncadd.s32 $0xFFFFF830  }
0x5c: {  	[spmem:s3] =	stream.indirect.scatter.add.f32 [tilespmem:s22], [sflag:$0x12], $0x10, s25, s13, $0xb8;
	[tilespmem:$0xEC40] =	vst v63  }
0x5d: {  	_ =	swait.ge [sflag:s0], $0x7D0  }
0x5e: {  	[sflag:s0] =	ssyncset.done $0x0  }
0x5f: {  	s2 =	simm.s32 $0x2C00;
	[sflag:s0] =	ssyncadd.s32 $0xFFFFF830  }
0x60: {  	[spmem:s3] =	stream.indirect.scatter.add.f32 [tilespmem:s20], [sflag:$0x13], $0x10, s2, s13, $0xb8;
	[tilespmem:$0xEC40] =	vst v63  }
0x61: {  	_ =	swait.ge [sflag:s6], $0x7D0  }
0x62: {  	[sflag:s6] =	ssyncset.done $0x0  }
0x63: {  	[sflag:s6] =	ssyncadd.s32 $0xFFFFF830;
	s6 =	simm.s32 $0x2C80  }
0x64: {  	[spmem:s3] =	stream.indirect.scatter.add.f32 [tilespmem:s10], [sflag:$0x14], $0x10, s6, s13, $0xb8;
	[tilespmem:$0xEC40] =	vst v63  }
0x65: {  	_ =	swait.ge [sflag:s7], $0x7D0  }
0x66: {  	[sflag:s7] =	ssyncset.done $0x0  }
0x67: {  	[sflag:s7] =	ssyncadd.s32 $0xFFFFF830;
	s7 =	simm.s32 $0x500  }
0x68: {  	[tilespmem:s29], [sflag:$0x1] =	stream.indirect.gather [hbm4b:s1+s13], $0x10, s7, s13, $0xb8;
	[tilespmem:$0xEC40] =	vst v63  }
0x69: {  	_ =	swait.ge [sflag:s8], $0x7D0  }
0x6a: {  	[sflag:s8] =	ssyncset.done $0x0  }
0x6b: {  	[sflag:s8] =	ssyncadd.s32 $0xFFFFF830;
	s8 =	simm.s32 $0x580  }
0x6c: {  	[tilespmem:s23], [sflag:$0x2] =	stream.indirect.gather [hbm4b:s1+s13], $0x10, s8, s13, $0xb8;
	[tilespmem:$0xEC40] =	vst v63  }
0x6d: {  	_ =	swait.ge [sflag:s9], $0x7D0  }
0x6e: {  	[sflag:s9] =	ssyncset.done $0x0  }
0x6f: {  	s10 =	simm.s32 $0x600;
	[sflag:s9] =	ssyncadd.s32 $0xFFFFF830  }
0x70: {  	[tilespmem:s21], [sflag:$0x3] =	stream.indirect.gather [hbm4b:s1+s13], $0x10, s10, s13, $0xb8;
	[tilespmem:$0xEC40] =	vst v63  }
0x71: {  	_ =	swait.ge [sflag:s5], $0x7D0  }
0x72: {  	[sflag:s5] =	ssyncset.done $0x0  }
0x73: {  	s18 =	simm.s32 $0xF;
	s17 =	simm.s32 $0x680;
	[sflag:s5] =	ssyncadd.s32 $0xFFFFF830  }
0x74: {  	[tilespmem:s15], [sflag:$0x4] =	stream.indirect.gather [hbm4b:s1+s13], $0x10, s17, s13, $0xb8;
	[tilespmem:$0xEC40] =	vst v63  }
0x75: {  	_ =	swait.ge [sflag:s18], $0x7D0  }
0x76: {  	[sflag:s18] =	ssyncset.done $0x0  }
0x77: {  	s21 =	simm.s32 $0x700;
	[sflag:s18] =	ssyncadd.s32 $0xFFFFF830  }
0x78: {  	[tilespmem:s12], [sflag:$0x5] =	stream.indirect.gather [hbm4b:s1+s13], $0x10, s21, s13, $0xb8;
	[tilespmem:$0xEC40] =	vst v63  }
0x79: {  	_ =	swait.ge [sflag:s11], $0x7D0  }
0x7a: {  	[sflag:s11] =	ssyncset.done $0x0  }
0x7b: {  	s23 =	simm.s32 $0x780;
	[sflag:s11] =	ssyncadd.s32 $0xFFFFF830  }
0x7c: {  	[tilespmem:s24], [sflag:$0x6] =	stream.indirect.gather [hbm4b:s1+s13], $0x10, s23, s13, $0xb8;
	[tilespmem:$0xEC40] =	vst v63  }
0x7d: {  	_ =	swait.ge [sflag:s4], $0x7D0  }
0x7e: {  	[sflag:s4] =	ssyncset.done $0x0  }
0x7f: {  	s25 =	simm.s32 $0x800;
	[sflag:s4] =	ssyncadd.s32 $0xFFFFF830  }
0x80: {  	[tilespmem:s26], [sflag:$0x7] =	stream.indirect.gather [hbm4b:s1+s13], $0x10, s25, s13, $0xb8;
	[tilespmem:$0xEC40] =	vst v63  }
0x81: {  	s28 =	simm.s32 $0x6;
	_ =	swait.ge [sflag:s14], $0x7D0  }
0x82: {  	s0 =	simm.s32 $0x9;
	s2 =	simm.s32 $0x8;
	[sflag:s14] =	ssyncset.done $0x0  }
0x83: {  	s6 =	simm.s32 $0xA;
	s26 =	simm.s32 $0x880;
	[sflag:s14] =	ssyncadd.s32 $0xFFFFF830  }
0x84: {  	[tilespmem:s22], [sflag:$0x8] =	stream.indirect.gather [hbm4b:s1+s13], $0x10, s26, s13, $0xb8;
	[tilespmem:$0xEC40] =	vst v63  }
0x85: {  	s29 =	simm.s32 $0x900;
	s7 =	simm.s32 $0xB;
	_ =	swait.ge [sflag:s16], $0x7D0  }
0x86: {  	s8 =	simm.s32 $0xC;
	s9 =	simm.s32 $0xD;
	[sflag:s16] =	ssyncset.done $0x0  }
0x87: {  	s5 =	simm.s32 $0xE;
	s18 =	simm.s32 $0x1400;
	[sflag:s16] =	ssyncadd.s32 $0xFFFFF830  }
0x88: {  	[tilespmem:s20], [sflag:$0x9] =	stream.indirect.gather [hbm4b:s1+s13], $0x10, s29, s13, $0xb8;
	[tilespmem:$0xEC40] =	vst v63  }
0x89: {  	s11 =	simm.s32 $0x10;
	s4 =	simm.s32 $0x11;
	_ =	swait.ge [sflag:s19], $0x7D0  }
0x8a: {  	s25 =	simm.s32 $0x5;
	s14 =	simm.s32 $0x12;
	[sflag:s19] =	ssyncset.done $0x0  }
0x8b: {  	s16 =	simm.s32 $0x13;
	s20 =	simm.s32 $0x980;
	[sflag:s19] =	ssyncadd.s32 $0xFFFFF830  }
.LBB2_4:
0x8c: {  	s10 =	simm.s32 $0x9650  }
0x8d: {  	[tilespmem:s10], [sflag:$0xA] =	stream.indirect.gather [hbm4b:s1+s13], $0x10, s20, s13, $0xb8;
	[tilespmem:$0xEC40] =	vst v63  }
0x8e: {  	s20 =	smov.u32 s18  }
0x8f: {  	p0 =	sne.s32 s18, $0x7800;
	s18 =	sadd.s32 $0x1400, s18;
	_ =	swait.ge [sflag:s31], $0x7D0  }
0x90: {  	s23 =	simm.s32 $0x5000;
	s20 =	sshra.s32 s20, $0x2;
	[sflag:s31] =	ssyncset.done $0x0  }
0x91: {  	s12 =	simm.s32 $0x2;
	s22 =	sadd.s32 $0x2800, s20;
	[sflag:s31] =	ssyncadd.s32 $0xFFFFF830  }
0x92: {  	[spmem:s3] =	stream.indirect.scatter.add.f32 [tilespmem:s23], [sflag:$0xB], $0x10, s22, s13, $0xb8;
	[tilespmem:$0xEC40] =	vst v63  }
0x93: {  	_ =	swait.ge [sflag:s12], $0x7D0  }
0x94: {  	s21 =	simm.s32 $0x57D0;
	[sflag:s12] =	ssyncset.done $0x0  }
0x95: {  	s22 =	sadd.s32 $0x2880, s20;
	[sflag:s12] =	ssyncadd.s32 $0xFFFFF830;
	s12 =	simm.s32 $0x3  }
0x96: {  	[spmem:s3] =	stream.indirect.scatter.add.f32 [tilespmem:s21], [sflag:$0xC], $0x10, s22, s13, $0xb8;
	[tilespmem:$0xEC40] =	vst v63  }
0x97: {  	_ =	swait.ge [sflag:s12], $0x7D0  }
0x98: {  	s17 =	simm.s32 $0x5FA0;
	[sflag:s12] =	ssyncset.done $0x0  }
0x99: {  	s22 =	sadd.s32 $0x2900, s20;
	[sflag:s12] =	ssyncadd.s32 $0xFFFFF830;
	s12 =	simm.s32 $0x4  }
0x9a: {  	[spmem:s3] =	stream.indirect.scatter.add.f32 [tilespmem:s17], [sflag:$0xD], $0x10, s22, s13, $0xb8;
	[tilespmem:$0xEC40] =	vst v63  }
0x9b: {  	_ =	swait.ge [sflag:s12], $0x7D0  }
0x9c: {  	[sflag:s12] =	ssyncset.done $0x0  }
0x9d: {  	s15 =	simm.s32 $0x6770;
	s22 =	sadd.s32 $0x2980, s20;
	[sflag:s12] =	ssyncadd.s32 $0xFFFFF830  }
0x9e: {  	[spmem:s3] =	stream.indirect.scatter.add.f32 [tilespmem:s15], [sflag:$0xE], $0x10, s22, s13, $0xb8;
	[tilespmem:$0xEC40] =	vst v63  }
0x9f: {  	_ =	swait.ge [sflag:s25], $0x7D0  }
0xa0: {  	[sflag:s25] =	ssyncset.done $0x0  }
0xa1: {  	s12 =	simm.s32 $0x6F40;
	s22 =	sadd.s32 $0x2A00, s20;
	[sflag:s25] =	ssyncadd.s32 $0xFFFFF830  }
0xa2: {  	[spmem:s3] =	stream.indirect.scatter.add.f32 [tilespmem:s12], [sflag:$0xF], $0x10, s22, s13, $0xb8;
	[tilespmem:$0xEC40] =	vst v63  }
0xa3: {  	_ =	swait.ge [sflag:s28], $0x7D0  }
0xa4: {  	[sflag:s28] =	ssyncset.done $0x0  }
0xa5: {  	s24 =	simm.s32 $0x7710;
	s22 =	sadd.s32 $0x2A80, s20;
	[sflag:s28] =	ssyncadd.s32 $0xFFFFF830  }
0xa6: {  	[spmem:s3] =	stream.indirect.scatter.add.f32 [tilespmem:s24], [sflag:$0x10], $0x10, s22, s13, $0xb8;
	[tilespmem:$0xEC40] =	vst v63  }
0xa7: {  	_ =	swait.ge [sflag:s30], $0x7D0  }
0xa8: {  	[sflag:s30] =	ssyncset.done $0x0  }
0xa9: {  	s26 =	simm.s32 $0x7EE0;
	s22 =	sadd.s32 $0x2B00, s20;
	[sflag:s30] =	ssyncadd.s32 $0xFFFFF830  }
0xaa: {  	[spmem:s3] =	stream.indirect.scatter.add.f32 [tilespmem:s26], [sflag:$0x11], $0x10, s22, s13, $0xb8;
	[tilespmem:$0xEC40] =	vst v63  }
0xab: {  	_ =	swait.ge [sflag:s2], $0x7D0  }
0xac: {  	[sflag:s2] =	ssyncset.done $0x0  }
0xad: {  	s29 =	simm.s32 $0x86B0;
	s22 =	sadd.s32 $0x2B80, s20;
	[sflag:s2] =	ssyncadd.s32 $0xFFFFF830  }
0xae: {  	[spmem:s3] =	stream.indirect.scatter.add.f32 [tilespmem:s29], [sflag:$0x12], $0x10, s22, s13, $0xb8;
	[tilespmem:$0xEC40] =	vst v63  }
0xaf: {  	_ =	swait.ge [sflag:s0], $0x7D0  }
0xb0: {  	[sflag:s0] =	ssyncset.done $0x0  }
0xb1: {  	s31 =	simm.s32 $0x8E80;
	s22 =	sadd.s32 $0x2C00, s20;
	[sflag:s0] =	ssyncadd.s32 $0xFFFFF830  }
0xb2: {  	[spmem:s3] =	stream.indirect.scatter.add.f32 [tilespmem:s31], [sflag:$0x13], $0x10, s22, s13, $0xb8;
	[tilespmem:$0xEC40] =	vst v63  }
0xb3: {  	_ =	swait.ge [sflag:s6], $0x7D0  }
0xb4: {  	[sflag:s6] =	ssyncset.done $0x0  }
0xb5: {  	s22 =	sadd.s32 $0x2C80, s20;
	[sflag:s6] =	ssyncadd.s32 $0xFFFFF830  }
0xb6: {  	[spmem:s3] =	stream.indirect.scatter.add.f32 [tilespmem:s10], [sflag:$0x14], $0x10, s22, s13, $0xb8;
	[tilespmem:$0xEC40] =	vst v63  }
0xb7: {  	_ =	swait.ge [sflag:s7], $0x7D0  }
0xb8: {  	[sflag:s7] =	ssyncset.done $0x0  }
0xb9: {  	s19 =	simm.s32 $0x5000;
	s22 =	sadd.s32 $0x500, s20;
	[sflag:s7] =	ssyncadd.s32 $0xFFFFF830  }
0xba: {  	[tilespmem:s23], [sflag:$0x1] =	stream.indirect.gather [hbm4b:s1+s13], $0x10, s22, s13, $0xb8;
	[tilespmem:$0xEC40] =	vst v63  }
0xbb: {  	_ =	swait.ge [sflag:s8], $0x7D0  }
0xbc: {  	[sflag:s8] =	ssyncset.done $0x0  }
0xbd: {  	s22 =	sadd.s32 $0x580, s20;
	s23 =	simm.s32 $0x57D0;
	[sflag:s8] =	ssyncadd.s32 $0xFFFFF830  }
0xbe: {  	[tilespmem:s21], [sflag:$0x2] =	stream.indirect.gather [hbm4b:s1+s13], $0x10, s22, s13, $0xb8;
	[tilespmem:$0xEC40] =	vst v63  }
0xbf: {  	_ =	swait.ge [sflag:s9], $0x7D0  }
0xc0: {  	[sflag:s9] =	ssyncset.done $0x0  }
0xc1: {  	s22 =	sadd.s32 $0x600, s20;
	s21 =	simm.s32 $0x5FA0;
	[sflag:s9] =	ssyncadd.s32 $0xFFFFF830  }
0xc2: {  	[tilespmem:s17], [sflag:$0x3] =	stream.indirect.gather [hbm4b:s1+s13], $0x10, s22, s13, $0xb8;
	[tilespmem:$0xEC40] =	vst v63  }
0xc3: {  	_ =	swait.ge [sflag:s5], $0x7D0  }
0xc4: {  	[sflag:s5] =	ssyncset.done $0x0  }
0xc5: {  	s22 =	sadd.s32 $0x680, s20;
	[sflag:s5] =	ssyncadd.s32 $0xFFFFF830  }
0xc6: {  	[tilespmem:s15], [sflag:$0x4] =	stream.indirect.gather [hbm4b:s1+s13], $0x10, s22, s13, $0xb8;
	[tilespmem:$0xEC40] =	vst v63  }
0xc7: {  	s17 =	simm.s32 $0x6770;
	s15 =	simm.s32 $0xF  }
0xc8: {  	_ =	swait.ge [sflag:s15], $0x7D0  }
0xc9: {  	[sflag:s15] =	ssyncset.done $0x0  }
0xca: {  	s10 =	simm.s32 $0x6F40;
	s22 =	sadd.s32 $0x700, s20;
	[sflag:s15] =	ssyncadd.s32 $0xFFFFF830  }
0xcb: {  	[tilespmem:s12], [sflag:$0x5] =	stream.indirect.gather [hbm4b:s1+s13], $0x10, s22, s13, $0xb8;
	[tilespmem:$0xEC40] =	vst v63  }
0xcc: {  	_ =	swait.ge [sflag:s11], $0x7D0  }
0xcd: {  	[sflag:s11] =	ssyncset.done $0x0  }
0xce: {  	s22 =	sadd.s32 $0x780, s20;
	s12 =	simm.s32 $0x7710;
	[sflag:s11] =	ssyncadd.s32 $0xFFFFF830  }
0xcf: {  	[tilespmem:s24], [sflag:$0x6] =	stream.indirect.gather [hbm4b:s1+s13], $0x10, s22, s13, $0xb8;
	[tilespmem:$0xEC40] =	vst v63  }
0xd0: {  	_ =	swait.ge [sflag:s4], $0x7D0  }
0xd1: {  	[sflag:s4] =	ssyncset.done $0x0  }
0xd2: {  	s22 =	sadd.s32 $0x800, s20;
	s24 =	simm.s32 $0x7EE0;
	[sflag:s4] =	ssyncadd.s32 $0xFFFFF830  }
0xd3: {  	[tilespmem:s26], [sflag:$0x7] =	stream.indirect.gather [hbm4b:s1+s13], $0x10, s22, s13, $0xb8;
	[tilespmem:$0xEC40] =	vst v63  }
0xd4: {  	_ =	swait.ge [sflag:s14], $0x7D0  }
0xd5: {  	[sflag:s14] =	ssyncset.done $0x0  }
0xd6: {  	s22 =	sadd.s32 $0x880, s20;
	s26 =	simm.s32 $0x86B0;
	[sflag:s14] =	ssyncadd.s32 $0xFFFFF830  }
0xd7: {  	[tilespmem:s29], [sflag:$0x8] =	stream.indirect.gather [hbm4b:s1+s13], $0x10, s22, s13, $0xb8;
	[tilespmem:$0xEC40] =	vst v63  }
0xd8: {  	_ =	swait.ge [sflag:s16], $0x7D0  }
0xd9: {  	[sflag:s16] =	ssyncset.done $0x0  }
0xda: {  	s22 =	sadd.s32 $0x900, s20;
	[sflag:s16] =	ssyncadd.s32 $0xFFFFF830  }
0xdb: {  	[tilespmem:s31], [sflag:$0x9] =	stream.indirect.gather [hbm4b:s1+s13], $0x10, s22, s13, $0xb8;
	[tilespmem:$0xEC40] =	vst v63  }
.Ltmp1:
0xdc: {  	_ = 	snop;
	(pc) =	sbr.rel @p0 .LBB2_4-.Ltmp1, $4  }
0xdd: {  	s29 =	simm.s32 $0x8E80;
	s31 =	simm.s32 $0x1;
	s22 =	simm.s32 $0x14  }
0xde: {  	_ =	swait.ge [sflag:s22], $0x7D0  }
0xdf: {  	[sflag:s22] =	ssyncset.done $0x0  }
0xe0: {  	s20 =	sadd.s32 $0x980, s20;
	[sflag:s22] =	ssyncadd.s32 $0xFFFFF830  }
0xe1: {  	s22 =	simm.s32 $0x9650  }
0xe2: {  	[tilespmem:s22], [sflag:$0xA] =	stream.indirect.gather [hbm4b:s1+s13], $0x10, s20, s13, $0xb8;
	[tilespmem:$0xEC40] =	vst v63  }
0xe3: {  	_ =	swait.ge [sflag:s31], $0x7D0  }
0xe4: {  	[sflag:s31] =	ssyncset.done $0x0  }
0xe5: {  	s18 =	simm.s32 $0x4B00;
	[sflag:s31] =	ssyncadd.s32 $0xFFFFF830  }
0xe6: {  	[spmem:s3] =	stream.indirect.scatter.add.f32 [tilespmem:s19], [sflag:$0xB], $0x10, s18, s13, $0xb8;
	[tilespmem:$0xEC40] =	vst v63  }
0xe7: {  	s19 =	simm.s32 $0x2  }
0xe8: {  	_ =	swait.ge [sflag:s19], $0x7D0  }
0xe9: {  	[sflag:s19] =	ssyncset.done $0x0  }
0xea: {  	s20 =	simm.s32 $0x4B80;
	[sflag:s19] =	ssyncadd.s32 $0xFFFFF830;
	s19 =	simm.s32 $0x3  }
0xeb: {  	[spmem:s3] =	stream.indirect.scatter.add.f32 [tilespmem:s23], [sflag:$0xC], $0x10, s20, s13, $0xb8;
	[tilespmem:$0xEC40] =	vst v63  }
0xec: {  	_ =	swait.ge [sflag:s19], $0x7D0  }
0xed: {  	[sflag:s19] =	ssyncset.done $0x0  }
0xee: {  	s20 =	simm.s32 $0x4C00;
	[sflag:s19] =	ssyncadd.s32 $0xFFFFF830  }
0xef: {  	[spmem:s3] =	stream.indirect.scatter.add.f32 [tilespmem:s21], [sflag:$0xD], $0x10, s20, s13, $0xb8;
	[tilespmem:$0xEC40] =	vst v63  }
0xf0: {  	s21 =	simm.s32 $0x4  }
0xf1: {  	_ =	swait.ge [sflag:s21], $0x7D0  }
0xf2: {  	[sflag:s21] =	ssyncset.done $0x0  }
0xf3: {  	s23 =	simm.s32 $0x4C80;
	[sflag:s21] =	ssyncadd.s32 $0xFFFFF830  }
0xf4: {  	[spmem:s3] =	stream.indirect.scatter.add.f32 [tilespmem:s17], [sflag:$0xE], $0x10, s23, s13, $0xb8;
	[tilespmem:$0xEC40] =	vst v63  }
0xf5: {  	_ =	swait.ge [sflag:s25], $0x7D0  }
0xf6: {  	[sflag:s25] =	ssyncset.done $0x0  }
0xf7: {  	[sflag:s25] =	ssyncadd.s32 $0xFFFFF830;
	s25 =	simm.s32 $0x4D00  }
0xf8: {  	[spmem:s3] =	stream.indirect.scatter.add.f32 [tilespmem:s10], [sflag:$0xF], $0x10, s25, s13, $0xb8;
	[tilespmem:$0xEC40] =	vst v63  }
0xf9: {  	_ =	swait.ge [sflag:s28], $0x7D0  }
0xfa: {  	[sflag:s28] =	ssyncset.done $0x0  }
0xfb: {  	s17 =	simm.s32 $0x4D80;
	[sflag:s28] =	ssyncadd.s32 $0xFFFFF830  }
0xfc: {  	[spmem:s3] =	stream.indirect.scatter.add.f32 [tilespmem:s12], [sflag:$0x10], $0x10, s17, s13, $0xb8;
	[tilespmem:$0xEC40] =	vst v63  }
0xfd: {  	_ =	swait.ge [sflag:s30], $0x7D0  }
0xfe: {  	[sflag:s30] =	ssyncset.done $0x0  }
0xff: {  	s18 =	simm.s32 $0x4E00;
	[sflag:s30] =	ssyncadd.s32 $0xFFFFF830  }
0x100: {  	[spmem:s3] =	stream.indirect.scatter.add.f32 [tilespmem:s24], [sflag:$0x11], $0x10, s18, s13, $0xb8;
	[tilespmem:$0xEC40] =	vst v63  }
0x101: {  	_ =	swait.ge [sflag:s2], $0x7D0  }
0x102: {  	[sflag:s2] =	ssyncset.done $0x0  }
0x103: {  	s19 =	simm.s32 $0x4E80;
	[sflag:s2] =	ssyncadd.s32 $0xFFFFF830  }
0x104: {  	[spmem:s3] =	stream.indirect.scatter.add.f32 [tilespmem:s26], [sflag:$0x12], $0x10, s19, s13, $0xb8;
	[tilespmem:$0xEC40] =	vst v63  }
0x105: {  	_ =	swait.ge [sflag:s0], $0x7D0  }
0x106: {  	[sflag:s0] =	ssyncset.done $0x0  }
0x107: {  	s20 =	simm.s32 $0x4F00;
	[sflag:s0] =	ssyncadd.s32 $0xFFFFF830  }
0x108: {  	[spmem:s3] =	stream.indirect.scatter.add.f32 [tilespmem:s29], [sflag:$0x13], $0x10, s20, s13, $0xb8;
	[tilespmem:$0xEC40] =	vst v63  }
0x109: {  	_ =	swait.ge [sflag:s6], $0x7D0  }
0x10a: {  	[sflag:s6] =	ssyncset.done $0x0  }
0x10b: {  	s21 =	simm.s32 $0x4F80;
	[sflag:s6] =	ssyncadd.s32 $0xFFFFF830  }
0x10c: {  	[spmem:s3] =	stream.indirect.scatter.add.f32 [tilespmem:s22], [sflag:$0x14], $0x10, s21, s13, $0xb8;
	[tilespmem:$0xEC40] =	vst v63  }
0x10d: {  	_ =	swait.ge [sflag:s7], $0x7D0  }
0x10e: {  	[sflag:s7] =	ssyncset.done $0x0  }
0x10f: {  	[sflag:s7] =	ssyncadd.s32 $0xFFFFF830  }
0x110: {  	_ =	swait.ge [sflag:s8], $0x7D0  }
0x111: {  	[sflag:s8] =	ssyncset.done $0x0  }
0x112: {  	[sflag:s8] =	ssyncadd.s32 $0xFFFFF830  }
0x113: {  	_ =	swait.ge [sflag:s9], $0x7D0  }
0x114: {  	[sflag:s9] =	ssyncset.done $0x0  }
0x115: {  	[sflag:s9] =	ssyncadd.s32 $0xFFFFF830  }
0x116: {  	_ =	swait.ge [sflag:s5], $0x7D0  }
0x117: {  	[sflag:s5] =	ssyncset.done $0x0  }
0x118: {  	[sflag:s5] =	ssyncadd.s32 $0xFFFFF830  }
0x119: {  	_ =	swait.ge [sflag:s15], $0x7D0  }
0x11a: {  	[sflag:s15] =	ssyncset.done $0x0  }
0x11b: {  	[sflag:s15] =	ssyncadd.s32 $0xFFFFF830  }
0x11c: {  	_ =	swait.ge [sflag:s11], $0x7D0  }
0x11d: {  	[sflag:s11] =	ssyncset.done $0x0  }
0x11e: {  	[sflag:s11] =	ssyncadd.s32 $0xFFFFF830  }
0x11f: {  	_ =	swait.ge [sflag:s4], $0x7D0  }
0x120: {  	[sflag:s4] =	ssyncset.done $0x0  }
0x121: {  	[sflag:s4] =	ssyncadd.s32 $0xFFFFF830  }
0x122: {  	_ =	swait.ge [sflag:s14], $0x7D0  }
0x123: {  	[sflag:s14] =	ssyncset.done $0x0  }
0x124: {  	[sflag:s14] =	ssyncadd.s32 $0xFFFFF830  }
0x125: {  	_ =	swait.ge [sflag:s16], $0x7D0  }
0x126: {  	[sflag:s16] =	ssyncset.done $0x0  }
0x127: {  	s22 =	simm.s32 $0x14;
	[sflag:s16] =	ssyncadd.s32 $0xFFFFF830  }
0x128: {  	_ =	swait.ge [sflag:s22], $0x7D0  }
0x129: {  	[sflag:s22] =	ssyncset.done $0x0  }
0x12a: {  	s23 =	stileid.u32;
	[sflag:s22] =	ssyncadd.s32 $0xFFFFF830  }
0x12b: {  	s18 =	sshll.u32 s23, $0x6;
	[bflag:$0x0] =	sbarrier.arrive $0xFFFF  }
0x12c: {  	s18 =	sor.u32 $0x1C15, s18;
	s10 =	rddreg [dreg:$0x5]  }
0x12d: {  	s22 =	simm.s32 $0x15;
	s25 =	rddreg [dreg:$0x8];
	s24 =	sshrl.u32 s10, $0x3  }
0x12e: {  	[hbm:s25], [sflag:s18] =	dma.local [spmem:s24], $0x4E2  }
0x12f: {  	_ =	swait.ge [sflag:s22], $0x4E2  }
0x130: {  	s26 =	rddreg [dreg:$0x4]  }
0x131: {  	s28 =	simm.s32 $0x7;
	s29 =	rddreg [dreg:$0x9];
	s18 =	sadd.s32 $0x1, s26  }
0x132: {  	s17 =	simm.s32 $0x5;
	s2 =	simm.s32 $0x8;
	p0 =	sne.s32 s18, s29  }
.Ltmp2:
0x133: {  	s19 =	simm.s32 $0x14;
	s0 =	simm.s32 $0x9;
	(pc) =	sbr.rel @p0 .LBB2_1-.Ltmp2, $4  }
0x134: {  	s6 =	simm.s32 $0xA;
	s7 =	simm.s32 $0xB;
	s8 =	simm.s32 $0xC  }
0x135: {  	s9 =	simm.s32 $0xD;
	s5 =	simm.s32 $0xE;
	s11 =	simm.s32 $0x10  }
0x136: {  	s4 =	simm.s32 $0x11;
	s14 =	simm.s32 $0x12;
	[sflag:s22] =	ssyncset.done $0x0  }
0x137: {  	s16 =	simm.s32 $0x13;
	s25 =	simm.s32 $0x6;
	[sflag:s22] =	ssyncadd.s32 $0xFFFFFB1E  }
0x138: {  	_ =	sfence.sel $0x180000  }
0x139: {  	[bflag:$0x0] =	sbarrier.arrive $0xFFFF  }
0x13a: {  	_ =	strace $0x9000004A  }
0x13b: {  	s0 =	stileid.u32;
	[bflag:$0x2] =	sbarrier.arrive $0xFFFF  }
0x13c: {  	p0 =	sne.s32 s0, $0x0;
	s0 =	rddreg [dreg:$0x3]  }
0x13d: {  	s0 =	sadd.s32 @!p0 $0x100000, s0  }
0x13e: {  	[sflag:s0] =	ssyncadd.tile.s32 @!p0 $0x1;
	_ =	shalt  }
.Lfunc_end2:
_tile_overlayer_lowered:
.L_overlay_start_2:
0x13f: {  	(tag) =	ssettag $0x2  }
0x140: {  	s0 =	rddreg [dreg:$0x0];
	s2 =	stileid.u32  }
0x141: {  	s1 =	rddreg [dreg:$0x1];
	p0 =	sne.s32 s2, $0x0  }
0x142: {  	s3 =	rddreg [dreg:$0x2];
	[bflag:$0x3] =	sbarrier.arrive $0xFFFF;
	s2 =	simm.s32 @!p0 $0x1C15  }
0x143: {  	[timem:s3], [sflag:s2] =	dma.local @!p0 [hbm:s0], s1  }
0x144: {  	s0 =	simm.s32 @!p0 $0x15  }
0x145: {  	_ =	swait.ge @!p0 [sflag:s0], s1  }
0x146: {  	s1 =	ssub.s32 @!p0 $0x0, s1;
	[sflag:s0] =	ssyncset.done @!p0 $0x0  }
0x147: {  	[sflag:s0] =	ssyncadd.s32 @!p0 s1  }
0x148: {  	[bflag:$0x3] =	sbarrier.arrive $0xFFFF  }
0x149: {  	_ =	shalt  }

// kernel: kernel.15.cloned.1.call-start
scs
__scs_entry_jumppad:
0x0: {  	(pc) =	sbr.rel $0x88, $3  }
0x1: {  	(tag) =	ssettag $0x0;
	lr =	simm.s32 $0x1  }
0x2: {  	[smem:$0x3F9B] =	sst lr;
	_ =	strace $0xD0000000  }
0x3: {  	_ = 	snop  }
0x4: {  	_ = 	snop  }
0x5: {  	_ = 	snop  }
0x6: {  	_ = 	snop  }
0x7: {  	_ = 	snop  }
__scs_overlays_trampoline_lowered:
0x8: {  	[smem:$0x3FAA] =	sst s0  }
0x9: {  	[smem:$0x3FAB] =	sst s1  }
0xa: {  	[smem:$0x3FAC] =	sst s2  }
0xb: {  	[smem:$0x3FAD] =	sst s3  }
0xc: {  	[smem:$0x3FAE] =	sst s4  }
0xd: {  	[smem:$0x3FAF] =	sst s5  }
0xe: {  	[smem:$0x3FB0] =	sst s6  }
0xf: {  	[smem:$0x3FB1] =	sst s7  }
0x10: {  	[smem:$0x3FB2] =	sst s8  }
0x11: {  	[smem:$0x3FB3] =	sst s9;
	s0 =	simm.s32 @!p0 $0x0  }
0x12: {  	s1 =	sld [smem:$0x3F99];
	s0 =	simm.s32 @p0 $0x1  }
0x13: {  	[smem:$0x3FB4] =	sst s0;
	s0 =	simm.s32 @!p1 $0x0  }
0x14: {  	s2 =	sld [smem:$0x3F98];
	s0 =	simm.s32 @p1 $0x1  }
0x15: {  	[smem:$0x3FB5] =	sst s0;
	s0 =	simm.s32 @!p2 $0x0  }
0x16: {  	s3 =	sld [smem:$0x3FDB];
	s0 =	simm.s32 @p2 $0x1  }
0x17: {  	s4 =	simm.s32 $0x1BF5;
	[smem:$0x3FB7] =	sst s0  }
0x18: {  	s0 =	sld [smem:$0x3F9A];
	_ =	swait.ge [sflag:s4], $0x0  }
0x19: {  	s7 =	sld [smem:$0x3F9B]  }
0x1a: {  	s8 =	sadd.s32 $0xFFFFE003, lr  }
0x1b: {  	s9 =	sadd.s32 $0xFFFFFEF7, lr;
	s5 =	simm.s32 $0xFFFFFFFF;
	p2 =	slt.u32 s8, $0xFFFFF086  }
0x1c: {  	p1 =	slt.u32 s9, $0xF7A;
	s5 =	simm.s32 @!p2 $0x0  }
0x1d: {  	s5 =	simm.s32 @p1 $0x1;
	p0 =	seq.s32 s7, s2  }
0x1e: {  	s7 =	smul.u32 @!p0 $0xF7A, s2;
	p2 =	seq.s32 @!p0 s5, $0x0  }
0x1f: {  	s9 =	smul.u32 $0xF7A, s1;
	s8 =	simm.s32 @!p0 $0x1BF5;
	p2 =	por !p2, p0  }
0x20: {  	[sflag:s8] =	ssyncset.s32 @!p0 $0xFFFFF086;
	s6 =	sadd.s32 @!p0 s3, s7;
	s7 =	simm.s32 @!p0 $0x108  }
0x21: {  	s3 =	sadd.s32 s3, s9;
	s6 =	sadd.s32 @!p0 $0x88, s6;
	s7 =	simm.s32 @p2 $0x1082  }
0x22: {  	[simem:s7], [sflag:s8] =	dma.local @!p0 [hbm:s6], $0xF7A  }
0x23: {  	s9 =	sor.u32 $0xD0000000, s2;
	s6 =	simm.s32 $0x108;
	_ =	swait.ge @!p0 [sflag:s8], $0x0  }
0x24: {  	s3 =	sadd.s32 $0x88, s3;
	s6 =	simm.s32 @!p1 $0x1082;
	[sflag:s4] =	ssyncset.s32 $0xFFFFF086  }
0x25: {  	[simem:s6], [sflag:s4] =	dma.local [hbm:s3], $0xF7A  }
0x26: {  	[smem:$0x3F9B] =	sst s1;
	(tag) =	ssettag s2;
	_ =	strace s9  }
0x27: {  	s1 =	sld [smem:$0x3FAB]  }
0x28: {  	s2 =	sld [smem:$0x3FAC]  }
0x29: {  	s4 =	sld [smem:$0x3FAE]  }
0x2a: {  	p0 =	seq.s32 s5, $0x0;
	s5 =	sld [smem:$0x3FAF]  }
0x2b: {  	s6 =	sld [smem:$0x3FB0]  }
0x2c: {  	s7 =	sld [smem:$0x3FB1]  }
0x2d: {  	s3 =	simm.s32 $0x108;
	s8 =	sld [smem:$0x3FB2]  }
0x2e: {  	s3 =	simm.s32 @!p0 $0x1082;
	s9 =	sld [smem:$0x3FB3]  }
0x2f: {  	lr =	sadd.s32 s0, s3;
	s0 =	sld [smem:$0x3FAA]  }
0x30: {  	s3 =	sld [smem:$0x3FAD]  }
0x31: {  	[smem:$0x3FB6] =	sst s10  }
0x32: {  	s10 =	sld [smem:$0x3FB4];
	_ =	sdelay $0x3  }
0x33: {  	p0 =	seq.s32 s10, $0x1;
	s10 =	sld [smem:$0x3FB6];
	_ =	sdelay $0x3  }
0x34: {  	[smem:$0x3FB6] =	sst s10  }
0x35: {  	s10 =	sld [smem:$0x3FB5];
	_ =	sdelay $0x3  }
0x36: {  	p1 =	seq.s32 s10, $0x1;
	s10 =	sld [smem:$0x3FB6];
	_ =	sdelay $0x3  }
0x37: {  	[smem:$0x3FB6] =	sst s10  }
0x38: {  	s10 =	sld [smem:$0x3FB7]  }
0x39: {  	_ = 	snop;
	(pc) =	sbr.ind lr, $3  }
0x3a: {  	_ = 	snop  }
0x3b: {  	_ = 	snop  }
0x3c: {  	p2 =	seq.s32 s10, $0x1;
	s10 =	sld [smem:$0x3FB6]  }
0x3d: {  	_ =	shalt  }
0x3e: {  	_ =	shalt  }
0x3f: {  	_ =	shalt  }
0x40: {  	_ =	shalt  }
0x41: {  	_ =	shalt  }
0x42: {  	_ =	shalt  }
0x43: {  	_ =	shalt  }
0x44: {  	_ =	shalt  }
0x45: {  	_ =	shalt  }
0x46: {  	_ =	shalt  }
0x47: {  	_ =	shalt  }
0x48: {  	_ =	shalt  }
0x49: {  	_ =	shalt  }
0x4a: {  	_ =	shalt  }
0x4b: {  	_ =	shalt  }
0x4c: {  	_ =	shalt  }
0x4d: {  	_ =	shalt  }
0x4e: {  	_ =	shalt  }
0x4f: {  	_ =	shalt  }
0x50: {  	_ =	shalt  }
0x51: {  	_ =	shalt  }
0x52: {  	_ =	shalt  }
0x53: {  	_ =	shalt  }
0x54: {  	_ =	shalt  }
0x55: {  	_ =	shalt  }
0x56: {  	_ =	shalt  }
0x57: {  	_ =	shalt  }
0x58: {  	_ =	shalt  }
0x59: {  	_ =	shalt  }
0x5a: {  	_ =	shalt  }
0x5b: {  	_ =	shalt  }
0x5c: {  	_ =	shalt  }
0x5d: {  	_ =	shalt  }
0x5e: {  	_ =	shalt  }
0x5f: {  	_ =	shalt  }
0x60: {  	_ =	shalt  }
0x61: {  	_ =	shalt  }
0x62: {  	_ =	shalt  }
0x63: {  	_ =	shalt  }
0x64: {  	_ =	shalt  }
0x65: {  	_ =	shalt  }
0x66: {  	_ =	shalt  }
0x67: {  	_ =	shalt  }
0x68: {  	_ =	shalt  }
0x69: {  	_ =	shalt  }
0x6a: {  	_ =	shalt  }
0x6b: {  	_ =	shalt  }
0x6c: {  	_ =	shalt  }
0x6d: {  	_ =	shalt  }
0x6e: {  	_ =	shalt  }
0x6f: {  	_ =	shalt  }
0x70: {  	_ =	shalt  }
0x71: {  	_ =	shalt  }
0x72: {  	_ =	shalt  }
0x73: {  	_ =	shalt  }
0x74: {  	_ =	shalt  }
0x75: {  	_ =	shalt  }
0x76: {  	_ =	shalt  }
0x77: {  	_ =	shalt  }
0x78: {  	_ =	shalt  }
0x79: {  	_ =	shalt  }
0x7a: {  	_ =	shalt  }
0x7b: {  	_ =	shalt  }
0x7c: {  	_ =	shalt  }
0x7d: {  	_ =	shalt  }
0x7e: {  	_ =	shalt  }
0x7f: {  	_ =	shalt  }
0x80: {  	_ =	shalt  }
0x81: {  	_ =	shalt  }
0x82: {  	_ =	shalt  }
0x83: {  	_ =	shalt  }
0x84: {  	_ =	shalt  }
0x85: {  	_ =	shalt  }
0x86: {  	_ =	shalt  }
0x87: {  	_ =	shalt  }
.Lfunc_end0:
.L_simem_size_0:
called_computation.2_lowered:
.L_overlay_start_0:
0x88: {  	s2 =	sld [smem:$0x3FD9]  }
0x89: {  	s3 =	sld [smem:$0x3FFE];
	_ =	sdelay $0x1  }
0x8a: {  	s1 =	srdreg.scid  }
0x8b: {  	s0 =	sand.u32 $0x1, s1  }
0x8c: {  	s17 =	sshll.u32 s0, $0xA;
	s2 =	sadd.s32 s3, s2  }
0x8d: {  	s2 =	sadd.s32 s2, s17  }
0x8e: {  	[smem:$0x3FC2] =	sst s2  }
0x8f: {  	_ = 	snop  }
0x90: {  	s2 =	sld [smem:$0x3FD0];
	(tm) =	ssettm $0x1  }
0x91: {  	s18 =	sld [smem:$0x3FFB];
	_ =	sdelay $0x3  }
0x92: {  	_ =	strace s18  }
0x93: {  	s3 =	sld [smem:$0x3FFC];
	_ =	sdelay $0x3  }
0x94: {  	_ =	strace s3  }
0x95: {  	s3 =	sld [smem:$0x3FFD];
	_ =	sdelay $0x3  }
0x96: {  	_ =	strace s3  }
0x97: {  	_ =	strace $0x8FFFFFFF  }
0x98: {  	s19 =	sld [smem:$0x3FDB];
	_ =	sdelay $0x1  }
0x99: {  	s4 =	simm.s32 $_scs_section_size  }
0x9a: {  	s5 =	simm.s32 $_size__tile_overlayer_lowered;
	s6 =	simm.s32 $_tile_overlayer_lowered  }
0x9b: {  	s22 =	simm.s32 $0x1BFF;
	s21 =	sshll.u32 s6, $0x1;
	s3 =	sadd.s32 s4, s19  }
0x9c: {  	s7 =	simm.s32 $0x0;
	s20 =	sshll.u32 s5, $0x1;
	s5 =	sadd.s32 s21, s3  }
0x9d: {  	[timem:s7], [sflag:s22] =	dma.local [hbm:s5], s20  }
0x9e: {  	_ =	swait.ge [sflag:s22], s20  }
0x9f: {  	s4 =	ssub.s32 $0x0, s20;
	[sflag:s22] =	ssyncset.done $0x0  }
0xa0: {  	[sflag:s22] =	ssyncadd.s32 s4;
	_ =	sdelay $0x1  }
0xa1: {  	s23 =	simm.s32 $0x1B8B  }
0xa2: {  	_ =	swait.ge [sflag:s23], $0x1  }
0xa3: {  	[sflag:s23] =	ssyncset.done $0x0  }
0xa4: {  	s25 =	simm.s32 $0x1B8E;
	s24 =	sld [smem:$0x3FFE];
	[sflag:s23] =	ssyncadd.s32 $0xFFFFFFFF  }
0xa5: {  	s26 =	simm.s32 $execute0_lowered;
	[smem:$0x3FD2] =	sst s25  }
0xa6: {  	s5 =	sshll.u32 s26, $0x1;
	_ =	strace $0x8000004C;
	[dreg:$0x1] =	wrdreg $0xFFFFFFFF  }
0xa7: {  	s28 =	simm.s32 $_size_execute0_lowered;
	s3 =	sadd.s32 s3, s5;
	[dreg:$0x0] =	wrdreg $0x0  }
0xa8: {  	s5 =	sshll.u32 s28, $0x1;
	[dreg:$0x2] =	wrdreg s3  }
0xa9: {  	[dreg:$0x3] =	wrdreg s5  }
0xaa: {  	[dreg:$0x4] =	wrdreg $0xC0  }
0xab: {  	_ =	task [dreg:s7], $0x5FFFF  }
0xac: {  	[dreg:$0x1] =	wrdreg $0xFFFFFFFF  }
0xad: {  	[dreg:$0x0] =	wrdreg $0x60  }
0xae: {  	[dreg:$0x2] =	wrdreg s2  }
0xaf: {  	[dreg:$0x3] =	wrdreg s24  }
0xb0: {  	[dreg:$0x4] =	wrdreg $0xC5300  }
0xb1: {  	[dreg:$0x5] =	wrdreg $0x9  }
0xb2: {  	_ =	task.clear_ibuf [dreg:s7], $0x6FFFF;
	_ =	strace $0x9000004C  }
0xb3: {  	s29 =	simm.s32 $0x9;
	_ =	strace $0x8000004E  }
0xb4: {  	_ =	swait.ge [sflag:s29], $0x1  }
0xb5: {  	[sflag:s29] =	ssyncadd.s32 $0xFFFFFFFF  }
0xb6: {  	_ =	strace $0x9000004E  }
0xb7: {  	_ =	sfence  }
0xb8: {  	s30 =	sld [smem:$0x0];
	_ =	sdelay $0x2  }
0xb9: {  	s31 =	sshll.u32 s1, $0xD;
	s1 =	sshrl.u32 s1, $0x2  }
0xba: {  	s3 =	sand.u32 $0x4000, s31;
	s1 =	sadd.s32 s1, s30  }
0xbb: {  	s0 =	sor.u32 s3, s0;
	s1 =	sshll.u32 s1, $0x11  }
0xbc: {  	s0 =	sor.u32 s1, s0  }
0xbd: {  	s0 =	sadd.s32 $0x8F2B, s0  }
0xbe: {  	[sflag:s0] =	ssyncadd.remote.s32 $0x1  }
0xbf: {  	_ =	sfence.sel $0xFFFF  }
0xc0: {  	[dreg:$0x0] =	wrdreg $0xFFFFFFFF;
	(pc) =	sbr.abs _section_cstart, $3  }
0xc1: {  	[dreg:$0x1] =	wrdreg $0xFFFFFFFF  }
0xc2: {  	_ =	task.clear_ibuf [dreg:s7], $0x2FFFF;
	_ =	strace $0x9FFFFFFF  }
0xc3: {  	(tm) =	ssettm $0x7FFFFFFF  }
tec
execute0_lowered:
.L_overlay_start_1:
0x0: {  	(tag) =	ssettag $0x1  }
0x1: {  	s1 =	rddreg [dreg:$0x0]  }
0x2: {  	s0 =	srdreg.scid;
	s4 =	rddreg [dreg:$0x1]  }
0x3: {  	s7 =	stileid.u32;
	s3 =	rddreg [dreg:$0x2]  }
0x4: {  	s18 =	simm.s32 $0x0;
	s22 =	simm.s32 $0x15;
	s13 =	simm.s32 $0x7D  }
0x5: {  	s31 =	simm.s32 $0x1;
	s17 =	simm.s32 $0x5;
	s28 =	simm.s32 $0x7  }
0x6: {  	s8 =	simm.s32 $0xC;
	s9 =	simm.s32 $0xD;
	s11 =	simm.s32 $0x10  }
0x7: {  	s14 =	simm.s32 $0x12;
	s16 =	simm.s32 $0x13;
	s19 =	simm.s32 $0x14  }
0x8: {  	s30 =	simm.s32 $0x7;
	s0 =	sand.u32 $0x1, s0;
	s6 =	smul.u32 $0x2710, s7  }
0x9: {  	s2 =	sshll.u32 s7, $0x1;
	[smem:$0x7FF] =	sst s18;
	s7 =	smul.u32 $0x9C40, s7  }
0xa: {  	s2 =	sor.u32 s0, s2;
	s5 =	smul.u32 $0x27100, s0;
	s0 =	ssub.s32 $0x2, s0  }
0xb: {  	_ =	strace $0x8000004D;
	s2 =	smul.u32 $0x2800, s2;
	s25 =	sshrl.u32 s0, $0x1  }
0xc: {  	s7 =	sshrl.u32 s7, $0x2;
	s5 =	sadd.s32 s6, s5;
	s0 =	ssub.s32 s0, s25  }
0xd: {  	s10 =	sadd.s32 s7, s3;
	s25 =	simm.s32 $0x6;
	s6 =	simm.s32 $0xA  }
0xe: {  	s7 =	simm.s32 $0xB;
	s2 =	sshrl.u32 s2, $0x3;
	s5 =	sshrl.u32 s5, $0x3  }
0xf: {  	s0 =	smax.u32 s0, $0x1;
	[dreg:$0x5] =	wrdreg s10;
	s2 =	sadd.s32 s2, s4  }
0x10: {  	s4 =	sadd.s32 s5, s4;
	[dreg:$0x9] =	wrdreg s0;
	s26 =	sadd.s32 $0x2600, s2  }
0x11: {  	s0 =	simm.s32 $0x9;
	s2 =	sadd.s32 $0xC600, s2;
	[dreg:$0x6] =	wrdreg s26  }
0x12: {  	s5 =	simm.s32 $0xE;
	s29 =	sadd.s32 $0x16600, s4;
	[dreg:$0x7] =	wrdreg s2  }
0x13: {  	v0 =	vimm.f32 $0.0e+00;
	s4 =	simm.s32 $0x11;
	[dreg:$0x8] =	wrdreg s29;
	s2 =	simm.s32 $0x8  }
.LBB2_1:
0x14: {  	[dreg:$0x4] =	wrdreg s18;
	s18 =	simm.s32 $0x40;
	s20 =	simm.s32 $0x0  }
.LBB2_2:
0x15: {  	p0 =	sne.s32 s18, $0x9C00;
	[tilespmem:s20+$0x9E20] =	vst v0;
	s20 =	smov.u32 s18;
	s18 =	sadd.s32 $0x40, s18  }
.Ltmp0:
0x16: {  	(pc) =	sbr.rel @p0 .LBB2_2-.Ltmp0, $2  }
0x17: {  	_ =	sdelay $0x2  }
0x18: {  	s20 =	sshra.s32 s20, $0x2  }
0x19: {  	[tilespmem:s20+$0x9E20] =	vst v0;
	s18 =	simm.s32 $0x9E20  }
0x1a: {  	[spmem:s10] =	stream.linear.scatter [tilespmem:s18], [sflag:$0x15], $0x2710, $0x38;
	[tilespmem:$0xEC40] =	vst v63  }
0x1b: {  	_ =	swait.ge [sflag:s22], $0x2710  }
0x1c: {  	[sflag:s22] =	ssyncset.done $0x0  }
0x1d: {  	s24 =	simm.s32 $0x0;
	s26 =	rddreg [dreg:$0x6];
	[sflag:s22] =	ssyncadd.s32 $0xFFFFD8F0  }
0x1e: {  	[tilespmem:s24], [sflag:$0x15] =	stream.linear.gather [hbm4b:s26+s24], $0x2800, $0x38;
	[tilespmem:$0xEC40] =	vst v63  }
0x1f: {  	_ =	swait.ge [sflag:s22], $0x2800  }
0x20: {  	[sflag:s22] =	ssyncset.done $0x0  }
0x21: {  	s12 =	simm.s32 $0x2800;
	s29 =	rddreg [dreg:$0x7];
	[sflag:s22] =	ssyncadd.s32 $0xFFFFD800  }
0x22: {  	[tilespmem:s12], [sflag:$0x15] =	stream.linear.gather [hbm4b:s29+s24], $0x2800, $0x38;
	[tilespmem:$0xEC40] =	vst v63  }
0x23: {  	_ =	swait.ge [sflag:s22], $0x2800  }
0x24: {  	[sflag:s22] =	ssyncset.done $0x0  }
0x25: {  	[sflag:s22] =	ssyncadd.s32 $0xFFFFD800  }
0x26: {  	s29 =	simm.s32 $0x5000;
	[bflag:$0x0] =	sbarrier.arrive $0xFFFF  }
0x27: {  	[tilespmem:s29], [sflag:$0x1] =	stream.indirect.gather [hbm4b:s1+s13], $0x10, s24, s13, $0xb8;
	[tilespmem:$0xEC40] =	vst v63  }
0x28: {  	s15 =	simm.s32 $0x80;
	s23 =	simm.s32 $0x57D0  }
0x29: {  	[tilespmem:s23], [sflag:$0x2] =	stream.indirect.gather [hbm4b:s1+s13], $0x10, s15, s13, $0xb8;
	[tilespmem:$0xEC40] =	vst v63  }
0x2a: {  	s20 =	simm.s32 $0x100;
	s21 =	simm.s32 $0x5FA0  }
0x2b: {  	[tilespmem:s21], [sflag:$0x3] =	stream.indirect.gather [hbm4b:s1+s13], $0x10, s20, s13, $0xb8;
	[tilespmem:$0xEC40] =	vst v63  }
0x2c: {  	s22 =	simm.s32 $0x180;
	s15 =	simm.s32 $0x6770  }
0x2d: {  	[tilespmem:s15], [sflag:$0x4] =	stream.indirect.gather [hbm4b:s1+s13], $0x10, s22, s13, $0xb8;
	[tilespmem:$0xEC40] =	vst v63  }
0x2e: {  	s12 =	simm.s32 $0x6F40;
	s24 =	simm.s32 $0x200  }
0x2f: {  	[tilespmem:s12], [sflag:$0x5] =	stream.indirect.gather [hbm4b:s1+s13], $0x10, s24, s13, $0xb8;
	[tilespmem:$0xEC40] =	vst v63  }
0x30: {  	s26 =	simm.s32 $0x280;
	s24 =	simm.s32 $0x7710  }
0x31: {  	[tilespmem:s24], [sflag:$0x6] =	stream.indirect.gather [hbm4b:s1+s13], $0x10, s26, s13, $0xb8;
	[tilespmem:$0xEC40] =	vst v63  }
0x32: {  	s10 =	simm.s32 $0x300;
	s26 =	simm.s32 $0x7EE0  }
0x33: {  	[tilespmem:s26], [sflag:$0x7] =	stream.indirect.gather [hbm4b:s1+s13], $0x10, s10, s13, $0xb8;
	[tilespmem:$0xEC40] =	vst v63  }
0x34: {  	s20 =	simm.s32 $0x380;
	s22 =	simm.s32 $0x86B0  }
0x35: {  	[tilespmem:s22], [sflag:$0x8] =	stream.indirect.gather [hbm4b:s1+s13], $0x10, s20, s13, $0xb8;
	[tilespmem:$0xEC40] =	vst v63  }
0x36: {  	s10 =	simm.s32 $0x400;
	s20 =	simm.s32 $0x8E80  }
0x37: {  	[tilespmem:s20], [sflag:$0x9] =	stream.indirect.gather [hbm4b:s1+s13], $0x10, s10, s13, $0xb8;
	[tilespmem:$0xEC40] =	vst v63  }
0x38: {  	s18 =	simm.s32 $0x480;
	s10 =	simm.s32 $0x9650  }
0x39: {  	[tilespmem:s10], [sflag:$0xA] =	stream.indirect.gather [hbm4b:s1+s13], $0x10, s18, s13, $0xb8;
	[tilespmem:$0xEC40] =	vst v63  }
0x3a: {  	_ =	swait.ge [sflag:s31], $0x7D0  }
0x3b: {  	[sflag:s31] =	ssyncset.done $0x0  }
0x3c: {  	s18 =	simm.s32 $0x2800;
	[sflag:s31] =	ssyncadd.s32 $0xFFFFF830  }
0x3d: {  	[spmem:s3] =	stream.indirect.scatter.add.f32 [tilespmem:s29], [sflag:$0xB], $0x10, s18, s13, $0xb8;
	[tilespmem:$0xEC40] =	vst v63  }
0x3e: {  	s18 =	simm.s32 $0x2  }
0x3f: {  	_ =	swait.ge [sflag:s18], $0x7D0  }
0x40: {  	[sflag:s18] =	ssyncset.done $0x0  }
0x41: {  	[sflag:s18] =	ssyncadd.s32 $0xFFFFF830;
	s18 =	simm.s32 $0x2880  }
0x42: {  	[spmem:s3] =	stream.indirect.scatter.add.f32 [tilespmem:s23], [sflag:$0xC], $0x10, s18, s13, $0xb8;
	[tilespmem:$0xEC40] =	vst v63  }
0x43: {  	s18 =	simm.s32 $0x3  }
0x44: {  	_ =	swait.ge [sflag:s18], $0x7D0  }
0x45: {  	[sflag:s18] =	ssyncset.done $0x0  }
0x46: {  	[sflag:s18] =	ssyncadd.s32 $0xFFFFF830;
	s18 =	simm.s32 $0x2900  }
0x47: {  	[spmem:s3] =	stream.indirect.scatter.add.f32 [tilespmem:s21], [sflag:$0xD], $0x10, s18, s13, $0xb8;
	[tilespmem:$0xEC40] =	vst v63  }
0x48: {  	s18 =	simm.s32 $0x4  }
0x49: {  	_ =	swait.ge [sflag:s18], $0x7D0  }
0x4a: {  	[sflag:s18] =	ssyncset.done $0x0  }
0x4b: {  	[sflag:s18] =	ssyncadd.s32 $0xFFFFF830;
	s18 =	simm.s32 $0x2980  }
0x4c: {  	[spmem:s3] =	stream.indirect.scatter.add.f32 [tilespmem:s15], [sflag:$0xE], $0x10, s18, s13, $0xb8;
	[tilespmem:$0xEC40] =	vst v63  }
0x4d: {  	_ =	swait.ge [sflag:s17], $0x7D0  }
0x4e: {  	[sflag:s17] =	ssyncset.done $0x0  }
0x4f: {  	[sflag:s17] =	ssyncadd.s32 $0xFFFFF830;
	s17 =	simm.s32 $0x2A00  }
0x50: {  	[spmem:s3] =	stream.indirect.scatter.add.f32 [tilespmem:s12], [sflag:$0xF], $0x10, s17, s13, $0xb8;
	[tilespmem:$0xEC40] =	vst v63  }
0x51: {  	_ =	swait.ge [sflag:s25], $0x7D0  }
0x52: {  	[sflag:s25] =	ssyncset.done $0x0  }
0x53: {  	[sflag:s25] =	ssyncadd.s32 $0xFFFFF830;
	s25 =	simm.s32 $0x2A80  }
0x54: {  	[spmem:s3] =	stream.indirect.scatter.add.f32 [tilespmem:s24], [sflag:$0x10], $0x10, s25, s13, $0xb8;
	[tilespmem:$0xEC40] =	vst v63  }
0x55: {  	_ =	swait.ge [sflag:s28], $0x7D0  }
0x56: {  	[sflag:s28] =	ssyncset.done $0x0  }
0x57: {  	s17 =	simm.s32 $0x2B00;
	[sflag:s28] =	ssyncadd.s32 $0xFFFFF830  }
0x58: {  	[spmem:s3] =	stream.indirect.scatter.add.f32 [tilespmem:s26], [sflag:$0x11], $0x10, s17, s13, $0xb8;
	[tilespmem:$0xEC40] =	vst v63  }
0x59: {  	_ =	swait.ge [sflag:s2], $0x7D0  }
0x5a: {  	[sflag:s2] =	ssyncset.done $0x0  }
0x5b: {  	s25 =	simm.s32 $0x2B80;
	[sflag:s2] =	ssyncadd.s32 $0xFFFFF830  }
0x5c: {  	[spmem:s3] =	stream.indirect.scatter.add.f32 [tilespmem:s22], [sflag:$0x12], $0x10, s25, s13, $0xb8;
	[tilespmem:$0xEC40] =	vst v63  }
0x5d: {  	_ =	swait.ge [sflag:s0], $0x7D0  }
0x5e: {  	[sflag:s0] =	ssyncset.done $0x0  }
0x5f: {  	s2 =	simm.s32 $0x2C00;
	[sflag:s0] =	ssyncadd.s32 $0xFFFFF830  }
0x60: {  	[spmem:s3] =	stream.indirect.scatter.add.f32 [tilespmem:s20], [sflag:$0x13], $0x10, s2, s13, $0xb8;
	[tilespmem:$0xEC40] =	vst v63  }
0x61: {  	_ =	swait.ge [sflag:s6], $0x7D0  }
0x62: {  	[sflag:s6] =	ssyncset.done $0x0  }
0x63: {  	[sflag:s6] =	ssyncadd.s32 $0xFFFFF830;
	s6 =	simm.s32 $0x2C80  }
0x64: {  	[spmem:s3] =	stream.indirect.scatter.add.f32 [tilespmem:s10], [sflag:$0x14], $0x10, s6, s13, $0xb8;
	[tilespmem:$0xEC40] =	vst v63  }
0x65: {  	_ =	swait.ge [sflag:s7], $0x7D0  }
0x66: {  	[sflag:s7] =	ssyncset.done $0x0  }
0x67: {  	[sflag:s7] =	ssyncadd.s32 $0xFFFFF830;
	s7 =	simm.s32 $0x500  }
0x68: {  	[tilespmem:s29], [sflag:$0x1] =	stream.indirect.gather [hbm4b:s1+s13], $0x10, s7, s13, $0xb8;
	[tilespmem:$0xEC40] =	vst v63  }
0x69: {  	_ =	swait.ge [sflag:s8], $0x7D0  }
0x6a: {  	[sflag:s8] =	ssyncset.done $0x0  }
0x6b: {  	[sflag:s8] =	ssyncadd.s32 $0xFFFFF830;
	s8 =	simm.s32 $0x580  }
0x6c: {  	[tilespmem:s23], [sflag:$0x2] =	stream.indirect.gather [hbm4b:s1+s13], $0x10, s8, s13, $0xb8;
	[tilespmem:$0xEC40] =	vst v63  }
0x6d: {  	_ =	swait.ge [sflag:s9], $0x7D0  }
0x6e: {  	[sflag:s9] =	ssyncset.done $0x0  }
0x6f: {  	s10 =	simm.s32 $0x600;
	[sflag:s9] =	ssyncadd.s32 $0xFFFFF830  }
0x70: {  	[tilespmem:s21], [sflag:$0x3] =	stream.indirect.gather [hbm4b:s1+s13], $0x10, s10, s13, $0xb8;
	[tilespmem:$0xEC40] =	vst v63  }
0x71: {  	_ =	swait.ge [sflag:s5], $0x7D0  }
0x72: {  	[sflag:s5] =	ssyncset.done $0x0  }
0x73: {  	s18 =	simm.s32 $0xF;
	s17 =	simm.s32 $0x680;
	[sflag:s5] =	ssyncadd.s32 $0xFFFFF830  }
0x74: {  	[tilespmem:s15], [sflag:$0x4] =	stream.indirect.gather [hbm4b:s1+s13], $0x10, s17, s13, $0xb8;
	[tilespmem:$0xEC40] =	vst v63  }
0x75: {  	_ =	swait.ge [sflag:s18], $0x7D0  }
0x76: {  	[sflag:s18] =	ssyncset.done $0x0  }
0x77: {  	s21 =	simm.s32 $0x700;
	[sflag:s18] =	ssyncadd.s32 $0xFFFFF830  }
0x78: {  	[tilespmem:s12], [sflag:$0x5] =	stream.indirect.gather [hbm4b:s1+s13], $0x10, s21, s13, $0xb8;
	[tilespmem:$0xEC40] =	vst v63  }
0x79: {  	_ =	swait.ge [sflag:s11], $0x7D0  }
0x7a: {  	[sflag:s11] =	ssyncset.done $0x0  }
0x7b: {  	s23 =	simm.s32 $0x780;
	[sflag:s11] =	ssyncadd.s32 $0xFFFFF830  }
0x7c: {  	[tilespmem:s24], [sflag:$0x6] =	stream.indirect.gather [hbm4b:s1+s13], $0x10, s23, s13, $0xb8;
	[tilespmem:$0xEC40] =	vst v63  }
0x7d: {  	_ =	swait.ge [sflag:s4], $0x7D0  }
0x7e: {  	[sflag:s4] =	ssyncset.done $0x0  }
0x7f: {  	s25 =	simm.s32 $0x800;
	[sflag:s4] =	ssyncadd.s32 $0xFFFFF830  }
0x80: {  	[tilespmem:s26], [sflag:$0x7] =	stream.indirect.gather [hbm4b:s1+s13], $0x10, s25, s13, $0xb8;
	[tilespmem:$0xEC40] =	vst v63  }
0x81: {  	s28 =	simm.s32 $0x6;
	_ =	swait.ge [sflag:s14], $0x7D0  }
0x82: {  	s0 =	simm.s32 $0x9;
	s2 =	simm.s32 $0x8;
	[sflag:s14] =	ssyncset.done $0x0  }
0x83: {  	s6 =	simm.s32 $0xA;
	s26 =	simm.s32 $0x880;
	[sflag:s14] =	ssyncadd.s32 $0xFFFFF830  }
0x84: {  	[tilespmem:s22], [sflag:$0x8] =	stream.indirect.gather [hbm4b:s1+s13], $0x10, s26, s13, $0xb8;
	[tilespmem:$0xEC40] =	vst v63  }
0x85: {  	s29 =	simm.s32 $0x900;
	s7 =	simm.s32 $0xB;
	_ =	swait.ge [sflag:s16], $0x7D0  }
0x86: {  	s8 =	simm.s32 $0xC;
	s9 =	simm.s32 $0xD;
	[sflag:s16] =	ssyncset.done $0x0  }
0x87: {  	s5 =	simm.s32 $0xE;
	s18 =	simm.s32 $0x1400;
	[sflag:s16] =	ssyncadd.s32 $0xFFFFF830  }
0x88: {  	[tilespmem:s20], [sflag:$0x9] =	stream.indirect.gather [hbm4b:s1+s13], $0x10, s29, s13, $0xb8;
	[tilespmem:$0xEC40] =	vst v63  }
0x89: {  	s11 =	simm.s32 $0x10;
	s4 =	simm.s32 $0x11;
	_ =	swait.ge [sflag:s19], $0x7D0  }
0x8a: {  	s25 =	simm.s32 $0x5;
	s14 =	simm.s32 $0x12;
	[sflag:s19] =	ssyncset.done $0x0  }
0x8b: {  	s16 =	simm.s32 $0x13;
	s20 =	simm.s32 $0x980;
	[sflag:s19] =	ssyncadd.s32 $0xFFFFF830  }
.LBB2_4:
0x8c: {  	s10 =	simm.s32 $0x9650  }
0x8d: {  	[tilespmem:s10], [sflag:$0xA] =	stream.indirect.gather [hbm4b:s1+s13], $0x10, s20, s13, $0xb8;
	[tilespmem:$0xEC40] =	vst v63  }
0x8e: {  	s20 =	smov.u32 s18  }
0x8f: {  	p0 =	sne.s32 s18, $0x7800;
	s18 =	sadd.s32 $0x1400, s18;
	_ =	swait.ge [sflag:s31], $0x7D0  }
0x90: {  	s23 =	simm.s32 $0x5000;
	s20 =	sshra.s32 s20, $0x2;
	[sflag:s31] =	ssyncset.done $0x0  }
0x91: {  	s12 =	simm.s32 $0x2;
	s22 =	sadd.s32 $0x2800, s20;
	[sflag:s31] =	ssyncadd.s32 $0xFFFFF830  }
0x92: {  	[spmem:s3] =	stream.indirect.scatter.add.f32 [tilespmem:s23], [sflag:$0xB], $0x10, s22, s13, $0xb8;
	[tilespmem:$0xEC40] =	vst v63  }
0x93: {  	_ =	swait.ge [sflag:s12], $0x7D0  }
0x94: {  	s21 =	simm.s32 $0x57D0;
	[sflag:s12] =	ssyncset.done $0x0  }
0x95: {  	s22 =	sadd.s32 $0x2880, s20;
	[sflag:s12] =	ssyncadd.s32 $0xFFFFF830;
	s12 =	simm.s32 $0x3  }
0x96: {  	[spmem:s3] =	stream.indirect.scatter.add.f32 [tilespmem:s21], [sflag:$0xC], $0x10, s22, s13, $0xb8;
	[tilespmem:$0xEC40] =	vst v63  }
0x97: {  	_ =	swait.ge [sflag:s12], $0x7D0  }
0x98: {  	s17 =	simm.s32 $0x5FA0;
	[sflag:s12] =	ssyncset.done $0x0  }
0x99: {  	s22 =	sadd.s32 $0x2900, s20;
	[sflag:s12] =	ssyncadd.s32 $0xFFFFF830;
	s12 =	simm.s32 $0x4  }
0x9a: {  	[spmem:s3] =	stream.indirect.scatter.add.f32 [tilespmem:s17], [sflag:$0xD], $0x10, s22, s13, $0xb8;
	[tilespmem:$0xEC40] =	vst v63  }
0x9b: {  	_ =	swait.ge [sflag:s12], $0x7D0  }
0x9c: {  	[sflag:s12] =	ssyncset.done $0x0  }
0x9d: {  	s15 =	simm.s32 $0x6770;
	s22 =	sadd.s32 $0x2980, s20;
	[sflag:s12] =	ssyncadd.s32 $0xFFFFF830  }
0x9e: {  	[spmem:s3] =	stream.indirect.scatter.add.f32 [tilespmem:s15], [sflag:$0xE], $0x10, s22, s13, $0xb8;
	[tilespmem:$0xEC40] =	vst v63  }
0x9f: {  	_ =	swait.ge [sflag:s25], $0x7D0  }
0xa0: {  	[sflag:s25] =	ssyncset.done $0x0  }
0xa1: {  	s12 =	simm.s32 $0x6F40;
	s22 =	sadd.s32 $0x2A00, s20;
	[sflag:s25] =	ssyncadd.s32 $0xFFFFF830  }
0xa2: {  	[spmem:s3] =	stream.indirect.scatter.add.f32 [tilespmem:s12], [sflag:$0xF], $0x10, s22, s13, $0xb8;
	[tilespmem:$0xEC40] =	vst v63  }
0xa3: {  	_ =	swait.ge [sflag:s28], $0x7D0  }
0xa4: {  	[sflag:s28] =	ssyncset.done $0x0  }
0xa5: {  	s24 =	simm.s32 $0x7710;
	s22 =	sadd.s32 $0x2A80, s20;
	[sflag:s28] =	ssyncadd.s32 $0xFFFFF830  }
0xa6: {  	[spmem:s3] =	stream.indirect.scatter.add.f32 [tilespmem:s24], [sflag:$0x10], $0x10, s22, s13, $0xb8;
	[tilespmem:$0xEC40] =	vst v63  }
0xa7: {  	_ =	swait.ge [sflag:s30], $0x7D0  }
0xa8: {  	[sflag:s30] =	ssyncset.done $0x0  }
0xa9: {  	s26 =	simm.s32 $0x7EE0;
	s22 =	sadd.s32 $0x2B00, s20;
	[sflag:s30] =	ssyncadd.s32 $0xFFFFF830  }
0xaa: {  	[spmem:s3] =	stream.indirect.scatter.add.f32 [tilespmem:s26], [sflag:$0x11], $0x10, s22, s13, $0xb8;
	[tilespmem:$0xEC40] =	vst v63  }
0xab: {  	_ =	swait.ge [sflag:s2], $0x7D0  }
0xac: {  	[sflag:s2] =	ssyncset.done $0x0  }
0xad: {  	s29 =	simm.s32 $0x86B0;
	s22 =	sadd.s32 $0x2B80, s20;
	[sflag:s2] =	ssyncadd.s32 $0xFFFFF830  }
0xae: {  	[spmem:s3] =	stream.indirect.scatter.add.f32 [tilespmem:s29], [sflag:$0x12], $0x10, s22, s13, $0xb8;
	[tilespmem:$0xEC40] =	vst v63  }
0xaf: {  	_ =	swait.ge [sflag:s0], $0x7D0  }
0xb0: {  	[sflag:s0] =	ssyncset.done $0x0  }
0xb1: {  	s31 =	simm.s32 $0x8E80;
	s22 =	sadd.s32 $0x2C00, s20;
	[sflag:s0] =	ssyncadd.s32 $0xFFFFF830  }
0xb2: {  	[spmem:s3] =	stream.indirect.scatter.add.f32 [tilespmem:s31], [sflag:$0x13], $0x10, s22, s13, $0xb8;
	[tilespmem:$0xEC40] =	vst v63  }
0xb3: {  	_ =	swait.ge [sflag:s6], $0x7D0  }
0xb4: {  	[sflag:s6] =	ssyncset.done $0x0  }
0xb5: {  	s22 =	sadd.s32 $0x2C80, s20;
	[sflag:s6] =	ssyncadd.s32 $0xFFFFF830  }
0xb6: {  	[spmem:s3] =	stream.indirect.scatter.add.f32 [tilespmem:s10], [sflag:$0x14], $0x10, s22, s13, $0xb8;
	[tilespmem:$0xEC40] =	vst v63  }
0xb7: {  	_ =	swait.ge [sflag:s7], $0x7D0  }
0xb8: {  	[sflag:s7] =	ssyncset.done $0x0  }
0xb9: {  	s19 =	simm.s32 $0x5000;
	s22 =	sadd.s32 $0x500, s20;
	[sflag:s7] =	ssyncadd.s32 $0xFFFFF830  }
0xba: {  	[tilespmem:s23], [sflag:$0x1] =	stream.indirect.gather [hbm4b:s1+s13], $0x10, s22, s13, $0xb8;
	[tilespmem:$0xEC40] =	vst v63  }
0xbb: {  	_ =	swait.ge [sflag:s8], $0x7D0  }
0xbc: {  	[sflag:s8] =	ssyncset.done $0x0  }
0xbd: {  	s22 =	sadd.s32 $0x580, s20;
	s23 =	simm.s32 $0x57D0;
	[sflag:s8] =	ssyncadd.s32 $0xFFFFF830  }
0xbe: {  	[tilespmem:s21], [sflag:$0x2] =	stream.indirect.gather [hbm4b:s1+s13], $0x10, s22, s13, $0xb8;
	[tilespmem:$0xEC40] =	vst v63  }
0xbf: {  	_ =	swait.ge [sflag:s9], $0x7D0  }
0xc0: {  	[sflag:s9] =	ssyncset.done $0x0  }
0xc1: {  	s22 =	sadd.s32 $0x600, s20;
	s21 =	simm.s32 $0x5FA0;
	[sflag:s9] =	ssyncadd.s32 $0xFFFFF830  }
0xc2: {  	[tilespmem:s17], [sflag:$0x3] =	stream.indirect.gather [hbm4b:s1+s13], $0x10, s22, s13, $0xb8;
	[tilespmem:$0xEC40] =	vst v63  }
0xc3: {  	_ =	swait.ge [sflag:s5], $0x7D0  }
0xc4: {  	[sflag:s5] =	ssyncset.done $0x0  }
0xc5: {  	s22 =	sadd.s32 $0x680, s20;
	[sflag:s5] =	ssyncadd.s32 $0xFFFFF830  }
0xc6: {  	[tilespmem:s15], [sflag:$0x4] =	stream.indirect.gather [hbm4b:s1+s13], $0x10, s22, s13, $0xb8;
	[tilespmem:$0xEC40] =	vst v63  }
0xc7: {  	s17 =	simm.s32 $0x6770;
	s15 =	simm.s32 $0xF  }
0xc8: {  	_ =	swait.ge [sflag:s15], $0x7D0  }
0xc9: {  	[sflag:s15] =	ssyncset.done $0x0  }
0xca: {  	s10 =	simm.s32 $0x6F40;
	s22 =	sadd.s32 $0x700, s20;
	[sflag:s15] =	ssyncadd.s32 $0xFFFFF830  }
0xcb: {  	[tilespmem:s12], [sflag:$0x5] =	stream.indirect.gather [hbm4b:s1+s13], $0x10, s22, s13, $0xb8;
	[tilespmem:$0xEC40] =	vst v63  }
0xcc: {  	_ =	swait.ge [sflag:s11], $0x7D0  }
0xcd: {  	[sflag:s11] =	ssyncset.done $0x0  }
0xce: {  	s22 =	sadd.s32 $0x780, s20;
	s12 =	simm.s32 $0x7710;
	[sflag:s11] =	ssyncadd.s32 $0xFFFFF830  }
0xcf: {  	[tilespmem:s24], [sflag:$0x6] =	stream.indirect.gather [hbm4b:s1+s13], $0x10, s22, s13, $0xb8;
	[tilespmem:$0xEC40] =	vst v63  }
0xd0: {  	_ =	swait.ge [sflag:s4], $0x7D0  }
0xd1: {  	[sflag:s4] =	ssyncset.done $0x0  }
0xd2: {  	s22 =	sadd.s32 $0x800, s20;
	s24 =	simm.s32 $0x7EE0;
	[sflag:s4] =	ssyncadd.s32 $0xFFFFF830  }
0xd3: {  	[tilespmem:s26], [sflag:$0x7] =	stream.indirect.gather [hbm4b:s1+s13], $0x10, s22, s13, $0xb8;
	[tilespmem:$0xEC40] =	vst v63  }
0xd4: {  	_ =	swait.ge [sflag:s14], $0x7D0  }
0xd5: {  	[sflag:s14] =	ssyncset.done $0x0  }
0xd6: {  	s22 =	sadd.s32 $0x880, s20;
	s26 =	simm.s32 $0x86B0;
	[sflag:s14] =	ssyncadd.s32 $0xFFFFF830  }
0xd7: {  	[tilespmem:s29], [sflag:$0x8] =	stream.indirect.gather [hbm4b:s1+s13], $0x10, s22, s13, $0xb8;
	[tilespmem:$0xEC40] =	vst v63  }
0xd8: {  	_ =	swait.ge [sflag:s16], $0x7D0  }
0xd9: {  	[sflag:s16] =	ssyncset.done $0x0  }
0xda: {  	s22 =	sadd.s32 $0x900, s20;
	[sflag:s16] =	ssyncadd.s32 $0xFFFFF830  }
0xdb: {  	[tilespmem:s31], [sflag:$0x9] =	stream.indirect.gather [hbm4b:s1+s13], $0x10, s22, s13, $0xb8;
	[tilespmem:$0xEC40] =	vst v63  }
.Ltmp1:
0xdc: {  	_ = 	snop;
	(pc) =	sbr.rel @p0 .LBB2_4-.Ltmp1, $4  }
0xdd: {  	s29 =	simm.s32 $0x8E80;
	s31 =	simm.s32 $0x1;
	s22 =	simm.s32 $0x14  }
0xde: {  	_ =	swait.ge [sflag:s22], $0x7D0  }
0xdf: {  	[sflag:s22] =	ssyncset.done $0x0  }
0xe0: {  	s20 =	sadd.s32 $0x980, s20;
	[sflag:s22] =	ssyncadd.s32 $0xFFFFF830  }
0xe1: {  	s22 =	simm.s32 $0x9650  }
0xe2: {  	[tilespmem:s22], [sflag:$0xA] =	stream.indirect.gather [hbm4b:s1+s13], $0x10, s20, s13, $0xb8;
	[tilespmem:$0xEC40] =	vst v63  }
0xe3: {  	_ =	swait.ge [sflag:s31], $0x7D0  }
0xe4: {  	[sflag:s31] =	ssyncset.done $0x0  }
0xe5: {  	s18 =	simm.s32 $0x4B00;
	[sflag:s31] =	ssyncadd.s32 $0xFFFFF830  }
0xe6: {  	[spmem:s3] =	stream.indirect.scatter.add.f32 [tilespmem:s19], [sflag:$0xB], $0x10, s18, s13, $0xb8;
	[tilespmem:$0xEC40] =	vst v63  }
0xe7: {  	s19 =	simm.s32 $0x2  }
0xe8: {  	_ =	swait.ge [sflag:s19], $0x7D0  }
0xe9: {  	[sflag:s19] =	ssyncset.done $0x0  }
0xea: {  	s20 =	simm.s32 $0x4B80;
	[sflag:s19] =	ssyncadd.s32 $0xFFFFF830;
	s19 =	simm.s32 $0x3  }
0xeb: {  	[spmem:s3] =	stream.indirect.scatter.add.f32 [tilespmem:s23], [sflag:$0xC], $0x10, s20, s13, $0xb8;
	[tilespmem:$0xEC40] =	vst v63  }
0xec: {  	_ =	swait.ge [sflag:s19], $0x7D0  }
0xed: {  	[sflag:s19] =	ssyncset.done $0x0  }
0xee: {  	s20 =	simm.s32 $0x4C00;
	[sflag:s19] =	ssyncadd.s32 $0xFFFFF830  }
0xef: {  	[spmem:s3] =	stream.indirect.scatter.add.f32 [tilespmem:s21], [sflag:$0xD], $0x10, s20, s13, $0xb8;
	[tilespmem:$0xEC40] =	vst v63  }
0xf0: {  	s21 =	simm.s32 $0x4  }
0xf1: {  	_ =	swait.ge [sflag:s21], $0x7D0  }
0xf2: {  	[sflag:s21] =	ssyncset.done $0x0  }
0xf3: {  	s23 =	simm.s32 $0x4C80;
	[sflag:s21] =	ssyncadd.s32 $0xFFFFF830  }
0xf4: {  	[spmem:s3] =	stream.indirect.scatter.add.f32 [tilespmem:s17], [sflag:$0xE], $0x10, s23, s13, $0xb8;
	[tilespmem:$0xEC40] =	vst v63  }
0xf5: {  	_ =	swait.ge [sflag:s25], $0x7D0  }
0xf6: {  	[sflag:s25] =	ssyncset.done $0x0  }
0xf7: {  	[sflag:s25] =	ssyncadd.s32 $0xFFFFF830;
	s25 =	simm.s32 $0x4D00  }
0xf8: {  	[spmem:s3] =	stream.indirect.scatter.add.f32 [tilespmem:s10], [sflag:$0xF], $0x10, s25, s13, $0xb8;
	[tilespmem:$0xEC40] =	vst v63  }
0xf9: {  	_ =	swait.ge [sflag:s28], $0x7D0  }
0xfa: {  	[sflag:s28] =	ssyncset.done $0x0  }
0xfb: {  	s17 =	simm.s32 $0x4D80;
	[sflag:s28] =	ssyncadd.s32 $0xFFFFF830  }
0xfc: {  	[spmem:s3] =	stream.indirect.scatter.add.f32 [tilespmem:s12], [sflag:$0x10], $0x10, s17, s13, $0xb8;
	[tilespmem:$0xEC40] =	vst v63  }
0xfd: {  	_ =	swait.ge [sflag:s30], $0x7D0  }
0xfe: {  	[sflag:s30] =	ssyncset.done $0x0  }
0xff: {  	s18 =	simm.s32 $0x4E00;
	[sflag:s30] =	ssyncadd.s32 $0xFFFFF830  }
0x100: {  	[spmem:s3] =	stream.indirect.scatter.add.f32 [tilespmem:s24], [sflag:$0x11], $0x10, s18, s13, $0xb8;
	[tilespmem:$0xEC40] =	vst v63  }
0x101: {  	_ =	swait.ge [sflag:s2], $0x7D0  }
0x102: {  	[sflag:s2] =	ssyncset.done $0x0  }
0x103: {  	s19 =	simm.s32 $0x4E80;
	[sflag:s2] =	ssyncadd.s32 $0xFFFFF830  }
0x104: {  	[spmem:s3] =	stream.indirect.scatter.add.f32 [tilespmem:s26], [sflag:$0x12], $0x10, s19, s13, $0xb8;
	[tilespmem:$0xEC40] =	vst v63  }
0x105: {  	_ =	swait.ge [sflag:s0], $0x7D0  }
0x106: {  	[sflag:s0] =	ssyncset.done $0x0  }
0x107: {  	s20 =	simm.s32 $0x4F00;
	[sflag:s0] =	ssyncadd.s32 $0xFFFFF830  }
0x108: {  	[spmem:s3] =	stream.indirect.scatter.add.f32 [tilespmem:s29], [sflag:$0x13], $0x10, s20, s13, $0xb8;
	[tilespmem:$0xEC40] =	vst v63  }
0x109: {  	_ =	swait.ge [sflag:s6], $0x7D0  }
0x10a: {  	[sflag:s6] =	ssyncset.done $0x0  }
0x10b: {  	s21 =	simm.s32 $0x4F80;
	[sflag:s6] =	ssyncadd.s32 $0xFFFFF830  }
0x10c: {  	[spmem:s3] =	stream.indirect.scatter.add.f32 [tilespmem:s22], [sflag:$0x14], $0x10, s21, s13, $0xb8;
	[tilespmem:$0xEC40] =	vst v63  }
0x10d: {  	_ =	swait.ge [sflag:s7], $0x7D0  }
0x10e: {  	[sflag:s7] =	ssyncset.done $0x0  }
0x10f: {  	[sflag:s7] =	ssyncadd.s32 $0xFFFFF830  }
0x110: {  	_ =	swait.ge [sflag:s8], $0x7D0  }
0x111: {  	[sflag:s8] =	ssyncset.done $0x0  }
0x112: {  	[sflag:s8] =	ssyncadd.s32 $0xFFFFF830  }
0x113: {  	_ =	swait.ge [sflag:s9], $0x7D0  }
0x114: {  	[sflag:s9] =	ssyncset.done $0x0  }
0x115: {  	[sflag:s9] =	ssyncadd.s32 $0xFFFFF830  }
0x116: {  	_ =	swait.ge [sflag:s5], $0x7D0  }
0x117: {  	[sflag:s5] =	ssyncset.done $0x0  }
0x118: {  	[sflag:s5] =	ssyncadd.s32 $0xFFFFF830  }
0x119: {  	_ =	swait.ge [sflag:s15], $0x7D0  }
0x11a: {  	[sflag:s15] =	ssyncset.done $0x0  }
0x11b: {  	[sflag:s15] =	ssyncadd.s32 $0xFFFFF830  }
0x11c: {  	_ =	swait.ge [sflag:s11], $0x7D0  }
0x11d: {  	[sflag:s11] =	ssyncset.done $0x0  }
0x11e: {  	[sflag:s11] =	ssyncadd.s32 $0xFFFFF830  }
0x11f: {  	_ =	swait.ge [sflag:s4], $0x7D0  }
0x120: {  	[sflag:s4] =	ssyncset.done $0x0  }
0x121: {  	[sflag:s4] =	ssyncadd.s32 $0xFFFFF830  }
0x122: {  	_ =	swait.ge [sflag:s14], $0x7D0  }
0x123: {  	[sflag:s14] =	ssyncset.done $0x0  }
0x124: {  	[sflag:s14] =	ssyncadd.s32 $0xFFFFF830  }
0x125: {  	_ =	swait.ge [sflag:s16], $0x7D0  }
0x126: {  	[sflag:s16] =	ssyncset.done $0x0  }
0x127: {  	s22 =	simm.s32 $0x14;
	[sflag:s16] =	ssyncadd.s32 $0xFFFFF830  }
0x128: {  	_ =	swait.ge [sflag:s22], $0x7D0  }
0x129: {  	[sflag:s22] =	ssyncset.done $0x0  }
0x12a: {  	s23 =	stileid.u32;
	[sflag:s22] =	ssyncadd.s32 $0xFFFFF830  }
0x12b: {  	s18 =	sshll.u32 s23, $0x6;
	[bflag:$0x0] =	sbarrier.arrive $0xFFFF  }
0x12c: {  	s18 =	sor.u32 $0x1C15, s18;
	s10 =	rddreg [dreg:$0x5]  }
0x12d: {  	s22 =	simm.s32 $0x15;
	s25 =	rddreg [dreg:$0x8];
	s24 =	sshrl.u32 s10, $0x3  }
0x12e: {  	[hbm:s25], [sflag:s18] =	dma.local [spmem:s24], $0x4E2  }
0x12f: {  	_ =	swait.ge [sflag:s22], $0x4E2  }
0x130: {  	s26 =	rddreg [dreg:$0x4]  }
0x131: {  	s28 =	simm.s32 $0x7;
	s29 =	rddreg [dreg:$0x9];
	s18 =	sadd.s32 $0x1, s26  }
0x132: {  	s17 =	simm.s32 $0x5;
	s2 =	simm.s32 $0x8;
	p0 =	sne.s32 s18, s29  }
.Ltmp2:
0x133: {  	s19 =	simm.s32 $0x14;
	s0 =	simm.s32 $0x9;
	(pc) =	sbr.rel @p0 .LBB2_1-.Ltmp2, $4  }
0x134: {  	s6 =	simm.s32 $0xA;
	s7 =	simm.s32 $0xB;
	s8 =	simm.s32 $0xC  }
0x135: {  	s9 =	simm.s32 $0xD;
	s5 =	simm.s32 $0xE;
	s11 =	simm.s32 $0x10  }
0x136: {  	s4 =	simm.s32 $0x11;
	s14 =	simm.s32 $0x12;
	[sflag:s22] =	ssyncset.done $0x0  }
0x137: {  	s16 =	simm.s32 $0x13;
	s25 =	simm.s32 $0x6;
	[sflag:s22] =	ssyncadd.s32 $0xFFFFFB1E  }
0x138: {  	_ =	sfence.sel $0x180000  }
0x139: {  	[bflag:$0x0] =	sbarrier.arrive $0xFFFF  }
0x13a: {  	_ =	strace $0x9000004D  }
0x13b: {  	s0 =	stileid.u32;
	[bflag:$0x2] =	sbarrier.arrive $0xFFFF  }
0x13c: {  	p0 =	sne.s32 s0, $0x0;
	s0 =	rddreg [dreg:$0x3]  }
0x13d: {  	s0 =	sadd.s32 @!p0 $0x100000, s0  }
0x13e: {  	[sflag:s0] =	ssyncadd.tile.s32 @!p0 $0x1;
	_ =	shalt  }
.Lfunc_end2:
_tile_overlayer_lowered:
.L_overlay_start_2:
0x13f: {  	(tag) =	ssettag $0x2  }
0x140: {  	s0 =	rddreg [dreg:$0x0];
	s2 =	stileid.u32  }
0x141: {  	s1 =	rddreg [dreg:$0x1];
	p0 =	sne.s32 s2, $0x0  }
0x142: {  	s3 =	rddreg [dreg:$0x2];
	[bflag:$0x3] =	sbarrier.arrive $0xFFFF;
	s2 =	simm.s32 @!p0 $0x1C15  }
0x143: {  	[timem:s3], [sflag:s2] =	dma.local @!p0 [hbm:s0], s1  }
0x144: {  	s0 =	simm.s32 @!p0 $0x15  }
0x145: {  	_ =	swait.ge @!p0 [sflag:s0], s1  }
0x146: {  	s1 =	ssub.s32 @!p0 $0x0, s1;
	[sflag:s0] =	ssyncset.done @!p0 $0x0  }
0x147: {  	[sflag:s0] =	ssyncadd.s32 @!p0 s1  }
0x148: {  	[bflag:$0x3] =	sbarrier.arrive $0xFFFF  }
0x149: {  	_ =	shalt  }

// kernel: kernel.9.cloned.1.call-start
scs
__scs_entry_jumppad:
0x0: {  	(pc) =	sbr.rel $0x88, $3  }
0x1: {  	(tag) =	ssettag $0x0;
	lr =	simm.s32 $0x1  }
0x2: {  	[smem:$0x3F9B] =	sst lr;
	_ =	strace $0xD0000000  }
0x3: {  	_ = 	snop  }
0x4: {  	_ = 	snop  }
0x5: {  	_ = 	snop  }
0x6: {  	_ = 	snop  }
0x7: {  	_ = 	snop  }
__scs_overlays_trampoline_lowered:
0x8: {  	[smem:$0x3FAA] =	sst s0  }
0x9: {  	[smem:$0x3FAB] =	sst s1  }
0xa: {  	[smem:$0x3FAC] =	sst s2  }
0xb: {  	[smem:$0x3FAD] =	sst s3  }
0xc: {  	[smem:$0x3FAE] =	sst s4  }
0xd: {  	[smem:$0x3FAF] =	sst s5  }
0xe: {  	[smem:$0x3FB0] =	sst s6  }
0xf: {  	[smem:$0x3FB1] =	sst s7  }
0x10: {  	[smem:$0x3FB2] =	sst s8  }
0x11: {  	[smem:$0x3FB3] =	sst s9;
	s0 =	simm.s32 @!p0 $0x0  }
0x12: {  	s1 =	sld [smem:$0x3F99];
	s0 =	simm.s32 @p0 $0x1  }
0x13: {  	[smem:$0x3FB4] =	sst s0;
	s0 =	simm.s32 @!p1 $0x0  }
0x14: {  	s2 =	sld [smem:$0x3F98];
	s0 =	simm.s32 @p1 $0x1  }
0x15: {  	[smem:$0x3FB5] =	sst s0;
	s0 =	simm.s32 @!p2 $0x0  }
0x16: {  	s3 =	sld [smem:$0x3FDB];
	s0 =	simm.s32 @p2 $0x1  }
0x17: {  	s4 =	simm.s32 $0x1BF5;
	[smem:$0x3FB7] =	sst s0  }
0x18: {  	s0 =	sld [smem:$0x3F9A];
	_ =	swait.ge [sflag:s4], $0x0  }
0x19: {  	s7 =	sld [smem:$0x3F9B]  }
0x1a: {  	s8 =	sadd.s32 $0xFFFFE003, lr  }
0x1b: {  	s9 =	sadd.s32 $0xFFFFFEF7, lr;
	s5 =	simm.s32 $0xFFFFFFFF;
	p2 =	slt.u32 s8, $0xFFFFF086  }
0x1c: {  	p1 =	slt.u32 s9, $0xF7A;
	s5 =	simm.s32 @!p2 $0x0  }
0x1d: {  	s5 =	simm.s32 @p1 $0x1;
	p0 =	seq.s32 s7, s2  }
0x1e: {  	s7 =	smul.u32 @!p0 $0xF7A, s2;
	p2 =	seq.s32 @!p0 s5, $0x0  }
0x1f: {  	s9 =	smul.u32 $0xF7A, s1;
	s8 =	simm.s32 @!p0 $0x1BF5;
	p2 =	por !p2, p0  }
0x20: {  	[sflag:s8] =	ssyncset.s32 @!p0 $0xFFFFF086;
	s6 =	sadd.s32 @!p0 s3, s7;
	s7 =	simm.s32 @!p0 $0x108  }
0x21: {  	s3 =	sadd.s32 s3, s9;
	s6 =	sadd.s32 @!p0 $0x88, s6;
	s7 =	simm.s32 @p2 $0x1082  }
0x22: {  	[simem:s7], [sflag:s8] =	dma.local @!p0 [hbm:s6], $0xF7A  }
0x23: {  	s9 =	sor.u32 $0xD0000000, s2;
	s6 =	simm.s32 $0x108;
	_ =	swait.ge @!p0 [sflag:s8], $0x0  }
0x24: {  	s3 =	sadd.s32 $0x88, s3;
	s6 =	simm.s32 @!p1 $0x1082;
	[sflag:s4] =	ssyncset.s32 $0xFFFFF086  }
0x25: {  	[simem:s6], [sflag:s4] =	dma.local [hbm:s3], $0xF7A  }
0x26: {  	[smem:$0x3F9B] =	sst s1;
	(tag) =	ssettag s2;
	_ =	strace s9  }
0x27: {  	s1 =	sld [smem:$0x3FAB]  }
0x28: {  	s2 =	sld [smem:$0x3FAC]  }
0x29: {  	s4 =	sld [smem:$0x3FAE]  }
0x2a: {  	p0 =	seq.s32 s5, $0x0;
	s5 =	sld [smem:$0x3FAF]  }
0x2b: {  	s6 =	sld [smem:$0x3FB0]  }
0x2c: {  	s7 =	sld [smem:$0x3FB1]  }
0x2d: {  	s3 =	simm.s32 $0x108;
	s8 =	sld [smem:$0x3FB2]  }
0x2e: {  	s3 =	simm.s32 @!p0 $0x1082;
	s9 =	sld [smem:$0x3FB3]  }
0x2f: {  	lr =	sadd.s32 s0, s3;
	s0 =	sld [smem:$0x3FAA]  }
0x30: {  	s3 =	sld [smem:$0x3FAD]  }
0x31: {  	[smem:$0x3FB6] =	sst s10  }
0x32: {  	s10 =	sld [smem:$0x3FB4];
	_ =	sdelay $0x3  }
0x33: {  	p0 =	seq.s32 s10, $0x1;
	s10 =	sld [smem:$0x3FB6];
	_ =	sdelay $0x3  }
0x34: {  	[smem:$0x3FB6] =	sst s10  }
0x35: {  	s10 =	sld [smem:$0x3FB5];
	_ =	sdelay $0x3  }
0x36: {  	p1 =	seq.s32 s10, $0x1;
	s10 =	sld [smem:$0x3FB6];
	_ =	sdelay $0x3  }
0x37: {  	[smem:$0x3FB6] =	sst s10  }
0x38: {  	s10 =	sld [smem:$0x3FB7]  }
0x39: {  	_ = 	snop;
	(pc) =	sbr.ind lr, $3  }
0x3a: {  	_ = 	snop  }
0x3b: {  	_ = 	snop  }
0x3c: {  	p2 =	seq.s32 s10, $0x1;
	s10 =	sld [smem:$0x3FB6]  }
0x3d: {  	_ =	shalt  }
0x3e: {  	_ =	shalt  }
0x3f: {  	_ =	shalt  }
0x40: {  	_ =	shalt  }
0x41: {  	_ =	shalt  }
0x42: {  	_ =	shalt  }
0x43: {  	_ =	shalt  }
0x44: {  	_ =	shalt  }
0x45: {  	_ =	shalt  }
0x46: {  	_ =	shalt  }
0x47: {  	_ =	shalt  }
0x48: {  	_ =	shalt  }
0x49: {  	_ =	shalt  }
0x4a: {  	_ =	shalt  }
0x4b: {  	_ =	shalt  }
0x4c: {  	_ =	shalt  }
0x4d: {  	_ =	shalt  }
0x4e: {  	_ =	shalt  }
0x4f: {  	_ =	shalt  }
0x50: {  	_ =	shalt  }
0x51: {  	_ =	shalt  }
0x52: {  	_ =	shalt  }
0x53: {  	_ =	shalt  }
0x54: {  	_ =	shalt  }
0x55: {  	_ =	shalt  }
0x56: {  	_ =	shalt  }
0x57: {  	_ =	shalt  }
0x58: {  	_ =	shalt  }
0x59: {  	_ =	shalt  }
0x5a: {  	_ =	shalt  }
0x5b: {  	_ =	shalt  }
0x5c: {  	_ =	shalt  }
0x5d: {  	_ =	shalt  }
0x5e: {  	_ =	shalt  }
0x5f: {  	_ =	shalt  }
0x60: {  	_ =	shalt  }
0x61: {  	_ =	shalt  }
0x62: {  	_ =	shalt  }
0x63: {  	_ =	shalt  }
0x64: {  	_ =	shalt  }
0x65: {  	_ =	shalt  }
0x66: {  	_ =	shalt  }
0x67: {  	_ =	shalt  }
0x68: {  	_ =	shalt  }
0x69: {  	_ =	shalt  }
0x6a: {  	_ =	shalt  }
0x6b: {  	_ =	shalt  }
0x6c: {  	_ =	shalt  }
0x6d: {  	_ =	shalt  }
0x6e: {  	_ =	shalt  }
0x6f: {  	_ =	shalt  }
0x70: {  	_ =	shalt  }
0x71: {  	_ =	shalt  }
0x72: {  	_ =	shalt  }
0x73: {  	_ =	shalt  }
0x74: {  	_ =	shalt  }
0x75: {  	_ =	shalt  }
0x76: {  	_ =	shalt  }
0x77: {  	_ =	shalt  }
0x78: {  	_ =	shalt  }
0x79: {  	_ =	shalt  }
0x7a: {  	_ =	shalt  }
0x7b: {  	_ =	shalt  }
0x7c: {  	_ =	shalt  }
0x7d: {  	_ =	shalt  }
0x7e: {  	_ =	shalt  }
0x7f: {  	_ =	shalt  }
0x80: {  	_ =	shalt  }
0x81: {  	_ =	shalt  }
0x82: {  	_ =	shalt  }
0x83: {  	_ =	shalt  }
0x84: {  	_ =	shalt  }
0x85: {  	_ =	shalt  }
0x86: {  	_ =	shalt  }
0x87: {  	_ =	shalt  }
.Lfunc_end0:
.L_simem_size_0:
called_computation_lowered:
.L_overlay_start_0:
0x88: {  	s2 =	sld [smem:$0x3FD9]  }
0x89: {  	s3 =	sld [smem:$0x3FFE];
	_ =	sdelay $0x1  }
0x8a: {  	s1 =	srdreg.scid  }
0x8b: {  	s0 =	sand.u32 $0x1, s1  }
0x8c: {  	s16 =	sshll.u32 s0, $0xA;
	s2 =	sadd.s32 s3, s2  }
0x8d: {  	s2 =	sadd.s32 s2, s16  }
0x8e: {  	[smem:$0x3FC2] =	sst s2  }
0x8f: {  	_ = 	snop  }
0x90: {  	(tm) =	ssettm $0x1  }
0x91: {  	s17 =	sld [smem:$0x3FFB];
	_ =	sdelay $0x3  }
0x92: {  	_ =	strace s17  }
0x93: {  	s2 =	sld [smem:$0x3FFC];
	_ =	sdelay $0x3  }
0x94: {  	_ =	strace s2  }
0x95: {  	s2 =	sld [smem:$0x3FFD];
	_ =	sdelay $0x3  }
0x96: {  	_ =	strace s2  }
0x97: {  	_ =	strace $0x8FFFFFFF  }
0x98: {  	s18 =	sld [smem:$0x3FDB];
	_ =	sdelay $0x1  }
0x99: {  	s19 =	simm.s32 $_scs_section_size  }
0x9a: {  	s4 =	simm.s32 $_size__tile_overlayer_lowered;
	s5 =	simm.s32 $_tile_overlayer_lowered  }
0x9b: {  	s22 =	simm.s32 $0x1BFF;
	s21 =	sshll.u32 s5, $0x1;
	s2 =	sadd.s32 s19, s18  }
0x9c: {  	s6 =	simm.s32 $0x0;
	s20 =	sshll.u32 s4, $0x1;
	s4 =	sadd.s32 s21, s2  }
0x9d: {  	[timem:s6], [sflag:s22] =	dma.local [hbm:s4], s20  }
0x9e: {  	_ =	swait.ge [sflag:s22], s20  }
0x9f: {  	s3 =	ssub.s32 $0x0, s20;
	[sflag:s22] =	ssyncset.done $0x0  }
0xa0: {  	[sflag:s22] =	ssyncadd.s32 s3;
	_ =	sdelay $0x1  }
0xa1: {  	s23 =	simm.s32 $0x1B8B  }
0xa2: {  	_ =	swait.ge [sflag:s23], $0x1  }
0xa3: {  	[sflag:s23] =	ssyncset.done $0x0  }
0xa4: {  	s25 =	simm.s32 $0x1B8E;
	s24 =	sld [smem:$0x3FFE];
	[sflag:s23] =	ssyncadd.s32 $0xFFFFFFFF  }
0xa5: {  	s26 =	simm.s32 $execute0_lowered;
	[smem:$0x3FD2] =	sst s25  }
0xa6: {  	s4 =	sshll.u32 s26, $0x1;
	_ =	strace $0x80000046;
	[dreg:$0x1] =	wrdreg $0xFFFFFFFF  }
0xa7: {  	s28 =	simm.s32 $_size_execute0_lowered;
	s2 =	sadd.s32 s2, s4;
	[dreg:$0x0] =	wrdreg $0x0  }
0xa8: {  	s4 =	sshll.u32 s28, $0x1;
	[dreg:$0x2] =	wrdreg s2  }
0xa9: {  	[dreg:$0x3] =	wrdreg s4  }
0xaa: {  	[dreg:$0x4] =	wrdreg $0xC0  }
0xab: {  	_ =	task [dreg:s6], $0x5FFFF  }
0xac: {  	[dreg:$0x1] =	wrdreg $0xFFFFFFFF  }
0xad: {  	[dreg:$0x0] =	wrdreg $0x60  }
0xae: {  	[dreg:$0x2] =	wrdreg s24  }
0xaf: {  	[dreg:$0x3] =	wrdreg $0x68400  }
0xb0: {  	[dreg:$0x4] =	wrdreg $0x9  }
0xb1: {  	_ =	task.clear_ibuf [dreg:s6], $0x5FFFF;
	_ =	strace $0x90000046  }
0xb2: {  	s29 =	simm.s32 $0x9;
	_ =	strace $0x80000048  }
0xb3: {  	_ =	swait.ge [sflag:s29], $0x1  }
0xb4: {  	[sflag:s29] =	ssyncadd.s32 $0xFFFFFFFF  }
0xb5: {  	_ =	strace $0x90000048  }
0xb6: {  	_ =	sfence  }
0xb7: {  	s30 =	sld [smem:$0x0];
	_ =	sdelay $0x2  }
0xb8: {  	s31 =	sshll.u32 s1, $0xD;
	s1 =	sshrl.u32 s1, $0x2  }
0xb9: {  	s3 =	sand.u32 $0x4000, s31;
	s1 =	sadd.s32 s1, s30  }
0xba: {  	s0 =	sor.u32 s3, s0;
	s1 =	sshll.u32 s1, $0x11  }
0xbb: {  	s0 =	sor.u32 s1, s0  }
0xbc: {  	s0 =	sadd.s32 $0x8F2B, s0  }
0xbd: {  	[sflag:s0] =	ssyncadd.remote.s32 $0x1  }
0xbe: {  	_ =	sfence.sel $0xFFFF  }
0xbf: {  	[dreg:$0x0] =	wrdreg $0xFFFFFFFF;
	(pc) =	sbr.abs _section_cstart, $3  }
0xc0: {  	[dreg:$0x1] =	wrdreg $0xFFFFFFFF  }
0xc1: {  	_ =	task.clear_ibuf [dreg:s6], $0x2FFFF;
	_ =	strace $0x9FFFFFFF  }
0xc2: {  	(tm) =	ssettm $0x7FFFFFFF  }
0xc3: {  	_ =	shalt  }
tec
execute0_lowered:
.L_overlay_start_1:
0x0: {  	(tag) =	ssettag $0x1  }
0x1: {  	s4 =	rddreg [dreg:$0x0]  }
0x2: {  	s2 =	rddreg [dreg:$0x1]  }
0x3: {  	s0 =	rddreg [dreg:$0x2];
	s3 =	simm.s32 $0x0;
	s1 =	stileid.u32  }
0x4: {  	s5 =	srdreg.scid;
	s11 =	simm.s32 $0x2;
	s12 =	simm.s32 $0x2800  }
0x5: {  	s13 =	simm.s32 $0x7D;
	s14 =	simm.s32 $0x5000;
	s15 =	simm.s32 $0x1  }
0x6: {  	s16 =	simm.s32 $0x5300;
	s17 =	simm.s32 $0x5440;
	s5 =	sand.u32 $0x1, s5  }
0x7: {  	s18 =	simm.s32 $0x0;
	s6 =	smul.u32 $0x5000, s1;
	s7 =	sshll.u32 s5, $0x4  }
0x8: {  	[smem:$0x7FF] =	sst s3;
	s8 =	smul.u32 $0xA00, s1;
	s7 =	sor.u32 s1, s7  }
0x9: {  	_ =	strace $0x80000047;
	s5 =	ssub.s32 $0x2, s5;
	s9 =	smul.u32 $0x280, s7  }
0xa: {  	s6 =	sshrl.u32 s6, $0x3;
	s10 =	sshrl.u32 s5, $0x1;
	s7 =	smul.u32 $0x500, s7  }
0xb: {  	s8 =	sshrl.u32 s8, $0x2;
	s6 =	sadd.s32 s6, s4;
	s10 =	ssub.s32 s5, s10  }
0xc: {  	s5 =	sadd.s32 $0xC600, s6;
	s6 =	sadd.s32 $0xCB00, s6;
	s7 =	sshrl.u32 s7, $0x2  }
0xd: {  	s9 =	sadd.s32 s9, s4;
	s4 =	sadd.s32 s8, s2;
	s7 =	sadd.s32 s7, s2  }
0xe: {  	v0 =	vimm.f32 $1.000000000e+00;
	v1 =	vimm.f32 $0.0e+00;
	s8 =	sadd.s32 $0x16600, s9;
	s9 =	smax.u32 s10, $0x1;
	s10 =	simm.s32 $0x5080  }
.LBB2_1:
0xf: {  	[tilespmem:$0x5000] =	vst v0  }
0x10: {  	[tilespmem:$0x5010] =	vst v0  }
0x11: {  	[tilespmem:$0x5020] =	vst v0  }
0x12: {  	[tilespmem:$0x5030] =	vst v0  }
0x13: {  	[tilespmem:$0x5040] =	vst v0  }
0x14: {  	[tilespmem:$0x5050] =	vst v0  }
0x15: {  	[tilespmem:$0x5060] =	vst v0  }
0x16: {  	[tilespmem:$0x5070] =	vst v0  }
0x17: {  	[tilespmem:$0x5080] =	vst v1  }
0x18: {  	[tilespmem:$0x5090] =	vst v1  }
0x19: {  	[tilespmem:$0x50A0] =	vst v1  }
0x1a: {  	[tilespmem:$0x50B0] =	vst v1  }
0x1b: {  	[tilespmem:$0x50C0] =	vst v1  }
0x1c: {  	[tilespmem:$0x50D0] =	vst v1  }
0x1d: {  	[tilespmem:$0x50E0] =	vst v1  }
0x1e: {  	[tilespmem:$0x50F0] =	vst v1  }
0x1f: {  	[tilespmem:$0x5100] =	vst v1  }
0x20: {  	[tilespmem:$0x5110] =	vst v1  }
0x21: {  	[tilespmem:$0x5120] =	vst v1  }
0x22: {  	[tilespmem:$0x5130] =	vst v1  }
0x23: {  	[tilespmem:$0x5140] =	vst v1  }
0x24: {  	[tilespmem:$0x5150] =	vst v1  }
0x25: {  	[tilespmem:$0x5160] =	vst v1  }
0x26: {  	[tilespmem:$0x5170] =	vst v1  }
0x27: {  	[tilespmem:$0x5180] =	vst v1  }
0x28: {  	[tilespmem:$0x5190] =	vst v1  }
0x29: {  	[tilespmem:$0x51A0] =	vst v1  }
0x2a: {  	[tilespmem:$0x51B0] =	vst v1  }
0x2b: {  	[tilespmem:$0x51C0] =	vst v1  }
0x2c: {  	[tilespmem:$0x51D0] =	vst v1  }
0x2d: {  	[tilespmem:$0x51E0] =	vst v1  }
0x2e: {  	[tilespmem:$0x51F0] =	vst v1  }
0x2f: {  	[tilespmem:$0x5200] =	vst v1  }
0x30: {  	[tilespmem:$0x5210] =	vst v1  }
0x31: {  	[tilespmem:$0x5220] =	vst v1  }
0x32: {  	[tilespmem:$0x5230] =	vst v1  }
0x33: {  	[tilespmem:$0x5240] =	vst v1  }
0x34: {  	[tilespmem:$0x5250] =	vst v1  }
0x35: {  	[tilespmem:$0x5260] =	vst v1  }
0x36: {  	[tilespmem:$0x5270] =	vst v1  }
0x37: {  	[tilespmem:$0x5280] =	vst v1  }
0x38: {  	[tilespmem:$0x5290] =	vst v1  }
0x39: {  	[tilespmem:$0x52A0] =	vst v1  }
0x3a: {  	[tilespmem:$0x52B0] =	vst v1  }
0x3b: {  	[tilespmem:$0x52C0] =	vst v1  }
0x3c: {  	[tilespmem:$0x52D0] =	vst v1  }
0x3d: {  	[tilespmem:$0x52E0] =	vst v1  }
0x3e: {  	[tilespmem:$0x52F0] =	vst v1  }
0x3f: {  	[spmem:s4] =	stream.linear.scatter [tilespmem:s10], [sflag:$0x2], $0x280, $0x38;
	[tilespmem:$0x6AC0] =	vst v63  }
0x40: {  	_ =	swait.ge [sflag:s11], $0x280  }
0x41: {  	[sflag:s11] =	ssyncset.done $0x0  }
0x42: {  	[sflag:s11] =	ssyncadd.s32 $0xFFFFFD80  }
0x43: {  	[tilespmem:s3], [sflag:$0x2] =	stream.linear.gather [hbm4b:s5+s3], $0x2800, $0x38;
	[tilespmem:$0x6AC0] =	vst v63  }
0x44: {  	_ =	swait.ge [sflag:s11], $0x2800  }
0x45: {  	[sflag:s11] =	ssyncset.done $0x0  }
0x46: {  	[sflag:s11] =	ssyncadd.s32 $0xFFFFD800  }
0x47: {  	[tilespmem:s12], [sflag:$0x2] =	stream.linear.gather [hbm4b:s6+s3], $0x2800, $0x38;
	[tilespmem:$0x6AC0] =	vst v63  }
0x48: {  	_ =	swait.ge [sflag:s11], $0x2800  }
0x49: {  	[sflag:s11] =	ssyncset.done $0x0  }
0x4a: {  	[sflag:s11] =	ssyncadd.s32 $0xFFFFD800  }
0x4b: {  	s19 =	simm.s32 $0x0;
	[bflag:$0x0] =	sbarrier.arrive $0xFFFF  }
.LBB2_2:
0x4c: {  	p0 =	sne.s32 s19, $0x13E00  }
.Ltmp0:
0x4d: {  	_ = 	snop;
	(pc) =	sbr.rel @p0 .LBB2_2-.Ltmp0, $3  }
0x4e: {  	_ =	sdelay $0x1  }
0x4f: {  	s20 =	sshra.s32 s19, $0x2;
	s19 =	sadd.s32 $0x200, s19  }
0x50: {  	[spmem:s2] =	stream.indirect.scatter.add.f32 [tilespmem:s14], [sflag:$0x1], $0x1, s20, s13, $0xb8;
	[tilespmem:$0x6AC0] =	vst v63  }
0x51: {  	_ =	swait.ge [sflag:s15], $0x7D  }
0x52: {  	s19 =	simm.s32 $0x9F;
	[sflag:s15] =	ssyncset.done $0x0  }
.LBB2_4:
0x53: {  	p0 =	sne.s32 s19, $0x1;
	s19 =	sadd.s32 $0xFFFFFFFF, s19;
	[sflag:s15] =	ssyncadd.s32 $0xFFFFFF83  }
.Ltmp1:
0x54: {  	(pc) =	sbr.rel @p0 .LBB2_4-.Ltmp1, $3  }
0x55: {  	_ =	sdelay $0x1  }
0x56: {  	_ =	swait.ge [sflag:s15], $0x7D  }
0x57: {  	[sflag:s15] =	ssyncset.done $0x0  }
0x58: {  	[sflag:s15] =	ssyncadd.s32 $0xFFFFFF83  }
0x59: {  	[bflag:$0x0] =	sbarrier.arrive $0xFFFF  }
0x5a: {  	[tilespmem:s16], [sflag:$0x2] =	stream.linear.gather [spmem:s7], $0x140, $0x38;
	[tilespmem:$0x6AC0] =	vst v63  }
0x5b: {  	_ =	swait.ge [sflag:s11], $0x140  }
0x5c: {  	s19 =	simm.s32 $0x0;
	[sflag:s11] =	ssyncset.done $0x0  }
0x5d: {  	s20 =	simm.s32 $0x0;
	s21 =	simm.s32 $0x40;
	[sflag:s11] =	ssyncadd.s32 $0xFFFFFEC0  }
.LBB2_6:
0x5e: {  	p0 =	sne.s32 s21, $0x4C0;
	v2 =	vld [tilespmem:s20+$0x5300];
	_ =	sdelay $0x4  }
0x5f: {  	v2 =	vadd.f32 $1.000000000e+00, v2;
	_ =	sdelay $0x1  }
0x60: {  	v3 =	vshrl.u32 v2, $0x1;
	v2 =	vmul.f32 $5.000000000e-01, v2  }
0x61: {  	v3 =	vsub.s32 $0x5F3759DF, v3  }
0x62: {  	v4 =	vmul.f32 v3, v2;
	_ =	sdelay $0x1  }
0x63: {  	v4 =	vmul.f32 v3, v4;
	_ =	sdelay $0x1  }
0x64: {  	v4 =	vsub.f32 $1.500000000e+00, v4;
	_ =	sdelay $0x1  }
0x65: {  	v3 =	vmul.f32 v3, v4;
	_ =	sdelay $0x1  }
0x66: {  	v4 =	vmul.f32 v3, v2;
	_ =	sdelay $0x1  }
0x67: {  	v4 =	vmul.f32 v4, v3;
	_ =	sdelay $0x1  }
0x68: {  	v4 =	vsub.f32 $1.500000000e+00, v4;
	_ =	sdelay $0x1  }
0x69: {  	v3 =	vmul.f32 v4, v3;
	_ =	sdelay $0x1  }
0x6a: {  	v2 =	vmul.f32 v3, v2;
	_ =	sdelay $0x1  }
0x6b: {  	v2 =	vmul.f32 v2, v3;
	_ =	sdelay $0x1  }
.Ltmp2:
0x6c: {  	v2 =	vsub.f32 $1.500000000e+00, v2;
	(pc) =	sbr.rel @p0 .LBB2_6-.Ltmp2, $3  }
0x6d: {  	_ = 	snop  }
0x6e: {  	v2 =	vmul.f32 v2, v3;
	_ =	sdelay $0x1  }
0x6f: {  	[tilespmem:s20+$0x5300] =	vst v2;
	s20 =	sshra.s32 s21, $0x2;
	s21 =	sadd.s32 $0x40, s21  }
0x70: {  	v2 =	vld [tilespmem:s20+$0x5300];
	_ =	sdelay $0x4  }
0x71: {  	v2 =	vadd.f32 $1.000000000e+00, v2;
	_ =	sdelay $0x1  }
0x72: {  	v3 =	vshrl.u32 v2, $0x1;
	v2 =	vmul.f32 $5.000000000e-01, v2  }
0x73: {  	v3 =	vsub.s32 $0x5F3759DF, v3  }
0x74: {  	v4 =	vmul.f32 v3, v2;
	_ =	sdelay $0x1  }
0x75: {  	v4 =	vmul.f32 v3, v4;
	_ =	sdelay $0x1  }
0x76: {  	v4 =	vsub.f32 $1.500000000e+00, v4;
	_ =	sdelay $0x1  }
0x77: {  	v3 =	vmul.f32 v3, v4;
	_ =	sdelay $0x1  }
0x78: {  	v4 =	vmul.f32 v3, v2;
	_ =	sdelay $0x1  }
0x79: {  	v4 =	vmul.f32 v4, v3;
	_ =	sdelay $0x1  }
0x7a: {  	v4 =	vsub.f32 $1.500000000e+00, v4;
	_ =	sdelay $0x1  }
0x7b: {  	v3 =	vmul.f32 v4, v3;
	_ =	sdelay $0x1  }
0x7c: {  	v2 =	vmul.f32 v3, v2;
	_ =	sdelay $0x1  }
0x7d: {  	v2 =	vmul.f32 v2, v3;
	_ =	sdelay $0x1  }
0x7e: {  	v4 =	vmov s19;
	v2 =	vsub.f32 $1.500000000e+00, v2;
	_ =	sdelay $0x1  }
0x7f: {  	v2 =	vmul.f32 v2, v3;
	_ =	sdelay $0x1  }
0x80: {  	[tilespmem:s20+$0x5300] =	vst v2  }
0x81: {  	s30 =	simm.s32 $0x1;
	v2 =	vld.idx.msk [tilespmem:v4+s16+$0x0], $0xffff  }
0x82: {  	v3 =	vmov s30;
	_ =	sdelay $0x2  }
0x83: {  	s19 =	simm.s32 $0x5440  }
0x84: {  	[tilespmem:s19+$0x0] =	vst v2  }
0x85: {  	s31 =	simm.s32 $0x2;
	v2 =	vld.idx.msk [tilespmem:v3+s16+$0x0], $0xffff  }
0x86: {  	s20 =	simm.s32 $0x3;
	v3 =	vmov s31  }
.LBB2_8:
0x87: {  	p0 =	sne.s32 s20, $0x13F;
	_ =	sdelay $0x1  }
.Ltmp3:
0x88: {  	s19 =	sadd.s32 $0x10, s19;
	(pc) =	sbr.rel @p0 .LBB2_8-.Ltmp3, $3  }
0x89: {  	[tilespmem:s19+$0x0] =	vst v2  }
0x8a: {  	v2 =	vld.idx.msk [tilespmem:v3+s16+$0x0], $0xffff;
	_ =	sdelay $0x1  }
0x8b: {  	v3 =	vmov s20;
	s20 =	sadd.s32 $0x1, s20  }
0x8c: {  	_ =	sdelay $0x1  }
0x8d: {  	s19 =	sadd.s32 $0x10, s19  }
0x8e: {  	[tilespmem:s19+$0x0] =	vst v2  }
0x8f: {  	v2 =	vld.idx.msk [tilespmem:v3+s16+$0x0], $0xffff;
	_ =	sdelay $0x2  }
0x90: {  	s18 =	sadd.s32 $0x1, s18  }
0x91: {  	p0 =	sne.s32 s18, s9;
	s19 =	sadd.s32 $0x10, s19  }
.Ltmp4:
0x92: {  	[tilespmem:s19+$0x0] =	vst v2;
	(pc) =	sbr.rel @p0 .LBB2_1-.Ltmp4, $4  }
0x93: {  	[hbm4b:s8+s3] =	stream.linear.scatter [tilespmem:s17], [sflag:$0x2], $0x1400, $0x38;
	[tilespmem:$0x6AC0] =	vst v63  }
0x94: {  	_ =	swait.ge [sflag:s11], $0x1400  }
0x95: {  	[sflag:s11] =	ssyncset.done $0x0  }
0x96: {  	[sflag:s11] =	ssyncadd.s32 $0xFFFFEC00  }
0x97: {  	_ =	sfence.sel $0x180000  }
0x98: {  	[bflag:$0x0] =	sbarrier.arrive $0xFFFF  }
0x99: {  	p0 =	sne.s32 s1, $0x0;
	_ =	strace $0x90000047  }
0x9a: {  	s0 =	sadd.s32 @!p0 $0x100000, s0;
	[bflag:$0x2] =	sbarrier.arrive $0xFFFF  }
0x9b: {  	[sflag:s0] =	ssyncadd.tile.s32 @!p0 $0x1;
	_ =	shalt  }
.Lfunc_end2:
_tile_overlayer_lowered:
.L_overlay_start_2:
0x9c: {  	(tag) =	ssettag $0x2  }
0x9d: {  	s0 =	rddreg [dreg:$0x0];
	s2 =	stileid.u32  }
0x9e: {  	s1 =	rddreg [dreg:$0x1];
	p0 =	sne.s32 s2, $0x0  }
0x9f: {  	s3 =	rddreg [dreg:$0x2];
	[bflag:$0x3] =	sbarrier.arrive $0xFFFF;
	s2 =	simm.s32 @!p0 $0x1C02  }
0xa0: {  	[timem:s3], [sflag:s2] =	dma.local @!p0 [hbm:s0], s1  }
0xa1: {  	s0 =	simm.s32 @!p0 $0x2  }
0xa2: {  	_ =	swait.ge @!p0 [sflag:s0], s1  }
0xa3: {  	s1 =	ssub.s32 @!p0 $0x0, s1;
	[sflag:s0] =	ssyncset.done @!p0 $0x0  }
0xa4: {  	[sflag:s0] =	ssyncadd.s32 @!p0 s1  }
0xa5: {  	[bflag:$0x3] =	sbarrier.arrive $0xFFFF  }
0xa6: {  	_ =	shalt  }

</sc_bundles>
